<compile_context>
chip_gen: v7x
topology: tpu7x:2x2x1
jax: 0.10.2.dev20260603
libtpu: 0.0.44.dev20260713+nightly
codegen_flags: <defaults>
</compile_context>

<pallas_src>
import functools

import jax
import jax.numpy as jnp
from jax import lax
from jax.experimental import pallas as pl
from jax.experimental.pallas import tpu as pltpu
from jax.experimental.pallas import tpu_sc as plsc

H = 128
N_NODES = 10000
N_EDGES = 160000
NUM_MOLS = 64
EPSILON = 1e-8

NC = 2
NS = 16
NW = NC * NS

N_PAD = 10240
E_PAD = 163840
EC = 128
G_CH = 40
S_CH = 80
NZ_CH = 8
NZ_W = 40

BE = 2048
BN = 1024

G_TOT = E_PAD // EC // NS
GX_CA = 40
GX_MAX = max(GX_CA, G_TOT - GX_CA)

_mesh = plsc.VectorSubcoreMesh(
    core_axis_name="c", subcore_axis_name="s", num_cores=NC, num_subcores=NS)

f32 = jnp.float32
i32 = jnp.int32


def _wid():
    return lax.axis_index("s") * NC + lax.axis_index("c")


def _pipelined_gather2(src_hbm, ridx, cidx, out_r_hbm, out_c_hbm, base0,
                       n_chunks, rb, cb, sem_g, sem_w):
    def g_issue(j, b):
        pltpu.async_copy(src_hbm.at[ridx.at[j]], rb[b], sem_g[b])
        pltpu.async_copy(src_hbm.at[cidx.at[j]], cb[b], sem_g[2 + b])

    def g_wait(j, b):
        pltpu.make_async_copy(src_hbm.at[ridx.at[j]], rb[b], sem_g[b]).wait()
        pltpu.make_async_copy(src_hbm.at[cidx.at[j]], cb[b], sem_g[2 + b]).wait()

    def w_issue(j, b):
        pltpu.async_copy(rb[b], out_r_hbm.at[pl.ds(base0 + j * EC, EC)],
                         sem_w[b])
        pltpu.async_copy(cb[b], out_c_hbm.at[pl.ds(base0 + j * EC, EC)],
                         sem_w[2 + b])

    def w_wait(j, b):
        pltpu.make_async_copy(rb[b], out_r_hbm.at[pl.ds(base0 + j * EC, EC)],
                              sem_w[b]).wait()
        pltpu.make_async_copy(cb[b], out_c_hbm.at[pl.ds(base0 + j * EC, EC)],
                              sem_w[2 + b]).wait()

    g_issue(0, 0)
    g_issue(1, 1)

    def body(jj, carry):
        j0 = 2 * jj
        j1 = j0 + 1
        g_wait(j0, 0)
        w_issue(j0, 0)
        g_wait(j1, 1)
        w_issue(j1, 1)
        w_wait(j0, 0)

        @pl.when(jj < n_chunks // 2 - 1)
        def _():
            g_issue(j0 + 2, 0)

        w_wait(j1, 1)

        @pl.when(jj < n_chunks // 2 - 1)
        def _():
            g_issue(j1 + 2, 1)

        return carry

    lax.fori_loop(0, n_chunks // 2, body, 0)




@functools.partial(
    pl.kernel,
    out_type=[
        jax.ShapeDtypeStruct((N_PAD, H), f32),
        jax.ShapeDtypeStruct((E_PAD, 16), f32),
    ],
    mesh=_mesh,
    scratch_types=[
        pltpu.VMEM((NZ_CH, NZ_W), i32),
        pltpu.VMEM((NZ_W, H), f32),
        pltpu.VMEM((G_CH, EC), i32),
        pltpu.VMEM((G_CH, EC), i32),
        pltpu.VMEM((N_PAD,), f32),
        pltpu.VMEM((N_PAD,), f32),
        pltpu.VMEM((N_PAD,), f32),
        pltpu.VMEM((EC, 16), f32),
        pltpu.SemaphoreType.DMA,
        pltpu.SemaphoreType.DMA,
    ],
    compiler_params=pltpu.CompilerParams(needs_layout_passes=False),
)
def _sc_gather_init(emb_hbm, z2_hbm, posx_hbm, posy_hbm, posz_hbm,
                    row2_hbm, col2_hbm, zeros16_hbm,
                    x0_hbm, rdiff_hbm,
                    zidx, zrows, ridx, cidx, px, py, pz, rbuf,
                    sem_a, sem_b):
    w = _wid()
    pltpu.async_copy(posx_hbm, px, sem_a)
    pltpu.async_copy(posy_hbm, py, sem_a)
    pltpu.async_copy(posz_hbm, pz, sem_a)
    pltpu.sync_copy(zeros16_hbm, rbuf)
    pltpu.sync_copy(row2_hbm.at[pl.ds(w * G_CH, G_CH)], ridx)
    pltpu.sync_copy(col2_hbm.at[pl.ds(w * G_CH, G_CH)], cidx)

    pltpu.sync_copy(z2_hbm.at[pl.ds(w * NZ_CH, NZ_CH)], zidx)

    def zbody(j, carry):
        pltpu.async_copy(emb_hbm.at[zidx.at[j]], zrows, sem_b).wait()
        pltpu.sync_copy(
            zrows, x0_hbm.at[pl.ds(w * (NZ_CH * NZ_W) + j * NZ_W, NZ_W)])
        return carry

    lax.fori_loop(0, NZ_CH, zbody, 0)

    pltpu.make_async_copy(posx_hbm, px, sem_a).wait()
    pltpu.make_async_copy(posy_hbm, py, sem_a).wait()
    pltpu.make_async_copy(posz_hbm, pz, sem_a).wait()

    def ebody(j, carry):
        for k in range(EC // 16):
            idr = ridx[j, pl.ds(k * 16, 16)]
            idc = cidx[j, pl.ds(k * 16, 16)]
            eids = jnp.arange(16, dtype=i32) + (k * 16)
            for comp, tbl in enumerate((px, py, pz)):
                vr = plsc.load_gather(tbl, [idr])
                vc = plsc.load_gather(tbl, [idc])
                plsc.store_scatter(
                    rbuf, [eids, jnp.full((16,), comp, i32)], vc - vr)
        pltpu.sync_copy(rbuf, rdiff_hbm.at[pl.ds(w * (G_CH * EC) + j * EC, EC)])
        return carry

    lax.fori_loop(0, G_CH, ebody, 0)




@functools.partial(
    pl.kernel,
    out_type=[
        jax.ShapeDtypeStruct((E_PAD, H), f32),
        jax.ShapeDtypeStruct((E_PAD, H), f32),
    ],
    mesh=_mesh,
    scratch_types=[
        pltpu.VMEM_SHARED((N_PAD, H), f32),
        pltpu.VMEM((GX_MAX, EC), i32),
        pltpu.VMEM((GX_MAX, EC), i32),
        pltpu.VMEM((EC, H), f32),
        pltpu.VMEM((EC, H), f32),
        [pltpu.SemaphoreType.DMA] * 2,
        [pltpu.SemaphoreType.DMA] * 2,
    ],
)
def _sc_gather_x(x_hbm, row2_hbm, col2_hbm, xr_hbm, xc_hbm,
                 xsp, ridx, cidx, rb, cb, sg, sw):
    core = lax.axis_index("c")
    sid = lax.axis_index("s")
    cnt = jnp.where(core == 0, GX_CA, G_TOT - GX_CA)
    start = sid * G_TOT + jnp.where(core == 0, 0, GX_CA)
    nrows = N_PAD // NS
    pltpu.sync_copy(x_hbm.at[pl.ds(sid * nrows, nrows)],
                    xsp.at[pl.ds(sid * nrows, nrows)])
    pltpu.sync_copy(row2_hbm.at[pl.ds(start, GX_MAX)], ridx)
    pltpu.sync_copy(col2_hbm.at[pl.ds(start, GX_MAX)], cidx)
    base0 = start * EC
    plsc.subcore_barrier()

    def body(j, carry):
        pltpu.async_copy(xsp.at[ridx.at[j]], rb, sg[0])
        pltpu.async_copy(xsp.at[cidx.at[j]], cb, sg[1])
        pltpu.make_async_copy(xsp.at[ridx.at[j]], rb, sg[0]).wait()
        pltpu.async_copy(rb, xr_hbm.at[pl.ds(base0 + j * EC, EC)], sw[0])
        pltpu.make_async_copy(xsp.at[cidx.at[j]], cb, sg[1]).wait()
        pltpu.async_copy(cb, xc_hbm.at[pl.ds(base0 + j * EC, EC)], sw[1])
        pltpu.make_async_copy(rb, xr_hbm.at[pl.ds(base0 + j * EC, EC)],
                              sw[0]).wait()
        pltpu.make_async_copy(cb, xc_hbm.at[pl.ds(base0 + j * EC, EC)],
                              sw[1]).wait()
        return carry

    lax.fori_loop(0, cnt, body, 0)




@functools.partial(
    pl.kernel,
    out_type=jax.ShapeDtypeStruct((4, N_PAD, H), f32),
    mesh=_mesh,
    scratch_types=[
        pltpu.VMEM_SHARED((N_PAD, H), f32),
        pltpu.VMEM((S_CH, EC), i32),
        pltpu.VMEM((EC, H), f32),
        pltpu.VMEM((EC, H), f32),
        pltpu.SemaphoreType.DMA,
        pltpu.SemaphoreType.DMA,
    ],
)
def _sc_scatter(msgs3_hbm, row2_hbm, zeros_hbm, agg3_hbm, spmem, idx_v,
                mb0, mb1, sem_m0, sem_m1):
    core = lax.axis_index("c")
    sid = lax.axis_index("s")
    pltpu.sync_copy(row2_hbm.at[pl.ds(sid * S_CH, S_CH)], idx_v)
    rows0 = sid * (N_PAD // NS)
    nrows = N_PAD // NS
    ebase = sid * (S_CH * EC)
    for fc in range(2):
        ch = core * 2 + fc
        pltpu.sync_copy(zeros_hbm.at[pl.ds(rows0, nrows)],
                        spmem.at[pl.ds(rows0, nrows)])
        plsc.subcore_barrier()

        pltpu.async_copy(msgs3_hbm.at[ch, pl.ds(ebase, EC)], mb0, sem_m0)

        def body(jj, carry):
            j0 = 2 * jj
            j1 = j0 + 1
            pltpu.async_copy(
                msgs3_hbm.at[ch, pl.ds(ebase + j1 * EC, EC)], mb1, sem_m1)
            pltpu.make_async_copy(
                msgs3_hbm.at[ch, pl.ds(ebase + j0 * EC, EC)], mb0, sem_m0).wait()
            pltpu.sync_copy(mb0, spmem.at[idx_v.at[j0]], add=True)

            @pl.when(jj < S_CH // 2 - 1)
            def _():
                pltpu.async_copy(
                    msgs3_hbm.at[ch, pl.ds(ebase + (j0 + 2) * EC, EC)],
                    mb0, sem_m0)

            pltpu.make_async_copy(
                msgs3_hbm.at[ch, pl.ds(ebase + j1 * EC, EC)], mb1, sem_m1).wait()
            pltpu.sync_copy(mb1, spmem.at[idx_v.at[j1]], add=True)
            return carry

        lax.fori_loop(0, S_CH // 2, body, 0)
        plsc.subcore_barrier()
        pltpu.sync_copy(spmem.at[pl.ds(rows0, nrows)],
                        agg3_hbm.at[ch, pl.ds(rows0, nrows)])
        plsc.subcore_barrier()




def _geom_body(rd_ref, out_ref):
    r = rd_ref[...]
    dist = jnp.sqrt(jnp.sum(r * r, axis=1, keepdims=True))
    inv = 1.0 / jnp.maximum(dist, EPSILON)
    d = r * inv
    out_ref[...] = jnp.concatenate(
        [dist, d[:, 0:3], jnp.zeros((BE, 12), f32)], axis=1)


def _tc_geom(rdiff):
    grid = (E_PAD // BE,)
    return pl.pallas_call(
        _geom_body,
        grid=grid,
        in_specs=[pl.BlockSpec((BE, 16), lambda i: (i, 0))],
        out_specs=pl.BlockSpec((BE, 16), lambda i: (i, 0)),
        out_shape=jax.ShapeDtypeStruct((E_PAD, 16), f32),
    )(rdiff)




def _edge_body(xr_ref, xc_ref, geom_ref, w1a_ref, w1b_ref, w1c_ref,
               b1_ref, w2_ref, b2_ref, out_ref):
    geom = geom_ref[...]
    dist = geom[:, 0:1]
    d = geom[:, 1:4]
    m1 = jnp.dot(xr_ref[...], w1a_ref[...], preferred_element_type=f32)
    m1 = m1 + jnp.dot(xc_ref[...], w1b_ref[...], preferred_element_type=f32)
    m1 = m1 + dist * w1c_ref[...] + b1_ref[...]
    h1 = m1 * jax.nn.sigmoid(m1)
    m2 = jnp.dot(h1, w2_ref[...], preferred_element_type=f32) + b2_ref[...]
    msg = m2 * jax.nn.sigmoid(m2)
    gate = msg[:, :H]
    out_ref[0] = msg[:, H:]
    out_ref[1] = gate * d[:, 0:1]
    out_ref[2] = gate * d[:, 1:2]
    out_ref[3] = gate * d[:, 2:3]


def _tc_edge(xr, xc, geom, w1a, w1b, w1c, b1, w2, b2):
    grid = (E_PAD // BE,)
    full = lambda shape: pl.BlockSpec(shape, lambda i: tuple(0 for _ in shape))
    return pl.pallas_call(
        _edge_body,
        grid=grid,
        in_specs=[
            pl.BlockSpec((BE, H), lambda i: (i, 0)),
            pl.BlockSpec((BE, H), lambda i: (i, 0)),
            pl.BlockSpec((BE, 16), lambda i: (i, 0)),
            full((H, 2 * H)),
            full((H, 2 * H)),
            full((1, 2 * H)),
            full((1, 2 * H)),
            full((2 * H, 2 * H)),
            full((1, 2 * H)),
        ],
        out_specs=pl.BlockSpec((4, BE, H), lambda i: (0, i, 0)),
        out_shape=jax.ShapeDtypeStruct((4, E_PAD, H), f32),
    )(xr, xc, geom, w1a, w1b, w1c, b1, w2, b2)




def _node_body(x_ref, agg_ref, v_ref, u1a_ref, u1b_ref, b1_ref, u2_ref,
               b2_ref, vmix_ref, xn_ref, vn_ref):
    x = x_ref[...]
    aggs = agg_ref[0]
    h = (jnp.dot(x, u1a_ref[...], preferred_element_type=f32)
         + jnp.dot(aggs, u1b_ref[...], preferred_element_type=f32)
         + b1_ref[...])
    h = h * jax.nn.sigmoid(h)
    xn_ref[...] = x + jnp.dot(h, u2_ref[...], preferred_element_type=f32) + b2_ref[...]
    for c in range(3):
        vc = v_ref[:, c * H:(c + 1) * H]
        vn_ref[:, c * H:(c + 1) * H] = (
            vc + agg_ref[c + 1]
            + jnp.dot(vc, vmix_ref[...], preferred_element_type=f32))


def _tc_node(x, agg3, v, u1a, u1b, b1, u2, b2, vmix):
    grid = (N_PAD // BN,)
    full = lambda shape: pl.BlockSpec(shape, lambda i: tuple(0 for _ in shape))
    return pl.pallas_call(
        _node_body,
        grid=grid,
        in_specs=[
            pl.BlockSpec((BN, H), lambda i: (i, 0)),
            pl.BlockSpec((4, BN, H), lambda i: (0, i, 0)),
            pl.BlockSpec((BN, 3 * H), lambda i: (i, 0)),
            full((H, H)),
            full((H, H)),
            full((1, H)),
            full((H, H)),
            full((1, H)),
            full((H, H)),
        ],
        out_specs=[
            pl.BlockSpec((BN, H), lambda i: (i, 0)),
            pl.BlockSpec((BN, 3 * H), lambda i: (i, 0)),
        ],
        out_shape=[
            jax.ShapeDtypeStruct((N_PAD, H), f32),
            jax.ShapeDtypeStruct((N_PAD, 3 * H), f32),
        ],
    )(x, agg3, v, u1a, u1b, b1, u2, b2, vmix)




def _pool_body(batch_ref, v_ref, fw_ref, e3_ref, out_ref):
    i = pl.program_id(0)

    @pl.when(i == 0)
    def _():
        out_ref[...] = jnp.zeros_like(out_ref)

    b = batch_ref[0]
    mids = lax.broadcasted_iota(i32, (NUM_MOLS, BN), 0)
    mask = (mids == b).astype(f32)
    fw = fw_ref[...]
    ndp = jnp.zeros((BN, H), f32)
    for c in range(3):
        nd = jnp.sum(v_ref[:, c * H:(c + 1) * H] * fw, axis=1, keepdims=True)
        ndp = ndp + nd * e3_ref[c:c + 1, :]
    out_ref[...] += jnp.dot(mask, ndp, preferred_element_type=f32)


def _tc_pool(batch3, v, fw_row, e3):
    grid = (N_PAD // BN,)
    return pl.pallas_call(
        _pool_body,
        grid=grid,
        in_specs=[
            pl.BlockSpec((1, 1, BN), lambda i: (i, 0, 0)),
            pl.BlockSpec((BN, 3 * H), lambda i: (i, 0)),
            pl.BlockSpec((1, H), lambda i: (0, 0)),
            pl.BlockSpec((8, H), lambda i: (0, 0)),
        ],
        out_specs=pl.BlockSpec((NUM_MOLS, H), lambda i: (0, 0)),
        out_shape=jax.ShapeDtypeStruct((NUM_MOLS, H), f32),
    )(batch3, v, fw_row, e3)




def kernel(z, pos, edge_index, batch, emb_table, m1_w, m1_b, m2_w, m2_b,
           u1_w, u1_b, u2_w, u2_b, vmix_w, final_w):
    n_layers = m1_w.shape[0]

    row = edge_index[0].astype(i32)
    col = edge_index[1].astype(i32)
    epad = E_PAD - N_EDGES
    row_p = jnp.concatenate([row, jnp.full((epad,), N_NODES, i32)])
    col_p = jnp.concatenate([col, jnp.full((epad,), N_NODES, i32)])
    row2 = row_p.reshape(E_PAD // EC, EC)
    col2 = col_p.reshape(E_PAD // EC, EC)

    npad = N_PAD - N_NODES
    z2 = jnp.concatenate([z.astype(i32), jnp.zeros((npad,), i32)]).reshape(-1, NZ_W)
    pos3 = jnp.zeros((N_PAD, 3), f32).at[:N_NODES].set(pos.astype(f32))
    batch_p = jnp.concatenate([batch.astype(i32), jnp.full((npad,), NUM_MOLS, i32)])
    batch3 = batch_p.reshape(N_PAD // BN, 1, BN)
    zeros_n = jnp.zeros((N_PAD, H), f32)
    zeros16 = jnp.zeros((EC, 16), f32)
    fw_row = final_w.astype(f32).reshape(1, H)
    e3 = jnp.eye(8, H, dtype=f32)

    x, rdiff = _sc_gather_init(emb_table.astype(f32), z2,
                               pos3[:, 0], pos3[:, 1], pos3[:, 2],
                               row2, col2, zeros16)
    geom = _tc_geom(rdiff)

    v = jnp.broadcast_to(pos3[:, :, None], (N_PAD, 3, H)).reshape(N_PAD, 3 * H)

    for l in range(n_layers):
        w1a = m1_w[l, :H, :]
        w1b = m1_w[l, H:2 * H, :]
        w1c = m1_w[l, 2 * H:2 * H + 1, :]
        b1 = m1_b[l].reshape(1, 2 * H)
        w2 = m2_w[l]
        b2 = m2_b[l].reshape(1, 2 * H)
        u1a = u1_w[l, :H, :]
        u1b = u1_w[l, H:, :]
        ub1 = u1_b[l].reshape(1, H)
        u2 = u2_w[l]
        ub2 = u2_b[l].reshape(1, H)
        vmix = vmix_w[l]

        xr, xc = _sc_gather_x(x, row2, col2)
        msgs3 = _tc_edge(xr, xc, geom, w1a, w1b, w1c, b1, w2, b2)
        agg3 = _sc_scatter(msgs3, row2, zeros_n)
        x, v = _tc_node(x, agg3, v, u1a, u1b, ub1, u2, ub2, vmix)

    out = _tc_pool(batch3, v, fw_row, e3)
    return out[:NUM_MOLS, :3]

# --- scband reference (transcript-rebuilt; emitter-appended) ---
"""Pipeline reference for scband-chocolate-68513318306430 (READ-ONLY COPY).

The authoritative reference and input builder live on the scoring server;
editing this copy changes nothing except your own understanding.
"""

import jax, jax.numpy as jnp
import numpy as np

HIDDEN_DIM = 128
N_LAYERS = 2
N_NODES = 10000
N_EDGES = 160000
EMBEDDING_SIZE = 100
NUM_MOLS = 64
EPSILON = 1e-8


def setup_inputs(seed: int = 0):
    key = jax.random.key(seed)
    ks = jax.random.split(key, 16)
    H = HIDDEN_DIM
    L = N_LAYERS
    s = 0.05
    inp = {}
    inp["z"] = jax.random.randint(ks[0], (N_NODES,), 0, EMBEDDING_SIZE)
    inp["pos"] = jax.random.normal(ks[1], (N_NODES, 3), dtype=jnp.float32)
    inp["edge_index"] = jax.random.randint(ks[2], (2, N_EDGES), 0, N_NODES)
    inp["batch"] = jnp.sort(jax.random.randint(ks[3], (N_NODES,), 0, NUM_MOLS))
    inp["emb_table"] = jax.random.normal(ks[4], (EMBEDDING_SIZE, H), dtype=jnp.float32) * s
    inp["m1_w"] = jax.random.normal(ks[5], (L, 2 * H + 1, 2 * H), dtype=jnp.float32) * s
    inp["m1_b"] = jnp.zeros((L, 2 * H), dtype=jnp.float32)
    inp["m2_w"] = jax.random.normal(ks[6], (L, 2 * H, 2 * H), dtype=jnp.float32) * s
    inp["m2_b"] = jnp.zeros((L, 2 * H), dtype=jnp.float32)
    inp["u1_w"] = jax.random.normal(ks[7], (L, 2 * H, H), dtype=jnp.float32) * s
    inp["u1_b"] = jnp.zeros((L, H), dtype=jnp.float32)
    inp["u2_w"] = jax.random.normal(ks[8], (L, H, H), dtype=jnp.float32) * s
    inp["u2_b"] = jnp.zeros((L, H), dtype=jnp.float32)
    inp["vmix_w"] = jax.random.normal(ks[9], (L, H, H), dtype=jnp.float32) * s
    inp["final_w"] = jax.random.normal(ks[10], (H,), dtype=jnp.float32) * s
    return inp


def reference(z, pos, edge_index, batch, emb_table, m1_w, m1_b, m2_w, m2_b, u1_w, u1_b, u2_w, u2_b, vmix_w, final_w):
    H = HIDDEN_DIM
    x = emb_table[z]
    v = jnp.broadcast_to(pos[:, :, None], (pos.shape[0], 3, H)).astype(jnp.float32)
    row = edge_index[0]
    col = edge_index[1]
    r_ij = pos[col] - pos[row]
    dist_ij = jnp.linalg.norm(r_ij, axis=-1)
    dir_ij = r_ij / jnp.maximum(dist_ij, EPSILON)[:, None]
    for l in range(N_LAYERS):
        m_in = jnp.concatenate([x[row], x[col], dist_ij[:, None]], axis=-1)
        h1 = jax.nn.silu(m_in @ m1_w[l] + m1_b[l])
        messages = jax.nn.silu(h1 @ m2_w[l] + m2_b[l])
        gate_vec = messages[:, :H]
        msg_scalar = messages[:, H:]
        message_vec = gate_vec[:, None, :] * dir_ij[:, :, None]
        agg_s = jnp.zeros_like(x).at[row].add(msg_scalar)
        agg_v = jnp.zeros_like(v).at[row].add(message_vec)
        u_in = jnp.concatenate([x, agg_s], axis=-1)
        x = x + (jax.nn.silu(u_in @ u1_w[l] + u1_b[l]) @ u2_w[l] + u2_b[l])
        v = v + agg_v + jnp.einsum('nik,kh->nih', v, vmix_w[l])
    v_flat = v.reshape(v.shape[0], -1)
    mol_v_flat = jax.ops.segment_sum(v_flat, batch, num_segments=NUM_MOLS)
    mol_v = mol_v_flat.reshape(-1, 3, H)
    dip = mol_v @ final_w
    return dip

if __name__ == "__main__":
    import jax
    _d = setup_inputs()
    print(jax.jit(kernel)(*tuple(_d.values())))

</pallas_src>

<mosaic_0001>
#map = affine_map<(d0, d1) -> (0, 0)>
module attributes {stable_mosaic.version = 14 : i64} {
  func.func @_sc_gather_x(%arg0: i32, %arg1: i32, %arg2: memref<10240x128xf32, #tpu.memory_space<hbm>>, %arg3: memref<1280x128xi32, #tpu.memory_space<hbm>>, %arg4: memref<1280x128xi32, #tpu.memory_space<hbm>>, %arg5: memref<163840x128xf32, #tpu.memory_space<hbm>>, %arg6: memref<163840x128xf32, #tpu.memory_space<hbm>>, %arg7: memref<10240x128xf32, #tpu.memory_space<vmem_shared>>, %arg8: memref<40x128xi32, #tpu.memory_space<vmem>>, %arg9: memref<40x128xi32, #tpu.memory_space<vmem>>, %arg10: memref<128x128xf32, #tpu.memory_space<vmem>>, %arg11: memref<128x128xf32, #tpu.memory_space<vmem>>, %arg12: memref<!tpu.dma_semaphore, #tpu.memory_space<semaphore_mem>>, %arg13: memref<!tpu.dma_semaphore, #tpu.memory_space<semaphore_mem>>, %arg14: memref<!tpu.dma_semaphore, #tpu.memory_space<semaphore_mem>>, %arg15: memref<!tpu.dma_semaphore, #tpu.memory_space<semaphore_mem>>) attributes {dimension_semantics = [#tpu.dimension_semantics<core_parallel>, #tpu.dimension_semantics<subcore_parallel>], iteration_bounds = array<i64: 2, 16>, scalar_prefetch = 0 : i64, scratch_operands = 9 : i64, tpu.core_type = #tpu.core_type<sc_vector_subcore>, window_params = [{transform_indices = #map}, {transform_indices = #map}, {transform_indices = #map}, {transform_indices = #map}, {transform_indices = #map}]} {
    %eq3A = arith.constant 0 : i32
    %eq3A_0 = arith.cmpi eq, %arg0, %eq3A : i32
    %jit3A = arith.constant 40 : i32
    %jit3A_1 = arith.constant 40 : i32
    %select_n3A = arith.select %eq3A_0, %jit3A, %jit3A_1 : i32
    %mul3A = arith.constant 80 : i32
    %mul3A_2 = arith.muli %arg1, %mul3A : i32
    %eq3A_3 = arith.constant 0 : i32
    %eq3A_4 = arith.cmpi eq, %arg0, %eq3A_3 : i32
    %jit3A_5 = arith.constant 0 : i32
    %jit3A_6 = arith.constant 40 : i32
    %select_n3A_7 = arith.select %eq3A_4, %jit3A_5, %jit3A_6 : i32
    %add3A = arith.addi %mul3A_2, %select_n3A_7 : i32
    %mul3A_8 = arith.constant 640 : i32
    %mul3A_9 = arith.muli %arg1, %mul3A_8 : i32
    %mul3A_10 = arith.constant 640 : i32
    %mul3A_11 = arith.muli %arg1, %mul3A_10 : i32
    "tpu.region"() ({
      %run_scoped3A = tpu.sem_alloc : memref<!tpu.dma_semaphore, #tpu.memory_space<semaphore_mem>>
      %dma_start3A = arith.constant 0 : i32
      %dma_start3A_23 = tpu.memref_slice %arg7[%mul3A_11, %dma_start3A] : memref<10240x128xf32, #tpu.memory_space<vmem_shared>> -> memref<640x128xf32, #tpu.memory_space<vmem_shared>>
      %dma_start3A_24 = arith.constant 0 : i32
      %dma_start3A_25 = tpu.memref_slice %arg2[%mul3A_9, %dma_start3A_24] : memref<10240x128xf32, #tpu.memory_space<hbm>> -> memref<640x128xf32, #tpu.memory_space<hbm>>
      tpu.enqueue_dma source(%dma_start3A_25 : memref<640x128xf32, #tpu.memory_space<hbm>>) target(%dma_start3A_23 : memref<640x128xf32, #tpu.memory_space<vmem_shared>>) target_semaphore(%run_scoped3A : memref<!tpu.dma_semaphore, #tpu.memory_space<semaphore_mem>>)
      %dma_wait3A = arith.constant 0 : i32
      %dma_wait3A_26 = tpu.memref_slice %arg7[%mul3A_11, %dma_wait3A] : memref<10240x128xf32, #tpu.memory_space<vmem_shared>> -> memref<640x128xf32, #tpu.memory_space<vmem_shared>>
      %dma_wait3A_27 = arith.constant 0 : i32
      %dma_wait3A_28 = tpu.memref_slice %arg2[%mul3A_9, %dma_wait3A_27] : memref<10240x128xf32, #tpu.memory_space<hbm>> -> memref<640x128xf32, #tpu.memory_space<hbm>>
      tpu.wait_dma2 semaphore(%run_scoped3A : memref<!tpu.dma_semaphore, #tpu.memory_space<semaphore_mem>>) src(%dma_wait3A_28 : memref<640x128xf32, #tpu.memory_space<hbm>>) dst(%dma_wait3A_26 : memref<640x128xf32, #tpu.memory_space<vmem_shared>>)
      tpu.yield
    }) : () -> ()
    "tpu.region"() ({
      %run_scoped3A = tpu.sem_alloc : memref<!tpu.dma_semaphore, #tpu.memory_space<semaphore_mem>>
      %dma_start3A = arith.constant 0 : i32
      %dma_start3A_23 = tpu.memref_slice %arg3[%add3A, %dma_start3A] : memref<1280x128xi32, #tpu.memory_space<hbm>> -> memref<40x128xi32, #tpu.memory_space<hbm>>
      %dma_start3A_24 = arith.constant 0 : i32
      %dma_start3A_25 = tpu.memref_slice %arg3[%add3A, %dma_start3A_24] : memref<1280x128xi32, #tpu.memory_space<hbm>> -> memref<40x128xi32, #tpu.memory_space<hbm>>
      tpu.enqueue_dma source(%dma_start3A_25 : memref<40x128xi32, #tpu.memory_space<hbm>>) target(%arg8 : memref<40x128xi32, #tpu.memory_space<vmem>>) target_semaphore(%run_scoped3A : memref<!tpu.dma_semaphore, #tpu.memory_space<semaphore_mem>>)
      %dma_wait3A = arith.constant 0 : i32
      %dma_wait3A_26 = tpu.memref_slice %arg3[%add3A, %dma_wait3A] : memref<1280x128xi32, #tpu.memory_space<hbm>> -> memref<40x128xi32, #tpu.memory_space<hbm>>
      %dma_wait3A_27 = arith.constant 0 : i32
      %dma_wait3A_28 = tpu.memref_slice %arg3[%add3A, %dma_wait3A_27] : memref<1280x128xi32, #tpu.memory_space<hbm>> -> memref<40x128xi32, #tpu.memory_space<hbm>>
      tpu.wait_dma2 semaphore(%run_scoped3A : memref<!tpu.dma_semaphore, #tpu.memory_space<semaphore_mem>>) src(%dma_wait3A_28 : memref<40x128xi32, #tpu.memory_space<hbm>>) dst(%arg8 : memref<40x128xi32, #tpu.memory_space<vmem>>)
      tpu.yield
    }) : () -> ()
    "tpu.region"() ({
      %run_scoped3A = tpu.sem_alloc : memref<!tpu.dma_semaphore, #tpu.memory_space<semaphore_mem>>
      %dma_start3A = arith.constant 0 : i32
      %dma_start3A_23 = tpu.memref_slice %arg4[%add3A, %dma_start3A] : memref<1280x128xi32, #tpu.memory_space<hbm>> -> memref<40x128xi32, #tpu.memory_space<hbm>>
      %dma_start3A_24 = arith.constant 0 : i32
      %dma_start3A_25 = tpu.memref_slice %arg4[%add3A, %dma_start3A_24] : memref<1280x128xi32, #tpu.memory_space<hbm>> -> memref<40x128xi32, #tpu.memory_space<hbm>>
      tpu.enqueue_dma source(%dma_start3A_25 : memref<40x128xi32, #tpu.memory_space<hbm>>) target(%arg9 : memref<40x128xi32, #tpu.memory_space<vmem>>) target_semaphore(%run_scoped3A : memref<!tpu.dma_semaphore, #tpu.memory_space<semaphore_mem>>)
      %dma_wait3A = arith.constant 0 : i32
      %dma_wait3A_26 = tpu.memref_slice %arg4[%add3A, %dma_wait3A] : memref<1280x128xi32, #tpu.memory_space<hbm>> -> memref<40x128xi32, #tpu.memory_space<hbm>>
      %dma_wait3A_27 = arith.constant 0 : i32
      %dma_wait3A_28 = tpu.memref_slice %arg4[%add3A, %dma_wait3A_27] : memref<1280x128xi32, #tpu.memory_space<hbm>> -> memref<40x128xi32, #tpu.memory_space<hbm>>
      tpu.wait_dma2 semaphore(%run_scoped3A : memref<!tpu.dma_semaphore, #tpu.memory_space<semaphore_mem>>) src(%dma_wait3A_28 : memref<40x128xi32, #tpu.memory_space<hbm>>) dst(%arg9 : memref<40x128xi32, #tpu.memory_space<vmem>>)
      tpu.yield
    }) : () -> ()
    %mul3A_12 = arith.constant 128 : i32
    %mul3A_13 = arith.muli %add3A, %mul3A_12 : i32
    %barrier3A = arith.constant 0 : index
    tpu.barrier barrier_id(%barrier3A)
    %while3A = arith.constant 0 : i32
    %while3A_14 = arith.constant 0 : i32
    %while3A_15 = arith.subi %select_n3A, %while3A_14 : i32
    %while3A_16 = arith.addi %while3A_14, %while3A_15 : i32
    %while3A_17 = arith.constant 1 : i32
    %while3A_18 = arith.divsi %while3A_15, %while3A_17 : i32
    %while3A_19 = arith.muli %while3A_18, %while3A_17 : i32
    %while3A_20 = arith.addi %while3A_14, %while3A_19 : i32
    %while3A_21 = arith.constant 1 : i32
    scf.for %while3A_23 = %while3A_14 to %while3A_20 step %while3A_21  : i32 {
      %dma_start3A = arith.constant 0 : i32
      %dma_start3A_24 = tpu.memref_slice %arg8[%while3A_23, %dma_start3A] : memref<40x128xi32, #tpu.memory_space<vmem>> -> memref<1x128xi32, #tpu.memory_space<vmem>>
      %dma_start3A_25 = tpu.memref_squeeze %dma_start3A_24 : memref<1x128xi32, #tpu.memory_space<vmem>> -> memref<128xi32, #tpu.memory_space<vmem>>
      %dma_start3A_26 = arith.constant 0 : i32
      %dma_start3A_27 = arith.constant 0 : i32
      %dma_start3A_28 = tpu.memref_slice %arg7[%dma_start3A_26, %dma_start3A_27] : memref<10240x128xf32, #tpu.memory_space<vmem_shared>> -> memref<10240x128xf32, #tpu.memory_space<vmem_shared>>
      tpu.enqueue_indirect_dma source(%dma_start3A_28 : memref<10240x128xf32, #tpu.memory_space<vmem_shared>>) target(%arg10 : memref<128x128xf32, #tpu.memory_space<vmem>>) offsets(%dma_start3A_25 : memref<128xi32, #tpu.memory_space<vmem>>) semaphore(%arg12 : memref<!tpu.dma_semaphore, #tpu.memory_space<semaphore_mem>>)
      %dma_start3A_29 = arith.constant 0 : i32
      %dma_start3A_30 = tpu.memref_slice %arg9[%while3A_23, %dma_start3A_29] : memref<40x128xi32, #tpu.memory_space<vmem>> -> memref<1x128xi32, #tpu.memory_space<vmem>>
      %dma_start3A_31 = tpu.memref_squeeze %dma_start3A_30 : memref<1x128xi32, #tpu.memory_space<vmem>> -> memref<128xi32, #tpu.memory_space<vmem>>
      %dma_start3A_32 = arith.constant 0 : i32
      %dma_start3A_33 = arith.constant 0 : i32
      %dma_start3A_34 = tpu.memref_slice %arg7[%dma_start3A_32, %dma_start3A_33] : memref<10240x128xf32, #tpu.memory_space<vmem_shared>> -> memref<10240x128xf32, #tpu.memory_space<vmem_shared>>
      tpu.enqueue_indirect_dma source(%dma_start3A_34 : memref<10240x128xf32, #tpu.memory_space<vmem_shared>>) target(%arg11 : memref<128x128xf32, #tpu.memory_space<vmem>>) offsets(%dma_start3A_31 : memref<128xi32, #tpu.memory_space<vmem>>) semaphore(%arg13 : memref<!tpu.dma_semaphore, #tpu.memory_space<semaphore_mem>>)
      %dma_wait3A = arith.constant 0 : i32
      %dma_wait3A_35 = tpu.memref_slice %arg8[%while3A_23, %dma_wait3A] : memref<40x128xi32, #tpu.memory_space<vmem>> -> memref<1x128xi32, #tpu.memory_space<vmem>>
      %dma_wait3A_36 = tpu.memref_squeeze %dma_wait3A_35 : memref<1x128xi32, #tpu.memory_space<vmem>> -> memref<128xi32, #tpu.memory_space<vmem>>
      %dma_wait3A_37 = arith.constant 0 : i32
      %dma_wait3A_38 = arith.constant 0 : i32
      %dma_wait3A_39 = tpu.memref_slice %arg7[%dma_wait3A_37, %dma_wait3A_38] : memref<10240x128xf32, #tpu.memory_space<vmem_shared>> -> memref<10240x128xf32, #tpu.memory_space<vmem_shared>>
      tpu.wait_indirect_dma semaphore(%arg12 : memref<!tpu.dma_semaphore, #tpu.memory_space<semaphore_mem>>) src(%dma_wait3A_39 : memref<10240x128xf32, #tpu.memory_space<vmem_shared>>) dst(%arg10 : memref<128x128xf32, #tpu.memory_space<vmem>>)
      %mul3A_40 = arith.constant 128 : i32
      %mul3A_41 = arith.muli %while3A_23, %mul3A_40 : i32
      %add3A_42 = arith.addi %mul3A_13, %mul3A_41 : i32
      %dma_start3A_43 = arith.constant 0 : i32
      %dma_start3A_44 = tpu.memref_slice %arg5[%add3A_42, %dma_start3A_43] : memref<163840x128xf32, #tpu.memory_space<hbm>> -> memref<128x128xf32, #tpu.memory_space<hbm>>
      %dma_start3A_45 = arith.constant 0 : i32
      %dma_start3A_46 = tpu.memref_slice %arg5[%add3A_42, %dma_start3A_45] : memref<163840x128xf32, #tpu.memory_space<hbm>> -> memref<128x128xf32, #tpu.memory_space<hbm>>
      tpu.enqueue_dma source(%arg10 : memref<128x128xf32, #tpu.memory_space<vmem>>) target(%dma_start3A_46 : memref<128x128xf32, #tpu.memory_space<hbm>>) target_semaphore(%arg14 : memref<!tpu.dma_semaphore, #tpu.memory_space<semaphore_mem>>)
      %dma_wait3A_47 = arith.constant 0 : i32
      %dma_wait3A_48 = tpu.memref_slice %arg9[%while3A_23, %dma_wait3A_47] : memref<40x128xi32, #tpu.memory_space<vmem>> -> memref<1x128xi32, #tpu.memory_space<vmem>>
      %dma_wait3A_49 = tpu.memref_squeeze %dma_wait3A_48 : memref<1x128xi32, #tpu.memory_space<vmem>> -> memref<128xi32, #tpu.memory_space<vmem>>
      %dma_wait3A_50 = arith.constant 0 : i32
      %dma_wait3A_51 = arith.constant 0 : i32
      %dma_wait3A_52 = tpu.memref_slice %arg7[%dma_wait3A_50, %dma_wait3A_51] : memref<10240x128xf32, #tpu.memory_space<vmem_shared>> -> memref<10240x128xf32, #tpu.memory_space<vmem_shared>>
      tpu.wait_indirect_dma semaphore(%arg13 : memref<!tpu.dma_semaphore, #tpu.memory_space<semaphore_mem>>) src(%dma_wait3A_52 : memref<10240x128xf32, #tpu.memory_space<vmem_shared>>) dst(%arg11 : memref<128x128xf32, #tpu.memory_space<vmem>>)
      %mul3A_53 = arith.constant 128 : i32
      %mul3A_54 = arith.muli %while3A_23, %mul3A_53 : i32
      %add3A_55 = arith.addi %mul3A_13, %mul3A_54 : i32
      %dma_start3A_56 = arith.constant 0 : i32
      %dma_start3A_57 = tpu.memref_slice %arg6[%add3A_55, %dma_start3A_56] : memref<163840x128xf32, #tpu.memory_space<hbm>> -> memref<128x128xf32, #tpu.memory_space<hbm>>
      %dma_start3A_58 = arith.constant 0 : i32
      %dma_start3A_59 = tpu.memref_slice %arg6[%add3A_55, %dma_start3A_58] : memref<163840x128xf32, #tpu.memory_space<hbm>> -> memref<128x128xf32, #tpu.memory_space<hbm>>
      tpu.enqueue_dma source(%arg11 : memref<128x128xf32, #tpu.memory_space<vmem>>) target(%dma_start3A_59 : memref<128x128xf32, #tpu.memory_space<hbm>>) target_semaphore(%arg15 : memref<!tpu.dma_semaphore, #tpu.memory_space<semaphore_mem>>)
      %mul3A_60 = arith.constant 128 : i32
      %mul3A_61 = arith.muli %while3A_23, %mul3A_60 : i32
      %add3A_62 = arith.addi %mul3A_13, %mul3A_61 : i32
      %dma_wait3A_63 = arith.constant 0 : i32
      %dma_wait3A_64 = tpu.memref_slice %arg5[%add3A_62, %dma_wait3A_63] : memref<163840x128xf32, #tpu.memory_space<hbm>> -> memref<128x128xf32, #tpu.memory_space<hbm>>
      %dma_wait3A_65 = arith.constant 0 : i32
      %dma_wait3A_66 = tpu.memref_slice %arg5[%add3A_62, %dma_wait3A_65] : memref<163840x128xf32, #tpu.memory_space<hbm>> -> memref<128x128xf32, #tpu.memory_space<hbm>>
      tpu.wait_dma2 semaphore(%arg14 : memref<!tpu.dma_semaphore, #tpu.memory_space<semaphore_mem>>) src(%arg10 : memref<128x128xf32, #tpu.memory_space<vmem>>) dst(%dma_wait3A_66 : memref<128x128xf32, #tpu.memory_space<hbm>>)
      %mul3A_67 = arith.constant 128 : i32
      %mul3A_68 = arith.muli %while3A_23, %mul3A_67 : i32
      %add3A_69 = arith.addi %mul3A_13, %mul3A_68 : i32
      %dma_wait3A_70 = arith.constant 0 : i32
      %dma_wait3A_71 = tpu.memref_slice %arg6[%add3A_69, %dma_wait3A_70] : memref<163840x128xf32, #tpu.memory_space<hbm>> -> memref<128x128xf32, #tpu.memory_space<hbm>>
      %dma_wait3A_72 = arith.constant 0 : i32
      %dma_wait3A_73 = tpu.memref_slice %arg6[%add3A_69, %dma_wait3A_72] : memref<163840x128xf32, #tpu.memory_space<hbm>> -> memref<128x128xf32, #tpu.memory_space<hbm>>
      tpu.wait_dma2 semaphore(%arg15 : memref<!tpu.dma_semaphore, #tpu.memory_space<semaphore_mem>>) src(%arg11 : memref<128x128xf32, #tpu.memory_space<vmem>>) dst(%dma_wait3A_73 : memref<128x128xf32, #tpu.memory_space<hbm>>)
    }
    %while3A_22 = arith.constant 1 : i32
    scf.for %while3A_23 = %while3A_20 to %while3A_16 step %while3A_22  : i32 {
      %dma_start3A = arith.constant 0 : i32
      %dma_start3A_24 = tpu.memref_slice %arg8[%while3A_23, %dma_start3A] : memref<40x128xi32, #tpu.memory_space<vmem>> -> memref<1x128xi32, #tpu.memory_space<vmem>>
      %dma_start3A_25 = tpu.memref_squeeze %dma_start3A_24 : memref<1x128xi32, #tpu.memory_space<vmem>> -> memref<128xi32, #tpu.memory_space<vmem>>
      %dma_start3A_26 = arith.constant 0 : i32
      %dma_start3A_27 = arith.constant 0 : i32
      %dma_start3A_28 = tpu.memref_slice %arg7[%dma_start3A_26, %dma_start3A_27] : memref<10240x128xf32, #tpu.memory_space<vmem_shared>> -> memref<10240x128xf32, #tpu.memory_space<vmem_shared>>
      tpu.enqueue_indirect_dma source(%dma_start3A_28 : memref<10240x128xf32, #tpu.memory_space<vmem_shared>>) target(%arg10 : memref<128x128xf32, #tpu.memory_space<vmem>>) offsets(%dma_start3A_25 : memref<128xi32, #tpu.memory_space<vmem>>) semaphore(%arg12 : memref<!tpu.dma_semaphore, #tpu.memory_space<semaphore_mem>>)
      %dma_start3A_29 = arith.constant 0 : i32
      %dma_start3A_30 = tpu.memref_slice %arg9[%while3A_23, %dma_start3A_29] : memref<40x128xi32, #tpu.memory_space<vmem>> -> memref<1x128xi32, #tpu.memory_space<vmem>>
      %dma_start3A_31 = tpu.memref_squeeze %dma_start3A_30 : memref<1x128xi32, #tpu.memory_space<vmem>> -> memref<128xi32, #tpu.memory_space<vmem>>
      %dma_start3A_32 = arith.constant 0 : i32
      %dma_start3A_33 = arith.constant 0 : i32
      %dma_start3A_34 = tpu.memref_slice %arg7[%dma_start3A_32, %dma_start3A_33] : memref<10240x128xf32, #tpu.memory_space<vmem_shared>> -> memref<10240x128xf32, #tpu.memory_space<vmem_shared>>
      tpu.enqueue_indirect_dma source(%dma_start3A_34 : memref<10240x128xf32, #tpu.memory_space<vmem_shared>>) target(%arg11 : memref<128x128xf32, #tpu.memory_space<vmem>>) offsets(%dma_start3A_31 : memref<128xi32, #tpu.memory_space<vmem>>) semaphore(%arg13 : memref<!tpu.dma_semaphore, #tpu.memory_space<semaphore_mem>>)
      %dma_wait3A = arith.constant 0 : i32
      %dma_wait3A_35 = tpu.memref_slice %arg8[%while3A_23, %dma_wait3A] : memref<40x128xi32, #tpu.memory_space<vmem>> -> memref<1x128xi32, #tpu.memory_space<vmem>>
      %dma_wait3A_36 = tpu.memref_squeeze %dma_wait3A_35 : memref<1x128xi32, #tpu.memory_space<vmem>> -> memref<128xi32, #tpu.memory_space<vmem>>
      %dma_wait3A_37 = arith.constant 0 : i32
      %dma_wait3A_38 = arith.constant 0 : i32
      %dma_wait3A_39 = tpu.memref_slice %arg7[%dma_wait3A_37, %dma_wait3A_38] : memref<10240x128xf32, #tpu.memory_space<vmem_shared>> -> memref<10240x128xf32, #tpu.memory_space<vmem_shared>>
      tpu.wait_indirect_dma semaphore(%arg12 : memref<!tpu.dma_semaphore, #tpu.memory_space<semaphore_mem>>) src(%dma_wait3A_39 : memref<10240x128xf32, #tpu.memory_space<vmem_shared>>) dst(%arg10 : memref<128x128xf32, #tpu.memory_space<vmem>>)
      %mul3A_40 = arith.constant 128 : i32
      %mul3A_41 = arith.muli %while3A_23, %mul3A_40 : i32
      %add3A_42 = arith.addi %mul3A_13, %mul3A_41 : i32
      %dma_start3A_43 = arith.constant 0 : i32
      %dma_start3A_44 = tpu.memref_slice %arg5[%add3A_42, %dma_start3A_43] : memref<163840x128xf32, #tpu.memory_space<hbm>> -> memref<128x128xf32, #tpu.memory_space<hbm>>
      %dma_start3A_45 = arith.constant 0 : i32
      %dma_start3A_46 = tpu.memref_slice %arg5[%add3A_42, %dma_start3A_45] : memref<163840x128xf32, #tpu.memory_space<hbm>> -> memref<128x128xf32, #tpu.memory_space<hbm>>
      tpu.enqueue_dma source(%arg10 : memref<128x128xf32, #tpu.memory_space<vmem>>) target(%dma_start3A_46 : memref<128x128xf32, #tpu.memory_space<hbm>>) target_semaphore(%arg14 : memref<!tpu.dma_semaphore, #tpu.memory_space<semaphore_mem>>)
      %dma_wait3A_47 = arith.constant 0 : i32
      %dma_wait3A_48 = tpu.memref_slice %arg9[%while3A_23, %dma_wait3A_47] : memref<40x128xi32, #tpu.memory_space<vmem>> -> memref<1x128xi32, #tpu.memory_space<vmem>>
      %dma_wait3A_49 = tpu.memref_squeeze %dma_wait3A_48 : memref<1x128xi32, #tpu.memory_space<vmem>> -> memref<128xi32, #tpu.memory_space<vmem>>
      %dma_wait3A_50 = arith.constant 0 : i32
      %dma_wait3A_51 = arith.constant 0 : i32
      %dma_wait3A_52 = tpu.memref_slice %arg7[%dma_wait3A_50, %dma_wait3A_51] : memref<10240x128xf32, #tpu.memory_space<vmem_shared>> -> memref<10240x128xf32, #tpu.memory_space<vmem_shared>>
      tpu.wait_indirect_dma semaphore(%arg13 : memref<!tpu.dma_semaphore, #tpu.memory_space<semaphore_mem>>) src(%dma_wait3A_52 : memref<10240x128xf32, #tpu.memory_space<vmem_shared>>) dst(%arg11 : memref<128x128xf32, #tpu.memory_space<vmem>>)
      %mul3A_53 = arith.constant 128 : i32
      %mul3A_54 = arith.muli %while3A_23, %mul3A_53 : i32
      %add3A_55 = arith.addi %mul3A_13, %mul3A_54 : i32
      %dma_start3A_56 = arith.constant 0 : i32
      %dma_start3A_57 = tpu.memref_slice %arg6[%add3A_55, %dma_start3A_56] : memref<163840x128xf32, #tpu.memory_space<hbm>> -> memref<128x128xf32, #tpu.memory_space<hbm>>
      %dma_start3A_58 = arith.constant 0 : i32
      %dma_start3A_59 = tpu.memref_slice %arg6[%add3A_55, %dma_start3A_58] : memref<163840x128xf32, #tpu.memory_space<hbm>> -> memref<128x128xf32, #tpu.memory_space<hbm>>
      tpu.enqueue_dma source(%arg11 : memref<128x128xf32, #tpu.memory_space<vmem>>) target(%dma_start3A_59 : memref<128x128xf32, #tpu.memory_space<hbm>>) target_semaphore(%arg15 : memref<!tpu.dma_semaphore, #tpu.memory_space<semaphore_mem>>)
      %mul3A_60 = arith.constant 128 : i32
      %mul3A_61 = arith.muli %while3A_23, %mul3A_60 : i32
      %add3A_62 = arith.addi %mul3A_13, %mul3A_61 : i32
      %dma_wait3A_63 = arith.constant 0 : i32
      %dma_wait3A_64 = tpu.memref_slice %arg5[%add3A_62, %dma_wait3A_63] : memref<163840x128xf32, #tpu.memory_space<hbm>> -> memref<128x128xf32, #tpu.memory_space<hbm>>
      %dma_wait3A_65 = arith.constant 0 : i32
      %dma_wait3A_66 = tpu.memref_slice %arg5[%add3A_62, %dma_wait3A_65] : memref<163840x128xf32, #tpu.memory_space<hbm>> -> memref<128x128xf32, #tpu.memory_space<hbm>>
      tpu.wait_dma2 semaphore(%arg14 : memref<!tpu.dma_semaphore, #tpu.memory_space<semaphore_mem>>) src(%arg10 : memref<128x128xf32, #tpu.memory_space<vmem>>) dst(%dma_wait3A_66 : memref<128x128xf32, #tpu.memory_space<hbm>>)
      %mul3A_67 = arith.constant 128 : i32
      %mul3A_68 = arith.muli %while3A_23, %mul3A_67 : i32
      %add3A_69 = arith.addi %mul3A_13, %mul3A_68 : i32
      %dma_wait3A_70 = arith.constant 0 : i32
      %dma_wait3A_71 = tpu.memref_slice %arg6[%add3A_69, %dma_wait3A_70] : memref<163840x128xf32, #tpu.memory_space<hbm>> -> memref<128x128xf32, #tpu.memory_space<hbm>>
      %dma_wait3A_72 = arith.constant 0 : i32
      %dma_wait3A_73 = tpu.memref_slice %arg6[%add3A_69, %dma_wait3A_72] : memref<163840x128xf32, #tpu.memory_space<hbm>> -> memref<128x128xf32, #tpu.memory_space<hbm>>
      tpu.wait_dma2 semaphore(%arg15 : memref<!tpu.dma_semaphore, #tpu.memory_space<semaphore_mem>>) src(%arg11 : memref<128x128xf32, #tpu.memory_space<vmem>>) dst(%dma_wait3A_73 : memref<128x128xf32, #tpu.memory_space<hbm>>)
    }
    return
  }
}

#map = affine_map<(d0, d1) -> (0, 0, 0)>
#map1 = affine_map<(d0, d1) -> (0, 0)>
module attributes {stable_mosaic.version = 14 : i64} {
  func.func @_sc_scatter(%arg0: i32, %arg1: i32, %arg2: memref<4x163840x128xf32, #tpu.memory_space<hbm>>, %arg3: memref<1280x128xi32, #tpu.memory_space<hbm>>, %arg4: memref<10240x128xf32, #tpu.memory_space<hbm>>, %arg5: memref<4x10240x128xf32, #tpu.memory_space<hbm>>, %arg6: memref<10240x128xf32, #tpu.memory_space<vmem_shared>>, %arg7: memref<80x128xi32, #tpu.memory_space<vmem>>, %arg8: memref<128x128xf32, #tpu.memory_space<vmem>>, %arg9: memref<128x128xf32, #tpu.memory_space<vmem>>, %arg10: memref<!tpu.dma_semaphore, #tpu.memory_space<semaphore_mem>>, %arg11: memref<!tpu.dma_semaphore, #tpu.memory_space<semaphore_mem>>) attributes {dimension_semantics = [#tpu.dimension_semantics<core_parallel>, #tpu.dimension_semantics<subcore_parallel>], iteration_bounds = array<i64: 2, 16>, scalar_prefetch = 0 : i64, scratch_operands = 6 : i64, tpu.core_type = #tpu.core_type<sc_vector_subcore>, window_params = [{transform_indices = #map}, {transform_indices = #map1}, {transform_indices = #map1}, {transform_indices = #map}]} {
    %mul3A = arith.constant 80 : i32
    %mul3A_0 = arith.muli %arg1, %mul3A : i32
    "tpu.region"() ({
      %run_scoped3A = tpu.sem_alloc : memref<!tpu.dma_semaphore, #tpu.memory_space<semaphore_mem>>
      %dma_start3A_39 = arith.constant 0 : i32
      %dma_start3A_40 = tpu.memref_slice %arg3[%mul3A_0, %dma_start3A_39] : memref<1280x128xi32, #tpu.memory_space<hbm>> -> memref<80x128xi32, #tpu.memory_space<hbm>>
      %dma_start3A_41 = arith.constant 0 : i32
      %dma_start3A_42 = tpu.memref_slice %arg3[%mul3A_0, %dma_start3A_41] : memref<1280x128xi32, #tpu.memory_space<hbm>> -> memref<80x128xi32, #tpu.memory_space<hbm>>
      tpu.enqueue_dma source(%dma_start3A_42 : memref<80x128xi32, #tpu.memory_space<hbm>>) target(%arg7 : memref<80x128xi32, #tpu.memory_space<vmem>>) target_semaphore(%run_scoped3A : memref<!tpu.dma_semaphore, #tpu.memory_space<semaphore_mem>>)
      %dma_wait3A = arith.constant 0 : i32
      %dma_wait3A_43 = tpu.memref_slice %arg3[%mul3A_0, %dma_wait3A] : memref<1280x128xi32, #tpu.memory_space<hbm>> -> memref<80x128xi32, #tpu.memory_space<hbm>>
      %dma_wait3A_44 = arith.constant 0 : i32
      %dma_wait3A_45 = tpu.memref_slice %arg3[%mul3A_0, %dma_wait3A_44] : memref<1280x128xi32, #tpu.memory_space<hbm>> -> memref<80x128xi32, #tpu.memory_space<hbm>>
      tpu.wait_dma2 semaphore(%run_scoped3A : memref<!tpu.dma_semaphore, #tpu.memory_space<semaphore_mem>>) src(%dma_wait3A_45 : memref<80x128xi32, #tpu.memory_space<hbm>>) dst(%arg7 : memref<80x128xi32, #tpu.memory_space<vmem>>)
      tpu.yield
    }) : () -> ()
    %mul3A_1 = arith.constant 640 : i32
    %mul3A_2 = arith.muli %arg1, %mul3A_1 : i32
    %mul3A_3 = arith.constant 10240 : i32
    %mul3A_4 = arith.muli %arg1, %mul3A_3 : i32
    %mul3A_5 = arith.constant 2 : i32
    %mul3A_6 = arith.muli %arg0, %mul3A_5 : i32
    %add3A = arith.constant 0 : i32
    %add3A_7 = arith.addi %mul3A_6, %add3A : i32
    "tpu.region"() ({
      %run_scoped3A = tpu.sem_alloc : memref<!tpu.dma_semaphore, #tpu.memory_space<semaphore_mem>>
      %dma_start3A_39 = arith.constant 0 : i32
      %dma_start3A_40 = tpu.memref_slice %arg6[%mul3A_2, %dma_start3A_39] : memref<10240x128xf32, #tpu.memory_space<vmem_shared>> -> memref<640x128xf32, #tpu.memory_space<vmem_shared>>
      %dma_start3A_41 = arith.constant 0 : i32
      %dma_start3A_42 = tpu.memref_slice %arg4[%mul3A_2, %dma_start3A_41] : memref<10240x128xf32, #tpu.memory_space<hbm>> -> memref<640x128xf32, #tpu.memory_space<hbm>>
      tpu.enqueue_dma source(%dma_start3A_42 : memref<640x128xf32, #tpu.memory_space<hbm>>) target(%dma_start3A_40 : memref<640x128xf32, #tpu.memory_space<vmem_shared>>) target_semaphore(%run_scoped3A : memref<!tpu.dma_semaphore, #tpu.memory_space<semaphore_mem>>)
      %dma_wait3A = arith.constant 0 : i32
      %dma_wait3A_43 = tpu.memref_slice %arg6[%mul3A_2, %dma_wait3A] : memref<10240x128xf32, #tpu.memory_space<vmem_shared>> -> memref<640x128xf32, #tpu.memory_space<vmem_shared>>
      %dma_wait3A_44 = arith.constant 0 : i32
      %dma_wait3A_45 = tpu.memref_slice %arg4[%mul3A_2, %dma_wait3A_44] : memref<10240x128xf32, #tpu.memory_space<hbm>> -> memref<640x128xf32, #tpu.memory_space<hbm>>
      tpu.wait_dma2 semaphore(%run_scoped3A : memref<!tpu.dma_semaphore, #tpu.memory_space<semaphore_mem>>) src(%dma_wait3A_45 : memref<640x128xf32, #tpu.memory_space<hbm>>) dst(%dma_wait3A_43 : memref<640x128xf32, #tpu.memory_space<vmem_shared>>)
      tpu.yield
    }) : () -> ()
    %barrier3A = arith.constant 0 : index
    tpu.barrier barrier_id(%barrier3A)
    %dma_start3A = arith.constant 0 : i32
    %dma_start3A_8 = tpu.memref_slice %arg2[%add3A_7, %mul3A_4, %dma_start3A] : memref<4x163840x128xf32, #tpu.memory_space<hbm>> -> memref<1x128x128xf32, #tpu.memory_space<hbm>>
    %dma_start3A_9 = tpu.memref_squeeze %dma_start3A_8 : memref<1x128x128xf32, #tpu.memory_space<hbm>> -> memref<128x128xf32, #tpu.memory_space<hbm>>
    %dma_start3A_10 = arith.constant 0 : i32
    %dma_start3A_11 = tpu.memref_slice %arg2[%add3A_7, %mul3A_4, %dma_start3A_10] : memref<4x163840x128xf32, #tpu.memory_space<hbm>> -> memref<1x128x128xf32, #tpu.memory_space<hbm>>
    %dma_start3A_12 = tpu.memref_squeeze %dma_start3A_11 : memref<1x128x128xf32, #tpu.memory_space<hbm>> -> memref<128x128xf32, #tpu.memory_space<hbm>>
    tpu.enqueue_dma source(%dma_start3A_12 : memref<128x128xf32, #tpu.memory_space<hbm>>) target(%arg8 : memref<128x128xf32, #tpu.memory_space<vmem>>) target_semaphore(%arg10 : memref<!tpu.dma_semaphore, #tpu.memory_space<semaphore_mem>>)
    %scan3A = arith.constant 0 : i32
    %scan3A_13 = arith.constant 0 : i32
    %scan3A_14 = arith.constant 40 : i32
    %scan3A_15 = arith.addi %scan3A_13, %scan3A_14 : i32
    %scan3A_16 = arith.constant 1 : i32
    scf.for %scan3A_39 = %scan3A_13 to %scan3A_15 step %scan3A_16  : i32 {
      %mul3A_40 = arith.constant 2 : i32
      %mul3A_41 = arith.muli %mul3A_40, %scan3A_39 : i32
      %add3A_42 = arith.constant 1 : i32
      %add3A_43 = arith.addi %mul3A_41, %add3A_42 : i32
      %mul3A_44 = arith.constant 128 : i32
      %mul3A_45 = arith.muli %add3A_43, %mul3A_44 : i32
      %add3A_46 = arith.addi %mul3A_4, %mul3A_45 : i32
      %dma_start3A_47 = arith.constant 0 : i32
      %dma_start3A_48 = tpu.memref_slice %arg2[%add3A_7, %add3A_46, %dma_start3A_47] : memref<4x163840x128xf32, #tpu.memory_space<hbm>> -> memref<1x128x128xf32, #tpu.memory_space<hbm>>
      %dma_start3A_49 = tpu.memref_squeeze %dma_start3A_48 : memref<1x128x128xf32, #tpu.memory_space<hbm>> -> memref<128x128xf32, #tpu.memory_space<hbm>>
      %dma_start3A_50 = arith.constant 0 : i32
      %dma_start3A_51 = tpu.memref_slice %arg2[%add3A_7, %add3A_46, %dma_start3A_50] : memref<4x163840x128xf32, #tpu.memory_space<hbm>> -> memref<1x128x128xf32, #tpu.memory_space<hbm>>
      %dma_start3A_52 = tpu.memref_squeeze %dma_start3A_51 : memref<1x128x128xf32, #tpu.memory_space<hbm>> -> memref<128x128xf32, #tpu.memory_space<hbm>>
      tpu.enqueue_dma source(%dma_start3A_52 : memref<128x128xf32, #tpu.memory_space<hbm>>) target(%arg9 : memref<128x128xf32, #tpu.memory_space<vmem>>) target_semaphore(%arg11 : memref<!tpu.dma_semaphore, #tpu.memory_space<semaphore_mem>>)
      %mul3A_53 = arith.constant 128 : i32
      %mul3A_54 = arith.muli %mul3A_41, %mul3A_53 : i32
      %add3A_55 = arith.addi %mul3A_4, %mul3A_54 : i32
      %dma_wait3A = arith.constant 0 : i32
      %dma_wait3A_56 = tpu.memref_slice %arg2[%add3A_7, %add3A_55, %dma_wait3A] : memref<4x163840x128xf32, #tpu.memory_space<hbm>> -> memref<1x128x128xf32, #tpu.memory_space<hbm>>
      %dma_wait3A_57 = tpu.memref_squeeze %dma_wait3A_56 : memref<1x128x128xf32, #tpu.memory_space<hbm>> -> memref<128x128xf32, #tpu.memory_space<hbm>>
      %dma_wait3A_58 = arith.constant 0 : i32
      %dma_wait3A_59 = tpu.memref_slice %arg2[%add3A_7, %add3A_55, %dma_wait3A_58] : memref<4x163840x128xf32, #tpu.memory_space<hbm>> -> memref<1x128x128xf32, #tpu.memory_space<hbm>>
      %dma_wait3A_60 = tpu.memref_squeeze %dma_wait3A_59 : memref<1x128x128xf32, #tpu.memory_space<hbm>> -> memref<128x128xf32, #tpu.memory_space<hbm>>
      tpu.wait_dma2 semaphore(%arg10 : memref<!tpu.dma_semaphore, #tpu.memory_space<semaphore_mem>>) src(%dma_wait3A_60 : memref<128x128xf32, #tpu.memory_space<hbm>>) dst(%arg8 : memref<128x128xf32, #tpu.memory_space<vmem>>)
      "tpu.region"() ({
        %run_scoped3A = tpu.sem_alloc : memref<!tpu.dma_semaphore, #tpu.memory_space<semaphore_mem>>
        %dma_start3A_72 = arith.constant 0 : i32
        %dma_start3A_73 = tpu.memref_slice %arg7[%mul3A_41, %dma_start3A_72] : memref<80x128xi32, #tpu.memory_space<vmem>> -> memref<1x128xi32, #tpu.memory_space<vmem>>
        %dma_start3A_74 = tpu.memref_squeeze %dma_start3A_73 : memref<1x128xi32, #tpu.memory_space<vmem>> -> memref<128xi32, #tpu.memory_space<vmem>>
        %dma_start3A_75 = arith.constant 0 : i32
        %dma_start3A_76 = arith.constant 0 : i32
        %dma_start3A_77 = tpu.memref_slice %arg6[%dma_start3A_75, %dma_start3A_76] : memref<10240x128xf32, #tpu.memory_space<vmem_shared>> -> memref<10240x128xf32, #tpu.memory_space<vmem_shared>>
        tpu.enqueue_indirect_dma source(%arg8 : memref<128x128xf32, #tpu.memory_space<vmem>>) target(%dma_start3A_77 : memref<10240x128xf32, #tpu.memory_space<vmem_shared>>) offsets(%dma_start3A_74 : memref<128xi32, #tpu.memory_space<vmem>>) semaphore(%run_scoped3A : memref<!tpu.dma_semaphore, #tpu.memory_space<semaphore_mem>>) {add = true}
        %dma_wait3A_78 = arith.constant 0 : i32
        %dma_wait3A_79 = tpu.memref_slice %arg7[%mul3A_41, %dma_wait3A_78] : memref<80x128xi32, #tpu.memory_space<vmem>> -> memref<1x128xi32, #tpu.memory_space<vmem>>
        %dma_wait3A_80 = tpu.memref_squeeze %dma_wait3A_79 : memref<1x128xi32, #tpu.memory_space<vmem>> -> memref<128xi32, #tpu.memory_space<vmem>>
        %dma_wait3A_81 = arith.constant 0 : i32
        %dma_wait3A_82 = arith.constant 0 : i32
        %dma_wait3A_83 = tpu.memref_slice %arg6[%dma_wait3A_81, %dma_wait3A_82] : memref<10240x128xf32, #tpu.memory_space<vmem_shared>> -> memref<10240x128xf32, #tpu.memory_space<vmem_shared>>
        tpu.wait_indirect_dma semaphore(%run_scoped3A : memref<!tpu.dma_semaphore, #tpu.memory_space<semaphore_mem>>) src(%arg8 : memref<128x128xf32, #tpu.memory_space<vmem>>) dst(%dma_wait3A_83 : memref<10240x128xf32, #tpu.memory_space<vmem_shared>>)
        tpu.yield
      }) : () -> ()
      %lt3A = arith.constant 39 : i32
      %lt3A_61 = arith.cmpi slt, %scan3A_39, %lt3A : i32
      %convert_element_type3A = arith.extui %lt3A_61 : i1 to i32
      %cond3A = arith.constant 0 : i32
      %cond3A_62 = arith.cmpi ne, %convert_element_type3A, %cond3A : i32
      scf.if %cond3A_62 {
        %add3A_72 = arith.constant 2 : i32
        %add3A_73 = arith.addi %mul3A_41, %add3A_72 : i32
        %mul3A_74 = arith.constant 128 : i32
        %mul3A_75 = arith.muli %add3A_73, %mul3A_74 : i32
        %add3A_76 = arith.addi %mul3A_4, %mul3A_75 : i32
        %dma_start3A_77 = arith.constant 0 : i32
        %dma_start3A_78 = tpu.memref_slice %arg2[%add3A_7, %add3A_76, %dma_start3A_77] : memref<4x163840x128xf32, #tpu.memory_space<hbm>> -> memref<1x128x128xf32, #tpu.memory_space<hbm>>
        %dma_start3A_79 = tpu.memref_squeeze %dma_start3A_78 : memref<1x128x128xf32, #tpu.memory_space<hbm>> -> memref<128x128xf32, #tpu.memory_space<hbm>>
        %dma_start3A_80 = arith.constant 0 : i32
        %dma_start3A_81 = tpu.memref_slice %arg2[%add3A_7, %add3A_76, %dma_start3A_80] : memref<4x163840x128xf32, #tpu.memory_space<hbm>> -> memref<1x128x128xf32, #tpu.memory_space<hbm>>
        %dma_start3A_82 = tpu.memref_squeeze %dma_start3A_81 : memref<1x128x128xf32, #tpu.memory_space<hbm>> -> memref<128x128xf32, #tpu.memory_space<hbm>>
        tpu.enqueue_dma source(%dma_start3A_82 : memref<128x128xf32, #tpu.memory_space<hbm>>) target(%arg8 : memref<128x128xf32, #tpu.memory_space<vmem>>) target_semaphore(%arg10 : memref<!tpu.dma_semaphore, #tpu.memory_space<semaphore_mem>>)
      } else {
      }
      %mul3A_63 = arith.constant 128 : i32
      %mul3A_64 = arith.muli %add3A_43, %mul3A_63 : i32
      %add3A_65 = arith.addi %mul3A_4, %mul3A_64 : i32
      %dma_wait3A_66 = arith.constant 0 : i32
      %dma_wait3A_67 = tpu.memref_slice %arg2[%add3A_7, %add3A_65, %dma_wait3A_66] : memref<4x163840x128xf32, #tpu.memory_space<hbm>> -> memref<1x128x128xf32, #tpu.memory_space<hbm>>
      %dma_wait3A_68 = tpu.memref_squeeze %dma_wait3A_67 : memref<1x128x128xf32, #tpu.memory_space<hbm>> -> memref<128x128xf32, #tpu.memory_space<hbm>>
      %dma_wait3A_69 = arith.constant 0 : i32
      %dma_wait3A_70 = tpu.memref_slice %arg2[%add3A_7, %add3A_65, %dma_wait3A_69] : memref<4x163840x128xf32, #tpu.memory_space<hbm>> -> memref<1x128x128xf32, #tpu.memory_space<hbm>>
      %dma_wait3A_71 = tpu.memref_squeeze %dma_wait3A_70 : memref<1x128x128xf32, #tpu.memory_space<hbm>> -> memref<128x128xf32, #tpu.memory_space<hbm>>
      tpu.wait_dma2 semaphore(%arg11 : memref<!tpu.dma_semaphore, #tpu.memory_space<semaphore_mem>>) src(%dma_wait3A_71 : memref<128x128xf32, #tpu.memory_space<hbm>>) dst(%arg9 : memref<128x128xf32, #tpu.memory_space<vmem>>)
      "tpu.region"() ({
        %run_scoped3A = tpu.sem_alloc : memref<!tpu.dma_semaphore, #tpu.memory_space<semaphore_mem>>
        %dma_start3A_72 = arith.constant 0 : i32
        %dma_start3A_73 = tpu.memref_slice %arg7[%add3A_43, %dma_start3A_72] : memref<80x128xi32, #tpu.memory_space<vmem>> -> memref<1x128xi32, #tpu.memory_space<vmem>>
        %dma_start3A_74 = tpu.memref_squeeze %dma_start3A_73 : memref<1x128xi32, #tpu.memory_space<vmem>> -> memref<128xi32, #tpu.memory_space<vmem>>
        %dma_start3A_75 = arith.constant 0 : i32
        %dma_start3A_76 = arith.constant 0 : i32
        %dma_start3A_77 = tpu.memref_slice %arg6[%dma_start3A_75, %dma_start3A_76] : memref<10240x128xf32, #tpu.memory_space<vmem_shared>> -> memref<10240x128xf32, #tpu.memory_space<vmem_shared>>
        tpu.enqueue_indirect_dma source(%arg9 : memref<128x128xf32, #tpu.memory_space<vmem>>) target(%dma_start3A_77 : memref<10240x128xf32, #tpu.memory_space<vmem_shared>>) offsets(%dma_start3A_74 : memref<128xi32, #tpu.memory_space<vmem>>) semaphore(%run_scoped3A : memref<!tpu.dma_semaphore, #tpu.memory_space<semaphore_mem>>) {add = true}
        %dma_wait3A_78 = arith.constant 0 : i32
        %dma_wait3A_79 = tpu.memref_slice %arg7[%add3A_43, %dma_wait3A_78] : memref<80x128xi32, #tpu.memory_space<vmem>> -> memref<1x128xi32, #tpu.memory_space<vmem>>
        %dma_wait3A_80 = tpu.memref_squeeze %dma_wait3A_79 : memref<1x128xi32, #tpu.memory_space<vmem>> -> memref<128xi32, #tpu.memory_space<vmem>>
        %dma_wait3A_81 = arith.constant 0 : i32
        %dma_wait3A_82 = arith.constant 0 : i32
        %dma_wait3A_83 = tpu.memref_slice %arg6[%dma_wait3A_81, %dma_wait3A_82] : memref<10240x128xf32, #tpu.memory_space<vmem_shared>> -> memref<10240x128xf32, #tpu.memory_space<vmem_shared>>
        tpu.wait_indirect_dma semaphore(%run_scoped3A : memref<!tpu.dma_semaphore, #tpu.memory_space<semaphore_mem>>) src(%arg9 : memref<128x128xf32, #tpu.memory_space<vmem>>) dst(%dma_wait3A_83 : memref<10240x128xf32, #tpu.memory_space<vmem_shared>>)
        tpu.yield
      }) : () -> ()
    }
    %scan3A_17 = arith.constant 40 : i32
    %barrier3A_18 = arith.constant 0 : index
    tpu.barrier barrier_id(%barrier3A_18)
    "tpu.region"() ({
      %run_scoped3A = tpu.sem_alloc : memref<!tpu.dma_semaphore, #tpu.memory_space<semaphore_mem>>
      %dma_start3A_39 = arith.constant 0 : i32
      %dma_start3A_40 = tpu.memref_slice %arg5[%add3A_7, %mul3A_2, %dma_start3A_39] : memref<4x10240x128xf32, #tpu.memory_space<hbm>> -> memref<1x640x128xf32, #tpu.memory_space<hbm>>
      %dma_start3A_41 = tpu.memref_squeeze %dma_start3A_40 : memref<1x640x128xf32, #tpu.memory_space<hbm>> -> memref<640x128xf32, #tpu.memory_space<hbm>>
      %dma_start3A_42 = arith.constant 0 : i32
      %dma_start3A_43 = tpu.memref_slice %arg6[%mul3A_2, %dma_start3A_42] : memref<10240x128xf32, #tpu.memory_space<vmem_shared>> -> memref<640x128xf32, #tpu.memory_space<vmem_shared>>
      tpu.enqueue_dma source(%dma_start3A_43 : memref<640x128xf32, #tpu.memory_space<vmem_shared>>) target(%dma_start3A_41 : memref<640x128xf32, #tpu.memory_space<hbm>>) target_semaphore(%run_scoped3A : memref<!tpu.dma_semaphore, #tpu.memory_space<semaphore_mem>>)
      %dma_wait3A = arith.constant 0 : i32
      %dma_wait3A_44 = tpu.memref_slice %arg5[%add3A_7, %mul3A_2, %dma_wait3A] : memref<4x10240x128xf32, #tpu.memory_space<hbm>> -> memref<1x640x128xf32, #tpu.memory_space<hbm>>
      %dma_wait3A_45 = tpu.memref_squeeze %dma_wait3A_44 : memref<1x640x128xf32, #tpu.memory_space<hbm>> -> memref<640x128xf32, #tpu.memory_space<hbm>>
      %dma_wait3A_46 = arith.constant 0 : i32
      %dma_wait3A_47 = tpu.memref_slice %arg6[%mul3A_2, %dma_wait3A_46] : memref<10240x128xf32, #tpu.memory_space<vmem_shared>> -> memref<640x128xf32, #tpu.memory_space<vmem_shared>>
      tpu.wait_dma2 semaphore(%run_scoped3A : memref<!tpu.dma_semaphore, #tpu.memory_space<semaphore_mem>>) src(%dma_wait3A_47 : memref<640x128xf32, #tpu.memory_space<vmem_shared>>) dst(%dma_wait3A_45 : memref<640x128xf32, #tpu.memory_space<hbm>>)
      tpu.yield
    }) : () -> ()
    %barrier3A_19 = arith.constant 0 : index
    tpu.barrier barrier_id(%barrier3A_19)
    %mul3A_20 = arith.constant 2 : i32
    %mul3A_21 = arith.muli %arg0, %mul3A_20 : i32
    %add3A_22 = arith.constant 1 : i32
    %add3A_23 = arith.addi %mul3A_21, %add3A_22 : i32
    "tpu.region"() ({
      %run_scoped3A = tpu.sem_alloc : memref<!tpu.dma_semaphore, #tpu.memory_space<semaphore_mem>>
      %dma_start3A_39 = arith.constant 0 : i32
      %dma_start3A_40 = tpu.memref_slice %arg6[%mul3A_2, %dma_start3A_39] : memref<10240x128xf32, #tpu.memory_space<vmem_shared>> -> memref<640x128xf32, #tpu.memory_space<vmem_shared>>
      %dma_start3A_41 = arith.constant 0 : i32
      %dma_start3A_42 = tpu.memref_slice %arg4[%mul3A_2, %dma_start3A_41] : memref<10240x128xf32, #tpu.memory_space<hbm>> -> memref<640x128xf32, #tpu.memory_space<hbm>>
      tpu.enqueue_dma source(%dma_start3A_42 : memref<640x128xf32, #tpu.memory_space<hbm>>) target(%dma_start3A_40 : memref<640x128xf32, #tpu.memory_space<vmem_shared>>) target_semaphore(%run_scoped3A : memref<!tpu.dma_semaphore, #tpu.memory_space<semaphore_mem>>)
      %dma_wait3A = arith.constant 0 : i32
      %dma_wait3A_43 = tpu.memref_slice %arg6[%mul3A_2, %dma_wait3A] : memref<10240x128xf32, #tpu.memory_space<vmem_shared>> -> memref<640x128xf32, #tpu.memory_space<vmem_shared>>
      %dma_wait3A_44 = arith.constant 0 : i32
      %dma_wait3A_45 = tpu.memref_slice %arg4[%mul3A_2, %dma_wait3A_44] : memref<10240x128xf32, #tpu.memory_space<hbm>> -> memref<640x128xf32, #tpu.memory_space<hbm>>
      tpu.wait_dma2 semaphore(%run_scoped3A : memref<!tpu.dma_semaphore, #tpu.memory_space<semaphore_mem>>) src(%dma_wait3A_45 : memref<640x128xf32, #tpu.memory_space<hbm>>) dst(%dma_wait3A_43 : memref<640x128xf32, #tpu.memory_space<vmem_shared>>)
      tpu.yield
    }) : () -> ()
    %barrier3A_24 = arith.constant 0 : index
    tpu.barrier barrier_id(%barrier3A_24)
    %dma_start3A_25 = arith.constant 0 : i32
    %dma_start3A_26 = tpu.memref_slice %arg2[%add3A_23, %mul3A_4, %dma_start3A_25] : memref<4x163840x128xf32, #tpu.memory_space<hbm>> -> memref<1x128x128xf32, #tpu.memory_space<hbm>>
    %dma_start3A_27 = tpu.memref_squeeze %dma_start3A_26 : memref<1x128x128xf32, #tpu.memory_space<hbm>> -> memref<128x128xf32, #tpu.memory_space<hbm>>
    %dma_start3A_28 = arith.constant 0 : i32
    %dma_start3A_29 = tpu.memref_slice %arg2[%add3A_23, %mul3A_4, %dma_start3A_28] : memref<4x163840x128xf32, #tpu.memory_space<hbm>> -> memref<1x128x128xf32, #tpu.memory_space<hbm>>
    %dma_start3A_30 = tpu.memref_squeeze %dma_start3A_29 : memref<1x128x128xf32, #tpu.memory_space<hbm>> -> memref<128x128xf32, #tpu.memory_space<hbm>>
    tpu.enqueue_dma source(%dma_start3A_30 : memref<128x128xf32, #tpu.memory_space<hbm>>) target(%arg8 : memref<128x128xf32, #tpu.memory_space<vmem>>) target_semaphore(%arg10 : memref<!tpu.dma_semaphore, #tpu.memory_space<semaphore_mem>>)
    %scan3A_31 = arith.constant 0 : i32
    %scan3A_32 = arith.constant 0 : i32
    %scan3A_33 = arith.constant 40 : i32
    %scan3A_34 = arith.addi %scan3A_32, %scan3A_33 : i32
    %scan3A_35 = arith.constant 1 : i32
    scf.for %scan3A_39 = %scan3A_32 to %scan3A_34 step %scan3A_35  : i32 {
      %mul3A_40 = arith.constant 2 : i32
      %mul3A_41 = arith.muli %mul3A_40, %scan3A_39 : i32
      %add3A_42 = arith.constant 1 : i32
      %add3A_43 = arith.addi %mul3A_41, %add3A_42 : i32
      %mul3A_44 = arith.constant 128 : i32
      %mul3A_45 = arith.muli %add3A_43, %mul3A_44 : i32
      %add3A_46 = arith.addi %mul3A_4, %mul3A_45 : i32
      %dma_start3A_47 = arith.constant 0 : i32
      %dma_start3A_48 = tpu.memref_slice %arg2[%add3A_23, %add3A_46, %dma_start3A_47] : memref<4x163840x128xf32, #tpu.memory_space<hbm>> -> memref<1x128x128xf32, #tpu.memory_space<hbm>>
      %dma_start3A_49 = tpu.memref_squeeze %dma_start3A_48 : memref<1x128x128xf32, #tpu.memory_space<hbm>> -> memref<128x128xf32, #tpu.memory_space<hbm>>
      %dma_start3A_50 = arith.constant 0 : i32
      %dma_start3A_51 = tpu.memref_slice %arg2[%add3A_23, %add3A_46, %dma_start3A_50] : memref<4x163840x128xf32, #tpu.memory_space<hbm>> -> memref<1x128x128xf32, #tpu.memory_space<hbm>>
      %dma_start3A_52 = tpu.memref_squeeze %dma_start3A_51 : memref<1x128x128xf32, #tpu.memory_space<hbm>> -> memref<128x128xf32, #tpu.memory_space<hbm>>
      tpu.enqueue_dma source(%dma_start3A_52 : memref<128x128xf32, #tpu.memory_space<hbm>>) target(%arg9 : memref<128x128xf32, #tpu.memory_space<vmem>>) target_semaphore(%arg11 : memref<!tpu.dma_semaphore, #tpu.memory_space<semaphore_mem>>)
      %mul3A_53 = arith.constant 128 : i32
      %mul3A_54 = arith.muli %mul3A_41, %mul3A_53 : i32
      %add3A_55 = arith.addi %mul3A_4, %mul3A_54 : i32
      %dma_wait3A = arith.constant 0 : i32
      %dma_wait3A_56 = tpu.memref_slice %arg2[%add3A_23, %add3A_55, %dma_wait3A] : memref<4x163840x128xf32, #tpu.memory_space<hbm>> -> memref<1x128x128xf32, #tpu.memory_space<hbm>>
      %dma_wait3A_57 = tpu.memref_squeeze %dma_wait3A_56 : memref<1x128x128xf32, #tpu.memory_space<hbm>> -> memref<128x128xf32, #tpu.memory_space<hbm>>
      %dma_wait3A_58 = arith.constant 0 : i32
      %dma_wait3A_59 = tpu.memref_slice %arg2[%add3A_23, %add3A_55, %dma_wait3A_58] : memref<4x163840x128xf32, #tpu.memory_space<hbm>> -> memref<1x128x128xf32, #tpu.memory_space<hbm>>
      %dma_wait3A_60 = tpu.memref_squeeze %dma_wait3A_59 : memref<1x128x128xf32, #tpu.memory_space<hbm>> -> memref<128x128xf32, #tpu.memory_space<hbm>>
      tpu.wait_dma2 semaphore(%arg10 : memref<!tpu.dma_semaphore, #tpu.memory_space<semaphore_mem>>) src(%dma_wait3A_60 : memref<128x128xf32, #tpu.memory_space<hbm>>) dst(%arg8 : memref<128x128xf32, #tpu.memory_space<vmem>>)
      "tpu.region"() ({
        %run_scoped3A = tpu.sem_alloc : memref<!tpu.dma_semaphore, #tpu.memory_space<semaphore_mem>>
        %dma_start3A_72 = arith.constant 0 : i32
        %dma_start3A_73 = tpu.memref_slice %arg7[%mul3A_41, %dma_start3A_72] : memref<80x128xi32, #tpu.memory_space<vmem>> -> memref<1x128xi32, #tpu.memory_space<vmem>>
        %dma_start3A_74 = tpu.memref_squeeze %dma_start3A_73 : memref<1x128xi32, #tpu.memory_space<vmem>> -> memref<128xi32, #tpu.memory_space<vmem>>
        %dma_start3A_75 = arith.constant 0 : i32
        %dma_start3A_76 = arith.constant 0 : i32
        %dma_start3A_77 = tpu.memref_slice %arg6[%dma_start3A_75, %dma_start3A_76] : memref<10240x128xf32, #tpu.memory_space<vmem_shared>> -> memref<10240x128xf32, #tpu.memory_space<vmem_shared>>
        tpu.enqueue_indirect_dma source(%arg8 : memref<128x128xf32, #tpu.memory_space<vmem>>) target(%dma_start3A_77 : memref<10240x128xf32, #tpu.memory_space<vmem_shared>>) offsets(%dma_start3A_74 : memref<128xi32, #tpu.memory_space<vmem>>) semaphore(%run_scoped3A : memref<!tpu.dma_semaphore, #tpu.memory_space<semaphore_mem>>) {add = true}
        %dma_wait3A_78 = arith.constant 0 : i32
        %dma_wait3A_79 = tpu.memref_slice %arg7[%mul3A_41, %dma_wait3A_78] : memref<80x128xi32, #tpu.memory_space<vmem>> -> memref<1x128xi32, #tpu.memory_space<vmem>>
        %dma_wait3A_80 = tpu.memref_squeeze %dma_wait3A_79 : memref<1x128xi32, #tpu.memory_space<vmem>> -> memref<128xi32, #tpu.memory_space<vmem>>
        %dma_wait3A_81 = arith.constant 0 : i32
        %dma_wait3A_82 = arith.constant 0 : i32
        %dma_wait3A_83 = tpu.memref_slice %arg6[%dma_wait3A_81, %dma_wait3A_82] : memref<10240x128xf32, #tpu.memory_space<vmem_shared>> -> memref<10240x128xf32, #tpu.memory_space<vmem_shared>>
        tpu.wait_indirect_dma semaphore(%run_scoped3A : memref<!tpu.dma_semaphore, #tpu.memory_space<semaphore_mem>>) src(%arg8 : memref<128x128xf32, #tpu.memory_space<vmem>>) dst(%dma_wait3A_83 : memref<10240x128xf32, #tpu.memory_space<vmem_shared>>)
        tpu.yield
      }) : () -> ()
      %lt3A = arith.constant 39 : i32
      %lt3A_61 = arith.cmpi slt, %scan3A_39, %lt3A : i32
      %convert_element_type3A = arith.extui %lt3A_61 : i1 to i32
      %cond3A = arith.constant 0 : i32
      %cond3A_62 = arith.cmpi ne, %convert_element_type3A, %cond3A : i32
      scf.if %cond3A_62 {
        %add3A_72 = arith.constant 2 : i32
        %add3A_73 = arith.addi %mul3A_41, %add3A_72 : i32
        %mul3A_74 = arith.constant 128 : i32
        %mul3A_75 = arith.muli %add3A_73, %mul3A_74 : i32
        %add3A_76 = arith.addi %mul3A_4, %mul3A_75 : i32
        %dma_start3A_77 = arith.constant 0 : i32
        %dma_start3A_78 = tpu.memref_slice %arg2[%add3A_23, %add3A_76, %dma_start3A_77] : memref<4x163840x128xf32, #tpu.memory_space<hbm>> -> memref<1x128x128xf32, #tpu.memory_space<hbm>>
        %dma_start3A_79 = tpu.memref_squeeze %dma_start3A_78 : memref<1x128x128xf32, #tpu.memory_space<hbm>> -> memref<128x128xf32, #tpu.memory_space<hbm>>
        %dma_start3A_80 = arith.constant 0 : i32
        %dma_start3A_81 = tpu.memref_slice %arg2[%add3A_23, %add3A_76, %dma_start3A_80] : memref<4x163840x128xf32, #tpu.memory_space<hbm>> -> memref<1x128x128xf32, #tpu.memory_space<hbm>>
        %dma_start3A_82 = tpu.memref_squeeze %dma_start3A_81 : memref<1x128x128xf32, #tpu.memory_space<hbm>> -> memref<128x128xf32, #tpu.memory_space<hbm>>
        tpu.enqueue_dma source(%dma_start3A_82 : memref<128x128xf32, #tpu.memory_space<hbm>>) target(%arg8 : memref<128x128xf32, #tpu.memory_space<vmem>>) target_semaphore(%arg10 : memref<!tpu.dma_semaphore, #tpu.memory_space<semaphore_mem>>)
      } else {
      }
      %mul3A_63 = arith.constant 128 : i32
      %mul3A_64 = arith.muli %add3A_43, %mul3A_63 : i32
      %add3A_65 = arith.addi %mul3A_4, %mul3A_64 : i32
      %dma_wait3A_66 = arith.constant 0 : i32
      %dma_wait3A_67 = tpu.memref_slice %arg2[%add3A_23, %add3A_65, %dma_wait3A_66] : memref<4x163840x128xf32, #tpu.memory_space<hbm>> -> memref<1x128x128xf32, #tpu.memory_space<hbm>>
      %dma_wait3A_68 = tpu.memref_squeeze %dma_wait3A_67 : memref<1x128x128xf32, #tpu.memory_space<hbm>> -> memref<128x128xf32, #tpu.memory_space<hbm>>
      %dma_wait3A_69 = arith.constant 0 : i32
      %dma_wait3A_70 = tpu.memref_slice %arg2[%add3A_23, %add3A_65, %dma_wait3A_69] : memref<4x163840x128xf32, #tpu.memory_space<hbm>> -> memref<1x128x128xf32, #tpu.memory_space<hbm>>
      %dma_wait3A_71 = tpu.memref_squeeze %dma_wait3A_70 : memref<1x128x128xf32, #tpu.memory_space<hbm>> -> memref<128x128xf32, #tpu.memory_space<hbm>>
      tpu.wait_dma2 semaphore(%arg11 : memref<!tpu.dma_semaphore, #tpu.memory_space<semaphore_mem>>) src(%dma_wait3A_71 : memref<128x128xf32, #tpu.memory_space<hbm>>) dst(%arg9 : memref<128x128xf32, #tpu.memory_space<vmem>>)
      "tpu.region"() ({
        %run_scoped3A = tpu.sem_alloc : memref<!tpu.dma_semaphore, #tpu.memory_space<semaphore_mem>>
        %dma_start3A_72 = arith.constant 0 : i32
        %dma_start3A_73 = tpu.memref_slice %arg7[%add3A_43, %dma_start3A_72] : memref<80x128xi32, #tpu.memory_space<vmem>> -> memref<1x128xi32, #tpu.memory_space<vmem>>
        %dma_start3A_74 = tpu.memref_squeeze %dma_start3A_73 : memref<1x128xi32, #tpu.memory_space<vmem>> -> memref<128xi32, #tpu.memory_space<vmem>>
        %dma_start3A_75 = arith.constant 0 : i32
        %dma_start3A_76 = arith.constant 0 : i32
        %dma_start3A_77 = tpu.memref_slice %arg6[%dma_start3A_75, %dma_start3A_76] : memref<10240x128xf32, #tpu.memory_space<vmem_shared>> -> memref<10240x128xf32, #tpu.memory_space<vmem_shared>>
        tpu.enqueue_indirect_dma source(%arg9 : memref<128x128xf32, #tpu.memory_space<vmem>>) target(%dma_start3A_77 : memref<10240x128xf32, #tpu.memory_space<vmem_shared>>) offsets(%dma_start3A_74 : memref<128xi32, #tpu.memory_space<vmem>>) semaphore(%run_scoped3A : memref<!tpu.dma_semaphore, #tpu.memory_space<semaphore_mem>>) {add = true}
        %dma_wait3A_78 = arith.constant 0 : i32
        %dma_wait3A_79 = tpu.memref_slice %arg7[%add3A_43, %dma_wait3A_78] : memref<80x128xi32, #tpu.memory_space<vmem>> -> memref<1x128xi32, #tpu.memory_space<vmem>>
        %dma_wait3A_80 = tpu.memref_squeeze %dma_wait3A_79 : memref<1x128xi32, #tpu.memory_space<vmem>> -> memref<128xi32, #tpu.memory_space<vmem>>
        %dma_wait3A_81 = arith.constant 0 : i32
        %dma_wait3A_82 = arith.constant 0 : i32
        %dma_wait3A_83 = tpu.memref_slice %arg6[%dma_wait3A_81, %dma_wait3A_82] : memref<10240x128xf32, #tpu.memory_space<vmem_shared>> -> memref<10240x128xf32, #tpu.memory_space<vmem_shared>>
        tpu.wait_indirect_dma semaphore(%run_scoped3A : memref<!tpu.dma_semaphore, #tpu.memory_space<semaphore_mem>>) src(%arg9 : memref<128x128xf32, #tpu.memory_space<vmem>>) dst(%dma_wait3A_83 : memref<10240x128xf32, #tpu.memory_space<vmem_shared>>)
        tpu.yield
      }) : () -> ()
    }
    %scan3A_36 = arith.constant 40 : i32
    %barrier3A_37 = arith.constant 0 : index
    tpu.barrier barrier_id(%barrier3A_37)
    "tpu.region"() ({
      %run_scoped3A = tpu.sem_alloc : memref<!tpu.dma_semaphore, #tpu.memory_space<semaphore_mem>>
      %dma_start3A_39 = arith.constant 0 : i32
      %dma_start3A_40 = tpu.memref_slice %arg5[%add3A_23, %mul3A_2, %dma_start3A_39] : memref<4x10240x128xf32, #tpu.memory_space<hbm>> -> memref<1x640x128xf32, #tpu.memory_space<hbm>>
      %dma_start3A_41 = tpu.memref_squeeze %dma_start3A_40 : memref<1x640x128xf32, #tpu.memory_space<hbm>> -> memref<640x128xf32, #tpu.memory_space<hbm>>
      %dma_start3A_42 = arith.constant 0 : i32
      %dma_start3A_43 = tpu.memref_slice %arg6[%mul3A_2, %dma_start3A_42] : memref<10240x128xf32, #tpu.memory_space<vmem_shared>> -> memref<640x128xf32, #tpu.memory_space<vmem_shared>>
      tpu.enqueue_dma source(%dma_start3A_43 : memref<640x128xf32, #tpu.memory_space<vmem_shared>>) target(%dma_start3A_41 : memref<640x128xf32, #tpu.memory_space<hbm>>) target_semaphore(%run_scoped3A : memref<!tpu.dma_semaphore, #tpu.memory_space<semaphore_mem>>)
      %dma_wait3A = arith.constant 0 : i32
      %dma_wait3A_44 = tpu.memref_slice %arg5[%add3A_23, %mul3A_2, %dma_wait3A] : memref<4x10240x128xf32, #tpu.memory_space<hbm>> -> memref<1x640x128xf32, #tpu.memory_space<hbm>>
      %dma_wait3A_45 = tpu.memref_squeeze %dma_wait3A_44 : memref<1x640x128xf32, #tpu.memory_space<hbm>> -> memref<640x128xf32, #tpu.memory_space<hbm>>
      %dma_wait3A_46 = arith.constant 0 : i32
      %dma_wait3A_47 = tpu.memref_slice %arg6[%mul3A_2, %dma_wait3A_46] : memref<10240x128xf32, #tpu.memory_space<vmem_shared>> -> memref<640x128xf32, #tpu.memory_space<vmem_shared>>
      tpu.wait_dma2 semaphore(%run_scoped3A : memref<!tpu.dma_semaphore, #tpu.memory_space<semaphore_mem>>) src(%dma_wait3A_47 : memref<640x128xf32, #tpu.memory_space<vmem_shared>>) dst(%dma_wait3A_45 : memref<640x128xf32, #tpu.memory_space<hbm>>)
      tpu.yield
    }) : () -> ()
    %barrier3A_38 = arith.constant 0 : index
    tpu.barrier barrier_id(%barrier3A_38)
    return
  }
}

#map = affine_map<(d0, d1) -> (0, 0)>
#map1 = affine_map<(d0, d1) -> (0)>
module attributes {stable_mosaic.version = 14 : i64} {
  func.func @_sc_gather_init(%arg0: i32, %arg1: i32, %arg2: memref<100x128xf32, #tpu.memory_space<hbm>>, %arg3: memref<256x40xi32, #tpu.memory_space<hbm>>, %arg4: memref<10240xf32, #tpu.memory_space<hbm>>, %arg5: memref<10240xf32, #tpu.memory_space<hbm>>, %arg6: memref<10240xf32, #tpu.memory_space<hbm>>, %arg7: memref<1280x128xi32, #tpu.memory_space<hbm>>, %arg8: memref<1280x128xi32, #tpu.memory_space<hbm>>, %arg9: memref<128x16xf32, #tpu.memory_space<hbm>>, %arg10: memref<10240x128xf32, #tpu.memory_space<hbm>>, %arg11: memref<163840x16xf32, #tpu.memory_space<hbm>>, %arg12: memref<8x40xi32, #tpu.memory_space<vmem>>, %arg13: memref<40x128xf32, #tpu.memory_space<vmem>>, %arg14: memref<40x128xi32, #tpu.memory_space<vmem>>, %arg15: memref<40x128xi32, #tpu.memory_space<vmem>>, %arg16: memref<10240xf32, #tpu.memory_space<vmem>>, %arg17: memref<10240xf32, #tpu.memory_space<vmem>>, %arg18: memref<10240xf32, #tpu.memory_space<vmem>>, %arg19: memref<128x16xf32, #tpu.memory_space<vmem>>, %arg20: memref<!tpu.dma_semaphore, #tpu.memory_space<semaphore_mem>>, %arg21: memref<!tpu.dma_semaphore, #tpu.memory_space<semaphore_mem>>) attributes {dimension_semantics = [#tpu.dimension_semantics<core_parallel>, #tpu.dimension_semantics<subcore_parallel>], iteration_bounds = array<i64: 2, 16>, scalar_prefetch = 0 : i64, scratch_operands = 10 : i64, tpu.core_type = #tpu.core_type<sc_vector_subcore>, window_params = [{transform_indices = #map}, {transform_indices = #map}, {transform_indices = #map1}, {transform_indices = #map1}, {transform_indices = #map1}, {transform_indices = #map}, {transform_indices = #map}, {transform_indices = #map}, {transform_indices = #map}, {transform_indices = #map}]} {
    %mul3A = arith.constant 2 : i32
    %mul3A_0 = arith.muli %arg1, %mul3A : i32
    %add3A = arith.addi %mul3A_0, %arg0 : i32
    tpu.enqueue_dma source(%arg4 : memref<10240xf32, #tpu.memory_space<hbm>>) target(%arg16 : memref<10240xf32, #tpu.memory_space<vmem>>) target_semaphore(%arg20 : memref<!tpu.dma_semaphore, #tpu.memory_space<semaphore_mem>>)
    tpu.enqueue_dma source(%arg5 : memref<10240xf32, #tpu.memory_space<hbm>>) target(%arg17 : memref<10240xf32, #tpu.memory_space<vmem>>) target_semaphore(%arg20 : memref<!tpu.dma_semaphore, #tpu.memory_space<semaphore_mem>>)
    tpu.enqueue_dma source(%arg6 : memref<10240xf32, #tpu.memory_space<hbm>>) target(%arg18 : memref<10240xf32, #tpu.memory_space<vmem>>) target_semaphore(%arg20 : memref<!tpu.dma_semaphore, #tpu.memory_space<semaphore_mem>>)
    "tpu.region"() ({
      %run_scoped3A = tpu.sem_alloc : memref<!tpu.dma_semaphore, #tpu.memory_space<semaphore_mem>>
      tpu.enqueue_dma source(%arg9 : memref<128x16xf32, #tpu.memory_space<hbm>>) target(%arg19 : memref<128x16xf32, #tpu.memory_space<vmem>>) target_semaphore(%run_scoped3A : memref<!tpu.dma_semaphore, #tpu.memory_space<semaphore_mem>>)
      tpu.wait_dma2 semaphore(%run_scoped3A : memref<!tpu.dma_semaphore, #tpu.memory_space<semaphore_mem>>) src(%arg9 : memref<128x16xf32, #tpu.memory_space<hbm>>) dst(%arg19 : memref<128x16xf32, #tpu.memory_space<vmem>>)
      tpu.yield
    }) : () -> ()
    %mul3A_1 = arith.constant 40 : i32
    %mul3A_2 = arith.muli %add3A, %mul3A_1 : i32
    "tpu.region"() ({
      %run_scoped3A = tpu.sem_alloc : memref<!tpu.dma_semaphore, #tpu.memory_space<semaphore_mem>>
      %dma_start3A = arith.constant 0 : i32
      %dma_start3A_18 = tpu.memref_slice %arg7[%mul3A_2, %dma_start3A] : memref<1280x128xi32, #tpu.memory_space<hbm>> -> memref<40x128xi32, #tpu.memory_space<hbm>>
      %dma_start3A_19 = arith.constant 0 : i32
      %dma_start3A_20 = tpu.memref_slice %arg7[%mul3A_2, %dma_start3A_19] : memref<1280x128xi32, #tpu.memory_space<hbm>> -> memref<40x128xi32, #tpu.memory_space<hbm>>
      tpu.enqueue_dma source(%dma_start3A_20 : memref<40x128xi32, #tpu.memory_space<hbm>>) target(%arg14 : memref<40x128xi32, #tpu.memory_space<vmem>>) target_semaphore(%run_scoped3A : memref<!tpu.dma_semaphore, #tpu.memory_space<semaphore_mem>>)
      %dma_wait3A = arith.constant 0 : i32
      %dma_wait3A_21 = tpu.memref_slice %arg7[%mul3A_2, %dma_wait3A] : memref<1280x128xi32, #tpu.memory_space<hbm>> -> memref<40x128xi32, #tpu.memory_space<hbm>>
      %dma_wait3A_22 = arith.constant 0 : i32
      %dma_wait3A_23 = tpu.memref_slice %arg7[%mul3A_2, %dma_wait3A_22] : memref<1280x128xi32, #tpu.memory_space<hbm>> -> memref<40x128xi32, #tpu.memory_space<hbm>>
      tpu.wait_dma2 semaphore(%run_scoped3A : memref<!tpu.dma_semaphore, #tpu.memory_space<semaphore_mem>>) src(%dma_wait3A_23 : memref<40x128xi32, #tpu.memory_space<hbm>>) dst(%arg14 : memref<40x128xi32, #tpu.memory_space<vmem>>)
      tpu.yield
    }) : () -> ()
    %mul3A_3 = arith.constant 40 : i32
    %mul3A_4 = arith.muli %add3A, %mul3A_3 : i32
    "tpu.region"() ({
      %run_scoped3A = tpu.sem_alloc : memref<!tpu.dma_semaphore, #tpu.memory_space<semaphore_mem>>
      %dma_start3A = arith.constant 0 : i32
      %dma_start3A_18 = tpu.memref_slice %arg8[%mul3A_4, %dma_start3A] : memref<1280x128xi32, #tpu.memory_space<hbm>> -> memref<40x128xi32, #tpu.memory_space<hbm>>
      %dma_start3A_19 = arith.constant 0 : i32
      %dma_start3A_20 = tpu.memref_slice %arg8[%mul3A_4, %dma_start3A_19] : memref<1280x128xi32, #tpu.memory_space<hbm>> -> memref<40x128xi32, #tpu.memory_space<hbm>>
      tpu.enqueue_dma source(%dma_start3A_20 : memref<40x128xi32, #tpu.memory_space<hbm>>) target(%arg15 : memref<40x128xi32, #tpu.memory_space<vmem>>) target_semaphore(%run_scoped3A : memref<!tpu.dma_semaphore, #tpu.memory_space<semaphore_mem>>)
      %dma_wait3A = arith.constant 0 : i32
      %dma_wait3A_21 = tpu.memref_slice %arg8[%mul3A_4, %dma_wait3A] : memref<1280x128xi32, #tpu.memory_space<hbm>> -> memref<40x128xi32, #tpu.memory_space<hbm>>
      %dma_wait3A_22 = arith.constant 0 : i32
      %dma_wait3A_23 = tpu.memref_slice %arg8[%mul3A_4, %dma_wait3A_22] : memref<1280x128xi32, #tpu.memory_space<hbm>> -> memref<40x128xi32, #tpu.memory_space<hbm>>
      tpu.wait_dma2 semaphore(%run_scoped3A : memref<!tpu.dma_semaphore, #tpu.memory_space<semaphore_mem>>) src(%dma_wait3A_23 : memref<40x128xi32, #tpu.memory_space<hbm>>) dst(%arg15 : memref<40x128xi32, #tpu.memory_space<vmem>>)
      tpu.yield
    }) : () -> ()
    %mul3A_5 = arith.constant 8 : i32
    %mul3A_6 = arith.muli %add3A, %mul3A_5 : i32
    "tpu.region"() ({
      %run_scoped3A = tpu.sem_alloc : memref<!tpu.dma_semaphore, #tpu.memory_space<semaphore_mem>>
      %dma_start3A = arith.constant 0 : i32
      %dma_start3A_18 = tpu.memref_slice %arg3[%mul3A_6, %dma_start3A] : memref<256x40xi32, #tpu.memory_space<hbm>> -> memref<8x40xi32, #tpu.memory_space<hbm>>
      %dma_start3A_19 = arith.constant 0 : i32
      %dma_start3A_20 = tpu.memref_slice %arg3[%mul3A_6, %dma_start3A_19] : memref<256x40xi32, #tpu.memory_space<hbm>> -> memref<8x40xi32, #tpu.memory_space<hbm>>
      tpu.enqueue_dma source(%dma_start3A_20 : memref<8x40xi32, #tpu.memory_space<hbm>>) target(%arg12 : memref<8x40xi32, #tpu.memory_space<vmem>>) target_semaphore(%run_scoped3A : memref<!tpu.dma_semaphore, #tpu.memory_space<semaphore_mem>>)
      %dma_wait3A = arith.constant 0 : i32
      %dma_wait3A_21 = tpu.memref_slice %arg3[%mul3A_6, %dma_wait3A] : memref<256x40xi32, #tpu.memory_space<hbm>> -> memref<8x40xi32, #tpu.memory_space<hbm>>
      %dma_wait3A_22 = arith.constant 0 : i32
      %dma_wait3A_23 = tpu.memref_slice %arg3[%mul3A_6, %dma_wait3A_22] : memref<256x40xi32, #tpu.memory_space<hbm>> -> memref<8x40xi32, #tpu.memory_space<hbm>>
      tpu.wait_dma2 semaphore(%run_scoped3A : memref<!tpu.dma_semaphore, #tpu.memory_space<semaphore_mem>>) src(%dma_wait3A_23 : memref<8x40xi32, #tpu.memory_space<hbm>>) dst(%arg12 : memref<8x40xi32, #tpu.memory_space<vmem>>)
      tpu.yield
    }) : () -> ()
    %scan3A = arith.constant 0 : i32
    %scan3A_7 = arith.constant 0 : i32
    %scan3A_8 = arith.constant 8 : i32
    %scan3A_9 = arith.addi %scan3A_7, %scan3A_8 : i32
    %scan3A_10 = arith.constant 1 : i32
    scf.for %scan3A_18 = %scan3A_7 to %scan3A_9 step %scan3A_10  : i32 {
      %dma_start3A = arith.constant 0 : i32
      %dma_start3A_19 = tpu.memref_slice %arg12[%scan3A_18, %dma_start3A] : memref<8x40xi32, #tpu.memory_space<vmem>> -> memref<1x40xi32, #tpu.memory_space<vmem>>
      %dma_start3A_20 = tpu.memref_squeeze %dma_start3A_19 : memref<1x40xi32, #tpu.memory_space<vmem>> -> memref<40xi32, #tpu.memory_space<vmem>>
      %dma_start3A_21 = arith.constant 0 : i32
      %dma_start3A_22 = arith.constant 0 : i32
      %dma_start3A_23 = tpu.memref_slice %arg2[%dma_start3A_21, %dma_start3A_22] : memref<100x128xf32, #tpu.memory_space<hbm>> -> memref<100x128xf32, #tpu.memory_space<hbm>>
      tpu.enqueue_indirect_dma source(%dma_start3A_23 : memref<100x128xf32, #tpu.memory_space<hbm>>) target(%arg13 : memref<40x128xf32, #tpu.memory_space<vmem>>) offsets(%dma_start3A_20 : memref<40xi32, #tpu.memory_space<vmem>>) semaphore(%arg21 : memref<!tpu.dma_semaphore, #tpu.memory_space<semaphore_mem>>)
      %dma_wait3A = arith.constant 0 : i32
      %dma_wait3A_24 = tpu.memref_slice %arg12[%scan3A_18, %dma_wait3A] : memref<8x40xi32, #tpu.memory_space<vmem>> -> memref<1x40xi32, #tpu.memory_space<vmem>>
      %dma_wait3A_25 = tpu.memref_squeeze %dma_wait3A_24 : memref<1x40xi32, #tpu.memory_space<vmem>> -> memref<40xi32, #tpu.memory_space<vmem>>
      %dma_wait3A_26 = arith.constant 0 : i32
      %dma_wait3A_27 = arith.constant 0 : i32
      %dma_wait3A_28 = tpu.memref_slice %arg2[%dma_wait3A_26, %dma_wait3A_27] : memref<100x128xf32, #tpu.memory_space<hbm>> -> memref<100x128xf32, #tpu.memory_space<hbm>>
      tpu.wait_indirect_dma semaphore(%arg21 : memref<!tpu.dma_semaphore, #tpu.memory_space<semaphore_mem>>) src(%dma_wait3A_28 : memref<100x128xf32, #tpu.memory_space<hbm>>) dst(%arg13 : memref<40x128xf32, #tpu.memory_space<vmem>>)
      %mul3A_29 = arith.constant 320 : i32
      %mul3A_30 = arith.muli %add3A, %mul3A_29 : i32
      %mul3A_31 = arith.constant 40 : i32
      %mul3A_32 = arith.muli %scan3A_18, %mul3A_31 : i32
      %add3A_33 = arith.addi %mul3A_30, %mul3A_32 : i32
      "tpu.region"() ({
        %run_scoped3A = tpu.sem_alloc : memref<!tpu.dma_semaphore, #tpu.memory_space<semaphore_mem>>
        %dma_start3A_34 = arith.constant 0 : i32
        %dma_start3A_35 = tpu.memref_slice %arg10[%add3A_33, %dma_start3A_34] : memref<10240x128xf32, #tpu.memory_space<hbm>> -> memref<40x128xf32, #tpu.memory_space<hbm>>
        %dma_start3A_36 = arith.constant 0 : i32
        %dma_start3A_37 = tpu.memref_slice %arg10[%add3A_33, %dma_start3A_36] : memref<10240x128xf32, #tpu.memory_space<hbm>> -> memref<40x128xf32, #tpu.memory_space<hbm>>
        tpu.enqueue_dma source(%arg13 : memref<40x128xf32, #tpu.memory_space<vmem>>) target(%dma_start3A_37 : memref<40x128xf32, #tpu.memory_space<hbm>>) target_semaphore(%run_scoped3A : memref<!tpu.dma_semaphore, #tpu.memory_space<semaphore_mem>>)
        %dma_wait3A_38 = arith.constant 0 : i32
        %dma_wait3A_39 = tpu.memref_slice %arg10[%add3A_33, %dma_wait3A_38] : memref<10240x128xf32, #tpu.memory_space<hbm>> -> memref<40x128xf32, #tpu.memory_space<hbm>>
        %dma_wait3A_40 = arith.constant 0 : i32
        %dma_wait3A_41 = tpu.memref_slice %arg10[%add3A_33, %dma_wait3A_40] : memref<10240x128xf32, #tpu.memory_space<hbm>> -> memref<40x128xf32, #tpu.memory_space<hbm>>
        tpu.wait_dma2 semaphore(%run_scoped3A : memref<!tpu.dma_semaphore, #tpu.memory_space<semaphore_mem>>) src(%arg13 : memref<40x128xf32, #tpu.memory_space<vmem>>) dst(%dma_wait3A_41 : memref<40x128xf32, #tpu.memory_space<hbm>>)
        tpu.yield
      }) : () -> ()
    }
    %scan3A_11 = arith.constant 8 : i32
    tpu.wait_dma2 semaphore(%arg20 : memref<!tpu.dma_semaphore, #tpu.memory_space<semaphore_mem>>) src(%arg4 : memref<10240xf32, #tpu.memory_space<hbm>>) dst(%arg16 : memref<10240xf32, #tpu.memory_space<vmem>>)
    tpu.wait_dma2 semaphore(%arg20 : memref<!tpu.dma_semaphore, #tpu.memory_space<semaphore_mem>>) src(%arg5 : memref<10240xf32, #tpu.memory_space<hbm>>) dst(%arg17 : memref<10240xf32, #tpu.memory_space<vmem>>)
    tpu.wait_dma2 semaphore(%arg20 : memref<!tpu.dma_semaphore, #tpu.memory_space<semaphore_mem>>) src(%arg6 : memref<10240xf32, #tpu.memory_space<hbm>>) dst(%arg18 : memref<10240xf32, #tpu.memory_space<vmem>>)
    %scan3A_12 = arith.constant 0 : i32
    %scan3A_13 = arith.constant 0 : i32
    %scan3A_14 = arith.constant 40 : i32
    %scan3A_15 = arith.addi %scan3A_13, %scan3A_14 : i32
    %scan3A_16 = arith.constant 1 : i32
    scf.for %scan3A_18 = %scan3A_13 to %scan3A_15 step %scan3A_16  : i32 {
      %get3A = arith.index_cast %scan3A_18 : i32 to index
      %get3A_19 = arith.constant 0 : index
      %get3A_20 = tpu.vector_load %arg14[%get3A, %get3A_19] {strides = array<i32>} : memref<40x128xi32, #tpu.memory_space<vmem>>, vector<16xi32>,
      %get3A_21 = arith.index_cast %scan3A_18 : i32 to index
      %get3A_22 = arith.constant 0 : index
      %get3A_23 = tpu.vector_load %arg15[%get3A_21, %get3A_22] {strides = array<i32>} : memref<40x128xi32, #tpu.memory_space<vmem>>, vector<16xi32>,
      %iota3A = tpu.iota {dimensions = array<i32: 0>} : vector<16xi32>
      %add3A_24 = arith.constant 0 : i32
      %add3A_25 = vector.broadcast %add3A_24 : i32 to vector<16xi32>
      %add3A_26 = arith.addi %iota3A, %add3A_25 : vector<16xi32>
      %gather3A = tpu.vector_load_idx %arg16[%get3A_20] : memref<10240xf32, #tpu.memory_space<vmem>>[vector<16xi32>], vector<16xf32>,
      %gather3A_27 = tpu.vector_load_idx %arg16[%get3A_23] : memref<10240xf32, #tpu.memory_space<vmem>>[vector<16xi32>], vector<16xf32>,
      %broadcast_in_dim3A = arith.constant 0 : i32
      %broadcast_in_dim3A_28 = vector.broadcast %broadcast_in_dim3A : i32 to vector<16xi32>
      %sub3A = arith.subf %gather3A_27, %gather3A : vector<16xf32>
      tpu.vector_store_idx %arg19[%add3A_26, %broadcast_in_dim3A_28], %sub3A : memref<128x16xf32, #tpu.memory_space<vmem>>[vector<16xi32>, vector<16xi32>], vector<16xf32>,
      %gather3A_29 = tpu.vector_load_idx %arg17[%get3A_20] : memref<10240xf32, #tpu.memory_space<vmem>>[vector<16xi32>], vector<16xf32>,
      %gather3A_30 = tpu.vector_load_idx %arg17[%get3A_23] : memref<10240xf32, #tpu.memory_space<vmem>>[vector<16xi32>], vector<16xf32>,
      %broadcast_in_dim3A_31 = arith.constant 1 : i32
      %broadcast_in_dim3A_32 = vector.broadcast %broadcast_in_dim3A_31 : i32 to vector<16xi32>
      %sub3A_33 = arith.subf %gather3A_30, %gather3A_29 : vector<16xf32>
      tpu.vector_store_idx %arg19[%add3A_26, %broadcast_in_dim3A_32], %sub3A_33 : memref<128x16xf32, #tpu.memory_space<vmem>>[vector<16xi32>, vector<16xi32>], vector<16xf32>,
      %gather3A_34 = tpu.vector_load_idx %arg18[%get3A_20] : memref<10240xf32, #tpu.memory_space<vmem>>[vector<16xi32>], vector<16xf32>,
      %gather3A_35 = tpu.vector_load_idx %arg18[%get3A_23] : memref<10240xf32, #tpu.memory_space<vmem>>[vector<16xi32>], vector<16xf32>,
      %broadcast_in_dim3A_36 = arith.constant 2 : i32
      %broadcast_in_dim3A_37 = vector.broadcast %broadcast_in_dim3A_36 : i32 to vector<16xi32>
      %sub3A_38 = arith.subf %gather3A_35, %gather3A_34 : vector<16xf32>
      tpu.vector_store_idx %arg19[%add3A_26, %broadcast_in_dim3A_37], %sub3A_38 : memref<128x16xf32, #tpu.memory_space<vmem>>[vector<16xi32>, vector<16xi32>], vector<16xf32>,
      %get3A_39 = arith.index_cast %scan3A_18 : i32 to index
      %get3A_40 = arith.constant 16 : index
      %get3A_41 = tpu.vector_load %arg14[%get3A_39, %get3A_40] {strides = array<i32>} : memref<40x128xi32, #tpu.memory_space<vmem>>, vector<16xi32>,
      %get3A_42 = arith.index_cast %scan3A_18 : i32 to index
      %get3A_43 = arith.constant 16 : index
      %get3A_44 = tpu.vector_load %arg15[%get3A_42, %get3A_43] {strides = array<i32>} : memref<40x128xi32, #tpu.memory_space<vmem>>, vector<16xi32>,
      %iota3A_45 = tpu.iota {dimensions = array<i32: 0>} : vector<16xi32>
      %add3A_46 = arith.constant 16 : i32
      %add3A_47 = vector.broadcast %add3A_46 : i32 to vector<16xi32>
      %add3A_48 = arith.addi %iota3A_45, %add3A_47 : vector<16xi32>
      %gather3A_49 = tpu.vector_load_idx %arg16[%get3A_41] : memref<10240xf32, #tpu.memory_space<vmem>>[vector<16xi32>], vector<16xf32>,
      %gather3A_50 = tpu.vector_load_idx %arg16[%get3A_44] : memref<10240xf32, #tpu.memory_space<vmem>>[vector<16xi32>], vector<16xf32>,
      %broadcast_in_dim3A_51 = arith.constant 0 : i32
      %broadcast_in_dim3A_52 = vector.broadcast %broadcast_in_dim3A_51 : i32 to vector<16xi32>
      %sub3A_53 = arith.subf %gather3A_50, %gather3A_49 : vector<16xf32>
      tpu.vector_store_idx %arg19[%add3A_48, %broadcast_in_dim3A_52], %sub3A_53 : memref<128x16xf32, #tpu.memory_space<vmem>>[vector<16xi32>, vector<16xi32>], vector<16xf32>,
      %gather3A_54 = tpu.vector_load_idx %arg17[%get3A_41] : memref<10240xf32, #tpu.memory_space<vmem>>[vector<16xi32>], vector<16xf32>,
      %gather3A_55 = tpu.vector_load_idx %arg17[%get3A_44] : memref<10240xf32, #tpu.memory_space<vmem>>[vector<16xi32>], vector<16xf32>,
      %broadcast_in_dim3A_56 = arith.constant 1 : i32
      %broadcast_in_dim3A_57 = vector.broadcast %broadcast_in_dim3A_56 : i32 to vector<16xi32>
      %sub3A_58 = arith.subf %gather3A_55, %gather3A_54 : vector<16xf32>
      tpu.vector_store_idx %arg19[%add3A_48, %broadcast_in_dim3A_57], %sub3A_58 : memref<128x16xf32, #tpu.memory_space<vmem>>[vector<16xi32>, vector<16xi32>], vector<16xf32>,
      %gather3A_59 = tpu.vector_load_idx %arg18[%get3A_41] : memref<10240xf32, #tpu.memory_space<vmem>>[vector<16xi32>], vector<16xf32>,
      %gather3A_60 = tpu.vector_load_idx %arg18[%get3A_44] : memref<10240xf32, #tpu.memory_space<vmem>>[vector<16xi32>], vector<16xf32>,
      %broadcast_in_dim3A_61 = arith.constant 2 : i32
      %broadcast_in_dim3A_62 = vector.broadcast %broadcast_in_dim3A_61 : i32 to vector<16xi32>
      %sub3A_63 = arith.subf %gather3A_60, %gather3A_59 : vector<16xf32>
      tpu.vector_store_idx %arg19[%add3A_48, %broadcast_in_dim3A_62], %sub3A_63 : memref<128x16xf32, #tpu.memory_space<vmem>>[vector<16xi32>, vector<16xi32>], vector<16xf32>,
      %get3A_64 = arith.index_cast %scan3A_18 : i32 to index
      %get3A_65 = arith.constant 32 : index
      %get3A_66 = tpu.vector_load %arg14[%get3A_64, %get3A_65] {strides = array<i32>} : memref<40x128xi32, #tpu.memory_space<vmem>>, vector<16xi32>,
      %get3A_67 = arith.index_cast %scan3A_18 : i32 to index
      %get3A_68 = arith.constant 32 : index
      %get3A_69 = tpu.vector_load %arg15[%get3A_67, %get3A_68] {strides = array<i32>} : memref<40x128xi32, #tpu.memory_space<vmem>>, vector<16xi32>,
      %iota3A_70 = tpu.iota {dimensions = array<i32: 0>} : vector<16xi32>
      %add3A_71 = arith.constant 32 : i32
      %add3A_72 = vector.broadcast %add3A_71 : i32 to vector<16xi32>
      %add3A_73 = arith.addi %iota3A_70, %add3A_72 : vector<16xi32>
      %gather3A_74 = tpu.vector_load_idx %arg16[%get3A_66] : memref<10240xf32, #tpu.memory_space<vmem>>[vector<16xi32>], vector<16xf32>,
      %gather3A_75 = tpu.vector_load_idx %arg16[%get3A_69] : memref<10240xf32, #tpu.memory_space<vmem>>[vector<16xi32>], vector<16xf32>,
      %broadcast_in_dim3A_76 = arith.constant 0 : i32
      %broadcast_in_dim3A_77 = vector.broadcast %broadcast_in_dim3A_76 : i32 to vector<16xi32>
      %sub3A_78 = arith.subf %gather3A_75, %gather3A_74 : vector<16xf32>
      tpu.vector_store_idx %arg19[%add3A_73, %broadcast_in_dim3A_77], %sub3A_78 : memref<128x16xf32, #tpu.memory_space<vmem>>[vector<16xi32>, vector<16xi32>], vector<16xf32>,
      %gather3A_79 = tpu.vector_load_idx %arg17[%get3A_66] : memref<10240xf32, #tpu.memory_space<vmem>>[vector<16xi32>], vector<16xf32>,
      %gather3A_80 = tpu.vector_load_idx %arg17[%get3A_69] : memref<10240xf32, #tpu.memory_space<vmem>>[vector<16xi32>], vector<16xf32>,
      %broadcast_in_dim3A_81 = arith.constant 1 : i32
      %broadcast_in_dim3A_82 = vector.broadcast %broadcast_in_dim3A_81 : i32 to vector<16xi32>
      %sub3A_83 = arith.subf %gather3A_80, %gather3A_79 : vector<16xf32>
      tpu.vector_store_idx %arg19[%add3A_73, %broadcast_in_dim3A_82], %sub3A_83 : memref<128x16xf32, #tpu.memory_space<vmem>>[vector<16xi32>, vector<16xi32>], vector<16xf32>,
      %gather3A_84 = tpu.vector_load_idx %arg18[%get3A_66] : memref<10240xf32, #tpu.memory_space<vmem>>[vector<16xi32>], vector<16xf32>,
      %gather3A_85 = tpu.vector_load_idx %arg18[%get3A_69] : memref<10240xf32, #tpu.memory_space<vmem>>[vector<16xi32>], vector<16xf32>,
      %broadcast_in_dim3A_86 = arith.constant 2 : i32
      %broadcast_in_dim3A_87 = vector.broadcast %broadcast_in_dim3A_86 : i32 to vector<16xi32>
      %sub3A_88 = arith.subf %gather3A_85, %gather3A_84 : vector<16xf32>
      tpu.vector_store_idx %arg19[%add3A_73, %broadcast_in_dim3A_87], %sub3A_88 : memref<128x16xf32, #tpu.memory_space<vmem>>[vector<16xi32>, vector<16xi32>], vector<16xf32>,
      %get3A_89 = arith.index_cast %scan3A_18 : i32 to index
      %get3A_90 = arith.constant 48 : index
      %get3A_91 = tpu.vector_load %arg14[%get3A_89, %get3A_90] {strides = array<i32>} : memref<40x128xi32, #tpu.memory_space<vmem>>, vector<16xi32>,
      %get3A_92 = arith.index_cast %scan3A_18 : i32 to index
      %get3A_93 = arith.constant 48 : index
      %get3A_94 = tpu.vector_load %arg15[%get3A_92, %get3A_93] {strides = array<i32>} : memref<40x128xi32, #tpu.memory_space<vmem>>, vector<16xi32>,
      %iota3A_95 = tpu.iota {dimensions = array<i32: 0>} : vector<16xi32>
      %add3A_96 = arith.constant 48 : i32
      %add3A_97 = vector.broadcast %add3A_96 : i32 to vector<16xi32>
      %add3A_98 = arith.addi %iota3A_95, %add3A_97 : vector<16xi32>
      %gather3A_99 = tpu.vector_load_idx %arg16[%get3A_91] : memref<10240xf32, #tpu.memory_space<vmem>>[vector<16xi32>], vector<16xf32>,
      %gather3A_100 = tpu.vector_load_idx %arg16[%get3A_94] : memref<10240xf32, #tpu.memory_space<vmem>>[vector<16xi32>], vector<16xf32>,
      %broadcast_in_dim3A_101 = arith.constant 0 : i32
      %broadcast_in_dim3A_102 = vector.broadcast %broadcast_in_dim3A_101 : i32 to vector<16xi32>
      %sub3A_103 = arith.subf %gather3A_100, %gather3A_99 : vector<16xf32>
      tpu.vector_store_idx %arg19[%add3A_98, %broadcast_in_dim3A_102], %sub3A_103 : memref<128x16xf32, #tpu.memory_space<vmem>>[vector<16xi32>, vector<16xi32>], vector<16xf32>,
      %gather3A_104 = tpu.vector_load_idx %arg17[%get3A_91] : memref<10240xf32, #tpu.memory_space<vmem>>[vector<16xi32>], vector<16xf32>,
      %gather3A_105 = tpu.vector_load_idx %arg17[%get3A_94] : memref<10240xf32, #tpu.memory_space<vmem>>[vector<16xi32>], vector<16xf32>,
      %broadcast_in_dim3A_106 = arith.constant 1 : i32
      %broadcast_in_dim3A_107 = vector.broadcast %broadcast_in_dim3A_106 : i32 to vector<16xi32>
      %sub3A_108 = arith.subf %gather3A_105, %gather3A_104 : vector<16xf32>
      tpu.vector_store_idx %arg19[%add3A_98, %broadcast_in_dim3A_107], %sub3A_108 : memref<128x16xf32, #tpu.memory_space<vmem>>[vector<16xi32>, vector<16xi32>], vector<16xf32>,
      %gather3A_109 = tpu.vector_load_idx %arg18[%get3A_91] : memref<10240xf32, #tpu.memory_space<vmem>>[vector<16xi32>], vector<16xf32>,
      %gather3A_110 = tpu.vector_load_idx %arg18[%get3A_94] : memref<10240xf32, #tpu.memory_space<vmem>>[vector<16xi32>], vector<16xf32>,
      %broadcast_in_dim3A_111 = arith.constant 2 : i32
      %broadcast_in_dim3A_112 = vector.broadcast %broadcast_in_dim3A_111 : i32 to vector<16xi32>
      %sub3A_113 = arith.subf %gather3A_110, %gather3A_109 : vector<16xf32>
      tpu.vector_store_idx %arg19[%add3A_98, %broadcast_in_dim3A_112], %sub3A_113 : memref<128x16xf32, #tpu.memory_space<vmem>>[vector<16xi32>, vector<16xi32>], vector<16xf32>,
      %get3A_114 = arith.index_cast %scan3A_18 : i32 to index
      %get3A_115 = arith.constant 64 : index
      %get3A_116 = tpu.vector_load %arg14[%get3A_114, %get3A_115] {strides = array<i32>} : memref<40x128xi32, #tpu.memory_space<vmem>>, vector<16xi32>,
      %get3A_117 = arith.index_cast %scan3A_18 : i32 to index
      %get3A_118 = arith.constant 64 : index
      %get3A_119 = tpu.vector_load %arg15[%get3A_117, %get3A_118] {strides = array<i32>} : memref<40x128xi32, #tpu.memory_space<vmem>>, vector<16xi32>,
      %iota3A_120 = tpu.iota {dimensions = array<i32: 0>} : vector<16xi32>
      %add3A_121 = arith.constant 64 : i32
      %add3A_122 = vector.broadcast %add3A_121 : i32 to vector<16xi32>
      %add3A_123 = arith.addi %iota3A_120, %add3A_122 : vector<16xi32>
      %gather3A_124 = tpu.vector_load_idx %arg16[%get3A_116] : memref<10240xf32, #tpu.memory_space<vmem>>[vector<16xi32>], vector<16xf32>,
      %gather3A_125 = tpu.vector_load_idx %arg16[%get3A_119] : memref<10240xf32, #tpu.memory_space<vmem>>[vector<16xi32>], vector<16xf32>,
      %broadcast_in_dim3A_126 = arith.constant 0 : i32
      %broadcast_in_dim3A_127 = vector.broadcast %broadcast_in_dim3A_126 : i32 to vector<16xi32>
      %sub3A_128 = arith.subf %gather3A_125, %gather3A_124 : vector<16xf32>
      tpu.vector_store_idx %arg19[%add3A_123, %broadcast_in_dim3A_127], %sub3A_128 : memref<128x16xf32, #tpu.memory_space<vmem>>[vector<16xi32>, vector<16xi32>], vector<16xf32>,
      %gather3A_129 = tpu.vector_load_idx %arg17[%get3A_116] : memref<10240xf32, #tpu.memory_space<vmem>>[vector<16xi32>], vector<16xf32>,
      %gather3A_130 = tpu.vector_load_idx %arg17[%get3A_119] : memref<10240xf32, #tpu.memory_space<vmem>>[vector<16xi32>], vector<16xf32>,
      %broadcast_in_dim3A_131 = arith.constant 1 : i32
      %broadcast_in_dim3A_132 = vector.broadcast %broadcast_in_dim3A_131 : i32 to vector<16xi32>
      %sub3A_133 = arith.subf %gather3A_130, %gather3A_129 : vector<16xf32>
      tpu.vector_store_idx %arg19[%add3A_123, %broadcast_in_dim3A_132], %sub3A_133 : memref<128x16xf32, #tpu.memory_space<vmem>>[vector<16xi32>, vector<16xi32>], vector<16xf32>,
      %gather3A_134 = tpu.vector_load_idx %arg18[%get3A_116] : memref<10240xf32, #tpu.memory_space<vmem>>[vector<16xi32>], vector<16xf32>,
      %gather3A_135 = tpu.vector_load_idx %arg18[%get3A_119] : memref<10240xf32, #tpu.memory_space<vmem>>[vector<16xi32>], vector<16xf32>,
      %broadcast_in_dim3A_136 = arith.constant 2 : i32
      %broadcast_in_dim3A_137 = vector.broadcast %broadcast_in_dim3A_136 : i32 to vector<16xi32>
      %sub3A_138 = arith.subf %gather3A_135, %gather3A_134 : vector<16xf32>
      tpu.vector_store_idx %arg19[%add3A_123, %broadcast_in_dim3A_137], %sub3A_138 : memref<128x16xf32, #tpu.memory_space<vmem>>[vector<16xi32>, vector<16xi32>], vector<16xf32>,
      %get3A_139 = arith.index_cast %scan3A_18 : i32 to index
      %get3A_140 = arith.constant 80 : index
      %get3A_141 = tpu.vector_load %arg14[%get3A_139, %get3A_140] {strides = array<i32>} : memref<40x128xi32, #tpu.memory_space<vmem>>, vector<16xi32>,
      %get3A_142 = arith.index_cast %scan3A_18 : i32 to index
      %get3A_143 = arith.constant 80 : index
      %get3A_144 = tpu.vector_load %arg15[%get3A_142, %get3A_143] {strides = array<i32>} : memref<40x128xi32, #tpu.memory_space<vmem>>, vector<16xi32>,
      %iota3A_145 = tpu.iota {dimensions = array<i32: 0>} : vector<16xi32>
      %add3A_146 = arith.constant 80 : i32
      %add3A_147 = vector.broadcast %add3A_146 : i32 to vector<16xi32>
      %add3A_148 = arith.addi %iota3A_145, %add3A_147 : vector<16xi32>
      %gather3A_149 = tpu.vector_load_idx %arg16[%get3A_141] : memref<10240xf32, #tpu.memory_space<vmem>>[vector<16xi32>], vector<16xf32>,
      %gather3A_150 = tpu.vector_load_idx %arg16[%get3A_144] : memref<10240xf32, #tpu.memory_space<vmem>>[vector<16xi32>], vector<16xf32>,
      %broadcast_in_dim3A_151 = arith.constant 0 : i32
      %broadcast_in_dim3A_152 = vector.broadcast %broadcast_in_dim3A_151 : i32 to vector<16xi32>
      %sub3A_153 = arith.subf %gather3A_150, %gather3A_149 : vector<16xf32>
      tpu.vector_store_idx %arg19[%add3A_148, %broadcast_in_dim3A_152], %sub3A_153 : memref<128x16xf32, #tpu.memory_space<vmem>>[vector<16xi32>, vector<16xi32>], vector<16xf32>,
      %gather3A_154 = tpu.vector_load_idx %arg17[%get3A_141] : memref<10240xf32, #tpu.memory_space<vmem>>[vector<16xi32>], vector<16xf32>,
      %gather3A_155 = tpu.vector_load_idx %arg17[%get3A_144] : memref<10240xf32, #tpu.memory_space<vmem>>[vector<16xi32>], vector<16xf32>,
      %broadcast_in_dim3A_156 = arith.constant 1 : i32
      %broadcast_in_dim3A_157 = vector.broadcast %broadcast_in_dim3A_156 : i32 to vector<16xi32>
      %sub3A_158 = arith.subf %gather3A_155, %gather3A_154 : vector<16xf32>
      tpu.vector_store_idx %arg19[%add3A_148, %broadcast_in_dim3A_157], %sub3A_158 : memref<128x16xf32, #tpu.memory_space<vmem>>[vector<16xi32>, vector<16xi32>], vector<16xf32>,
      %gather3A_159 = tpu.vector_load_idx %arg18[%get3A_141] : memref<10240xf32, #tpu.memory_space<vmem>>[vector<16xi32>], vector<16xf32>,
      %gather3A_160 = tpu.vector_load_idx %arg18[%get3A_144] : memref<10240xf32, #tpu.memory_space<vmem>>[vector<16xi32>], vector<16xf32>,
      %broadcast_in_dim3A_161 = arith.constant 2 : i32
      %broadcast_in_dim3A_162 = vector.broadcast %broadcast_in_dim3A_161 : i32 to vector<16xi32>
      %sub3A_163 = arith.subf %gather3A_160, %gather3A_159 : vector<16xf32>
      tpu.vector_store_idx %arg19[%add3A_148, %broadcast_in_dim3A_162], %sub3A_163 : memref<128x16xf32, #tpu.memory_space<vmem>>[vector<16xi32>, vector<16xi32>], vector<16xf32>,
      %get3A_164 = arith.index_cast %scan3A_18 : i32 to index
      %get3A_165 = arith.constant 96 : index
      %get3A_166 = tpu.vector_load %arg14[%get3A_164, %get3A_165] {strides = array<i32>} : memref<40x128xi32, #tpu.memory_space<vmem>>, vector<16xi32>,
      %get3A_167 = arith.index_cast %scan3A_18 : i32 to index
      %get3A_168 = arith.constant 96 : index
      %get3A_169 = tpu.vector_load %arg15[%get3A_167, %get3A_168] {strides = array<i32>} : memref<40x128xi32, #tpu.memory_space<vmem>>, vector<16xi32>,
      %iota3A_170 = tpu.iota {dimensions = array<i32: 0>} : vector<16xi32>
      %add3A_171 = arith.constant 96 : i32
      %add3A_172 = vector.broadcast %add3A_171 : i32 to vector<16xi32>
      %add3A_173 = arith.addi %iota3A_170, %add3A_172 : vector<16xi32>
      %gather3A_174 = tpu.vector_load_idx %arg16[%get3A_166] : memref<10240xf32, #tpu.memory_space<vmem>>[vector<16xi32>], vector<16xf32>,
      %gather3A_175 = tpu.vector_load_idx %arg16[%get3A_169] : memref<10240xf32, #tpu.memory_space<vmem>>[vector<16xi32>], vector<16xf32>,
      %broadcast_in_dim3A_176 = arith.constant 0 : i32
      %broadcast_in_dim3A_177 = vector.broadcast %broadcast_in_dim3A_176 : i32 to vector<16xi32>
      %sub3A_178 = arith.subf %gather3A_175, %gather3A_174 : vector<16xf32>
      tpu.vector_store_idx %arg19[%add3A_173, %broadcast_in_dim3A_177], %sub3A_178 : memref<128x16xf32, #tpu.memory_space<vmem>>[vector<16xi32>, vector<16xi32>], vector<16xf32>,
      %gather3A_179 = tpu.vector_load_idx %arg17[%get3A_166] : memref<10240xf32, #tpu.memory_space<vmem>>[vector<16xi32>], vector<16xf32>,
      %gather3A_180 = tpu.vector_load_idx %arg17[%get3A_169] : memref<10240xf32, #tpu.memory_space<vmem>>[vector<16xi32>], vector<16xf32>,
      %broadcast_in_dim3A_181 = arith.constant 1 : i32
      %broadcast_in_dim3A_182 = vector.broadcast %broadcast_in_dim3A_181 : i32 to vector<16xi32>
      %sub3A_183 = arith.subf %gather3A_180, %gather3A_179 : vector<16xf32>
      tpu.vector_store_idx %arg19[%add3A_173, %broadcast_in_dim3A_182], %sub3A_183 : memref<128x16xf32, #tpu.memory_space<vmem>>[vector<16xi32>, vector<16xi32>], vector<16xf32>,
      %gather3A_184 = tpu.vector_load_idx %arg18[%get3A_166] : memref<10240xf32, #tpu.memory_space<vmem>>[vector<16xi32>], vector<16xf32>,
      %gather3A_185 = tpu.vector_load_idx %arg18[%get3A_169] : memref<10240xf32, #tpu.memory_space<vmem>>[vector<16xi32>], vector<16xf32>,
      %broadcast_in_dim3A_186 = arith.constant 2 : i32
      %broadcast_in_dim3A_187 = vector.broadcast %broadcast_in_dim3A_186 : i32 to vector<16xi32>
      %sub3A_188 = arith.subf %gather3A_185, %gather3A_184 : vector<16xf32>
      tpu.vector_store_idx %arg19[%add3A_173, %broadcast_in_dim3A_187], %sub3A_188 : memref<128x16xf32, #tpu.memory_space<vmem>>[vector<16xi32>, vector<16xi32>], vector<16xf32>,
      %get3A_189 = arith.index_cast %scan3A_18 : i32 to index
      %get3A_190 = arith.constant 112 : index
      %get3A_191 = tpu.vector_load %arg14[%get3A_189, %get3A_190] {strides = array<i32>} : memref<40x128xi32, #tpu.memory_space<vmem>>, vector<16xi32>,
      %get3A_192 = arith.index_cast %scan3A_18 : i32 to index
      %get3A_193 = arith.constant 112 : index
      %get3A_194 = tpu.vector_load %arg15[%get3A_192, %get3A_193] {strides = array<i32>} : memref<40x128xi32, #tpu.memory_space<vmem>>, vector<16xi32>,
      %iota3A_195 = tpu.iota {dimensions = array<i32: 0>} : vector<16xi32>
      %add3A_196 = arith.constant 112 : i32
      %add3A_197 = vector.broadcast %add3A_196 : i32 to vector<16xi32>
      %add3A_198 = arith.addi %iota3A_195, %add3A_197 : vector<16xi32>
      %gather3A_199 = tpu.vector_load_idx %arg16[%get3A_191] : memref<10240xf32, #tpu.memory_space<vmem>>[vector<16xi32>], vector<16xf32>,
      %gather3A_200 = tpu.vector_load_idx %arg16[%get3A_194] : memref<10240xf32, #tpu.memory_space<vmem>>[vector<16xi32>], vector<16xf32>,
      %broadcast_in_dim3A_201 = arith.constant 0 : i32
      %broadcast_in_dim3A_202 = vector.broadcast %broadcast_in_dim3A_201 : i32 to vector<16xi32>
      %sub3A_203 = arith.subf %gather3A_200, %gather3A_199 : vector<16xf32>
      tpu.vector_store_idx %arg19[%add3A_198, %broadcast_in_dim3A_202], %sub3A_203 : memref<128x16xf32, #tpu.memory_space<vmem>>[vector<16xi32>, vector<16xi32>], vector<16xf32>,
      %gather3A_204 = tpu.vector_load_idx %arg17[%get3A_191] : memref<10240xf32, #tpu.memory_space<vmem>>[vector<16xi32>], vector<16xf32>,
      %gather3A_205 = tpu.vector_load_idx %arg17[%get3A_194] : memref<10240xf32, #tpu.memory_space<vmem>>[vector<16xi32>], vector<16xf32>,
      %broadcast_in_dim3A_206 = arith.constant 1 : i32
      %broadcast_in_dim3A_207 = vector.broadcast %broadcast_in_dim3A_206 : i32 to vector<16xi32>
      %sub3A_208 = arith.subf %gather3A_205, %gather3A_204 : vector<16xf32>
      tpu.vector_store_idx %arg19[%add3A_198, %broadcast_in_dim3A_207], %sub3A_208 : memref<128x16xf32, #tpu.memory_space<vmem>>[vector<16xi32>, vector<16xi32>], vector<16xf32>,
      %gather3A_209 = tpu.vector_load_idx %arg18[%get3A_191] : memref<10240xf32, #tpu.memory_space<vmem>>[vector<16xi32>], vector<16xf32>,
      %gather3A_210 = tpu.vector_load_idx %arg18[%get3A_194] : memref<10240xf32, #tpu.memory_space<vmem>>[vector<16xi32>], vector<16xf32>,
      %broadcast_in_dim3A_211 = arith.constant 2 : i32
      %broadcast_in_dim3A_212 = vector.broadcast %broadcast_in_dim3A_211 : i32 to vector<16xi32>
      %sub3A_213 = arith.subf %gather3A_210, %gather3A_209 : vector<16xf32>
      tpu.vector_store_idx %arg19[%add3A_198, %broadcast_in_dim3A_212], %sub3A_213 : memref<128x16xf32, #tpu.memory_space<vmem>>[vector<16xi32>, vector<16xi32>], vector<16xf32>,
      %mul3A_214 = arith.constant 5120 : i32
      %mul3A_215 = arith.muli %add3A, %mul3A_214 : i32
      %mul3A_216 = arith.constant 128 : i32
      %mul3A_217 = arith.muli %scan3A_18, %mul3A_216 : i32
      %add3A_218 = arith.addi %mul3A_215, %mul3A_217 : i32
      "tpu.region"() ({
        %run_scoped3A = tpu.sem_alloc : memref<!tpu.dma_semaphore, #tpu.memory_space<semaphore_mem>>
        %dma_start3A = arith.constant 0 : i32
        %dma_start3A_219 = tpu.memref_slice %arg11[%add3A_218, %dma_start3A] : memref<163840x16xf32, #tpu.memory_space<hbm>> -> memref<128x16xf32, #tpu.memory_space<hbm>>
        %dma_start3A_220 = arith.constant 0 : i32
        %dma_start3A_221 = tpu.memref_slice %arg11[%add3A_218, %dma_start3A_220] : memref<163840x16xf32, #tpu.memory_space<hbm>> -> memref<128x16xf32, #tpu.memory_space<hbm>>
        tpu.enqueue_dma source(%arg19 : memref<128x16xf32, #tpu.memory_space<vmem>>) target(%dma_start3A_221 : memref<128x16xf32, #tpu.memory_space<hbm>>) target_semaphore(%run_scoped3A : memref<!tpu.dma_semaphore, #tpu.memory_space<semaphore_mem>>)
        %dma_wait3A = arith.constant 0 : i32
        %dma_wait3A_222 = tpu.memref_slice %arg11[%add3A_218, %dma_wait3A] : memref<163840x16xf32, #tpu.memory_space<hbm>> -> memref<128x16xf32, #tpu.memory_space<hbm>>
        %dma_wait3A_223 = arith.constant 0 : i32
        %dma_wait3A_224 = tpu.memref_slice %arg11[%add3A_218, %dma_wait3A_223] : memref<163840x16xf32, #tpu.memory_space<hbm>> -> memref<128x16xf32, #tpu.memory_space<hbm>>
        tpu.wait_dma2 semaphore(%run_scoped3A : memref<!tpu.dma_semaphore, #tpu.memory_space<semaphore_mem>>) src(%arg19 : memref<128x16xf32, #tpu.memory_space<vmem>>) dst(%dma_wait3A_224 : memref<128x16xf32, #tpu.memory_space<hbm>>)
        tpu.yield
      }) : () -> ()
    }
    %scan3A_17 = arith.constant 40 : i32
    return
  }
}

#map = affine_map<(d0, d1) -> (0, 0)>
module attributes {stable_mosaic.version = 14 : i64} {
  func.func @_sc_gather_x(%arg0: i32, %arg1: i32, %arg2: memref<10240x128xf32, #tpu.memory_space<hbm>>, %arg3: memref<1280x128xi32, #tpu.memory_space<hbm>>, %arg4: memref<1280x128xi32, #tpu.memory_space<hbm>>, %arg5: memref<163840x128xf32, #tpu.memory_space<hbm>>, %arg6: memref<163840x128xf32, #tpu.memory_space<hbm>>, %arg7: memref<10240x128xf32, #tpu.memory_space<vmem_shared>>, %arg8: memref<40x128xi32, #tpu.memory_space<vmem>>, %arg9: memref<40x128xi32, #tpu.memory_space<vmem>>, %arg10: memref<128x128xf32, #tpu.memory_space<vmem>>, %arg11: memref<128x128xf32, #tpu.memory_space<vmem>>, %arg12: memref<!tpu.dma_semaphore, #tpu.memory_space<semaphore_mem>>, %arg13: memref<!tpu.dma_semaphore, #tpu.memory_space<semaphore_mem>>, %arg14: memref<!tpu.dma_semaphore, #tpu.memory_space<semaphore_mem>>, %arg15: memref<!tpu.dma_semaphore, #tpu.memory_space<semaphore_mem>>) attributes {dimension_semantics = [#tpu.dimension_semantics<core_parallel>, #tpu.dimension_semantics<subcore_parallel>], iteration_bounds = array<i64: 2, 16>, scalar_prefetch = 0 : i64, scratch_operands = 9 : i64, tpu.core_type = #tpu.core_type<sc_vector_subcore>, window_params = [{transform_indices = #map}, {transform_indices = #map}, {transform_indices = #map}, {transform_indices = #map}, {transform_indices = #map}]} {
    %eq3A = arith.constant 0 : i32
    %eq3A_0 = arith.cmpi eq, %arg0, %eq3A : i32
    %jit3A = arith.constant 40 : i32
    %jit3A_1 = arith.constant 40 : i32
    %select_n3A = arith.select %eq3A_0, %jit3A, %jit3A_1 : i32
    %mul3A = arith.constant 80 : i32
    %mul3A_2 = arith.muli %arg1, %mul3A : i32
    %eq3A_3 = arith.constant 0 : i32
    %eq3A_4 = arith.cmpi eq, %arg0, %eq3A_3 : i32
    %jit3A_5 = arith.constant 0 : i32
    %jit3A_6 = arith.constant 40 : i32
    %select_n3A_7 = arith.select %eq3A_4, %jit3A_5, %jit3A_6 : i32
    %add3A = arith.addi %mul3A_2, %select_n3A_7 : i32
    %mul3A_8 = arith.constant 640 : i32
    %mul3A_9 = arith.muli %arg1, %mul3A_8 : i32
    %mul3A_10 = arith.constant 640 : i32
    %mul3A_11 = arith.muli %arg1, %mul3A_10 : i32
    "tpu.region"() ({
      %run_scoped3A = tpu.sem_alloc : memref<!tpu.dma_semaphore, #tpu.memory_space<semaphore_mem>>
      %dma_start3A = arith.constant 0 : i32
      %dma_start3A_23 = tpu.memref_slice %arg7[%mul3A_11, %dma_start3A] : memref<10240x128xf32, #tpu.memory_space<vmem_shared>> -> memref<640x128xf32, #tpu.memory_space<vmem_shared>>
      %dma_start3A_24 = arith.constant 0 : i32
      %dma_start3A_25 = tpu.memref_slice %arg2[%mul3A_9, %dma_start3A_24] : memref<10240x128xf32, #tpu.memory_space<hbm>> -> memref<640x128xf32, #tpu.memory_space<hbm>>
      tpu.enqueue_dma source(%dma_start3A_25 : memref<640x128xf32, #tpu.memory_space<hbm>>) target(%dma_start3A_23 : memref<640x128xf32, #tpu.memory_space<vmem_shared>>) target_semaphore(%run_scoped3A : memref<!tpu.dma_semaphore, #tpu.memory_space<semaphore_mem>>)
      %dma_wait3A = arith.constant 0 : i32
      %dma_wait3A_26 = tpu.memref_slice %arg7[%mul3A_11, %dma_wait3A] : memref<10240x128xf32, #tpu.memory_space<vmem_shared>> -> memref<640x128xf32, #tpu.memory_space<vmem_shared>>
      %dma_wait3A_27 = arith.constant 0 : i32
      %dma_wait3A_28 = tpu.memref_slice %arg2[%mul3A_9, %dma_wait3A_27] : memref<10240x128xf32, #tpu.memory_space<hbm>> -> memref<640x128xf32, #tpu.memory_space<hbm>>
      tpu.wait_dma2 semaphore(%run_scoped3A : memref<!tpu.dma_semaphore, #tpu.memory_space<semaphore_mem>>) src(%dma_wait3A_28 : memref<640x128xf32, #tpu.memory_space<hbm>>) dst(%dma_wait3A_26 : memref<640x128xf32, #tpu.memory_space<vmem_shared>>)
      tpu.yield
    }) : () -> ()
    "tpu.region"() ({
      %run_scoped3A = tpu.sem_alloc : memref<!tpu.dma_semaphore, #tpu.memory_space<semaphore_mem>>
      %dma_start3A = arith.constant 0 : i32
      %dma_start3A_23 = tpu.memref_slice %arg3[%add3A, %dma_start3A] : memref<1280x128xi32, #tpu.memory_space<hbm>> -> memref<40x128xi32, #tpu.memory_space<hbm>>
      %dma_start3A_24 = arith.constant 0 : i32
      %dma_start3A_25 = tpu.memref_slice %arg3[%add3A, %dma_start3A_24] : memref<1280x128xi32, #tpu.memory_space<hbm>> -> memref<40x128xi32, #tpu.memory_space<hbm>>
      tpu.enqueue_dma source(%dma_start3A_25 : memref<40x128xi32, #tpu.memory_space<hbm>>) target(%arg8 : memref<40x128xi32, #tpu.memory_space<vmem>>) target_semaphore(%run_scoped3A : memref<!tpu.dma_semaphore, #tpu.memory_space<semaphore_mem>>)
      %dma_wait3A = arith.constant 0 : i32
      %dma_wait3A_26 = tpu.memref_slice %arg3[%add3A, %dma_wait3A] : memref<1280x128xi32, #tpu.memory_space<hbm>> -> memref<40x128xi32, #tpu.memory_space<hbm>>
      %dma_wait3A_27 = arith.constant 0 : i32
      %dma_wait3A_28 = tpu.memref_slice %arg3[%add3A, %dma_wait3A_27] : memref<1280x128xi32, #tpu.memory_space<hbm>> -> memref<40x128xi32, #tpu.memory_space<hbm>>
      tpu.wait_dma2 semaphore(%run_scoped3A : memref<!tpu.dma_semaphore, #tpu.memory_space<semaphore_mem>>) src(%dma_wait3A_28 : memref<40x128xi32, #tpu.memory_space<hbm>>) dst(%arg8 : memref<40x128xi32, #tpu.memory_space<vmem>>)
      tpu.yield
    }) : () -> ()
    "tpu.region"() ({
      %run_scoped3A = tpu.sem_alloc : memref<!tpu.dma_semaphore, #tpu.memory_space<semaphore_mem>>
      %dma_start3A = arith.constant 0 : i32
      %dma_start3A_23 = tpu.memref_slice %arg4[%add3A, %dma_start3A] : memref<1280x128xi32, #tpu.memory_space<hbm>> -> memref<40x128xi32, #tpu.memory_space<hbm>>
      %dma_start3A_24 = arith.constant 0 : i32
      %dma_start3A_25 = tpu.memref_slice %arg4[%add3A, %dma_start3A_24] : memref<1280x128xi32, #tpu.memory_space<hbm>> -> memref<40x128xi32, #tpu.memory_space<hbm>>
      tpu.enqueue_dma source(%dma_start3A_25 : memref<40x128xi32, #tpu.memory_space<hbm>>) target(%arg9 : memref<40x128xi32, #tpu.memory_space<vmem>>) target_semaphore(%run_scoped3A : memref<!tpu.dma_semaphore, #tpu.memory_space<semaphore_mem>>)
      %dma_wait3A = arith.constant 0 : i32
      %dma_wait3A_26 = tpu.memref_slice %arg4[%add3A, %dma_wait3A] : memref<1280x128xi32, #tpu.memory_space<hbm>> -> memref<40x128xi32, #tpu.memory_space<hbm>>
      %dma_wait3A_27 = arith.constant 0 : i32
      %dma_wait3A_28 = tpu.memref_slice %arg4[%add3A, %dma_wait3A_27] : memref<1280x128xi32, #tpu.memory_space<hbm>> -> memref<40x128xi32, #tpu.memory_space<hbm>>
      tpu.wait_dma2 semaphore(%run_scoped3A : memref<!tpu.dma_semaphore, #tpu.memory_space<semaphore_mem>>) src(%dma_wait3A_28 : memref<40x128xi32, #tpu.memory_space<hbm>>) dst(%arg9 : memref<40x128xi32, #tpu.memory_space<vmem>>)
      tpu.yield
    }) : () -> ()
    %mul3A_12 = arith.constant 128 : i32
    %mul3A_13 = arith.muli %add3A, %mul3A_12 : i32
    %barrier3A = arith.constant 0 : index
    tpu.barrier barrier_id(%barrier3A)
    %while3A = arith.constant 0 : i32
    %while3A_14 = arith.constant 0 : i32
    %while3A_15 = arith.subi %select_n3A, %while3A_14 : i32
    %while3A_16 = arith.addi %while3A_14, %while3A_15 : i32
    %while3A_17 = arith.constant 1 : i32
    %while3A_18 = arith.divsi %while3A_15, %while3A_17 : i32
    %while3A_19 = arith.muli %while3A_18, %while3A_17 : i32
    %while3A_20 = arith.addi %while3A_14, %while3A_19 : i32
    %while3A_21 = arith.constant 1 : i32
    scf.for %while3A_23 = %while3A_14 to %while3A_20 step %while3A_21  : i32 {
      %dma_start3A = arith.constant 0 : i32
      %dma_start3A_24 = tpu.memref_slice %arg8[%while3A_23, %dma_start3A] : memref<40x128xi32, #tpu.memory_space<vmem>> -> memref<1x128xi32, #tpu.memory_space<vmem>>
      %dma_start3A_25 = tpu.memref_squeeze %dma_start3A_24 : memref<1x128xi32, #tpu.memory_space<vmem>> -> memref<128xi32, #tpu.memory_space<vmem>>
      %dma_start3A_26 = arith.constant 0 : i32
      %dma_start3A_27 = arith.constant 0 : i32
      %dma_start3A_28 = tpu.memref_slice %arg7[%dma_start3A_26, %dma_start3A_27] : memref<10240x128xf32, #tpu.memory_space<vmem_shared>> -> memref<10240x128xf32, #tpu.memory_space<vmem_shared>>
      tpu.enqueue_indirect_dma source(%dma_start3A_28 : memref<10240x128xf32, #tpu.memory_space<vmem_shared>>) target(%arg10 : memref<128x128xf32, #tpu.memory_space<vmem>>) offsets(%dma_start3A_25 : memref<128xi32, #tpu.memory_space<vmem>>) semaphore(%arg12 : memref<!tpu.dma_semaphore, #tpu.memory_space<semaphore_mem>>)
      %dma_start3A_29 = arith.constant 0 : i32
      %dma_start3A_30 = tpu.memref_slice %arg9[%while3A_23, %dma_start3A_29] : memref<40x128xi32, #tpu.memory_space<vmem>> -> memref<1x128xi32, #tpu.memory_space<vmem>>
      %dma_start3A_31 = tpu.memref_squeeze %dma_start3A_30 : memref<1x128xi32, #tpu.memory_space<vmem>> -> memref<128xi32, #tpu.memory_space<vmem>>
      %dma_start3A_32 = arith.constant 0 : i32
      %dma_start3A_33 = arith.constant 0 : i32
      %dma_start3A_34 = tpu.memref_slice %arg7[%dma_start3A_32, %dma_start3A_33] : memref<10240x128xf32, #tpu.memory_space<vmem_shared>> -> memref<10240x128xf32, #tpu.memory_space<vmem_shared>>
      tpu.enqueue_indirect_dma source(%dma_start3A_34 : memref<10240x128xf32, #tpu.memory_space<vmem_shared>>) target(%arg11 : memref<128x128xf32, #tpu.memory_space<vmem>>) offsets(%dma_start3A_31 : memref<128xi32, #tpu.memory_space<vmem>>) semaphore(%arg13 : memref<!tpu.dma_semaphore, #tpu.memory_space<semaphore_mem>>)
      %dma_wait3A = arith.constant 0 : i32
      %dma_wait3A_35 = tpu.memref_slice %arg8[%while3A_23, %dma_wait3A] : memref<40x128xi32, #tpu.memory_space<vmem>> -> memref<1x128xi32, #tpu.memory_space<vmem>>
      %dma_wait3A_36 = tpu.memref_squeeze %dma_wait3A_35 : memref<1x128xi32, #tpu.memory_space<vmem>> -> memref<128xi32, #tpu.memory_space<vmem>>
      %dma_wait3A_37 = arith.constant 0 : i32
      %dma_wait3A_38 = arith.constant 0 : i32
      %dma_wait3A_39 = tpu.memref_slice %arg7[%dma_wait3A_37, %dma_wait3A_38] : memref<10240x128xf32, #tpu.memory_space<vmem_shared>> -> memref<10240x128xf32, #tpu.memory_space<vmem_shared>>
      tpu.wait_indirect_dma semaphore(%arg12 : memref<!tpu.dma_semaphore, #tpu.memory_space<semaphore_mem>>) src(%dma_wait3A_39 : memref<10240x128xf32, #tpu.memory_space<vmem_shared>>) dst(%arg10 : memref<128x128xf32, #tpu.memory_space<vmem>>)
      %mul3A_40 = arith.constant 128 : i32
      %mul3A_41 = arith.muli %while3A_23, %mul3A_40 : i32
      %add3A_42 = arith.addi %mul3A_13, %mul3A_41 : i32
      %dma_start3A_43 = arith.constant 0 : i32
      %dma_start3A_44 = tpu.memref_slice %arg5[%add3A_42, %dma_start3A_43] : memref<163840x128xf32, #tpu.memory_space<hbm>> -> memref<128x128xf32, #tpu.memory_space<hbm>>
      %dma_start3A_45 = arith.constant 0 : i32
      %dma_start3A_46 = tpu.memref_slice %arg5[%add3A_42, %dma_start3A_45] : memref<163840x128xf32, #tpu.memory_space<hbm>> -> memref<128x128xf32, #tpu.memory_space<hbm>>
      tpu.enqueue_dma source(%arg10 : memref<128x128xf32, #tpu.memory_space<vmem>>) target(%dma_start3A_46 : memref<128x128xf32, #tpu.memory_space<hbm>>) target_semaphore(%arg14 : memref<!tpu.dma_semaphore, #tpu.memory_space<semaphore_mem>>)
      %dma_wait3A_47 = arith.constant 0 : i32
      %dma_wait3A_48 = tpu.memref_slice %arg9[%while3A_23, %dma_wait3A_47] : memref<40x128xi32, #tpu.memory_space<vmem>> -> memref<1x128xi32, #tpu.memory_space<vmem>>
      %dma_wait3A_49 = tpu.memref_squeeze %dma_wait3A_48 : memref<1x128xi32, #tpu.memory_space<vmem>> -> memref<128xi32, #tpu.memory_space<vmem>>
      %dma_wait3A_50 = arith.constant 0 : i32
      %dma_wait3A_51 = arith.constant 0 : i32
      %dma_wait3A_52 = tpu.memref_slice %arg7[%dma_wait3A_50, %dma_wait3A_51] : memref<10240x128xf32, #tpu.memory_space<vmem_shared>> -> memref<10240x128xf32, #tpu.memory_space<vmem_shared>>
      tpu.wait_indirect_dma semaphore(%arg13 : memref<!tpu.dma_semaphore, #tpu.memory_space<semaphore_mem>>) src(%dma_wait3A_52 : memref<10240x128xf32, #tpu.memory_space<vmem_shared>>) dst(%arg11 : memref<128x128xf32, #tpu.memory_space<vmem>>)
      %mul3A_53 = arith.constant 128 : i32
      %mul3A_54 = arith.muli %while3A_23, %mul3A_53 : i32
      %add3A_55 = arith.addi %mul3A_13, %mul3A_54 : i32
      %dma_start3A_56 = arith.constant 0 : i32
      %dma_start3A_57 = tpu.memref_slice %arg6[%add3A_55, %dma_start3A_56] : memref<163840x128xf32, #tpu.memory_space<hbm>> -> memref<128x128xf32, #tpu.memory_space<hbm>>
      %dma_start3A_58 = arith.constant 0 : i32
      %dma_start3A_59 = tpu.memref_slice %arg6[%add3A_55, %dma_start3A_58] : memref<163840x128xf32, #tpu.memory_space<hbm>> -> memref<128x128xf32, #tpu.memory_space<hbm>>
      tpu.enqueue_dma source(%arg11 : memref<128x128xf32, #tpu.memory_space<vmem>>) target(%dma_start3A_59 : memref<128x128xf32, #tpu.memory_space<hbm>>) target_semaphore(%arg15 : memref<!tpu.dma_semaphore, #tpu.memory_space<semaphore_mem>>)
      %mul3A_60 = arith.constant 128 : i32
      %mul3A_61 = arith.muli %while3A_23, %mul3A_60 : i32
      %add3A_62 = arith.addi %mul3A_13, %mul3A_61 : i32
      %dma_wait3A_63 = arith.constant 0 : i32
      %dma_wait3A_64 = tpu.memref_slice %arg5[%add3A_62, %dma_wait3A_63] : memref<163840x128xf32, #tpu.memory_space<hbm>> -> memref<128x128xf32, #tpu.memory_space<hbm>>
      %dma_wait3A_65 = arith.constant 0 : i32
      %dma_wait3A_66 = tpu.memref_slice %arg5[%add3A_62, %dma_wait3A_65] : memref<163840x128xf32, #tpu.memory_space<hbm>> -> memref<128x128xf32, #tpu.memory_space<hbm>>
      tpu.wait_dma2 semaphore(%arg14 : memref<!tpu.dma_semaphore, #tpu.memory_space<semaphore_mem>>) src(%arg10 : memref<128x128xf32, #tpu.memory_space<vmem>>) dst(%dma_wait3A_66 : memref<128x128xf32, #tpu.memory_space<hbm>>)
      %mul3A_67 = arith.constant 128 : i32
      %mul3A_68 = arith.muli %while3A_23, %mul3A_67 : i32
      %add3A_69 = arith.addi %mul3A_13, %mul3A_68 : i32
      %dma_wait3A_70 = arith.constant 0 : i32
      %dma_wait3A_71 = tpu.memref_slice %arg6[%add3A_69, %dma_wait3A_70] : memref<163840x128xf32, #tpu.memory_space<hbm>> -> memref<128x128xf32, #tpu.memory_space<hbm>>
      %dma_wait3A_72 = arith.constant 0 : i32
      %dma_wait3A_73 = tpu.memref_slice %arg6[%add3A_69, %dma_wait3A_72] : memref<163840x128xf32, #tpu.memory_space<hbm>> -> memref<128x128xf32, #tpu.memory_space<hbm>>
      tpu.wait_dma2 semaphore(%arg15 : memref<!tpu.dma_semaphore, #tpu.memory_space<semaphore_mem>>) src(%arg11 : memref<128x128xf32, #tpu.memory_space<vmem>>) dst(%dma_wait3A_73 : memref<128x128xf32, #tpu.memory_space<hbm>>)
    }
    %while3A_22 = arith.constant 1 : i32
    scf.for %while3A_23 = %while3A_20 to %while3A_16 step %while3A_22  : i32 {
      %dma_start3A = arith.constant 0 : i32
      %dma_start3A_24 = tpu.memref_slice %arg8[%while3A_23, %dma_start3A] : memref<40x128xi32, #tpu.memory_space<vmem>> -> memref<1x128xi32, #tpu.memory_space<vmem>>
      %dma_start3A_25 = tpu.memref_squeeze %dma_start3A_24 : memref<1x128xi32, #tpu.memory_space<vmem>> -> memref<128xi32, #tpu.memory_space<vmem>>
      %dma_start3A_26 = arith.constant 0 : i32
      %dma_start3A_27 = arith.constant 0 : i32
      %dma_start3A_28 = tpu.memref_slice %arg7[%dma_start3A_26, %dma_start3A_27] : memref<10240x128xf32, #tpu.memory_space<vmem_shared>> -> memref<10240x128xf32, #tpu.memory_space<vmem_shared>>
      tpu.enqueue_indirect_dma source(%dma_start3A_28 : memref<10240x128xf32, #tpu.memory_space<vmem_shared>>) target(%arg10 : memref<128x128xf32, #tpu.memory_space<vmem>>) offsets(%dma_start3A_25 : memref<128xi32, #tpu.memory_space<vmem>>) semaphore(%arg12 : memref<!tpu.dma_semaphore, #tpu.memory_space<semaphore_mem>>)
      %dma_start3A_29 = arith.constant 0 : i32
      %dma_start3A_30 = tpu.memref_slice %arg9[%while3A_23, %dma_start3A_29] : memref<40x128xi32, #tpu.memory_space<vmem>> -> memref<1x128xi32, #tpu.memory_space<vmem>>
      %dma_start3A_31 = tpu.memref_squeeze %dma_start3A_30 : memref<1x128xi32, #tpu.memory_space<vmem>> -> memref<128xi32, #tpu.memory_space<vmem>>
      %dma_start3A_32 = arith.constant 0 : i32
      %dma_start3A_33 = arith.constant 0 : i32
      %dma_start3A_34 = tpu.memref_slice %arg7[%dma_start3A_32, %dma_start3A_33] : memref<10240x128xf32, #tpu.memory_space<vmem_shared>> -> memref<10240x128xf32, #tpu.memory_space<vmem_shared>>
      tpu.enqueue_indirect_dma source(%dma_start3A_34 : memref<10240x128xf32, #tpu.memory_space<vmem_shared>>) target(%arg11 : memref<128x128xf32, #tpu.memory_space<vmem>>) offsets(%dma_start3A_31 : memref<128xi32, #tpu.memory_space<vmem>>) semaphore(%arg13 : memref<!tpu.dma_semaphore, #tpu.memory_space<semaphore_mem>>)
      %dma_wait3A = arith.constant 0 : i32
      %dma_wait3A_35 = tpu.memref_slice %arg8[%while3A_23, %dma_wait3A] : memref<40x128xi32, #tpu.memory_space<vmem>> -> memref<1x128xi32, #tpu.memory_space<vmem>>
      %dma_wait3A_36 = tpu.memref_squeeze %dma_wait3A_35 : memref<1x128xi32, #tpu.memory_space<vmem>> -> memref<128xi32, #tpu.memory_space<vmem>>
      %dma_wait3A_37 = arith.constant 0 : i32
      %dma_wait3A_38 = arith.constant 0 : i32
      %dma_wait3A_39 = tpu.memref_slice %arg7[%dma_wait3A_37, %dma_wait3A_38] : memref<10240x128xf32, #tpu.memory_space<vmem_shared>> -> memref<10240x128xf32, #tpu.memory_space<vmem_shared>>
      tpu.wait_indirect_dma semaphore(%arg12 : memref<!tpu.dma_semaphore, #tpu.memory_space<semaphore_mem>>) src(%dma_wait3A_39 : memref<10240x128xf32, #tpu.memory_space<vmem_shared>>) dst(%arg10 : memref<128x128xf32, #tpu.memory_space<vmem>>)
      %mul3A_40 = arith.constant 128 : i32
      %mul3A_41 = arith.muli %while3A_23, %mul3A_40 : i32
      %add3A_42 = arith.addi %mul3A_13, %mul3A_41 : i32
      %dma_start3A_43 = arith.constant 0 : i32
      %dma_start3A_44 = tpu.memref_slice %arg5[%add3A_42, %dma_start3A_43] : memref<163840x128xf32, #tpu.memory_space<hbm>> -> memref<128x128xf32, #tpu.memory_space<hbm>>
      %dma_start3A_45 = arith.constant 0 : i32
      %dma_start3A_46 = tpu.memref_slice %arg5[%add3A_42, %dma_start3A_45] : memref<163840x128xf32, #tpu.memory_space<hbm>> -> memref<128x128xf32, #tpu.memory_space<hbm>>
      tpu.enqueue_dma source(%arg10 : memref<128x128xf32, #tpu.memory_space<vmem>>) target(%dma_start3A_46 : memref<128x128xf32, #tpu.memory_space<hbm>>) target_semaphore(%arg14 : memref<!tpu.dma_semaphore, #tpu.memory_space<semaphore_mem>>)
      %dma_wait3A_47 = arith.constant 0 : i32
      %dma_wait3A_48 = tpu.memref_slice %arg9[%while3A_23, %dma_wait3A_47] : memref<40x128xi32, #tpu.memory_space<vmem>> -> memref<1x128xi32, #tpu.memory_space<vmem>>
      %dma_wait3A_49 = tpu.memref_squeeze %dma_wait3A_48 : memref<1x128xi32, #tpu.memory_space<vmem>> -> memref<128xi32, #tpu.memory_space<vmem>>
      %dma_wait3A_50 = arith.constant 0 : i32
      %dma_wait3A_51 = arith.constant 0 : i32
      %dma_wait3A_52 = tpu.memref_slice %arg7[%dma_wait3A_50, %dma_wait3A_51] : memref<10240x128xf32, #tpu.memory_space<vmem_shared>> -> memref<10240x128xf32, #tpu.memory_space<vmem_shared>>
      tpu.wait_indirect_dma semaphore(%arg13 : memref<!tpu.dma_semaphore, #tpu.memory_space<semaphore_mem>>) src(%dma_wait3A_52 : memref<10240x128xf32, #tpu.memory_space<vmem_shared>>) dst(%arg11 : memref<128x128xf32, #tpu.memory_space<vmem>>)
      %mul3A_53 = arith.constant 128 : i32
      %mul3A_54 = arith.muli %while3A_23, %mul3A_53 : i32
      %add3A_55 = arith.addi %mul3A_13, %mul3A_54 : i32
      %dma_start3A_56 = arith.constant 0 : i32
      %dma_start3A_57 = tpu.memref_slice %arg6[%add3A_55, %dma_start3A_56] : memref<163840x128xf32, #tpu.memory_space<hbm>> -> memref<128x128xf32, #tpu.memory_space<hbm>>
      %dma_start3A_58 = arith.constant 0 : i32
      %dma_start3A_59 = tpu.memref_slice %arg6[%add3A_55, %dma_start3A_58] : memref<163840x128xf32, #tpu.memory_space<hbm>> -> memref<128x128xf32, #tpu.memory_space<hbm>>
      tpu.enqueue_dma source(%arg11 : memref<128x128xf32, #tpu.memory_space<vmem>>) target(%dma_start3A_59 : memref<128x128xf32, #tpu.memory_space<hbm>>) target_semaphore(%arg15 : memref<!tpu.dma_semaphore, #tpu.memory_space<semaphore_mem>>)
      %mul3A_60 = arith.constant 128 : i32
      %mul3A_61 = arith.muli %while3A_23, %mul3A_60 : i32
      %add3A_62 = arith.addi %mul3A_13, %mul3A_61 : i32
      %dma_wait3A_63 = arith.constant 0 : i32
      %dma_wait3A_64 = tpu.memref_slice %arg5[%add3A_62, %dma_wait3A_63] : memref<163840x128xf32, #tpu.memory_space<hbm>> -> memref<128x128xf32, #tpu.memory_space<hbm>>
      %dma_wait3A_65 = arith.constant 0 : i32
      %dma_wait3A_66 = tpu.memref_slice %arg5[%add3A_62, %dma_wait3A_65] : memref<163840x128xf32, #tpu.memory_space<hbm>> -> memref<128x128xf32, #tpu.memory_space<hbm>>
      tpu.wait_dma2 semaphore(%arg14 : memref<!tpu.dma_semaphore, #tpu.memory_space<semaphore_mem>>) src(%arg10 : memref<128x128xf32, #tpu.memory_space<vmem>>) dst(%dma_wait3A_66 : memref<128x128xf32, #tpu.memory_space<hbm>>)
      %mul3A_67 = arith.constant 128 : i32
      %mul3A_68 = arith.muli %while3A_23, %mul3A_67 : i32
      %add3A_69 = arith.addi %mul3A_13, %mul3A_68 : i32
      %dma_wait3A_70 = arith.constant 0 : i32
      %dma_wait3A_71 = tpu.memref_slice %arg6[%add3A_69, %dma_wait3A_70] : memref<163840x128xf32, #tpu.memory_space<hbm>> -> memref<128x128xf32, #tpu.memory_space<hbm>>
      %dma_wait3A_72 = arith.constant 0 : i32
      %dma_wait3A_73 = tpu.memref_slice %arg6[%add3A_69, %dma_wait3A_72] : memref<163840x128xf32, #tpu.memory_space<hbm>> -> memref<128x128xf32, #tpu.memory_space<hbm>>
      tpu.wait_dma2 semaphore(%arg15 : memref<!tpu.dma_semaphore, #tpu.memory_space<semaphore_mem>>) src(%arg11 : memref<128x128xf32, #tpu.memory_space<vmem>>) dst(%dma_wait3A_73 : memref<128x128xf32, #tpu.memory_space<hbm>>)
    }
    return
  }
}

#map = affine_map<(d0, d1) -> (0, 0, 0)>
#map1 = affine_map<(d0, d1) -> (0, 0)>
module attributes {stable_mosaic.version = 14 : i64} {
  func.func @_sc_scatter(%arg0: i32, %arg1: i32, %arg2: memref<4x163840x128xf32, #tpu.memory_space<hbm>>, %arg3: memref<1280x128xi32, #tpu.memory_space<hbm>>, %arg4: memref<10240x128xf32, #tpu.memory_space<hbm>>, %arg5: memref<4x10240x128xf32, #tpu.memory_space<hbm>>, %arg6: memref<10240x128xf32, #tpu.memory_space<vmem_shared>>, %arg7: memref<80x128xi32, #tpu.memory_space<vmem>>, %arg8: memref<128x128xf32, #tpu.memory_space<vmem>>, %arg9: memref<128x128xf32, #tpu.memory_space<vmem>>, %arg10: memref<!tpu.dma_semaphore, #tpu.memory_space<semaphore_mem>>, %arg11: memref<!tpu.dma_semaphore, #tpu.memory_space<semaphore_mem>>) attributes {dimension_semantics = [#tpu.dimension_semantics<core_parallel>, #tpu.dimension_semantics<subcore_parallel>], iteration_bounds = array<i64: 2, 16>, scalar_prefetch = 0 : i64, scratch_operands = 6 : i64, tpu.core_type = #tpu.core_type<sc_vector_subcore>, window_params = [{transform_indices = #map}, {transform_indices = #map1}, {transform_indices = #map1}, {transform_indices = #map}]} {
    %mul3A = arith.constant 80 : i32
    %mul3A_0 = arith.muli %arg1, %mul3A : i32
    "tpu.region"() ({
      %run_scoped3A = tpu.sem_alloc : memref<!tpu.dma_semaphore, #tpu.memory_space<semaphore_mem>>
      %dma_start3A_39 = arith.constant 0 : i32
      %dma_start3A_40 = tpu.memref_slice %arg3[%mul3A_0, %dma_start3A_39] : memref<1280x128xi32, #tpu.memory_space<hbm>> -> memref<80x128xi32, #tpu.memory_space<hbm>>
      %dma_start3A_41 = arith.constant 0 : i32
      %dma_start3A_42 = tpu.memref_slice %arg3[%mul3A_0, %dma_start3A_41] : memref<1280x128xi32, #tpu.memory_space<hbm>> -> memref<80x128xi32, #tpu.memory_space<hbm>>
      tpu.enqueue_dma source(%dma_start3A_42 : memref<80x128xi32, #tpu.memory_space<hbm>>) target(%arg7 : memref<80x128xi32, #tpu.memory_space<vmem>>) target_semaphore(%run_scoped3A : memref<!tpu.dma_semaphore, #tpu.memory_space<semaphore_mem>>)
      %dma_wait3A = arith.constant 0 : i32
      %dma_wait3A_43 = tpu.memref_slice %arg3[%mul3A_0, %dma_wait3A] : memref<1280x128xi32, #tpu.memory_space<hbm>> -> memref<80x128xi32, #tpu.memory_space<hbm>>
      %dma_wait3A_44 = arith.constant 0 : i32
      %dma_wait3A_45 = tpu.memref_slice %arg3[%mul3A_0, %dma_wait3A_44] : memref<1280x128xi32, #tpu.memory_space<hbm>> -> memref<80x128xi32, #tpu.memory_space<hbm>>
      tpu.wait_dma2 semaphore(%run_scoped3A : memref<!tpu.dma_semaphore, #tpu.memory_space<semaphore_mem>>) src(%dma_wait3A_45 : memref<80x128xi32, #tpu.memory_space<hbm>>) dst(%arg7 : memref<80x128xi32, #tpu.memory_space<vmem>>)
      tpu.yield
    }) : () -> ()
    %mul3A_1 = arith.constant 640 : i32
    %mul3A_2 = arith.muli %arg1, %mul3A_1 : i32
    %mul3A_3 = arith.constant 10240 : i32
    %mul3A_4 = arith.muli %arg1, %mul3A_3 : i32
    %mul3A_5 = arith.constant 2 : i32
    %mul3A_6 = arith.muli %arg0, %mul3A_5 : i32
    %add3A = arith.constant 0 : i32
    %add3A_7 = arith.addi %mul3A_6, %add3A : i32
    "tpu.region"() ({
      %run_scoped3A = tpu.sem_alloc : memref<!tpu.dma_semaphore, #tpu.memory_space<semaphore_mem>>
      %dma_start3A_39 = arith.constant 0 : i32
      %dma_start3A_40 = tpu.memref_slice %arg6[%mul3A_2, %dma_start3A_39] : memref<10240x128xf32, #tpu.memory_space<vmem_shared>> -> memref<640x128xf32, #tpu.memory_space<vmem_shared>>
      %dma_start3A_41 = arith.constant 0 : i32
      %dma_start3A_42 = tpu.memref_slice %arg4[%mul3A_2, %dma_start3A_41] : memref<10240x128xf32, #tpu.memory_space<hbm>> -> memref<640x128xf32, #tpu.memory_space<hbm>>
      tpu.enqueue_dma source(%dma_start3A_42 : memref<640x128xf32, #tpu.memory_space<hbm>>) target(%dma_start3A_40 : memref<640x128xf32, #tpu.memory_space<vmem_shared>>) target_semaphore(%run_scoped3A : memref<!tpu.dma_semaphore, #tpu.memory_space<semaphore_mem>>)
      %dma_wait3A = arith.constant 0 : i32
      %dma_wait3A_43 = tpu.memref_slice %arg6[%mul3A_2, %dma_wait3A] : memref<10240x128xf32, #tpu.memory_space<vmem_shared>> -> memref<640x128xf32, #tpu.memory_space<vmem_shared>>
      %dma_wait3A_44 = arith.constant 0 : i32
      %dma_wait3A_45 = tpu.memref_slice %arg4[%mul3A_2, %dma_wait3A_44] : memref<10240x128xf32, #tpu.memory_space<hbm>> -> memref<640x128xf32, #tpu.memory_space<hbm>>
      tpu.wait_dma2 semaphore(%run_scoped3A : memref<!tpu.dma_semaphore, #tpu.memory_space<semaphore_mem>>) src(%dma_wait3A_45 : memref<640x128xf32, #tpu.memory_space<hbm>>) dst(%dma_wait3A_43 : memref<640x128xf32, #tpu.memory_space<vmem_shared>>)
      tpu.yield
    }) : () -> ()
    %barrier3A = arith.constant 0 : index
    tpu.barrier barrier_id(%barrier3A)
    %dma_start3A = arith.constant 0 : i32
    %dma_start3A_8 = tpu.memref_slice %arg2[%add3A_7, %mul3A_4, %dma_start3A] : memref<4x163840x128xf32, #tpu.memory_space<hbm>> -> memref<1x128x128xf32, #tpu.memory_space<hbm>>
    %dma_start3A_9 = tpu.memref_squeeze %dma_start3A_8 : memref<1x128x128xf32, #tpu.memory_space<hbm>> -> memref<128x128xf32, #tpu.memory_space<hbm>>
    %dma_start3A_10 = arith.constant 0 : i32
    %dma_start3A_11 = tpu.memref_slice %arg2[%add3A_7, %mul3A_4, %dma_start3A_10] : memref<4x163840x128xf32, #tpu.memory_space<hbm>> -> memref<1x128x128xf32, #tpu.memory_space<hbm>>
    %dma_start3A_12 = tpu.memref_squeeze %dma_start3A_11 : memref<1x128x128xf32, #tpu.memory_space<hbm>> -> memref<128x128xf32, #tpu.memory_space<hbm>>
    tpu.enqueue_dma source(%dma_start3A_12 : memref<128x128xf32, #tpu.memory_space<hbm>>) target(%arg8 : memref<128x128xf32, #tpu.memory_space<vmem>>) target_semaphore(%arg10 : memref<!tpu.dma_semaphore, #tpu.memory_space<semaphore_mem>>)
    %scan3A = arith.constant 0 : i32
    %scan3A_13 = arith.constant 0 : i32
    %scan3A_14 = arith.constant 40 : i32
    %scan3A_15 = arith.addi %scan3A_13, %scan3A_14 : i32
    %scan3A_16 = arith.constant 1 : i32
    scf.for %scan3A_39 = %scan3A_13 to %scan3A_15 step %scan3A_16  : i32 {
      %mul3A_40 = arith.constant 2 : i32
      %mul3A_41 = arith.muli %mul3A_40, %scan3A_39 : i32
      %add3A_42 = arith.constant 1 : i32
      %add3A_43 = arith.addi %mul3A_41, %add3A_42 : i32
      %mul3A_44 = arith.constant 128 : i32
      %mul3A_45 = arith.muli %add3A_43, %mul3A_44 : i32
      %add3A_46 = arith.addi %mul3A_4, %mul3A_45 : i32
      %dma_start3A_47 = arith.constant 0 : i32
      %dma_start3A_48 = tpu.memref_slice %arg2[%add3A_7, %add3A_46, %dma_start3A_47] : memref<4x163840x128xf32, #tpu.memory_space<hbm>> -> memref<1x128x128xf32, #tpu.memory_space<hbm>>
      %dma_start3A_49 = tpu.memref_squeeze %dma_start3A_48 : memref<1x128x128xf32, #tpu.memory_space<hbm>> -> memref<128x128xf32, #tpu.memory_space<hbm>>
      %dma_start3A_50 = arith.constant 0 : i32
      %dma_start3A_51 = tpu.memref_slice %arg2[%add3A_7, %add3A_46, %dma_start3A_50] : memref<4x163840x128xf32, #tpu.memory_space<hbm>> -> memref<1x128x128xf32, #tpu.memory_space<hbm>>
      %dma_start3A_52 = tpu.memref_squeeze %dma_start3A_51 : memref<1x128x128xf32, #tpu.memory_space<hbm>> -> memref<128x128xf32, #tpu.memory_space<hbm>>
      tpu.enqueue_dma source(%dma_start3A_52 : memref<128x128xf32, #tpu.memory_space<hbm>>) target(%arg9 : memref<128x128xf32, #tpu.memory_space<vmem>>) target_semaphore(%arg11 : memref<!tpu.dma_semaphore, #tpu.memory_space<semaphore_mem>>)
      %mul3A_53 = arith.constant 128 : i32
      %mul3A_54 = arith.muli %mul3A_41, %mul3A_53 : i32
      %add3A_55 = arith.addi %mul3A_4, %mul3A_54 : i32
      %dma_wait3A = arith.constant 0 : i32
      %dma_wait3A_56 = tpu.memref_slice %arg2[%add3A_7, %add3A_55, %dma_wait3A] : memref<4x163840x128xf32, #tpu.memory_space<hbm>> -> memref<1x128x128xf32, #tpu.memory_space<hbm>>
      %dma_wait3A_57 = tpu.memref_squeeze %dma_wait3A_56 : memref<1x128x128xf32, #tpu.memory_space<hbm>> -> memref<128x128xf32, #tpu.memory_space<hbm>>
      %dma_wait3A_58 = arith.constant 0 : i32
      %dma_wait3A_59 = tpu.memref_slice %arg2[%add3A_7, %add3A_55, %dma_wait3A_58] : memref<4x163840x128xf32, #tpu.memory_space<hbm>> -> memref<1x128x128xf32, #tpu.memory_space<hbm>>
      %dma_wait3A_60 = tpu.memref_squeeze %dma_wait3A_59 : memref<1x128x128xf32, #tpu.memory_space<hbm>> -> memref<128x128xf32, #tpu.memory_space<hbm>>
      tpu.wait_dma2 semaphore(%arg10 : memref<!tpu.dma_semaphore, #tpu.memory_space<semaphore_mem>>) src(%dma_wait3A_60 : memref<128x128xf32, #tpu.memory_space<hbm>>) dst(%arg8 : memref<128x128xf32, #tpu.memory_space<vmem>>)
      "tpu.region"() ({
        %run_scoped3A = tpu.sem_alloc : memref<!tpu.dma_semaphore, #tpu.memory_space<semaphore_mem>>
        %dma_start3A_72 = arith.constant 0 : i32
        %dma_start3A_73 = tpu.memref_slice %arg7[%mul3A_41, %dma_start3A_72] : memref<80x128xi32, #tpu.memory_space<vmem>> -> memref<1x128xi32, #tpu.memory_space<vmem>>
        %dma_start3A_74 = tpu.memref_squeeze %dma_start3A_73 : memref<1x128xi32, #tpu.memory_space<vmem>> -> memref<128xi32, #tpu.memory_space<vmem>>
        %dma_start3A_75 = arith.constant 0 : i32
        %dma_start3A_76 = arith.constant 0 : i32
        %dma_start3A_77 = tpu.memref_slice %arg6[%dma_start3A_75, %dma_start3A_76] : memref<10240x128xf32, #tpu.memory_space<vmem_shared>> -> memref<10240x128xf32, #tpu.memory_space<vmem_shared>>
        tpu.enqueue_indirect_dma source(%arg8 : memref<128x128xf32, #tpu.memory_space<vmem>>) target(%dma_start3A_77 : memref<10240x128xf32, #tpu.memory_space<vmem_shared>>) offsets(%dma_start3A_74 : memref<128xi32, #tpu.memory_space<vmem>>) semaphore(%run_scoped3A : memref<!tpu.dma_semaphore, #tpu.memory_space<semaphore_mem>>) {add = true}
        %dma_wait3A_78 = arith.constant 0 : i32
        %dma_wait3A_79 = tpu.memref_slice %arg7[%mul3A_41, %dma_wait3A_78] : memref<80x128xi32, #tpu.memory_space<vmem>> -> memref<1x128xi32, #tpu.memory_space<vmem>>
        %dma_wait3A_80 = tpu.memref_squeeze %dma_wait3A_79 : memref<1x128xi32, #tpu.memory_space<vmem>> -> memref<128xi32, #tpu.memory_space<vmem>>
        %dma_wait3A_81 = arith.constant 0 : i32
        %dma_wait3A_82 = arith.constant 0 : i32
        %dma_wait3A_83 = tpu.memref_slice %arg6[%dma_wait3A_81, %dma_wait3A_82] : memref<10240x128xf32, #tpu.memory_space<vmem_shared>> -> memref<10240x128xf32, #tpu.memory_space<vmem_shared>>
        tpu.wait_indirect_dma semaphore(%run_scoped3A : memref<!tpu.dma_semaphore, #tpu.memory_space<semaphore_mem>>) src(%arg8 : memref<128x128xf32, #tpu.memory_space<vmem>>) dst(%dma_wait3A_83 : memref<10240x128xf32, #tpu.memory_space<vmem_shared>>)
        tpu.yield
      }) : () -> ()
      %lt3A = arith.constant 39 : i32
      %lt3A_61 = arith.cmpi slt, %scan3A_39, %lt3A : i32
      %convert_element_type3A = arith.extui %lt3A_61 : i1 to i32
      %cond3A = arith.constant 0 : i32
      %cond3A_62 = arith.cmpi ne, %convert_element_type3A, %cond3A : i32
      scf.if %cond3A_62 {
        %add3A_72 = arith.constant 2 : i32
        %add3A_73 = arith.addi %mul3A_41, %add3A_72 : i32
        %mul3A_74 = arith.constant 128 : i32
        %mul3A_75 = arith.muli %add3A_73, %mul3A_74 : i32
        %add3A_76 = arith.addi %mul3A_4, %mul3A_75 : i32
        %dma_start3A_77 = arith.constant 0 : i32
        %dma_start3A_78 = tpu.memref_slice %arg2[%add3A_7, %add3A_76, %dma_start3A_77] : memref<4x163840x128xf32, #tpu.memory_space<hbm>> -> memref<1x128x128xf32, #tpu.memory_space<hbm>>
        %dma_start3A_79 = tpu.memref_squeeze %dma_start3A_78 : memref<1x128x128xf32, #tpu.memory_space<hbm>> -> memref<128x128xf32, #tpu.memory_space<hbm>>
        %dma_start3A_80 = arith.constant 0 : i32
        %dma_start3A_81 = tpu.memref_slice %arg2[%add3A_7, %add3A_76, %dma_start3A_80] : memref<4x163840x128xf32, #tpu.memory_space<hbm>> -> memref<1x128x128xf32, #tpu.memory_space<hbm>>
        %dma_start3A_82 = tpu.memref_squeeze %dma_start3A_81 : memref<1x128x128xf32, #tpu.memory_space<hbm>> -> memref<128x128xf32, #tpu.memory_space<hbm>>
        tpu.enqueue_dma source(%dma_start3A_82 : memref<128x128xf32, #tpu.memory_space<hbm>>) target(%arg8 : memref<128x128xf32, #tpu.memory_space<vmem>>) target_semaphore(%arg10 : memref<!tpu.dma_semaphore, #tpu.memory_space<semaphore_mem>>)
      } else {
      }
      %mul3A_63 = arith.constant 128 : i32
      %mul3A_64 = arith.muli %add3A_43, %mul3A_63 : i32
      %add3A_65 = arith.addi %mul3A_4, %mul3A_64 : i32
      %dma_wait3A_66 = arith.constant 0 : i32
      %dma_wait3A_67 = tpu.memref_slice %arg2[%add3A_7, %add3A_65, %dma_wait3A_66] : memref<4x163840x128xf32, #tpu.memory_space<hbm>> -> memref<1x128x128xf32, #tpu.memory_space<hbm>>
      %dma_wait3A_68 = tpu.memref_squeeze %dma_wait3A_67 : memref<1x128x128xf32, #tpu.memory_space<hbm>> -> memref<128x128xf32, #tpu.memory_space<hbm>>
      %dma_wait3A_69 = arith.constant 0 : i32
      %dma_wait3A_70 = tpu.memref_slice %arg2[%add3A_7, %add3A_65, %dma_wait3A_69] : memref<4x163840x128xf32, #tpu.memory_space<hbm>> -> memref<1x128x128xf32, #tpu.memory_space<hbm>>
      %dma_wait3A_71 = tpu.memref_squeeze %dma_wait3A_70 : memref<1x128x128xf32, #tpu.memory_space<hbm>> -> memref<128x128xf32, #tpu.memory_space<hbm>>
      tpu.wait_dma2 semaphore(%arg11 : memref<!tpu.dma_semaphore, #tpu.memory_space<semaphore_mem>>) src(%dma_wait3A_71 : memref<128x128xf32, #tpu.memory_space<hbm>>) dst(%arg9 : memref<128x128xf32, #tpu.memory_space<vmem>>)
      "tpu.region"() ({
        %run_scoped3A = tpu.sem_alloc : memref<!tpu.dma_semaphore, #tpu.memory_space<semaphore_mem>>
        %dma_start3A_72 = arith.constant 0 : i32
        %dma_start3A_73 = tpu.memref_slice %arg7[%add3A_43, %dma_start3A_72] : memref<80x128xi32, #tpu.memory_space<vmem>> -> memref<1x128xi32, #tpu.memory_space<vmem>>
        %dma_start3A_74 = tpu.memref_squeeze %dma_start3A_73 : memref<1x128xi32, #tpu.memory_space<vmem>> -> memref<128xi32, #tpu.memory_space<vmem>>
        %dma_start3A_75 = arith.constant 0 : i32
        %dma_start3A_76 = arith.constant 0 : i32
        %dma_start3A_77 = tpu.memref_slice %arg6[%dma_start3A_75, %dma_start3A_76] : memref<10240x128xf32, #tpu.memory_space<vmem_shared>> -> memref<10240x128xf32, #tpu.memory_space<vmem_shared>>
        tpu.enqueue_indirect_dma source(%arg9 : memref<128x128xf32, #tpu.memory_space<vmem>>) target(%dma_start3A_77 : memref<10240x128xf32, #tpu.memory_space<vmem_shared>>) offsets(%dma_start3A_74 : memref<128xi32, #tpu.memory_space<vmem>>) semaphore(%run_scoped3A : memref<!tpu.dma_semaphore, #tpu.memory_space<semaphore_mem>>) {add = true}
        %dma_wait3A_78 = arith.constant 0 : i32
        %dma_wait3A_79 = tpu.memref_slice %arg7[%add3A_43, %dma_wait3A_78] : memref<80x128xi32, #tpu.memory_space<vmem>> -> memref<1x128xi32, #tpu.memory_space<vmem>>
        %dma_wait3A_80 = tpu.memref_squeeze %dma_wait3A_79 : memref<1x128xi32, #tpu.memory_space<vmem>> -> memref<128xi32, #tpu.memory_space<vmem>>
        %dma_wait3A_81 = arith.constant 0 : i32
        %dma_wait3A_82 = arith.constant 0 : i32
        %dma_wait3A_83 = tpu.memref_slice %arg6[%dma_wait3A_81, %dma_wait3A_82] : memref<10240x128xf32, #tpu.memory_space<vmem_shared>> -> memref<10240x128xf32, #tpu.memory_space<vmem_shared>>
        tpu.wait_indirect_dma semaphore(%run_scoped3A : memref<!tpu.dma_semaphore, #tpu.memory_space<semaphore_mem>>) src(%arg9 : memref<128x128xf32, #tpu.memory_space<vmem>>) dst(%dma_wait3A_83 : memref<10240x128xf32, #tpu.memory_space<vmem_shared>>)
        tpu.yield
      }) : () -> ()
    }
    %scan3A_17 = arith.constant 40 : i32
    %barrier3A_18 = arith.constant 0 : index
    tpu.barrier barrier_id(%barrier3A_18)
    "tpu.region"() ({
      %run_scoped3A = tpu.sem_alloc : memref<!tpu.dma_semaphore, #tpu.memory_space<semaphore_mem>>
      %dma_start3A_39 = arith.constant 0 : i32
      %dma_start3A_40 = tpu.memref_slice %arg5[%add3A_7, %mul3A_2, %dma_start3A_39] : memref<4x10240x128xf32, #tpu.memory_space<hbm>> -> memref<1x640x128xf32, #tpu.memory_space<hbm>>
      %dma_start3A_41 = tpu.memref_squeeze %dma_start3A_40 : memref<1x640x128xf32, #tpu.memory_space<hbm>> -> memref<640x128xf32, #tpu.memory_space<hbm>>
      %dma_start3A_42 = arith.constant 0 : i32
      %dma_start3A_43 = tpu.memref_slice %arg6[%mul3A_2, %dma_start3A_42] : memref<10240x128xf32, #tpu.memory_space<vmem_shared>> -> memref<640x128xf32, #tpu.memory_space<vmem_shared>>
      tpu.enqueue_dma source(%dma_start3A_43 : memref<640x128xf32, #tpu.memory_space<vmem_shared>>) target(%dma_start3A_41 : memref<640x128xf32, #tpu.memory_space<hbm>>) target_semaphore(%run_scoped3A : memref<!tpu.dma_semaphore, #tpu.memory_space<semaphore_mem>>)
      %dma_wait3A = arith.constant 0 : i32
      %dma_wait3A_44 = tpu.memref_slice %arg5[%add3A_7, %mul3A_2, %dma_wait3A] : memref<4x10240x128xf32, #tpu.memory_space<hbm>> -> memref<1x640x128xf32, #tpu.memory_space<hbm>>
      %dma_wait3A_45 = tpu.memref_squeeze %dma_wait3A_44 : memref<1x640x128xf32, #tpu.memory_space<hbm>> -> memref<640x128xf32, #tpu.memory_space<hbm>>
      %dma_wait3A_46 = arith.constant 0 : i32
      %dma_wait3A_47 = tpu.memref_slice %arg6[%mul3A_2, %dma_wait3A_46] : memref<10240x128xf32, #tpu.memory_space<vmem_shared>> -> memref<640x128xf32, #tpu.memory_space<vmem_shared>>
      tpu.wait_dma2 semaphore(%run_scoped3A : memref<!tpu.dma_semaphore, #tpu.memory_space<semaphore_mem>>) src(%dma_wait3A_47 : memref<640x128xf32, #tpu.memory_space<vmem_shared>>) dst(%dma_wait3A_45 : memref<640x128xf32, #tpu.memory_space<hbm>>)
      tpu.yield
    }) : () -> ()
    %barrier3A_19 = arith.constant 0 : index
    tpu.barrier barrier_id(%barrier3A_19)
    %mul3A_20 = arith.constant 2 : i32
    %mul3A_21 = arith.muli %arg0, %mul3A_20 : i32
    %add3A_22 = arith.constant 1 : i32
    %add3A_23 = arith.addi %mul3A_21, %add3A_22 : i32
    "tpu.region"() ({
      %run_scoped3A = tpu.sem_alloc : memref<!tpu.dma_semaphore, #tpu.memory_space<semaphore_mem>>
      %dma_start3A_39 = arith.constant 0 : i32
      %dma_start3A_40 = tpu.memref_slice %arg6[%mul3A_2, %dma_start3A_39] : memref<10240x128xf32, #tpu.memory_space<vmem_shared>> -> memref<640x128xf32, #tpu.memory_space<vmem_shared>>
      %dma_start3A_41 = arith.constant 0 : i32
      %dma_start3A_42 = tpu.memref_slice %arg4[%mul3A_2, %dma_start3A_41] : memref<10240x128xf32, #tpu.memory_space<hbm>> -> memref<640x128xf32, #tpu.memory_space<hbm>>
      tpu.enqueue_dma source(%dma_start3A_42 : memref<640x128xf32, #tpu.memory_space<hbm>>) target(%dma_start3A_40 : memref<640x128xf32, #tpu.memory_space<vmem_shared>>) target_semaphore(%run_scoped3A : memref<!tpu.dma_semaphore, #tpu.memory_space<semaphore_mem>>)
      %dma_wait3A = arith.constant 0 : i32
      %dma_wait3A_43 = tpu.memref_slice %arg6[%mul3A_2, %dma_wait3A] : memref<10240x128xf32, #tpu.memory_space<vmem_shared>> -> memref<640x128xf32, #tpu.memory_space<vmem_shared>>
      %dma_wait3A_44 = arith.constant 0 : i32
      %dma_wait3A_45 = tpu.memref_slice %arg4[%mul3A_2, %dma_wait3A_44] : memref<10240x128xf32, #tpu.memory_space<hbm>> -> memref<640x128xf32, #tpu.memory_space<hbm>>
      tpu.wait_dma2 semaphore(%run_scoped3A : memref<!tpu.dma_semaphore, #tpu.memory_space<semaphore_mem>>) src(%dma_wait3A_45 : memref<640x128xf32, #tpu.memory_space<hbm>>) dst(%dma_wait3A_43 : memref<640x128xf32, #tpu.memory_space<vmem_shared>>)
      tpu.yield
    }) : () -> ()
    %barrier3A_24 = arith.constant 0 : index
    tpu.barrier barrier_id(%barrier3A_24)
    %dma_start3A_25 = arith.constant 0 : i32
    %dma_start3A_26 = tpu.memref_slice %arg2[%add3A_23, %mul3A_4, %dma_start3A_25] : memref<4x163840x128xf32, #tpu.memory_space<hbm>> -> memref<1x128x128xf32, #tpu.memory_space<hbm>>
    %dma_start3A_27 = tpu.memref_squeeze %dma_start3A_26 : memref<1x128x128xf32, #tpu.memory_space<hbm>> -> memref<128x128xf32, #tpu.memory_space<hbm>>
    %dma_start3A_28 = arith.constant 0 : i32
    %dma_start3A_29 = tpu.memref_slice %arg2[%add3A_23, %mul3A_4, %dma_start3A_28] : memref<4x163840x128xf32, #tpu.memory_space<hbm>> -> memref<1x128x128xf32, #tpu.memory_space<hbm>>
    %dma_start3A_30 = tpu.memref_squeeze %dma_start3A_29 : memref<1x128x128xf32, #tpu.memory_space<hbm>> -> memref<128x128xf32, #tpu.memory_space<hbm>>
    tpu.enqueue_dma source(%dma_start3A_30 : memref<128x128xf32, #tpu.memory_space<hbm>>) target(%arg8 : memref<128x128xf32, #tpu.memory_space<vmem>>) target_semaphore(%arg10 : memref<!tpu.dma_semaphore, #tpu.memory_space<semaphore_mem>>)
    %scan3A_31 = arith.constant 0 : i32
    %scan3A_32 = arith.constant 0 : i32
    %scan3A_33 = arith.constant 40 : i32
    %scan3A_34 = arith.addi %scan3A_32, %scan3A_33 : i32
    %scan3A_35 = arith.constant 1 : i32
    scf.for %scan3A_39 = %scan3A_32 to %scan3A_34 step %scan3A_35  : i32 {
      %mul3A_40 = arith.constant 2 : i32
      %mul3A_41 = arith.muli %mul3A_40, %scan3A_39 : i32
      %add3A_42 = arith.constant 1 : i32
      %add3A_43 = arith.addi %mul3A_41, %add3A_42 : i32
      %mul3A_44 = arith.constant 128 : i32
      %mul3A_45 = arith.muli %add3A_43, %mul3A_44 : i32
      %add3A_46 = arith.addi %mul3A_4, %mul3A_45 : i32
      %dma_start3A_47 = arith.constant 0 : i32
      %dma_start3A_48 = tpu.memref_slice %arg2[%add3A_23, %add3A_46, %dma_start3A_47] : memref<4x163840x128xf32, #tpu.memory_space<hbm>> -> memref<1x128x128xf32, #tpu.memory_space<hbm>>
      %dma_start3A_49 = tpu.memref_squeeze %dma_start3A_48 : memref<1x128x128xf32, #tpu.memory_space<hbm>> -> memref<128x128xf32, #tpu.memory_space<hbm>>
      %dma_start3A_50 = arith.constant 0 : i32
      %dma_start3A_51 = tpu.memref_slice %arg2[%add3A_23, %add3A_46, %dma_start3A_50] : memref<4x163840x128xf32, #tpu.memory_space<hbm>> -> memref<1x128x128xf32, #tpu.memory_space<hbm>>
      %dma_start3A_52 = tpu.memref_squeeze %dma_start3A_51 : memref<1x128x128xf32, #tpu.memory_space<hbm>> -> memref<128x128xf32, #tpu.memory_space<hbm>>
      tpu.enqueue_dma source(%dma_start3A_52 : memref<128x128xf32, #tpu.memory_space<hbm>>) target(%arg9 : memref<128x128xf32, #tpu.memory_space<vmem>>) target_semaphore(%arg11 : memref<!tpu.dma_semaphore, #tpu.memory_space<semaphore_mem>>)
      %mul3A_53 = arith.constant 128 : i32
      %mul3A_54 = arith.muli %mul3A_41, %mul3A_53 : i32
      %add3A_55 = arith.addi %mul3A_4, %mul3A_54 : i32
      %dma_wait3A = arith.constant 0 : i32
      %dma_wait3A_56 = tpu.memref_slice %arg2[%add3A_23, %add3A_55, %dma_wait3A] : memref<4x163840x128xf32, #tpu.memory_space<hbm>> -> memref<1x128x128xf32, #tpu.memory_space<hbm>>
      %dma_wait3A_57 = tpu.memref_squeeze %dma_wait3A_56 : memref<1x128x128xf32, #tpu.memory_space<hbm>> -> memref<128x128xf32, #tpu.memory_space<hbm>>
      %dma_wait3A_58 = arith.constant 0 : i32
      %dma_wait3A_59 = tpu.memref_slice %arg2[%add3A_23, %add3A_55, %dma_wait3A_58] : memref<4x163840x128xf32, #tpu.memory_space<hbm>> -> memref<1x128x128xf32, #tpu.memory_space<hbm>>
      %dma_wait3A_60 = tpu.memref_squeeze %dma_wait3A_59 : memref<1x128x128xf32, #tpu.memory_space<hbm>> -> memref<128x128xf32, #tpu.memory_space<hbm>>
      tpu.wait_dma2 semaphore(%arg10 : memref<!tpu.dma_semaphore, #tpu.memory_space<semaphore_mem>>) src(%dma_wait3A_60 : memref<128x128xf32, #tpu.memory_space<hbm>>) dst(%arg8 : memref<128x128xf32, #tpu.memory_space<vmem>>)
      "tpu.region"() ({
        %run_scoped3A = tpu.sem_alloc : memref<!tpu.dma_semaphore, #tpu.memory_space<semaphore_mem>>
        %dma_start3A_72 = arith.constant 0 : i32
        %dma_start3A_73 = tpu.memref_slice %arg7[%mul3A_41, %dma_start3A_72] : memref<80x128xi32, #tpu.memory_space<vmem>> -> memref<1x128xi32, #tpu.memory_space<vmem>>
        %dma_start3A_74 = tpu.memref_squeeze %dma_start3A_73 : memref<1x128xi32, #tpu.memory_space<vmem>> -> memref<128xi32, #tpu.memory_space<vmem>>
        %dma_start3A_75 = arith.constant 0 : i32
        %dma_start3A_76 = arith.constant 0 : i32
        %dma_start3A_77 = tpu.memref_slice %arg6[%dma_start3A_75, %dma_start3A_76] : memref<10240x128xf32, #tpu.memory_space<vmem_shared>> -> memref<10240x128xf32, #tpu.memory_space<vmem_shared>>
        tpu.enqueue_indirect_dma source(%arg8 : memref<128x128xf32, #tpu.memory_space<vmem>>) target(%dma_start3A_77 : memref<10240x128xf32, #tpu.memory_space<vmem_shared>>) offsets(%dma_start3A_74 : memref<128xi32, #tpu.memory_space<vmem>>) semaphore(%run_scoped3A : memref<!tpu.dma_semaphore, #tpu.memory_space<semaphore_mem>>) {add = true}
        %dma_wait3A_78 = arith.constant 0 : i32
        %dma_wait3A_79 = tpu.memref_slice %arg7[%mul3A_41, %dma_wait3A_78] : memref<80x128xi32, #tpu.memory_space<vmem>> -> memref<1x128xi32, #tpu.memory_space<vmem>>
        %dma_wait3A_80 = tpu.memref_squeeze %dma_wait3A_79 : memref<1x128xi32, #tpu.memory_space<vmem>> -> memref<128xi32, #tpu.memory_space<vmem>>
        %dma_wait3A_81 = arith.constant 0 : i32
        %dma_wait3A_82 = arith.constant 0 : i32
        %dma_wait3A_83 = tpu.memref_slice %arg6[%dma_wait3A_81, %dma_wait3A_82] : memref<10240x128xf32, #tpu.memory_space<vmem_shared>> -> memref<10240x128xf32, #tpu.memory_space<vmem_shared>>
        tpu.wait_indirect_dma semaphore(%run_scoped3A : memref<!tpu.dma_semaphore, #tpu.memory_space<semaphore_mem>>) src(%arg8 : memref<128x128xf32, #tpu.memory_space<vmem>>) dst(%dma_wait3A_83 : memref<10240x128xf32, #tpu.memory_space<vmem_shared>>)
        tpu.yield
      }) : () -> ()
      %lt3A = arith.constant 39 : i32
      %lt3A_61 = arith.cmpi slt, %scan3A_39, %lt3A : i32
      %convert_element_type3A = arith.extui %lt3A_61 : i1 to i32
      %cond3A = arith.constant 0 : i32
      %cond3A_62 = arith.cmpi ne, %convert_element_type3A, %cond3A : i32
      scf.if %cond3A_62 {
        %add3A_72 = arith.constant 2 : i32
        %add3A_73 = arith.addi %mul3A_41, %add3A_72 : i32
        %mul3A_74 = arith.constant 128 : i32
        %mul3A_75 = arith.muli %add3A_73, %mul3A_74 : i32
        %add3A_76 = arith.addi %mul3A_4, %mul3A_75 : i32
        %dma_start3A_77 = arith.constant 0 : i32
        %dma_start3A_78 = tpu.memref_slice %arg2[%add3A_23, %add3A_76, %dma_start3A_77] : memref<4x163840x128xf32, #tpu.memory_space<hbm>> -> memref<1x128x128xf32, #tpu.memory_space<hbm>>
        %dma_start3A_79 = tpu.memref_squeeze %dma_start3A_78 : memref<1x128x128xf32, #tpu.memory_space<hbm>> -> memref<128x128xf32, #tpu.memory_space<hbm>>
        %dma_start3A_80 = arith.constant 0 : i32
        %dma_start3A_81 = tpu.memref_slice %arg2[%add3A_23, %add3A_76, %dma_start3A_80] : memref<4x163840x128xf32, #tpu.memory_space<hbm>> -> memref<1x128x128xf32, #tpu.memory_space<hbm>>
        %dma_start3A_82 = tpu.memref_squeeze %dma_start3A_81 : memref<1x128x128xf32, #tpu.memory_space<hbm>> -> memref<128x128xf32, #tpu.memory_space<hbm>>
        tpu.enqueue_dma source(%dma_start3A_82 : memref<128x128xf32, #tpu.memory_space<hbm>>) target(%arg8 : memref<128x128xf32, #tpu.memory_space<vmem>>) target_semaphore(%arg10 : memref<!tpu.dma_semaphore, #tpu.memory_space<semaphore_mem>>)
      } else {
      }
      %mul3A_63 = arith.constant 128 : i32
      %mul3A_64 = arith.muli %add3A_43, %mul3A_63 : i32
      %add3A_65 = arith.addi %mul3A_4, %mul3A_64 : i32
      %dma_wait3A_66 = arith.constant 0 : i32
      %dma_wait3A_67 = tpu.memref_slice %arg2[%add3A_23, %add3A_65, %dma_wait3A_66] : memref<4x163840x128xf32, #tpu.memory_space<hbm>> -> memref<1x128x128xf32, #tpu.memory_space<hbm>>
      %dma_wait3A_68 = tpu.memref_squeeze %dma_wait3A_67 : memref<1x128x128xf32, #tpu.memory_space<hbm>> -> memref<128x128xf32, #tpu.memory_space<hbm>>
      %dma_wait3A_69 = arith.constant 0 : i32
      %dma_wait3A_70 = tpu.memref_slice %arg2[%add3A_23, %add3A_65, %dma_wait3A_69] : memref<4x163840x128xf32, #tpu.memory_space<hbm>> -> memref<1x128x128xf32, #tpu.memory_space<hbm>>
      %dma_wait3A_71 = tpu.memref_squeeze %dma_wait3A_70 : memref<1x128x128xf32, #tpu.memory_space<hbm>> -> memref<128x128xf32, #tpu.memory_space<hbm>>
      tpu.wait_dma2 semaphore(%arg11 : memref<!tpu.dma_semaphore, #tpu.memory_space<semaphore_mem>>) src(%dma_wait3A_71 : memref<128x128xf32, #tpu.memory_space<hbm>>) dst(%arg9 : memref<128x128xf32, #tpu.memory_space<vmem>>)
      "tpu.region"() ({
        %run_scoped3A = tpu.sem_alloc : memref<!tpu.dma_semaphore, #tpu.memory_space<semaphore_mem>>
        %dma_start3A_72 = arith.constant 0 : i32
        %dma_start3A_73 = tpu.memref_slice %arg7[%add3A_43, %dma_start3A_72] : memref<80x128xi32, #tpu.memory_space<vmem>> -> memref<1x128xi32, #tpu.memory_space<vmem>>
        %dma_start3A_74 = tpu.memref_squeeze %dma_start3A_73 : memref<1x128xi32, #tpu.memory_space<vmem>> -> memref<128xi32, #tpu.memory_space<vmem>>
        %dma_start3A_75 = arith.constant 0 : i32
        %dma_start3A_76 = arith.constant 0 : i32
        %dma_start3A_77 = tpu.memref_slice %arg6[%dma_start3A_75, %dma_start3A_76] : memref<10240x128xf32, #tpu.memory_space<vmem_shared>> -> memref<10240x128xf32, #tpu.memory_space<vmem_shared>>
        tpu.enqueue_indirect_dma source(%arg9 : memref<128x128xf32, #tpu.memory_space<vmem>>) target(%dma_start3A_77 : memref<10240x128xf32, #tpu.memory_space<vmem_shared>>) offsets(%dma_start3A_74 : memref<128xi32, #tpu.memory_space<vmem>>) semaphore(%run_scoped3A : memref<!tpu.dma_semaphore, #tpu.memory_space<semaphore_mem>>) {add = true}
        %dma_wait3A_78 = arith.constant 0 : i32
        %dma_wait3A_79 = tpu.memref_slice %arg7[%add3A_43, %dma_wait3A_78] : memref<80x128xi32, #tpu.memory_space<vmem>> -> memref<1x128xi32, #tpu.memory_space<vmem>>
        %dma_wait3A_80 = tpu.memref_squeeze %dma_wait3A_79 : memref<1x128xi32, #tpu.memory_space<vmem>> -> memref<128xi32, #tpu.memory_space<vmem>>
        %dma_wait3A_81 = arith.constant 0 : i32
        %dma_wait3A_82 = arith.constant 0 : i32
        %dma_wait3A_83 = tpu.memref_slice %arg6[%dma_wait3A_81, %dma_wait3A_82] : memref<10240x128xf32, #tpu.memory_space<vmem_shared>> -> memref<10240x128xf32, #tpu.memory_space<vmem_shared>>
        tpu.wait_indirect_dma semaphore(%run_scoped3A : memref<!tpu.dma_semaphore, #tpu.memory_space<semaphore_mem>>) src(%arg9 : memref<128x128xf32, #tpu.memory_space<vmem>>) dst(%dma_wait3A_83 : memref<10240x128xf32, #tpu.memory_space<vmem_shared>>)
        tpu.yield
      }) : () -> ()
    }
    %scan3A_36 = arith.constant 40 : i32
    %barrier3A_37 = arith.constant 0 : index
    tpu.barrier barrier_id(%barrier3A_37)
    "tpu.region"() ({
      %run_scoped3A = tpu.sem_alloc : memref<!tpu.dma_semaphore, #tpu.memory_space<semaphore_mem>>
      %dma_start3A_39 = arith.constant 0 : i32
      %dma_start3A_40 = tpu.memref_slice %arg5[%add3A_23, %mul3A_2, %dma_start3A_39] : memref<4x10240x128xf32, #tpu.memory_space<hbm>> -> memref<1x640x128xf32, #tpu.memory_space<hbm>>
      %dma_start3A_41 = tpu.memref_squeeze %dma_start3A_40 : memref<1x640x128xf32, #tpu.memory_space<hbm>> -> memref<640x128xf32, #tpu.memory_space<hbm>>
      %dma_start3A_42 = arith.constant 0 : i32
      %dma_start3A_43 = tpu.memref_slice %arg6[%mul3A_2, %dma_start3A_42] : memref<10240x128xf32, #tpu.memory_space<vmem_shared>> -> memref<640x128xf32, #tpu.memory_space<vmem_shared>>
      tpu.enqueue_dma source(%dma_start3A_43 : memref<640x128xf32, #tpu.memory_space<vmem_shared>>) target(%dma_start3A_41 : memref<640x128xf32, #tpu.memory_space<hbm>>) target_semaphore(%run_scoped3A : memref<!tpu.dma_semaphore, #tpu.memory_space<semaphore_mem>>)
      %dma_wait3A = arith.constant 0 : i32
      %dma_wait3A_44 = tpu.memref_slice %arg5[%add3A_23, %mul3A_2, %dma_wait3A] : memref<4x10240x128xf32, #tpu.memory_space<hbm>> -> memref<1x640x128xf32, #tpu.memory_space<hbm>>
      %dma_wait3A_45 = tpu.memref_squeeze %dma_wait3A_44 : memref<1x640x128xf32, #tpu.memory_space<hbm>> -> memref<640x128xf32, #tpu.memory_space<hbm>>
      %dma_wait3A_46 = arith.constant 0 : i32
      %dma_wait3A_47 = tpu.memref_slice %arg6[%mul3A_2, %dma_wait3A_46] : memref<10240x128xf32, #tpu.memory_space<vmem_shared>> -> memref<640x128xf32, #tpu.memory_space<vmem_shared>>
      tpu.wait_dma2 semaphore(%run_scoped3A : memref<!tpu.dma_semaphore, #tpu.memory_space<semaphore_mem>>) src(%dma_wait3A_47 : memref<640x128xf32, #tpu.memory_space<vmem_shared>>) dst(%dma_wait3A_45 : memref<640x128xf32, #tpu.memory_space<hbm>>)
      tpu.yield
    }) : () -> ()
    %barrier3A_38 = arith.constant 0 : index
    tpu.barrier barrier_id(%barrier3A_38)
    return
  }
}

module attributes {stable_mosaic.version = 14 : i64} {
  func.func @_geom_body(%arg0: i32, %arg1: memref<2048x16xf32, #tpu.memory_space<vmem>>, %arg2: memref<2048x16xf32, #tpu.memory_space<vmem>>) attributes {dimension_semantics = [#tpu.dimension_semantics<arbitrary>], iteration_bounds = array<i64: 80>, scalar_prefetch = 0 : i64, scratch_operands = 0 : i64, tpu.core_type = #tpu.core_type<tc>, window_params = [{transform_indices = @transform_0, window_bounds = array<i64: 2048, 16>}, {transform_indices = @transform_1, window_bounds = array<i64: 2048, 16>}]} {
    %get3A = arith.constant 0 : index
    %get3A_0 = arith.constant 0 : index
    %get3A_1 = vector.load %arg1[%get3A, %get3A_0] : memref<2048x16xf32, #tpu.memory_space<vmem>>, vector<2048x16xf32>
    %mul3A = arith.mulf %get3A_1, %get3A_1 : vector<2048x16xf32>
    %reduce_sum3A = arith.constant dense<0.000000e+00> : vector<2048xf32>
    %reduce_sum3A_2 = vector.multi_reduction <add>, %mul3A, %reduce_sum3A [1] : vector<2048x16xf32> to vector<2048xf32>
    %broadcast_in_dim3A = vector.shape_cast %reduce_sum3A_2 : vector<2048xf32> to vector<2048x1xf32>
    %sqrt3A = math.sqrt %broadcast_in_dim3A : vector<2048x1xf32>
    %max3A = arith.constant 9.99999993E-9 : f32
    %max3A_3 = vector.broadcast %max3A : f32 to vector<2048x1xf32>
    %max3A_4 = arith.maximumf %sqrt3A, %max3A_3 : vector<2048x1xf32>
    %div3A = arith.constant 1.000000e+00 : f32
    %div3A_5 = vector.broadcast %div3A : f32 to vector<2048x1xf32>
    %div3A_6 = arith.divf %div3A_5, %max3A_4 : vector<2048x1xf32>
    %mul3A_7 = vector.broadcast %div3A_6 : vector<2048x1xf32> to vector<2048x16xf32>
    %mul3A_8 = arith.mulf %get3A_1, %mul3A_7 : vector<2048x16xf32>
    %slice3A = vector.extract_strided_slice %mul3A_8 {offsets = [0, 0], sizes = [2048, 3], strides = [1, 1]} : vector<2048x16xf32> to vector<2048x3xf32>
    %broadcast_in_dim3A_9 = arith.constant 0.000000e+00 : f32
    %broadcast_in_dim3A_10 = vector.broadcast %broadcast_in_dim3A_9 : f32 to vector<2048x12xf32>
    %concatenate3A = tpu.concatenate %sqrt3A, %slice3A, %broadcast_in_dim3A_10 in 1 : vector<2048x1xf32>, vector<2048x3xf32>, vector<2048x12xf32> -> vector<2048x16xf32>
    %swap3A = arith.constant 0 : index
    %swap3A_11 = arith.constant 0 : index
    %swap3A_12 = vector.load %arg2[%swap3A, %swap3A_11] : memref<2048x16xf32, #tpu.memory_space<vmem>>, vector<2048x16xf32>
    tpu.vector_store %arg2[%swap3A, %swap3A_11], %concatenate3A {strides = array<i32>} : memref<2048x16xf32, #tpu.memory_space<vmem>>, vector<2048x16xf32>,
    return
  }
  func.func @transform_0(%arg0: i32) -> (i32, i32) {
    %c0_i32 = arith.constant 0 : i32
    %c0_i32_0 = arith.constant 0 : i32
    return %arg0, %c0_i32 : i32, i32
  }
  func.func @transform_1(%arg0: i32) -> (i32, i32) {
    %c0_i32 = arith.constant 0 : i32
    %c0_i32_0 = arith.constant 0 : i32
    return %arg0, %c0_i32 : i32, i32
  }
}

module attributes {stable_mosaic.version = 14 : i64} {
  func.func @_edge_body(%arg0: i32, %arg1: memref<2048x128xf32, #tpu.memory_space<vmem>>, %arg2: memref<2048x128xf32, #tpu.memory_space<vmem>>, %arg3: memref<2048x16xf32, #tpu.memory_space<vmem>>, %arg4: memref<128x256xf32, #tpu.memory_space<vmem>>, %arg5: memref<128x256xf32, #tpu.memory_space<vmem>>, %arg6: memref<1x256xf32, #tpu.memory_space<vmem>>, %arg7: memref<1x256xf32, #tpu.memory_space<vmem>>, %arg8: memref<256x256xf32, #tpu.memory_space<vmem>>, %arg9: memref<1x256xf32, #tpu.memory_space<vmem>>, %arg10: memref<4x2048x128xf32, #tpu.memory_space<vmem>>) attributes {dimension_semantics = [#tpu.dimension_semantics<arbitrary>], iteration_bounds = array<i64: 80>, scalar_prefetch = 0 : i64, scratch_operands = 0 : i64, tpu.core_type = #tpu.core_type<tc>, window_params = [{transform_indices = @transform_0, window_bounds = array<i64: 2048, 128>}, {transform_indices = @transform_1, window_bounds = array<i64: 2048, 128>}, {transform_indices = @transform_2, window_bounds = array<i64: 2048, 16>}, {pipeline_mode = #tpu.pipeline_mode<synchronous>, transform_indices = @transform_3, window_bounds = array<i64: 128, 256>}, {pipeline_mode = #tpu.pipeline_mode<synchronous>, transform_indices = @transform_4, window_bounds = array<i64: 128, 256>}, {pipeline_mode = #tpu.pipeline_mode<synchronous>, transform_indices = @transform_5, window_bounds = array<i64: 1, 256>}, {pipeline_mode = #tpu.pipeline_mode<synchronous>, transform_indices = @transform_6, window_bounds = array<i64: 1, 256>}, {pipeline_mode = #tpu.pipeline_mode<synchronous>, transform_indices = @transform_7, window_bounds = array<i64: 256, 256>}, {pipeline_mode = #tpu.pipeline_mode<synchronous>, transform_indices = @transform_8, window_bounds = array<i64: 1, 256>}, {transform_indices = @transform_9, window_bounds = array<i64: 4, 2048, 128>}]} {
    %get3A = arith.constant 0 : index
    %get3A_0 = arith.constant 0 : index
    %get3A_1 = vector.load %arg3[%get3A, %get3A_0] : memref<2048x16xf32, #tpu.memory_space<vmem>>, vector<2048x16xf32>
    %slice3A = vector.extract_strided_slice %get3A_1 {offsets = [0, 0], sizes = [2048, 1], strides = [1, 1]} : vector<2048x16xf32> to vector<2048x1xf32>
    %slice3A_2 = vector.extract_strided_slice %get3A_1 {offsets = [0, 1], sizes = [2048, 3], strides = [1, 1]} : vector<2048x16xf32> to vector<2048x3xf32>
    %get3A_3 = arith.constant 0 : index
    %get3A_4 = arith.constant 0 : index
    %get3A_5 = vector.load %arg1[%get3A_3, %get3A_4] : memref<2048x128xf32, #tpu.memory_space<vmem>>, vector<2048x128xf32>
    %get3A_6 = arith.constant 0 : index
    %get3A_7 = arith.constant 0 : index
    %get3A_8 = vector.load %arg4[%get3A_6, %get3A_7] : memref<128x256xf32, #tpu.memory_space<vmem>>, vector<128x256xf32>
    %dot_general3A = arith.constant dense<0.000000e+00> : vector<2048x256xf32>
    %dot_general3A_9 = tpu.matmul %get3A_5, %get3A_8, %dot_general3A {dimension_numbers = #tpu.dot_dimension_numbers<[1], [0], [0], [1], [0, 0, 1, 1], [], []>, transpose_lhs_hint = false} : vector<2048x128xf32>, vector<128x256xf32>, vector<2048x256xf32> -> vector<2048x256xf32>
    %get3A_10 = arith.constant 0 : index
    %get3A_11 = arith.constant 0 : index
    %get3A_12 = vector.load %arg2[%get3A_10, %get3A_11] : memref<2048x128xf32, #tpu.memory_space<vmem>>, vector<2048x128xf32>
    %get3A_13 = arith.constant 0 : index
    %get3A_14 = arith.constant 0 : index
    %get3A_15 = vector.load %arg5[%get3A_13, %get3A_14] : memref<128x256xf32, #tpu.memory_space<vmem>>, vector<128x256xf32>
    %dot_general3A_16 = arith.constant dense<0.000000e+00> : vector<2048x256xf32>
    %dot_general3A_17 = tpu.matmul %get3A_12, %get3A_15, %dot_general3A_16 {dimension_numbers = #tpu.dot_dimension_numbers<[1], [0], [0], [1], [0, 0, 1, 1], [], []>, transpose_lhs_hint = false} : vector<2048x128xf32>, vector<128x256xf32>, vector<2048x256xf32> -> vector<2048x256xf32>
    %add3A = arith.addf %dot_general3A_9, %dot_general3A_17 : vector<2048x256xf32>
    %get3A_18 = arith.constant 0 : index
    %get3A_19 = arith.constant 0 : index
    %get3A_20 = vector.load %arg6[%get3A_18, %get3A_19] : memref<1x256xf32, #tpu.memory_space<vmem>>, vector<1x256xf32>
    %mul3A = vector.broadcast %slice3A : vector<2048x1xf32> to vector<2048x256xf32>
    %mul3A_21 = vector.broadcast %get3A_20 : vector<1x256xf32> to vector<2048x256xf32>
    %mul3A_22 = arith.mulf %mul3A, %mul3A_21 : vector<2048x256xf32>
    %add3A_23 = arith.addf %add3A, %mul3A_22 : vector<2048x256xf32>
    %get3A_24 = arith.constant 0 : index
    %get3A_25 = arith.constant 0 : index
    %get3A_26 = vector.load %arg7[%get3A_24, %get3A_25] : memref<1x256xf32, #tpu.memory_space<vmem>>, vector<1x256xf32>
    %add3A_27 = vector.broadcast %get3A_26 : vector<1x256xf32> to vector<2048x256xf32>
    %add3A_28 = arith.addf %add3A_23, %add3A_27 : vector<2048x256xf32>
    %logistic3A = arith.negf %add3A_28 : vector<2048x256xf32>
    %logistic3A_29 = math.exp %logistic3A : vector<2048x256xf32>
    %logistic3A_30 = arith.constant 1.000000e+00 : f32
    %logistic3A_31 = vector.broadcast %logistic3A_30 : f32 to vector<2048x256xf32>
    %logistic3A_32 = arith.addf %logistic3A_31, %logistic3A_29 : vector<2048x256xf32>
    %logistic3A_33 = arith.divf %logistic3A_31, %logistic3A_32 : vector<2048x256xf32>
    %mul3A_34 = arith.mulf %add3A_28, %logistic3A_33 : vector<2048x256xf32>
    %get3A_35 = arith.constant 0 : index
    %get3A_36 = arith.constant 0 : index
    %get3A_37 = vector.load %arg8[%get3A_35, %get3A_36] : memref<256x256xf32, #tpu.memory_space<vmem>>, vector<256x256xf32>
    %dot_general3A_38 = arith.constant dense<0.000000e+00> : vector<2048x256xf32>
    %dot_general3A_39 = tpu.matmul %mul3A_34, %get3A_37, %dot_general3A_38 {dimension_numbers = #tpu.dot_dimension_numbers<[1], [0], [0], [1], [0, 0, 1, 1], [], []>, transpose_lhs_hint = false} : vector<2048x256xf32>, vector<256x256xf32>, vector<2048x256xf32> -> vector<2048x256xf32>
    %get3A_40 = arith.constant 0 : index
    %get3A_41 = arith.constant 0 : index
    %get3A_42 = vector.load %arg9[%get3A_40, %get3A_41] : memref<1x256xf32, #tpu.memory_space<vmem>>, vector<1x256xf32>
    %add3A_43 = vector.broadcast %get3A_42 : vector<1x256xf32> to vector<2048x256xf32>
    %add3A_44 = arith.addf %dot_general3A_39, %add3A_43 : vector<2048x256xf32>
    %logistic3A_45 = arith.negf %add3A_44 : vector<2048x256xf32>
    %logistic3A_46 = math.exp %logistic3A_45 : vector<2048x256xf32>
    %logistic3A_47 = arith.constant 1.000000e+00 : f32
    %logistic3A_48 = vector.broadcast %logistic3A_47 : f32 to vector<2048x256xf32>
    %logistic3A_49 = arith.addf %logistic3A_48, %logistic3A_46 : vector<2048x256xf32>
    %logistic3A_50 = arith.divf %logistic3A_48, %logistic3A_49 : vector<2048x256xf32>
    %mul3A_51 = arith.mulf %add3A_44, %logistic3A_50 : vector<2048x256xf32>
    %slice3A_52 = vector.extract_strided_slice %mul3A_51 {offsets = [0, 0], sizes = [2048, 128], strides = [1, 1]} : vector<2048x256xf32> to vector<2048x128xf32>
    %slice3A_53 = vector.extract_strided_slice %mul3A_51 {offsets = [0, 128], sizes = [2048, 128], strides = [1, 1]} : vector<2048x256xf32> to vector<2048x128xf32>
    %swap3A = arith.constant 0 : index
    %swap3A_54 = arith.constant 0 : index
    %swap3A_55 = arith.constant 0 : index
    %swap3A_56 = vector.load %arg10[%swap3A, %swap3A_54, %swap3A_55] : memref<4x2048x128xf32, #tpu.memory_space<vmem>>, vector<1x2048x128xf32>
    %swap3A_57 = vector.shape_cast %swap3A_56 : vector<1x2048x128xf32> to vector<2048x128xf32>
    %swap3A_58 = vector.shape_cast %slice3A_53 : vector<2048x128xf32> to vector<1x2048x128xf32>
    tpu.vector_store %arg10[%swap3A, %swap3A_54, %swap3A_55], %swap3A_58 {strides = array<i32>} : memref<4x2048x128xf32, #tpu.memory_space<vmem>>, vector<1x2048x128xf32>,
    %slice3A_59 = vector.extract_strided_slice %slice3A_2 {offsets = [0, 0], sizes = [2048, 1], strides = [1, 1]} : vector<2048x3xf32> to vector<2048x1xf32>
    %mul3A_60 = vector.broadcast %slice3A_59 : vector<2048x1xf32> to vector<2048x128xf32>
    %mul3A_61 = arith.mulf %slice3A_52, %mul3A_60 : vector<2048x128xf32>
    %swap3A_62 = arith.constant 1 : index
    %swap3A_63 = arith.constant 0 : index
    %swap3A_64 = arith.constant 0 : index
    %swap3A_65 = vector.load %arg10[%swap3A_62, %swap3A_63, %swap3A_64] : memref<4x2048x128xf32, #tpu.memory_space<vmem>>, vector<1x2048x128xf32>
    %swap3A_66 = vector.shape_cast %swap3A_65 : vector<1x2048x128xf32> to vector<2048x128xf32>
    %swap3A_67 = vector.shape_cast %mul3A_61 : vector<2048x128xf32> to vector<1x2048x128xf32>
    tpu.vector_store %arg10[%swap3A_62, %swap3A_63, %swap3A_64], %swap3A_67 {strides = array<i32>} : memref<4x2048x128xf32, #tpu.memory_space<vmem>>, vector<1x2048x128xf32>,
    %slice3A_68 = vector.extract_strided_slice %slice3A_2 {offsets = [0, 1], sizes = [2048, 1], strides = [1, 1]} : vector<2048x3xf32> to vector<2048x1xf32>
    %mul3A_69 = vector.broadcast %slice3A_68 : vector<2048x1xf32> to vector<2048x128xf32>
    %mul3A_70 = arith.mulf %slice3A_52, %mul3A_69 : vector<2048x128xf32>
    %swap3A_71 = arith.constant 2 : index
    %swap3A_72 = arith.constant 0 : index
    %swap3A_73 = arith.constant 0 : index
    %swap3A_74 = vector.load %arg10[%swap3A_71, %swap3A_72, %swap3A_73] : memref<4x2048x128xf32, #tpu.memory_space<vmem>>, vector<1x2048x128xf32>
    %swap3A_75 = vector.shape_cast %swap3A_74 : vector<1x2048x128xf32> to vector<2048x128xf32>
    %swap3A_76 = vector.shape_cast %mul3A_70 : vector<2048x128xf32> to vector<1x2048x128xf32>
    tpu.vector_store %arg10[%swap3A_71, %swap3A_72, %swap3A_73], %swap3A_76 {strides = array<i32>} : memref<4x2048x128xf32, #tpu.memory_space<vmem>>, vector<1x2048x128xf32>,
    %slice3A_77 = vector.extract_strided_slice %slice3A_2 {offsets = [0, 2], sizes = [2048, 1], strides = [1, 1]} : vector<2048x3xf32> to vector<2048x1xf32>
    %mul3A_78 = vector.broadcast %slice3A_77 : vector<2048x1xf32> to vector<2048x128xf32>
    %mul3A_79 = arith.mulf %slice3A_52, %mul3A_78 : vector<2048x128xf32>
    %swap3A_80 = arith.constant 3 : index
    %swap3A_81 = arith.constant 0 : index
    %swap3A_82 = arith.constant 0 : index
    %swap3A_83 = vector.load %arg10[%swap3A_80, %swap3A_81, %swap3A_82] : memref<4x2048x128xf32, #tpu.memory_space<vmem>>, vector<1x2048x128xf32>
    %swap3A_84 = vector.shape_cast %swap3A_83 : vector<1x2048x128xf32> to vector<2048x128xf32>
    %swap3A_85 = vector.shape_cast %mul3A_79 : vector<2048x128xf32> to vector<1x2048x128xf32>
    tpu.vector_store %arg10[%swap3A_80, %swap3A_81, %swap3A_82], %swap3A_85 {strides = array<i32>} : memref<4x2048x128xf32, #tpu.memory_space<vmem>>, vector<1x2048x128xf32>,
    return
  }
  func.func @transform_0(%arg0: i32) -> (i32, i32) {
    %c0_i32 = arith.constant 0 : i32
    %c0_i32_0 = arith.constant 0 : i32
    return %arg0, %c0_i32 : i32, i32
  }
  func.func @transform_1(%arg0: i32) -> (i32, i32) {
    %c0_i32 = arith.constant 0 : i32
    %c0_i32_0 = arith.constant 0 : i32
    return %arg0, %c0_i32 : i32, i32
  }
  func.func @transform_2(%arg0: i32) -> (i32, i32) {
    %c0_i32 = arith.constant 0 : i32
    %c0_i32_0 = arith.constant 0 : i32
    return %arg0, %c0_i32 : i32, i32
  }
  func.func @transform_3(%arg0: i32) -> (i32, i32) {
    %c0_i32 = arith.constant 0 : i32
    %c0_i32_0 = arith.constant 0 : i32
    %c0_i32_1 = arith.constant 0 : i32
    return %c0_i32, %c0_i32_0 : i32, i32
  }
  func.func @transform_4(%arg0: i32) -> (i32, i32) {
    %c0_i32 = arith.constant 0 : i32
    %c0_i32_0 = arith.constant 0 : i32
    %c0_i32_1 = arith.constant 0 : i32
    return %c0_i32, %c0_i32_0 : i32, i32
  }
  func.func @transform_5(%arg0: i32) -> (i32, i32) {
    %c0_i32 = arith.constant 0 : i32
    %c0_i32_0 = arith.constant 0 : i32
    %c0_i32_1 = arith.constant 0 : i32
    return %c0_i32, %c0_i32_0 : i32, i32
  }
  func.func @transform_6(%arg0: i32) -> (i32, i32) {
    %c0_i32 = arith.constant 0 : i32
    %c0_i32_0 = arith.constant 0 : i32
    %c0_i32_1 = arith.constant 0 : i32
    return %c0_i32, %c0_i32_0 : i32, i32
  }
  func.func @transform_7(%arg0: i32) -> (i32, i32) {
    %c0_i32 = arith.constant 0 : i32
    %c0_i32_0 = arith.constant 0 : i32
    %c0_i32_1 = arith.constant 0 : i32
    return %c0_i32, %c0_i32_0 : i32, i32
  }
  func.func @transform_8(%arg0: i32) -> (i32, i32) {
    %c0_i32 = arith.constant 0 : i32
    %c0_i32_0 = arith.constant 0 : i32
    %c0_i32_1 = arith.constant 0 : i32
    return %c0_i32, %c0_i32_0 : i32, i32
  }
  func.func @transform_9(%arg0: i32) -> (i32, i32, i32) {
    %c0_i32 = arith.constant 0 : i32
    %c0_i32_0 = arith.constant 0 : i32
    %c0_i32_1 = arith.constant 0 : i32
    return %c0_i32, %arg0, %c0_i32_0 : i32, i32, i32
  }
}

module attributes {stable_mosaic.version = 14 : i64} {
  func.func @_node_body(%arg0: i32, %arg1: memref<1024x128xf32, #tpu.memory_space<vmem>>, %arg2: memref<4x1024x128xf32, #tpu.memory_space<vmem>>, %arg3: memref<1024x384xf32, #tpu.memory_space<vmem>>, %arg4: memref<128x128xf32, #tpu.memory_space<vmem>>, %arg5: memref<128x128xf32, #tpu.memory_space<vmem>>, %arg6: memref<1x128xf32, #tpu.memory_space<vmem>>, %arg7: memref<128x128xf32, #tpu.memory_space<vmem>>, %arg8: memref<1x128xf32, #tpu.memory_space<vmem>>, %arg9: memref<128x128xf32, #tpu.memory_space<vmem>>, %arg10: memref<1024x128xf32, #tpu.memory_space<vmem>>, %arg11: memref<1024x384xf32, #tpu.memory_space<vmem>>) attributes {dimension_semantics = [#tpu.dimension_semantics<arbitrary>], iteration_bounds = array<i64: 10>, scalar_prefetch = 0 : i64, scratch_operands = 0 : i64, tpu.core_type = #tpu.core_type<tc>, window_params = [{transform_indices = @transform_0, window_bounds = array<i64: 1024, 128>}, {transform_indices = @transform_1, window_bounds = array<i64: 4, 1024, 128>}, {transform_indices = @transform_2, window_bounds = array<i64: 1024, 384>}, {pipeline_mode = #tpu.pipeline_mode<synchronous>, transform_indices = @transform_3, window_bounds = array<i64: 128, 128>}, {pipeline_mode = #tpu.pipeline_mode<synchronous>, transform_indices = @transform_4, window_bounds = array<i64: 128, 128>}, {pipeline_mode = #tpu.pipeline_mode<synchronous>, transform_indices = @transform_5, window_bounds = array<i64: 1, 128>}, {pipeline_mode = #tpu.pipeline_mode<synchronous>, transform_indices = @transform_6, window_bounds = array<i64: 128, 128>}, {pipeline_mode = #tpu.pipeline_mode<synchronous>, transform_indices = @transform_7, window_bounds = array<i64: 1, 128>}, {pipeline_mode = #tpu.pipeline_mode<synchronous>, transform_indices = @transform_8, window_bounds = array<i64: 128, 128>}, {transform_indices = @transform_9, window_bounds = array<i64: 1024, 128>}, {transform_indices = @transform_10, window_bounds = array<i64: 1024, 384>}]} {
    %get3A = arith.constant 0 : index
    %get3A_0 = arith.constant 0 : index
    %get3A_1 = vector.load %arg1[%get3A, %get3A_0] : memref<1024x128xf32, #tpu.memory_space<vmem>>, vector<1024x128xf32>
    %get3A_2 = arith.constant 0 : index
    %get3A_3 = arith.constant 0 : index
    %get3A_4 = arith.constant 0 : index
    %get3A_5 = vector.load %arg2[%get3A_2, %get3A_3, %get3A_4] : memref<4x1024x128xf32, #tpu.memory_space<vmem>>, vector<1x1024x128xf32>
    %get3A_6 = vector.shape_cast %get3A_5 : vector<1x1024x128xf32> to vector<1024x128xf32>
    %get3A_7 = arith.constant 0 : index
    %get3A_8 = arith.constant 0 : index
    %get3A_9 = vector.load %arg4[%get3A_7, %get3A_8] : memref<128x128xf32, #tpu.memory_space<vmem>>, vector<128x128xf32>
    %dot_general3A = arith.constant dense<0.000000e+00> : vector<1024x128xf32>
    %dot_general3A_10 = tpu.matmul %get3A_1, %get3A_9, %dot_general3A {dimension_numbers = #tpu.dot_dimension_numbers<[1], [0], [0], [1], [0, 0, 1, 1], [], []>, transpose_lhs_hint = false} : vector<1024x128xf32>, vector<128x128xf32>, vector<1024x128xf32> -> vector<1024x128xf32>
    %get3A_11 = arith.constant 0 : index
    %get3A_12 = arith.constant 0 : index
    %get3A_13 = vector.load %arg5[%get3A_11, %get3A_12] : memref<128x128xf32, #tpu.memory_space<vmem>>, vector<128x128xf32>
    %dot_general3A_14 = arith.constant dense<0.000000e+00> : vector<1024x128xf32>
    %dot_general3A_15 = tpu.matmul %get3A_6, %get3A_13, %dot_general3A_14 {dimension_numbers = #tpu.dot_dimension_numbers<[1], [0], [0], [1], [0, 0, 1, 1], [], []>, transpose_lhs_hint = false} : vector<1024x128xf32>, vector<128x128xf32>, vector<1024x128xf32> -> vector<1024x128xf32>
    %add3A = arith.addf %dot_general3A_10, %dot_general3A_15 : vector<1024x128xf32>
    %get3A_16 = arith.constant 0 : index
    %get3A_17 = arith.constant 0 : index
    %get3A_18 = vector.load %arg6[%get3A_16, %get3A_17] : memref<1x128xf32, #tpu.memory_space<vmem>>, vector<1x128xf32>
    %add3A_19 = vector.broadcast %get3A_18 : vector<1x128xf32> to vector<1024x128xf32>
    %add3A_20 = arith.addf %add3A, %add3A_19 : vector<1024x128xf32>
    %logistic3A = arith.negf %add3A_20 : vector<1024x128xf32>
    %logistic3A_21 = math.exp %logistic3A : vector<1024x128xf32>
    %logistic3A_22 = arith.constant 1.000000e+00 : f32
    %logistic3A_23 = vector.broadcast %logistic3A_22 : f32 to vector<1024x128xf32>
    %logistic3A_24 = arith.addf %logistic3A_23, %logistic3A_21 : vector<1024x128xf32>
    %logistic3A_25 = arith.divf %logistic3A_23, %logistic3A_24 : vector<1024x128xf32>
    %mul3A = arith.mulf %add3A_20, %logistic3A_25 : vector<1024x128xf32>
    %get3A_26 = arith.constant 0 : index
    %get3A_27 = arith.constant 0 : index
    %get3A_28 = vector.load %arg7[%get3A_26, %get3A_27] : memref<128x128xf32, #tpu.memory_space<vmem>>, vector<128x128xf32>
    %dot_general3A_29 = arith.constant dense<0.000000e+00> : vector<1024x128xf32>
    %dot_general3A_30 = tpu.matmul %mul3A, %get3A_28, %dot_general3A_29 {dimension_numbers = #tpu.dot_dimension_numbers<[1], [0], [0], [1], [0, 0, 1, 1], [], []>, transpose_lhs_hint = false} : vector<1024x128xf32>, vector<128x128xf32>, vector<1024x128xf32> -> vector<1024x128xf32>
    %add3A_31 = arith.addf %get3A_1, %dot_general3A_30 : vector<1024x128xf32>
    %get3A_32 = arith.constant 0 : index
    %get3A_33 = arith.constant 0 : index
    %get3A_34 = vector.load %arg8[%get3A_32, %get3A_33] : memref<1x128xf32, #tpu.memory_space<vmem>>, vector<1x128xf32>
    %add3A_35 = vector.broadcast %get3A_34 : vector<1x128xf32> to vector<1024x128xf32>
    %add3A_36 = arith.addf %add3A_31, %add3A_35 : vector<1024x128xf32>
    %swap3A = arith.constant 0 : index
    %swap3A_37 = arith.constant 0 : index
    %swap3A_38 = vector.load %arg10[%swap3A, %swap3A_37] : memref<1024x128xf32, #tpu.memory_space<vmem>>, vector<1024x128xf32>
    tpu.vector_store %arg10[%swap3A, %swap3A_37], %add3A_36 {strides = array<i32>} : memref<1024x128xf32, #tpu.memory_space<vmem>>, vector<1024x128xf32>,
    %get3A_39 = arith.constant 0 : index
    %get3A_40 = arith.constant 0 : index
    %get3A_41 = vector.load %arg3[%get3A_39, %get3A_40] : memref<1024x384xf32, #tpu.memory_space<vmem>>, vector<1024x128xf32>
    %get3A_42 = arith.constant 1 : index
    %get3A_43 = arith.constant 0 : index
    %get3A_44 = arith.constant 0 : index
    %get3A_45 = vector.load %arg2[%get3A_42, %get3A_43, %get3A_44] : memref<4x1024x128xf32, #tpu.memory_space<vmem>>, vector<1x1024x128xf32>
    %get3A_46 = vector.shape_cast %get3A_45 : vector<1x1024x128xf32> to vector<1024x128xf32>
    %add3A_47 = arith.addf %get3A_41, %get3A_46 : vector<1024x128xf32>
    %get3A_48 = arith.constant 0 : index
    %get3A_49 = arith.constant 0 : index
    %get3A_50 = vector.load %arg9[%get3A_48, %get3A_49] : memref<128x128xf32, #tpu.memory_space<vmem>>, vector<128x128xf32>
    %dot_general3A_51 = arith.constant dense<0.000000e+00> : vector<1024x128xf32>
    %dot_general3A_52 = tpu.matmul %get3A_41, %get3A_50, %dot_general3A_51 {dimension_numbers = #tpu.dot_dimension_numbers<[1], [0], [0], [1], [0, 0, 1, 1], [], []>, transpose_lhs_hint = false} : vector<1024x128xf32>, vector<128x128xf32>, vector<1024x128xf32> -> vector<1024x128xf32>
    %add3A_53 = arith.addf %add3A_47, %dot_general3A_52 : vector<1024x128xf32>
    %swap3A_54 = arith.constant 0 : index
    %swap3A_55 = arith.constant 0 : index
    %swap3A_56 = vector.load %arg11[%swap3A_54, %swap3A_55] : memref<1024x384xf32, #tpu.memory_space<vmem>>, vector<1024x128xf32>
    tpu.vector_store %arg11[%swap3A_54, %swap3A_55], %add3A_53 {strides = array<i32>} : memref<1024x384xf32, #tpu.memory_space<vmem>>, vector<1024x128xf32>,
    %get3A_57 = arith.constant 0 : index
    %get3A_58 = arith.constant 128 : index
    %get3A_59 = vector.load %arg3[%get3A_57, %get3A_58] : memref<1024x384xf32, #tpu.memory_space<vmem>>, vector<1024x128xf32>
    %get3A_60 = arith.constant 2 : index
    %get3A_61 = arith.constant 0 : index
    %get3A_62 = arith.constant 0 : index
    %get3A_63 = vector.load %arg2[%get3A_60, %get3A_61, %get3A_62] : memref<4x1024x128xf32, #tpu.memory_space<vmem>>, vector<1x1024x128xf32>
    %get3A_64 = vector.shape_cast %get3A_63 : vector<1x1024x128xf32> to vector<1024x128xf32>
    %add3A_65 = arith.addf %get3A_59, %get3A_64 : vector<1024x128xf32>
    %get3A_66 = arith.constant 0 : index
    %get3A_67 = arith.constant 0 : index
    %get3A_68 = vector.load %arg9[%get3A_66, %get3A_67] : memref<128x128xf32, #tpu.memory_space<vmem>>, vector<128x128xf32>
    %dot_general3A_69 = arith.constant dense<0.000000e+00> : vector<1024x128xf32>
    %dot_general3A_70 = tpu.matmul %get3A_59, %get3A_68, %dot_general3A_69 {dimension_numbers = #tpu.dot_dimension_numbers<[1], [0], [0], [1], [0, 0, 1, 1], [], []>, transpose_lhs_hint = false} : vector<1024x128xf32>, vector<128x128xf32>, vector<1024x128xf32> -> vector<1024x128xf32>
    %add3A_71 = arith.addf %add3A_65, %dot_general3A_70 : vector<1024x128xf32>
    %swap3A_72 = arith.constant 0 : index
    %swap3A_73 = arith.constant 128 : index
    %swap3A_74 = vector.load %arg11[%swap3A_72, %swap3A_73] : memref<1024x384xf32, #tpu.memory_space<vmem>>, vector<1024x128xf32>
    tpu.vector_store %arg11[%swap3A_72, %swap3A_73], %add3A_71 {strides = array<i32>} : memref<1024x384xf32, #tpu.memory_space<vmem>>, vector<1024x128xf32>,
    %get3A_75 = arith.constant 0 : index
    %get3A_76 = arith.constant 256 : index
    %get3A_77 = vector.load %arg3[%get3A_75, %get3A_76] : memref<1024x384xf32, #tpu.memory_space<vmem>>, vector<1024x128xf32>
    %get3A_78 = arith.constant 3 : index
    %get3A_79 = arith.constant 0 : index
    %get3A_80 = arith.constant 0 : index
    %get3A_81 = vector.load %arg2[%get3A_78, %get3A_79, %get3A_80] : memref<4x1024x128xf32, #tpu.memory_space<vmem>>, vector<1x1024x128xf32>
    %get3A_82 = vector.shape_cast %get3A_81 : vector<1x1024x128xf32> to vector<1024x128xf32>
    %add3A_83 = arith.addf %get3A_77, %get3A_82 : vector<1024x128xf32>
    %get3A_84 = arith.constant 0 : index
    %get3A_85 = arith.constant 0 : index
    %get3A_86 = vector.load %arg9[%get3A_84, %get3A_85] : memref<128x128xf32, #tpu.memory_space<vmem>>, vector<128x128xf32>
    %dot_general3A_87 = arith.constant dense<0.000000e+00> : vector<1024x128xf32>
    %dot_general3A_88 = tpu.matmul %get3A_77, %get3A_86, %dot_general3A_87 {dimension_numbers = #tpu.dot_dimension_numbers<[1], [0], [0], [1], [0, 0, 1, 1], [], []>, transpose_lhs_hint = false} : vector<1024x128xf32>, vector<128x128xf32>, vector<1024x128xf32> -> vector<1024x128xf32>
    %add3A_89 = arith.addf %add3A_83, %dot_general3A_88 : vector<1024x128xf32>
    %swap3A_90 = arith.constant 0 : index
    %swap3A_91 = arith.constant 256 : index
    %swap3A_92 = vector.load %arg11[%swap3A_90, %swap3A_91] : memref<1024x384xf32, #tpu.memory_space<vmem>>, vector<1024x128xf32>
    tpu.vector_store %arg11[%swap3A_90, %swap3A_91], %add3A_89 {strides = array<i32>} : memref<1024x384xf32, #tpu.memory_space<vmem>>, vector<1024x128xf32>,
    return
  }
  func.func @transform_0(%arg0: i32) -> (i32, i32) {
    %c0_i32 = arith.constant 0 : i32
    %c0_i32_0 = arith.constant 0 : i32
    return %arg0, %c0_i32 : i32, i32
  }
  func.func @transform_1(%arg0: i32) -> (i32, i32, i32) {
    %c0_i32 = arith.constant 0 : i32
    %c0_i32_0 = arith.constant 0 : i32
    %c0_i32_1 = arith.constant 0 : i32
    return %c0_i32, %arg0, %c0_i32_0 : i32, i32, i32
  }
  func.func @transform_2(%arg0: i32) -> (i32, i32) {
    %c0_i32 = arith.constant 0 : i32
    %c0_i32_0 = arith.constant 0 : i32
    return %arg0, %c0_i32 : i32, i32
  }
  func.func @transform_3(%arg0: i32) -> (i32, i32) {
    %c0_i32 = arith.constant 0 : i32
    %c0_i32_0 = arith.constant 0 : i32
    %c0_i32_1 = arith.constant 0 : i32
    return %c0_i32, %c0_i32_0 : i32, i32
  }
  func.func @transform_4(%arg0: i32) -> (i32, i32) {
    %c0_i32 = arith.constant 0 : i32
    %c0_i32_0 = arith.constant 0 : i32
    %c0_i32_1 = arith.constant 0 : i32
    return %c0_i32, %c0_i32_0 : i32, i32
  }
  func.func @transform_5(%arg0: i32) -> (i32, i32) {
    %c0_i32 = arith.constant 0 : i32
    %c0_i32_0 = arith.constant 0 : i32
    %c0_i32_1 = arith.constant 0 : i32
    return %c0_i32, %c0_i32_0 : i32, i32
  }
  func.func @transform_6(%arg0: i32) -> (i32, i32) {
    %c0_i32 = arith.constant 0 : i32
    %c0_i32_0 = arith.constant 0 : i32
    %c0_i32_1 = arith.constant 0 : i32
    return %c0_i32, %c0_i32_0 : i32, i32
  }
  func.func @transform_7(%arg0: i32) -> (i32, i32) {
    %c0_i32 = arith.constant 0 : i32
    %c0_i32_0 = arith.constant 0 : i32
    %c0_i32_1 = arith.constant 0 : i32
    return %c0_i32, %c0_i32_0 : i32, i32
  }
  func.func @transform_8(%arg0: i32) -> (i32, i32) {
    %c0_i32 = arith.constant 0 : i32
    %c0_i32_0 = arith.constant 0 : i32
    %c0_i32_1 = arith.constant 0 : i32
    return %c0_i32, %c0_i32_0 : i32, i32
  }
  func.func @transform_9(%arg0: i32) -> (i32, i32) {
    %c0_i32 = arith.constant 0 : i32
    %c0_i32_0 = arith.constant 0 : i32
    return %arg0, %c0_i32 : i32, i32
  }
  func.func @transform_10(%arg0: i32) -> (i32, i32) {
    %c0_i32 = arith.constant 0 : i32
    %c0_i32_0 = arith.constant 0 : i32
    return %arg0, %c0_i32 : i32, i32
  }
}

module attributes {stable_mosaic.version = 14 : i64} {
  func.func @_node_body(%arg0: i32, %arg1: memref<1024x128xf32, #tpu.memory_space<vmem>>, %arg2: memref<4x1024x128xf32, #tpu.memory_space<vmem>>, %arg3: memref<1024x384xf32, #tpu.memory_space<vmem>>, %arg4: memref<128x128xf32, #tpu.memory_space<vmem>>, %arg5: memref<128x128xf32, #tpu.memory_space<vmem>>, %arg6: memref<1x128xf32, #tpu.memory_space<vmem>>, %arg7: memref<128x128xf32, #tpu.memory_space<vmem>>, %arg8: memref<1x128xf32, #tpu.memory_space<vmem>>, %arg9: memref<128x128xf32, #tpu.memory_space<vmem>>, %arg10: memref<1024x128xf32, #tpu.memory_space<vmem>>, %arg11: memref<1024x384xf32, #tpu.memory_space<vmem>>) attributes {dimension_semantics = [#tpu.dimension_semantics<arbitrary>], iteration_bounds = array<i64: 10>, scalar_prefetch = 0 : i64, scratch_operands = 0 : i64, tpu.core_type = #tpu.core_type<tc>, window_params = [{transform_indices = @transform_0, window_bounds = array<i64: 1024, 128>}, {transform_indices = @transform_1, window_bounds = array<i64: 4, 1024, 128>}, {transform_indices = @transform_2, window_bounds = array<i64: 1024, 384>}, {pipeline_mode = #tpu.pipeline_mode<synchronous>, transform_indices = @transform_3, window_bounds = array<i64: 128, 128>}, {pipeline_mode = #tpu.pipeline_mode<synchronous>, transform_indices = @transform_4, window_bounds = array<i64: 128, 128>}, {pipeline_mode = #tpu.pipeline_mode<synchronous>, transform_indices = @transform_5, window_bounds = array<i64: 1, 128>}, {pipeline_mode = #tpu.pipeline_mode<synchronous>, transform_indices = @transform_6, window_bounds = array<i64: 128, 128>}, {pipeline_mode = #tpu.pipeline_mode<synchronous>, transform_indices = @transform_7, window_bounds = array<i64: 1, 128>}, {pipeline_mode = #tpu.pipeline_mode<synchronous>, transform_indices = @transform_8, window_bounds = array<i64: 128, 128>}, {transform_indices = @transform_9, window_bounds = array<i64: 1024, 128>}, {transform_indices = @transform_10, window_bounds = array<i64: 1024, 384>}]} {
    %get3A = arith.constant 0 : index
    %get3A_0 = arith.constant 0 : index
    %get3A_1 = vector.load %arg1[%get3A, %get3A_0] : memref<1024x128xf32, #tpu.memory_space<vmem>>, vector<1024x128xf32>
    %get3A_2 = arith.constant 0 : index
    %get3A_3 = arith.constant 0 : index
    %get3A_4 = arith.constant 0 : index
    %get3A_5 = vector.load %arg2[%get3A_2, %get3A_3, %get3A_4] : memref<4x1024x128xf32, #tpu.memory_space<vmem>>, vector<1x1024x128xf32>
    %get3A_6 = vector.shape_cast %get3A_5 : vector<1x1024x128xf32> to vector<1024x128xf32>
    %get3A_7 = arith.constant 0 : index
    %get3A_8 = arith.constant 0 : index
    %get3A_9 = vector.load %arg4[%get3A_7, %get3A_8] : memref<128x128xf32, #tpu.memory_space<vmem>>, vector<128x128xf32>
    %dot_general3A = arith.constant dense<0.000000e+00> : vector<1024x128xf32>
    %dot_general3A_10 = tpu.matmul %get3A_1, %get3A_9, %dot_general3A {dimension_numbers = #tpu.dot_dimension_numbers<[1], [0], [0], [1], [0, 0, 1, 1], [], []>, transpose_lhs_hint = false} : vector<1024x128xf32>, vector<128x128xf32>, vector<1024x128xf32> -> vector<1024x128xf32>
    %get3A_11 = arith.constant 0 : index
    %get3A_12 = arith.constant 0 : index
    %get3A_13 = vector.load %arg5[%get3A_11, %get3A_12] : memref<128x128xf32, #tpu.memory_space<vmem>>, vector<128x128xf32>
    %dot_general3A_14 = arith.constant dense<0.000000e+00> : vector<1024x128xf32>
    %dot_general3A_15 = tpu.matmul %get3A_6, %get3A_13, %dot_general3A_14 {dimension_numbers = #tpu.dot_dimension_numbers<[1], [0], [0], [1], [0, 0, 1, 1], [], []>, transpose_lhs_hint = false} : vector<1024x128xf32>, vector<128x128xf32>, vector<1024x128xf32> -> vector<1024x128xf32>
    %add3A = arith.addf %dot_general3A_10, %dot_general3A_15 : vector<1024x128xf32>
    %get3A_16 = arith.constant 0 : index
    %get3A_17 = arith.constant 0 : index
    %get3A_18 = vector.load %arg6[%get3A_16, %get3A_17] : memref<1x128xf32, #tpu.memory_space<vmem>>, vector<1x128xf32>
    %add3A_19 = vector.broadcast %get3A_18 : vector<1x128xf32> to vector<1024x128xf32>
    %add3A_20 = arith.addf %add3A, %add3A_19 : vector<1024x128xf32>
    %logistic3A = arith.negf %add3A_20 : vector<1024x128xf32>
    %logistic3A_21 = math.exp %logistic3A : vector<1024x128xf32>
    %logistic3A_22 = arith.constant 1.000000e+00 : f32
    %logistic3A_23 = vector.broadcast %logistic3A_22 : f32 to vector<1024x128xf32>
    %logistic3A_24 = arith.addf %logistic3A_23, %logistic3A_21 : vector<1024x128xf32>
    %logistic3A_25 = arith.divf %logistic3A_23, %logistic3A_24 : vector<1024x128xf32>
    %mul3A = arith.mulf %add3A_20, %logistic3A_25 : vector<1024x128xf32>
    %get3A_26 = arith.constant 0 : index
    %get3A_27 = arith.constant 0 : index
    %get3A_28 = vector.load %arg7[%get3A_26, %get3A_27] : memref<128x128xf32, #tpu.memory_space<vmem>>, vector<128x128xf32>
    %dot_general3A_29 = arith.constant dense<0.000000e+00> : vector<1024x128xf32>
    %dot_general3A_30 = tpu.matmul %mul3A, %get3A_28, %dot_general3A_29 {dimension_numbers = #tpu.dot_dimension_numbers<[1], [0], [0], [1], [0, 0, 1, 1], [], []>, transpose_lhs_hint = false} : vector<1024x128xf32>, vector<128x128xf32>, vector<1024x128xf32> -> vector<1024x128xf32>
    %add3A_31 = arith.addf %get3A_1, %dot_general3A_30 : vector<1024x128xf32>
    %get3A_32 = arith.constant 0 : index
    %get3A_33 = arith.constant 0 : index
    %get3A_34 = vector.load %arg8[%get3A_32, %get3A_33] : memref<1x128xf32, #tpu.memory_space<vmem>>, vector<1x128xf32>
    %add3A_35 = vector.broadcast %get3A_34 : vector<1x128xf32> to vector<1024x128xf32>
    %add3A_36 = arith.addf %add3A_31, %add3A_35 : vector<1024x128xf32>
    %swap3A = arith.constant 0 : index
    %swap3A_37 = arith.constant 0 : index
    %swap3A_38 = vector.load %arg10[%swap3A, %swap3A_37] : memref<1024x128xf32, #tpu.memory_space<vmem>>, vector<1024x128xf32>
    tpu.vector_store %arg10[%swap3A, %swap3A_37], %add3A_36 {strides = array<i32>} : memref<1024x128xf32, #tpu.memory_space<vmem>>, vector<1024x128xf32>,
    %get3A_39 = arith.constant 0 : index
    %get3A_40 = arith.constant 0 : index
    %get3A_41 = vector.load %arg3[%get3A_39, %get3A_40] : memref<1024x384xf32, #tpu.memory_space<vmem>>, vector<1024x128xf32>
    %get3A_42 = arith.constant 1 : index
    %get3A_43 = arith.constant 0 : index
    %get3A_44 = arith.constant 0 : index
    %get3A_45 = vector.load %arg2[%get3A_42, %get3A_43, %get3A_44] : memref<4x1024x128xf32, #tpu.memory_space<vmem>>, vector<1x1024x128xf32>
    %get3A_46 = vector.shape_cast %get3A_45 : vector<1x1024x128xf32> to vector<1024x128xf32>
    %add3A_47 = arith.addf %get3A_41, %get3A_46 : vector<1024x128xf32>
    %get3A_48 = arith.constant 0 : index
    %get3A_49 = arith.constant 0 : index
    %get3A_50 = vector.load %arg9[%get3A_48, %get3A_49] : memref<128x128xf32, #tpu.memory_space<vmem>>, vector<128x128xf32>
    %dot_general3A_51 = arith.constant dense<0.000000e+00> : vector<1024x128xf32>
    %dot_general3A_52 = tpu.matmul %get3A_41, %get3A_50, %dot_general3A_51 {dimension_numbers = #tpu.dot_dimension_numbers<[1], [0], [0], [1], [0, 0, 1, 1], [], []>, transpose_lhs_hint = false} : vector<1024x128xf32>, vector<128x128xf32>, vector<1024x128xf32> -> vector<1024x128xf32>
    %add3A_53 = arith.addf %add3A_47, %dot_general3A_52 : vector<1024x128xf32>
    %swap3A_54 = arith.constant 0 : index
    %swap3A_55 = arith.constant 0 : index
    %swap3A_56 = vector.load %arg11[%swap3A_54, %swap3A_55] : memref<1024x384xf32, #tpu.memory_space<vmem>>, vector<1024x128xf32>
    tpu.vector_store %arg11[%swap3A_54, %swap3A_55], %add3A_53 {strides = array<i32>} : memref<1024x384xf32, #tpu.memory_space<vmem>>, vector<1024x128xf32>,
    %get3A_57 = arith.constant 0 : index
    %get3A_58 = arith.constant 128 : index
    %get3A_59 = vector.load %arg3[%get3A_57, %get3A_58] : memref<1024x384xf32, #tpu.memory_space<vmem>>, vector<1024x128xf32>
    %get3A_60 = arith.constant 2 : index
    %get3A_61 = arith.constant 0 : index
    %get3A_62 = arith.constant 0 : index
    %get3A_63 = vector.load %arg2[%get3A_60, %get3A_61, %get3A_62] : memref<4x1024x128xf32, #tpu.memory_space<vmem>>, vector<1x1024x128xf32>
    %get3A_64 = vector.shape_cast %get3A_63 : vector<1x1024x128xf32> to vector<1024x128xf32>
    %add3A_65 = arith.addf %get3A_59, %get3A_64 : vector<1024x128xf32>
    %get3A_66 = arith.constant 0 : index
    %get3A_67 = arith.constant 0 : index
    %get3A_68 = vector.load %arg9[%get3A_66, %get3A_67] : memref<128x128xf32, #tpu.memory_space<vmem>>, vector<128x128xf32>
    %dot_general3A_69 = arith.constant dense<0.000000e+00> : vector<1024x128xf32>
    %dot_general3A_70 = tpu.matmul %get3A_59, %get3A_68, %dot_general3A_69 {dimension_numbers = #tpu.dot_dimension_numbers<[1], [0], [0], [1], [0, 0, 1, 1], [], []>, transpose_lhs_hint = false} : vector<1024x128xf32>, vector<128x128xf32>, vector<1024x128xf32> -> vector<1024x128xf32>
    %add3A_71 = arith.addf %add3A_65, %dot_general3A_70 : vector<1024x128xf32>
    %swap3A_72 = arith.constant 0 : index
    %swap3A_73 = arith.constant 128 : index
    %swap3A_74 = vector.load %arg11[%swap3A_72, %swap3A_73] : memref<1024x384xf32, #tpu.memory_space<vmem>>, vector<1024x128xf32>
    tpu.vector_store %arg11[%swap3A_72, %swap3A_73], %add3A_71 {strides = array<i32>} : memref<1024x384xf32, #tpu.memory_space<vmem>>, vector<1024x128xf32>,
    %get3A_75 = arith.constant 0 : index
    %get3A_76 = arith.constant 256 : index
    %get3A_77 = vector.load %arg3[%get3A_75, %get3A_76] : memref<1024x384xf32, #tpu.memory_space<vmem>>, vector<1024x128xf32>
    %get3A_78 = arith.constant 3 : index
    %get3A_79 = arith.constant 0 : index
    %get3A_80 = arith.constant 0 : index
    %get3A_81 = vector.load %arg2[%get3A_78, %get3A_79, %get3A_80] : memref<4x1024x128xf32, #tpu.memory_space<vmem>>, vector<1x1024x128xf32>
    %get3A_82 = vector.shape_cast %get3A_81 : vector<1x1024x128xf32> to vector<1024x128xf32>
    %add3A_83 = arith.addf %get3A_77, %get3A_82 : vector<1024x128xf32>
    %get3A_84 = arith.constant 0 : index
    %get3A_85 = arith.constant 0 : index
    %get3A_86 = vector.load %arg9[%get3A_84, %get3A_85] : memref<128x128xf32, #tpu.memory_space<vmem>>, vector<128x128xf32>
    %dot_general3A_87 = arith.constant dense<0.000000e+00> : vector<1024x128xf32>
    %dot_general3A_88 = tpu.matmul %get3A_77, %get3A_86, %dot_general3A_87 {dimension_numbers = #tpu.dot_dimension_numbers<[1], [0], [0], [1], [0, 0, 1, 1], [], []>, transpose_lhs_hint = false} : vector<1024x128xf32>, vector<128x128xf32>, vector<1024x128xf32> -> vector<1024x128xf32>
    %add3A_89 = arith.addf %add3A_83, %dot_general3A_88 : vector<1024x128xf32>
    %swap3A_90 = arith.constant 0 : index
    %swap3A_91 = arith.constant 256 : index
    %swap3A_92 = vector.load %arg11[%swap3A_90, %swap3A_91] : memref<1024x384xf32, #tpu.memory_space<vmem>>, vector<1024x128xf32>
    tpu.vector_store %arg11[%swap3A_90, %swap3A_91], %add3A_89 {strides = array<i32>} : memref<1024x384xf32, #tpu.memory_space<vmem>>, vector<1024x128xf32>,
    return
  }
  func.func @transform_0(%arg0: i32) -> (i32, i32) {
    %c0_i32 = arith.constant 0 : i32
    %c0_i32_0 = arith.constant 0 : i32
    return %arg0, %c0_i32 : i32, i32
  }
  func.func @transform_1(%arg0: i32) -> (i32, i32, i32) {
    %c0_i32 = arith.constant 0 : i32
    %c0_i32_0 = arith.constant 0 : i32
    %c0_i32_1 = arith.constant 0 : i32
    return %c0_i32, %arg0, %c0_i32_0 : i32, i32, i32
  }
  func.func @transform_2(%arg0: i32) -> (i32, i32) {
    %c0_i32 = arith.constant 0 : i32
    %c0_i32_0 = arith.constant 0 : i32
    return %arg0, %c0_i32 : i32, i32
  }
  func.func @transform_3(%arg0: i32) -> (i32, i32) {
    %c0_i32 = arith.constant 0 : i32
    %c0_i32_0 = arith.constant 0 : i32
    %c0_i32_1 = arith.constant 0 : i32
    return %c0_i32, %c0_i32_0 : i32, i32
  }
  func.func @transform_4(%arg0: i32) -> (i32, i32) {
    %c0_i32 = arith.constant 0 : i32
    %c0_i32_0 = arith.constant 0 : i32
    %c0_i32_1 = arith.constant 0 : i32
    return %c0_i32, %c0_i32_0 : i32, i32
  }
  func.func @transform_5(%arg0: i32) -> (i32, i32) {
    %c0_i32 = arith.constant 0 : i32
    %c0_i32_0 = arith.constant 0 : i32
    %c0_i32_1 = arith.constant 0 : i32
    return %c0_i32, %c0_i32_0 : i32, i32
  }
  func.func @transform_6(%arg0: i32) -> (i32, i32) {
    %c0_i32 = arith.constant 0 : i32
    %c0_i32_0 = arith.constant 0 : i32
    %c0_i32_1 = arith.constant 0 : i32
    return %c0_i32, %c0_i32_0 : i32, i32
  }
  func.func @transform_7(%arg0: i32) -> (i32, i32) {
    %c0_i32 = arith.constant 0 : i32
    %c0_i32_0 = arith.constant 0 : i32
    %c0_i32_1 = arith.constant 0 : i32
    return %c0_i32, %c0_i32_0 : i32, i32
  }
  func.func @transform_8(%arg0: i32) -> (i32, i32) {
    %c0_i32 = arith.constant 0 : i32
    %c0_i32_0 = arith.constant 0 : i32
    %c0_i32_1 = arith.constant 0 : i32
    return %c0_i32, %c0_i32_0 : i32, i32
  }
  func.func @transform_9(%arg0: i32) -> (i32, i32) {
    %c0_i32 = arith.constant 0 : i32
    %c0_i32_0 = arith.constant 0 : i32
    return %arg0, %c0_i32 : i32, i32
  }
  func.func @transform_10(%arg0: i32) -> (i32, i32) {
    %c0_i32 = arith.constant 0 : i32
    %c0_i32_0 = arith.constant 0 : i32
    return %arg0, %c0_i32 : i32, i32
  }
}

module attributes {stable_mosaic.version = 14 : i64} {
  func.func @_pool_body(%arg0: i32, %arg1: memref<1x1x1024xi32, #tpu.memory_space<vmem>>, %arg2: memref<1024x384xf32, #tpu.memory_space<vmem>>, %arg3: memref<1x128xf32, #tpu.memory_space<vmem>>, %arg4: memref<8x128xf32, #tpu.memory_space<vmem>>, %arg5: memref<64x128xf32, #tpu.memory_space<vmem>>) attributes {dimension_semantics = [#tpu.dimension_semantics<arbitrary>], iteration_bounds = array<i64: 10>, scalar_prefetch = 0 : i64, scratch_operands = 0 : i64, tpu.core_type = #tpu.core_type<tc>, window_params = [{transform_indices = @transform_0, window_bounds = array<i64: 1, 1, 1024>}, {transform_indices = @transform_1, window_bounds = array<i64: 1024, 384>}, {pipeline_mode = #tpu.pipeline_mode<synchronous>, transform_indices = @transform_2, window_bounds = array<i64: 1, 128>}, {pipeline_mode = #tpu.pipeline_mode<synchronous>, transform_indices = @transform_3, window_bounds = array<i64: 8, 128>}, {pipeline_mode = #tpu.pipeline_mode<synchronous>, transform_indices = @transform_4, window_bounds = array<i64: 64, 128>}]} {
    %eq3A = arith.constant 0 : i32
    %eq3A_0 = arith.cmpi eq, %arg0, %eq3A : i32
    %convert_element_type3A = arith.extui %eq3A_0 : i1 to i32
    %cond3A = arith.constant 0 : i32
    %cond3A_1 = arith.cmpi ne, %convert_element_type3A, %cond3A : i32
    scf.if %cond3A_1 {
      %broadcast_in_dim3A_63 = arith.constant 0.000000e+00 : f32
      %broadcast_in_dim3A_64 = vector.broadcast %broadcast_in_dim3A_63 : f32 to vector<64x128xf32>
      %swap3A_65 = arith.constant 0 : index
      %swap3A_66 = arith.constant 0 : index
      %swap3A_67 = vector.load %arg5[%swap3A_65, %swap3A_66] : memref<64x128xf32, #tpu.memory_space<vmem>>, vector<64x128xf32>
      tpu.vector_store %arg5[%swap3A_65, %swap3A_66], %broadcast_in_dim3A_64 {strides = array<i32>} : memref<64x128xf32, #tpu.memory_space<vmem>>, vector<64x128xf32>,
    } else {
    }
    %get3A = arith.constant 0 : index
    %get3A_2 = arith.constant 0 : index
    %get3A_3 = arith.constant 0 : index
    %get3A_4 = vector.load %arg1[%get3A, %get3A_2, %get3A_3] : memref<1x1x1024xi32, #tpu.memory_space<vmem>>, vector<1x1x1024xi32>
    %get3A_5 = vector.shape_cast %get3A_4 : vector<1x1x1024xi32> to vector<1x1024xi32>
    %iota3A = tpu.iota {dimensions = array<i32: 0>} : vector<64x1024xi32>
    %eq3A_6 = vector.broadcast %get3A_5 : vector<1x1024xi32> to vector<64x1024xi32>
    %eq3A_7 = arith.cmpi eq, %iota3A, %eq3A_6 : vector<64x1024xi32>
    %convert_element_type3A_8 = arith.extui %eq3A_7 : vector<64x1024xi1> to vector<64x1024xi32>
    %convert_element_type3A_9 = arith.sitofp %convert_element_type3A_8 : vector<64x1024xi32> to vector<64x1024xf32>
    %get3A_10 = arith.constant 0 : index
    %get3A_11 = arith.constant 0 : index
    %get3A_12 = vector.load %arg3[%get3A_10, %get3A_11] : memref<1x128xf32, #tpu.memory_space<vmem>>, vector<1x128xf32>
    %broadcast_in_dim3A = arith.constant 0.000000e+00 : f32
    %broadcast_in_dim3A_13 = vector.broadcast %broadcast_in_dim3A : f32 to vector<1024x128xf32>
    %get3A_14 = arith.constant 0 : index
    %get3A_15 = arith.constant 0 : index
    %get3A_16 = vector.load %arg2[%get3A_14, %get3A_15] : memref<1024x384xf32, #tpu.memory_space<vmem>>, vector<1024x128xf32>
    %mul3A = vector.broadcast %get3A_12 : vector<1x128xf32> to vector<1024x128xf32>
    %mul3A_17 = arith.mulf %get3A_16, %mul3A : vector<1024x128xf32>
    %reduce_sum3A = arith.constant dense<0.000000e+00> : vector<1024xf32>
    %reduce_sum3A_18 = vector.multi_reduction <add>, %mul3A_17, %reduce_sum3A [1] : vector<1024x128xf32> to vector<1024xf32>
    %broadcast_in_dim3A_19 = vector.shape_cast %reduce_sum3A_18 : vector<1024xf32> to vector<1024x1xf32>
    %get3A_20 = arith.constant 0 : index
    %get3A_21 = arith.constant 0 : index
    %get3A_22 = vector.load %arg4[%get3A_20, %get3A_21] : memref<8x128xf32, #tpu.memory_space<vmem>>, vector<1x128xf32>
    %mul3A_23 = vector.broadcast %broadcast_in_dim3A_19 : vector<1024x1xf32> to vector<1024x128xf32>
    %mul3A_24 = vector.broadcast %get3A_22 : vector<1x128xf32> to vector<1024x128xf32>
    %mul3A_25 = arith.mulf %mul3A_23, %mul3A_24 : vector<1024x128xf32>
    %add3A = arith.addf %broadcast_in_dim3A_13, %mul3A_25 : vector<1024x128xf32>
    %get3A_26 = arith.constant 0 : index
    %get3A_27 = arith.constant 128 : index
    %get3A_28 = vector.load %arg2[%get3A_26, %get3A_27] : memref<1024x384xf32, #tpu.memory_space<vmem>>, vector<1024x128xf32>
    %mul3A_29 = vector.broadcast %get3A_12 : vector<1x128xf32> to vector<1024x128xf32>
    %mul3A_30 = arith.mulf %get3A_28, %mul3A_29 : vector<1024x128xf32>
    %reduce_sum3A_31 = arith.constant dense<0.000000e+00> : vector<1024xf32>
    %reduce_sum3A_32 = vector.multi_reduction <add>, %mul3A_30, %reduce_sum3A_31 [1] : vector<1024x128xf32> to vector<1024xf32>
    %broadcast_in_dim3A_33 = vector.shape_cast %reduce_sum3A_32 : vector<1024xf32> to vector<1024x1xf32>
    %get3A_34 = arith.constant 1 : index
    %get3A_35 = arith.constant 0 : index
    %get3A_36 = vector.load %arg4[%get3A_34, %get3A_35] : memref<8x128xf32, #tpu.memory_space<vmem>>, vector<1x128xf32>
    %mul3A_37 = vector.broadcast %broadcast_in_dim3A_33 : vector<1024x1xf32> to vector<1024x128xf32>
    %mul3A_38 = vector.broadcast %get3A_36 : vector<1x128xf32> to vector<1024x128xf32>
    %mul3A_39 = arith.mulf %mul3A_37, %mul3A_38 : vector<1024x128xf32>
    %add3A_40 = arith.addf %add3A, %mul3A_39 : vector<1024x128xf32>
    %get3A_41 = arith.constant 0 : index
    %get3A_42 = arith.constant 256 : index
    %get3A_43 = vector.load %arg2[%get3A_41, %get3A_42] : memref<1024x384xf32, #tpu.memory_space<vmem>>, vector<1024x128xf32>
    %mul3A_44 = vector.broadcast %get3A_12 : vector<1x128xf32> to vector<1024x128xf32>
    %mul3A_45 = arith.mulf %get3A_43, %mul3A_44 : vector<1024x128xf32>
    %reduce_sum3A_46 = arith.constant dense<0.000000e+00> : vector<1024xf32>
    %reduce_sum3A_47 = vector.multi_reduction <add>, %mul3A_45, %reduce_sum3A_46 [1] : vector<1024x128xf32> to vector<1024xf32>
    %broadcast_in_dim3A_48 = vector.shape_cast %reduce_sum3A_47 : vector<1024xf32> to vector<1024x1xf32>
    %get3A_49 = arith.constant 2 : index
    %get3A_50 = arith.constant 0 : index
    %get3A_51 = vector.load %arg4[%get3A_49, %get3A_50] : memref<8x128xf32, #tpu.memory_space<vmem>>, vector<1x128xf32>
    %mul3A_52 = vector.broadcast %broadcast_in_dim3A_48 : vector<1024x1xf32> to vector<1024x128xf32>
    %mul3A_53 = vector.broadcast %get3A_51 : vector<1x128xf32> to vector<1024x128xf32>
    %mul3A_54 = arith.mulf %mul3A_52, %mul3A_53 : vector<1024x128xf32>
    %add3A_55 = arith.addf %add3A_40, %mul3A_54 : vector<1024x128xf32>
    %get3A_56 = arith.constant 0 : index
    %get3A_57 = arith.constant 0 : index
    %get3A_58 = vector.load %arg5[%get3A_56, %get3A_57] : memref<64x128xf32, #tpu.memory_space<vmem>>, vector<64x128xf32>
    %dot_general3A = arith.constant dense<0.000000e+00> : vector<64x128xf32>
    %dot_general3A_59 = tpu.matmul %convert_element_type3A_9, %add3A_55, %dot_general3A {dimension_numbers = #tpu.dot_dimension_numbers<[1], [0], [0], [1], [0, 0, 1, 1], [], []>, transpose_lhs_hint = false} : vector<64x1024xf32>, vector<1024x128xf32>, vector<64x128xf32> -> vector<64x128xf32>
    %add3A_60 = arith.addf %get3A_58, %dot_general3A_59 : vector<64x128xf32>
    %swap3A = arith.constant 0 : index
    %swap3A_61 = arith.constant 0 : index
    %swap3A_62 = vector.load %arg5[%swap3A, %swap3A_61] : memref<64x128xf32, #tpu.memory_space<vmem>>, vector<64x128xf32>
    tpu.vector_store %arg5[%swap3A, %swap3A_61], %add3A_60 {strides = array<i32>} : memref<64x128xf32, #tpu.memory_space<vmem>>, vector<64x128xf32>,
    return
  }
  func.func @transform_0(%arg0: i32) -> (i32, i32, i32) {
    %c0_i32 = arith.constant 0 : i32
    %c0_i32_0 = arith.constant 0 : i32
    %c0_i32_1 = arith.constant 0 : i32
    return %arg0, %c0_i32, %c0_i32_0 : i32, i32, i32
  }
  func.func @transform_1(%arg0: i32) -> (i32, i32) {
    %c0_i32 = arith.constant 0 : i32
    %c0_i32_0 = arith.constant 0 : i32
    return %arg0, %c0_i32 : i32, i32
  }
  func.func @transform_2(%arg0: i32) -> (i32, i32) {
    %c0_i32 = arith.constant 0 : i32
    %c0_i32_0 = arith.constant 0 : i32
    %c0_i32_1 = arith.constant 0 : i32
    return %c0_i32, %c0_i32_0 : i32, i32
  }
  func.func @transform_3(%arg0: i32) -> (i32, i32) {
    %c0_i32 = arith.constant 0 : i32
    %c0_i32_0 = arith.constant 0 : i32
    %c0_i32_1 = arith.constant 0 : i32
    return %c0_i32, %c0_i32_0 : i32, i32
  }
  func.func @transform_4(%arg0: i32) -> (i32, i32) {
    %c0_i32 = arith.constant 0 : i32
    %c0_i32_0 = arith.constant 0 : i32
    %c0_i32_1 = arith.constant 0 : i32
    return %c0_i32, %c0_i32_0 : i32, i32
  }
}

</mosaic_0001>

<sc_bundles>
// kernel: kernel.13.cloned.1.call-start
scs
__scs_entry_jumppad:
0x0: {  	(pc) =	sbr.rel $0x88, $3  }
0x1: {  	(tag) =	ssettag $0x0;
	lr =	simm.s32 $0x1  }
0x2: {  	[smem:$0x3F92] =	sst lr;
	_ =	strace $0xD0000000  }
0x3: {  	_ = 	snop  }
0x4: {  	_ = 	snop  }
0x5: {  	_ = 	snop  }
0x6: {  	_ = 	snop  }
0x7: {  	_ = 	snop  }
__scs_overlays_trampoline_lowered:
0x8: {  	[smem:$0x3FA1] =	sst s0  }
0x9: {  	[smem:$0x3FA2] =	sst s1  }
0xa: {  	[smem:$0x3FA3] =	sst s2  }
0xb: {  	[smem:$0x3FA4] =	sst s3  }
0xc: {  	[smem:$0x3FA5] =	sst s4  }
0xd: {  	[smem:$0x3FA6] =	sst s5  }
0xe: {  	[smem:$0x3FA7] =	sst s6  }
0xf: {  	[smem:$0x3FA8] =	sst s7  }
0x10: {  	[smem:$0x3FA9] =	sst s8  }
0x11: {  	[smem:$0x3FAA] =	sst s9;
	s0 =	simm.s32 @!p0 $0x0  }
0x12: {  	s1 =	sld [smem:$0x3F90];
	s0 =	simm.s32 @p0 $0x1  }
0x13: {  	[smem:$0x3FAB] =	sst s0;
	s0 =	simm.s32 @!p1 $0x0  }
0x14: {  	s2 =	sld [smem:$0x3F8F];
	s0 =	simm.s32 @p1 $0x1  }
0x15: {  	[smem:$0x3FAC] =	sst s0;
	s0 =	simm.s32 @!p2 $0x0  }
0x16: {  	s3 =	sld [smem:$0x3FDB];
	s0 =	simm.s32 @p2 $0x1  }
0x17: {  	s4 =	simm.s32 $0x1BF5;
	[smem:$0x3FAE] =	sst s0  }
0x18: {  	s0 =	sld [smem:$0x3F91];
	_ =	swait.ge [sflag:s4], $0x0  }
0x19: {  	s7 =	sld [smem:$0x3F92]  }
0x1a: {  	s8 =	sadd.s32 $0xFFFFE003, lr  }
0x1b: {  	s9 =	sadd.s32 $0xFFFFFEF7, lr;
	s5 =	simm.s32 $0xFFFFFFFF;
	p2 =	slt.u32 s8, $0xFFFFF086  }
0x1c: {  	p1 =	slt.u32 s9, $0xF7A;
	s5 =	simm.s32 @!p2 $0x0  }
0x1d: {  	s5 =	simm.s32 @p1 $0x1;
	p0 =	seq.s32 s7, s2  }
0x1e: {  	s7 =	smul.u32 @!p0 $0xF7A, s2;
	p2 =	seq.s32 @!p0 s5, $0x0  }
0x1f: {  	s9 =	smul.u32 $0xF7A, s1;
	s8 =	simm.s32 @!p0 $0x1BF5;
	p2 =	por !p2, p0  }
0x20: {  	[sflag:s8] =	ssyncset.s32 @!p0 $0xFFFFF086;
	s6 =	sadd.s32 @!p0 s3, s7;
	s7 =	simm.s32 @!p0 $0x108  }
0x21: {  	s3 =	sadd.s32 s3, s9;
	s6 =	sadd.s32 @!p0 $0x88, s6;
	s7 =	simm.s32 @p2 $0x1082  }
0x22: {  	[simem:s7], [sflag:s8] =	dma.local @!p0 [hbm:s6], $0xF7A  }
0x23: {  	s9 =	sor.u32 $0xD0000000, s2;
	s6 =	simm.s32 $0x108;
	_ =	swait.ge @!p0 [sflag:s8], $0x0  }
0x24: {  	s3 =	sadd.s32 $0x88, s3;
	s6 =	simm.s32 @!p1 $0x1082;
	[sflag:s4] =	ssyncset.s32 $0xFFFFF086  }
0x25: {  	[simem:s6], [sflag:s4] =	dma.local [hbm:s3], $0xF7A  }
0x26: {  	[smem:$0x3F92] =	sst s1;
	(tag) =	ssettag s2;
	_ =	strace s9  }
0x27: {  	s1 =	sld [smem:$0x3FA2]  }
0x28: {  	s2 =	sld [smem:$0x3FA3]  }
0x29: {  	s4 =	sld [smem:$0x3FA5]  }
0x2a: {  	p0 =	seq.s32 s5, $0x0;
	s5 =	sld [smem:$0x3FA6]  }
0x2b: {  	s6 =	sld [smem:$0x3FA7]  }
0x2c: {  	s7 =	sld [smem:$0x3FA8]  }
0x2d: {  	s3 =	simm.s32 $0x108;
	s8 =	sld [smem:$0x3FA9]  }
0x2e: {  	s3 =	simm.s32 @!p0 $0x1082;
	s9 =	sld [smem:$0x3FAA]  }
0x2f: {  	lr =	sadd.s32 s0, s3;
	s0 =	sld [smem:$0x3FA1]  }
0x30: {  	s3 =	sld [smem:$0x3FA4]  }
0x31: {  	[smem:$0x3FAD] =	sst s10  }
0x32: {  	s10 =	sld [smem:$0x3FAB];
	_ =	sdelay $0x3  }
0x33: {  	p0 =	seq.s32 s10, $0x1;
	s10 =	sld [smem:$0x3FAD];
	_ =	sdelay $0x3  }
0x34: {  	[smem:$0x3FAD] =	sst s10  }
0x35: {  	s10 =	sld [smem:$0x3FAC];
	_ =	sdelay $0x3  }
0x36: {  	p1 =	seq.s32 s10, $0x1;
	s10 =	sld [smem:$0x3FAD];
	_ =	sdelay $0x3  }
0x37: {  	[smem:$0x3FAD] =	sst s10  }
0x38: {  	s10 =	sld [smem:$0x3FAE]  }
0x39: {  	_ = 	snop;
	(pc) =	sbr.ind lr, $3  }
0x3a: {  	_ = 	snop  }
0x3b: {  	_ = 	snop  }
0x3c: {  	p2 =	seq.s32 s10, $0x1;
	s10 =	sld [smem:$0x3FAD]  }
0x3d: {  	_ =	shalt  }
0x3e: {  	_ =	shalt  }
0x3f: {  	_ =	shalt  }
0x40: {  	_ =	shalt  }
0x41: {  	_ =	shalt  }
0x42: {  	_ =	shalt  }
0x43: {  	_ =	shalt  }
0x44: {  	_ =	shalt  }
0x45: {  	_ =	shalt  }
0x46: {  	_ =	shalt  }
0x47: {  	_ =	shalt  }
0x48: {  	_ =	shalt  }
0x49: {  	_ =	shalt  }
0x4a: {  	_ =	shalt  }
0x4b: {  	_ =	shalt  }
0x4c: {  	_ =	shalt  }
0x4d: {  	_ =	shalt  }
0x4e: {  	_ =	shalt  }
0x4f: {  	_ =	shalt  }
0x50: {  	_ =	shalt  }
0x51: {  	_ =	shalt  }
0x52: {  	_ =	shalt  }
0x53: {  	_ =	shalt  }
0x54: {  	_ =	shalt  }
0x55: {  	_ =	shalt  }
0x56: {  	_ =	shalt  }
0x57: {  	_ =	shalt  }
0x58: {  	_ =	shalt  }
0x59: {  	_ =	shalt  }
0x5a: {  	_ =	shalt  }
0x5b: {  	_ =	shalt  }
0x5c: {  	_ =	shalt  }
0x5d: {  	_ =	shalt  }
0x5e: {  	_ =	shalt  }
0x5f: {  	_ =	shalt  }
0x60: {  	_ =	shalt  }
0x61: {  	_ =	shalt  }
0x62: {  	_ =	shalt  }
0x63: {  	_ =	shalt  }
0x64: {  	_ =	shalt  }
0x65: {  	_ =	shalt  }
0x66: {  	_ =	shalt  }
0x67: {  	_ =	shalt  }
0x68: {  	_ =	shalt  }
0x69: {  	_ =	shalt  }
0x6a: {  	_ =	shalt  }
0x6b: {  	_ =	shalt  }
0x6c: {  	_ =	shalt  }
0x6d: {  	_ =	shalt  }
0x6e: {  	_ =	shalt  }
0x6f: {  	_ =	shalt  }
0x70: {  	_ =	shalt  }
0x71: {  	_ =	shalt  }
0x72: {  	_ =	shalt  }
0x73: {  	_ =	shalt  }
0x74: {  	_ =	shalt  }
0x75: {  	_ =	shalt  }
0x76: {  	_ =	shalt  }
0x77: {  	_ =	shalt  }
0x78: {  	_ =	shalt  }
0x79: {  	_ =	shalt  }
0x7a: {  	_ =	shalt  }
0x7b: {  	_ =	shalt  }
0x7c: {  	_ =	shalt  }
0x7d: {  	_ =	shalt  }
0x7e: {  	_ =	shalt  }
0x7f: {  	_ =	shalt  }
0x80: {  	_ =	shalt  }
0x81: {  	_ =	shalt  }
0x82: {  	_ =	shalt  }
0x83: {  	_ =	shalt  }
0x84: {  	_ =	shalt  }
0x85: {  	_ =	shalt  }
0x86: {  	_ =	shalt  }
0x87: {  	_ =	shalt  }
.Lfunc_end0:
.L_simem_size_0:
called_computation_lowered:
.L_overlay_start_0:
0x88: {  	s2 =	sld [smem:$0x3FD9]  }
0x89: {  	s3 =	sld [smem:$0x3FFE];
	_ =	sdelay $0x1  }
0x8a: {  	s1 =	srdreg.scid  }
0x8b: {  	s0 =	sand.u32 $0x1, s1  }
0x8c: {  	s17 =	sshll.u32 s0, $0xA;
	s2 =	sadd.s32 s3, s2  }
0x8d: {  	s2 =	sadd.s32 s2, s17  }
0x8e: {  	[smem:$0x3FB9] =	sst s2  }
0x8f: {  	_ = 	snop  }
0x90: {  	s2 =	sld [smem:$0x3FC5];
	(tm) =	ssettm $0x1  }
0x91: {  	s18 =	sld [smem:$0x3FFB];
	_ =	sdelay $0x3  }
0x92: {  	_ =	strace s18  }
0x93: {  	s3 =	sld [smem:$0x3FFC];
	_ =	sdelay $0x3  }
0x94: {  	_ =	strace s3  }
0x95: {  	s3 =	sld [smem:$0x3FFD];
	_ =	sdelay $0x3  }
0x96: {  	_ =	strace s3  }
0x97: {  	_ =	strace $0x8FFFFFFF  }
0x98: {  	s19 =	sld [smem:$0x3FDB];
	_ =	sdelay $0x1  }
0x99: {  	s4 =	simm.s32 $_scs_section_size  }
0x9a: {  	s5 =	simm.s32 $_size__tile_overlayer_lowered;
	s6 =	simm.s32 $_tile_overlayer_lowered  }
0x9b: {  	s22 =	simm.s32 $0x1BFF;
	s21 =	sshll.u32 s6, $0x1;
	s3 =	sadd.s32 s4, s19  }
0x9c: {  	s7 =	simm.s32 $0x0;
	s20 =	sshll.u32 s5, $0x1;
	s5 =	sadd.s32 s21, s3  }
0x9d: {  	[timem:s7], [sflag:s22] =	dma.local [hbm:s5], s20  }
0x9e: {  	_ =	swait.ge [sflag:s22], s20  }
0x9f: {  	s4 =	ssub.s32 $0x0, s20;
	[sflag:s22] =	ssyncset.done $0x0  }
0xa0: {  	[sflag:s22] =	ssyncadd.s32 s4;
	_ =	sdelay $0x1  }
0xa1: {  	s23 =	simm.s32 $0x1B8B  }
0xa2: {  	_ =	swait.ge [sflag:s23], $0x1  }
0xa3: {  	[sflag:s23] =	ssyncset.done $0x0  }
0xa4: {  	s25 =	simm.s32 $0x1B8E;
	s24 =	sld [smem:$0x3FFE];
	[sflag:s23] =	ssyncadd.s32 $0xFFFFFFFF  }
0xa5: {  	s26 =	simm.s32 $execute0_lowered;
	[smem:$0x3FD2] =	sst s25  }
0xa6: {  	s5 =	sshll.u32 s26, $0x1;
	_ =	strace $0x80000046;
	[dreg:$0x1] =	wrdreg $0xFFFFFFFF  }
0xa7: {  	s28 =	simm.s32 $_size_execute0_lowered;
	s3 =	sadd.s32 s3, s5;
	[dreg:$0x0] =	wrdreg $0x0  }
0xa8: {  	s5 =	sshll.u32 s28, $0x1;
	[dreg:$0x2] =	wrdreg s3  }
0xa9: {  	[dreg:$0x3] =	wrdreg s5  }
0xaa: {  	[dreg:$0x4] =	wrdreg $0xC0  }
0xab: {  	_ =	task [dreg:s7], $0x5FFFF  }
0xac: {  	[dreg:$0x1] =	wrdreg $0xFFFFFFFF  }
0xad: {  	[dreg:$0x0] =	wrdreg $0x60  }
0xae: {  	[dreg:$0x2] =	wrdreg s2  }
0xaf: {  	[dreg:$0x3] =	wrdreg s24  }
0xb0: {  	[dreg:$0x4] =	wrdreg $0x9  }
0xb1: {  	_ =	task.clear_ibuf [dreg:s7], $0x5FFFF;
	_ =	strace $0x90000046  }
0xb2: {  	s29 =	simm.s32 $0x9;
	_ =	strace $0x80000048  }
0xb3: {  	_ =	swait.ge [sflag:s29], $0x1  }
0xb4: {  	[sflag:s29] =	ssyncadd.s32 $0xFFFFFFFF  }
0xb5: {  	_ =	strace $0x90000048  }
0xb6: {  	_ =	sfence  }
0xb7: {  	s30 =	sld [smem:$0x0];
	_ =	sdelay $0x2  }
0xb8: {  	s31 =	sshll.u32 s1, $0xD;
	s1 =	sshrl.u32 s1, $0x2  }
0xb9: {  	s3 =	sand.u32 $0x4000, s31;
	s1 =	sadd.s32 s1, s30  }
0xba: {  	s0 =	sor.u32 s3, s0;
	s1 =	sshll.u32 s1, $0x11  }
0xbb: {  	s0 =	sor.u32 s1, s0  }
0xbc: {  	s0 =	sadd.s32 $0x8F2B, s0  }
0xbd: {  	[sflag:s0] =	ssyncadd.remote.s32 $0x1  }
0xbe: {  	_ =	sfence.sel $0xFFFF  }
0xbf: {  	[dreg:$0x0] =	wrdreg $0xFFFFFFFF;
	(pc) =	sbr.abs _section_cstart, $3  }
0xc0: {  	[dreg:$0x1] =	wrdreg $0xFFFFFFFF  }
0xc1: {  	_ =	task.clear_ibuf [dreg:s7], $0x2FFFF;
	_ =	strace $0x9FFFFFFF  }
0xc2: {  	(tm) =	ssettm $0x7FFFFFFF  }
0xc3: {  	_ =	shalt  }
tec
execute0_lowered:
.L_overlay_start_1:
0x0: {  	(tag) =	ssettag $0x1  }
0x1: {  	s2 =	rddreg [dreg:$0x0]  }
0x2: {  	s0 =	srdreg.scid;
	s6 =	stileid.u32  }
0x3: {  	s1 =	rddreg [dreg:$0x1];
	s3 =	simm.s32 $0x0;
	s21 =	simm.s32 $0x4000  }
0x4: {  	s22 =	simm.s32 $0x6800;
	s23 =	simm.s32 $0x9000;
	s24 =	simm.s32 $0xB800  }
0x5: {  	s25 =	simm.s32 $0x3;
	s29 =	simm.s32 $0x28;
	s30 =	simm.s32 $0x400  }
0x6: {  	s31 =	simm.s32 $0x2;
	s28 =	simm.s32 $0x1;
	s0 =	sand.u32 $0x1, s0  }
0x7: {  	v0 =	vlaneseq.u32;
	s4 =	sshll.u32 s6, $0x1;
	[smem:$0x7FF] =	sst s3;
	s26 =	sadd.s32 $0x7600, s1  }
0x8: {  	s8 =	smul.u32 $0x28000, s6;
	s6 =	sadd.s32 $0x7000, s1;
	v0 =	vmul.u32 $0x80, v0;
	s4 =	sor.u32 s0, s4  }
0x9: {  	_ =	strace $0x80000047;
	s15 =	ssub.s32 $0x2, s0;
	s0 =	smul.u32 $0x14000, s0  }
0xa: {  	[dreg:$0x3] =	wrdreg s26;
	s5 =	sshll.u32 s4, $0x7;
	s7 =	smul.u32 $0x280, s4;
	v3 =	vor.u32 $0x800, v0  }
0xb: {  	s4 =	smul.u32 $0x1400, s4;
	s16 =	sshrl.u32 s15, $0x1;
	v4 =	vor.u32 $0x801, v0;
	v5 =	vor.u32 $0x802, v0;
	v6 =	vor.u32 $0x1000, v0;
	s13 =	sadd.s32 s5, s1  }
0xc: {  	v7 =	vor.u32 $0x1001, v0;
	v8 =	vor.u32 $0x1002, v0;
	v9 =	vor.u32 $0x1800, v0;
	s5 =	sadd.s32 $0x7C00, s1;
	s9 =	sadd.s32 s7, s1;
	s7 =	sadd.s32 $0x13200, s1  }
0xd: {  	v10 =	vor.u32 $0x1801, v0;
	v11 =	vor.u32 $0x1802, v0;
	v12 =	vor.u32 $0x2000, v0;
	s4 =	sadd.s32 s4, s1;
	s1 =	sadd.s32 s8, s1;
	s13 =	sadd.s32 $0x8200, s13  }
0xe: {  	v13 =	vor.u32 $0x2001, v0;
	v14 =	vor.u32 $0x2002, v0;
	s8 =	sadd.s32 $0xE200, s9;
	s9 =	sadd.s32 $0x9200, s9;
	s10 =	sadd.s32 $0x293A00, s4  }
0xf: {  	v15 =	vor.u32 $0x2800, v0;
	v16 =	vor.u32 $0x2801, v0;
	s19 =	ssub.s32 s15, s16;
	s11 =	sadd.s32 $0x293C80, s4;
	s12 =	sadd.s32 $0x293F00, s4  }
0x10: {  	v1 =	vor.u32 $0x1, v0;
	v17 =	vor.u32 $0x2802, v0;
	v18 =	vor.u32 $0x3000, v0;
	s19 =	smax.u32 s19, $0x1;
	s14 =	sadd.s32 $0x294180, s4;
	s15 =	sadd.s32 $0x294400, s4  }
0x11: {  	v2 =	vor.u32 $0x2, v0;
	v19 =	vor.u32 $0x3001, v0;
	v20 =	vor.u32 $0x3002, v0;
	s16 =	sadd.s32 $0x294680, s4;
	s17 =	sadd.s32 $0x294900, s4;
	s0 =	sadd.s32 s0, s1  }
0x12: {  	v21 =	vor.u32 $0x3800, v0;
	v22 =	vor.u32 $0x3801, v0;
	v23 =	vor.u32 $0x3802, v0;
	s18 =	sadd.s32 $0x294B80, s4;
	s1 =	simm.s32 $0x0;
	s0 =	sadd.s32 $0x13A00, s0  }
.LBB2_1:
0x13: {  	s4 =	rddreg [dreg:$0x3]  }
0x14: {  	[tilespmem:s21], [sflag:$0x1] =	stream.linear.gather [hbm4b:s4+s3], $0x2800, $0x38;
	[tilespmem:$0xF800] =	vst v63  }
0x15: {  	_ = 	snop  }
0x16: {  	[tilespmem:s22], [sflag:$0x1] =	stream.linear.gather [hbm4b:s5+s3], $0x2800, $0x38;
	[tilespmem:$0xF800] =	vst v63  }
0x17: {  	_ = 	snop  }
0x18: {  	[tilespmem:s23], [sflag:$0x1] =	stream.linear.gather [hbm4b:s6+s3], $0x2800, $0x38;
	[tilespmem:$0xF800] =	vst v63  }
0x19: {  	_ = 	snop  }
0x1a: {  	[tilespmem:s24], [sflag:$0x3] =	stream.linear.gather [hbm4b:s7+s3], $0x4000, $0x38;
	[tilespmem:$0xF800] =	vst v63  }
0x1b: {  	_ =	swait.ge [sflag:s25], $0x4000  }
0x1c: {  	[sflag:s25] =	ssyncset.done $0x0  }
0x1d: {  	s26 =	simm.s32 $0x1800;
	[sflag:s25] =	ssyncadd.s32 $0xFFFFC000  }
0x1e: {  	[tilespmem:s26], [sflag:$0x3] =	stream.linear.gather [hbm4b:s8+s3], $0x1400, $0x38;
	[tilespmem:$0xF800] =	vst v63  }
0x1f: {  	_ =	swait.ge [sflag:s25], $0x1400  }
0x20: {  	[sflag:s25] =	ssyncset.done $0x0  }
0x21: {  	s20 =	simm.s32 $0x2C00;
	[sflag:s25] =	ssyncadd.s32 $0xFFFFEC00  }
0x22: {  	[tilespmem:s20], [sflag:$0x3] =	stream.linear.gather [hbm4b:s9+s3], $0x1400, $0x38;
	[tilespmem:$0xF800] =	vst v63  }
0x23: {  	_ =	swait.ge [sflag:s25], $0x1400  }
0x24: {  	[sflag:s25] =	ssyncset.done $0x0  }
0x25: {  	[sflag:s25] =	ssyncadd.s32 $0xFFFFEC00  }
0x26: {  	[tilespmem:s3], [sflag:$0x3] =	stream.linear.gather [hbm4b:s13+s3], $0x400, $0x38;
	[tilespmem:$0xF800] =	vst v63  }
0x27: {  	_ =	swait.ge [sflag:s25], $0x400  }
0x28: {  	[sflag:s25] =	ssyncset.done $0x0  }
0x29: {  	[sflag:s25] =	ssyncadd.s32 $0xFFFFFC00  }
0x2a: {  	[tilespmem:s30], [sflag:$0x2] =	stream.indirect.gather [hbm4b:s2+s29], $0x80, s3, s29, $0xb8;
	[tilespmem:$0xF800] =	vst v63  }
0x2b: {  	_ =	swait.ge [sflag:s31], $0x1400  }
0x2c: {  	[sflag:s31] =	ssyncset.done $0x0  }
0x2d: {  	[sflag:s31] =	ssyncadd.s32 $0xFFFFEC00  }
0x2e: {  	[hbm4b:s10+s3] =	stream.linear.scatter [tilespmem:s30], [sflag:$0x3], $0x1400, $0x38;
	[tilespmem:$0xF800] =	vst v63  }
0x2f: {  	_ =	swait.ge [sflag:s25], $0x1400  }
0x30: {  	[sflag:s25] =	ssyncset.done $0x0  }
0x31: {  	s26 =	simm.s32 $0x80;
	[sflag:s25] =	ssyncadd.s32 $0xFFFFEC00  }
0x32: {  	[tilespmem:s30], [sflag:$0x2] =	stream.indirect.gather [hbm4b:s2+s29], $0x80, s26, s29, $0xb8;
	[tilespmem:$0xF800] =	vst v63  }
0x33: {  	_ =	swait.ge [sflag:s31], $0x1400  }
0x34: {  	[sflag:s31] =	ssyncset.done $0x0  }
0x35: {  	[sflag:s31] =	ssyncadd.s32 $0xFFFFEC00  }
0x36: {  	[hbm4b:s11+s3] =	stream.linear.scatter [tilespmem:s30], [sflag:$0x3], $0x1400, $0x38;
	[tilespmem:$0xF800] =	vst v63  }
0x37: {  	_ =	swait.ge [sflag:s25], $0x1400  }
0x38: {  	[sflag:s25] =	ssyncset.done $0x0  }
0x39: {  	s20 =	simm.s32 $0x100;
	[sflag:s25] =	ssyncadd.s32 $0xFFFFEC00  }
0x3a: {  	[tilespmem:s30], [sflag:$0x2] =	stream.indirect.gather [hbm4b:s2+s29], $0x80, s20, s29, $0xb8;
	[tilespmem:$0xF800] =	vst v63  }
0x3b: {  	_ =	swait.ge [sflag:s31], $0x1400  }
0x3c: {  	[sflag:s31] =	ssyncset.done $0x0  }
0x3d: {  	[sflag:s31] =	ssyncadd.s32 $0xFFFFEC00  }
0x3e: {  	[hbm4b:s12+s3] =	stream.linear.scatter [tilespmem:s30], [sflag:$0x3], $0x1400, $0x38;
	[tilespmem:$0xF800] =	vst v63  }
0x3f: {  	_ =	swait.ge [sflag:s25], $0x1400  }
0x40: {  	[sflag:s25] =	ssyncset.done $0x0  }
0x41: {  	s26 =	simm.s32 $0x180;
	[sflag:s25] =	ssyncadd.s32 $0xFFFFEC00  }
0x42: {  	[tilespmem:s30], [sflag:$0x2] =	stream.indirect.gather [hbm4b:s2+s29], $0x80, s26, s29, $0xb8;
	[tilespmem:$0xF800] =	vst v63  }
0x43: {  	_ =	swait.ge [sflag:s31], $0x1400  }
0x44: {  	[sflag:s31] =	ssyncset.done $0x0  }
0x45: {  	[sflag:s31] =	ssyncadd.s32 $0xFFFFEC00  }
0x46: {  	[hbm4b:s14+s3] =	stream.linear.scatter [tilespmem:s30], [sflag:$0x3], $0x1400, $0x38;
	[tilespmem:$0xF800] =	vst v63  }
0x47: {  	_ =	swait.ge [sflag:s25], $0x1400  }
0x48: {  	[sflag:s25] =	ssyncset.done $0x0  }
0x49: {  	s20 =	simm.s32 $0x200;
	[sflag:s25] =	ssyncadd.s32 $0xFFFFEC00  }
0x4a: {  	[tilespmem:s30], [sflag:$0x2] =	stream.indirect.gather [hbm4b:s2+s29], $0x80, s20, s29, $0xb8;
	[tilespmem:$0xF800] =	vst v63  }
0x4b: {  	_ =	swait.ge [sflag:s31], $0x1400  }
0x4c: {  	[sflag:s31] =	ssyncset.done $0x0  }
0x4d: {  	[sflag:s31] =	ssyncadd.s32 $0xFFFFEC00  }
0x4e: {  	[hbm4b:s15+s3] =	stream.linear.scatter [tilespmem:s30], [sflag:$0x3], $0x1400, $0x38;
	[tilespmem:$0xF800] =	vst v63  }
0x4f: {  	_ =	swait.ge [sflag:s25], $0x1400  }
0x50: {  	[sflag:s25] =	ssyncset.done $0x0  }
0x51: {  	s26 =	simm.s32 $0x280;
	[sflag:s25] =	ssyncadd.s32 $0xFFFFEC00  }
0x52: {  	[tilespmem:s30], [sflag:$0x2] =	stream.indirect.gather [hbm4b:s2+s29], $0x80, s26, s29, $0xb8;
	[tilespmem:$0xF800] =	vst v63  }
0x53: {  	_ =	swait.ge [sflag:s31], $0x1400  }
0x54: {  	[sflag:s31] =	ssyncset.done $0x0  }
0x55: {  	[sflag:s31] =	ssyncadd.s32 $0xFFFFEC00  }
0x56: {  	[hbm4b:s16+s3] =	stream.linear.scatter [tilespmem:s30], [sflag:$0x3], $0x1400, $0x38;
	[tilespmem:$0xF800] =	vst v63  }
0x57: {  	_ =	swait.ge [sflag:s25], $0x1400  }
0x58: {  	[sflag:s25] =	ssyncset.done $0x0  }
0x59: {  	s20 =	simm.s32 $0x300;
	[sflag:s25] =	ssyncadd.s32 $0xFFFFEC00  }
0x5a: {  	[tilespmem:s30], [sflag:$0x2] =	stream.indirect.gather [hbm4b:s2+s29], $0x80, s20, s29, $0xb8;
	[tilespmem:$0xF800] =	vst v63  }
0x5b: {  	_ =	swait.ge [sflag:s31], $0x1400  }
0x5c: {  	[sflag:s31] =	ssyncset.done $0x0  }
0x5d: {  	[sflag:s31] =	ssyncadd.s32 $0xFFFFEC00  }
0x5e: {  	[hbm4b:s17+s3] =	stream.linear.scatter [tilespmem:s30], [sflag:$0x3], $0x1400, $0x38;
	[tilespmem:$0xF800] =	vst v63  }
0x5f: {  	_ =	swait.ge [sflag:s25], $0x1400  }
0x60: {  	[sflag:s25] =	ssyncset.done $0x0  }
0x61: {  	s26 =	simm.s32 $0x380;
	[sflag:s25] =	ssyncadd.s32 $0xFFFFEC00  }
0x62: {  	[tilespmem:s30], [sflag:$0x2] =	stream.indirect.gather [hbm4b:s2+s29], $0x80, s26, s29, $0xb8;
	[tilespmem:$0xF800] =	vst v63  }
0x63: {  	_ =	swait.ge [sflag:s31], $0x1400  }
0x64: {  	[sflag:s31] =	ssyncset.done $0x0  }
0x65: {  	[sflag:s31] =	ssyncadd.s32 $0xFFFFEC00  }
0x66: {  	[hbm4b:s18+s3] =	stream.linear.scatter [tilespmem:s30], [sflag:$0x3], $0x1400, $0x38;
	[tilespmem:$0xF800] =	vst v63  }
0x67: {  	_ =	swait.ge [sflag:s25], $0x1400  }
0x68: {  	[sflag:s25] =	ssyncset.done $0x0  }
0x69: {  	[sflag:s25] =	ssyncadd.s32 $0xFFFFEC00  }
0x6a: {  	_ =	swait.ge [sflag:s28], $0x2800  }
0x6b: {  	[sflag:s28] =	ssyncset.done $0x0  }
0x6c: {  	[sflag:s28] =	ssyncadd.s32 $0xFFFFD800  }
0x6d: {  	_ =	swait.ge [sflag:s28], $0x2800  }
0x6e: {  	[sflag:s28] =	ssyncset.done $0x0  }
0x6f: {  	[sflag:s28] =	ssyncadd.s32 $0xFFFFD800  }
0x70: {  	_ =	swait.ge [sflag:s28], $0x2800  }
0x71: {  	[sflag:s28] =	ssyncset.done $0x0  }
0x72: {  	s20 =	smov.u32 s0;
	s26 =	simm.s32 $0x0;
	[sflag:s28] =	ssyncadd.s32 $0xFFFFD800  }
.LBB2_2:
0x73: {  	s4 =	sshra.s32 s26, $0x2  }
0x74: {  	v24 =	vld [tilespmem:s4+$0x1800]  }
0x75: {  	v25 =	vld [tilespmem:s4+$0x2C00];
	_ =	sdelay $0x6  }
0x76: {  	v26 =	vld.idx.msk [tilespmem:v24+s21+$0x0], $0xffff  }
0x77: {  	v27 =	vld.idx.msk [tilespmem:v25+s21+$0x0], $0xffff;
	_ =	sdelay $0x4  }
0x78: {  	v26 =	vsub.f32 v27, v26;
	_ =	sdelay $0x1  }
0x79: {  	[tilespmem:v0+s24+$0x0] =	vst.idx.msk $0xffff, v26  }
0x7a: {  	v26 =	vld.idx.msk [tilespmem:v24+s22+$0x0], $0xffff  }
0x7b: {  	v42 =	vld.idx.msk [tilespmem:v25+s22+$0x0], $0xffff;
	_ =	sdelay $0x4  }
0x7c: {  	v26 =	vsub.f32 v42, v26;
	_ =	sdelay $0x1  }
0x7d: {  	[tilespmem:v1+s24+$0x0] =	vst.idx.msk $0xffff, v26  }
0x7e: {  	v24 =	vld.idx.msk [tilespmem:v24+s23+$0x0], $0xffff  }
0x7f: {  	v25 =	vld.idx.msk [tilespmem:v25+s23+$0x0], $0xffff;
	_ =	sdelay $0x4  }
0x80: {  	v24 =	vsub.f32 v25, v24;
	_ =	sdelay $0x1  }
0x81: {  	[tilespmem:v2+s24+$0x0] =	vst.idx.msk $0xffff, v24  }
0x82: {  	v24 =	vld [tilespmem:s4+$0x1810]  }
0x83: {  	v43 =	vld [tilespmem:s4+$0x2C10];
	_ =	sdelay $0x6  }
0x84: {  	v26 =	vld.idx.msk [tilespmem:v24+s21+$0x0], $0xffff  }
0x85: {  	v44 =	vld.idx.msk [tilespmem:v43+s21+$0x0], $0xffff;
	_ =	sdelay $0x4  }
0x86: {  	v26 =	vsub.f32 v44, v26;
	_ =	sdelay $0x1  }
0x87: {  	[tilespmem:v3+s24+$0x0] =	vst.idx.msk $0xffff, v26  }
0x88: {  	v26 =	vld.idx.msk [tilespmem:v24+s22+$0x0], $0xffff  }
0x89: {  	v45 =	vld.idx.msk [tilespmem:v43+s22+$0x0], $0xffff;
	_ =	sdelay $0x4  }
0x8a: {  	v26 =	vsub.f32 v45, v26;
	_ =	sdelay $0x1  }
0x8b: {  	[tilespmem:v4+s24+$0x0] =	vst.idx.msk $0xffff, v26  }
0x8c: {  	v24 =	vld.idx.msk [tilespmem:v24+s23+$0x0], $0xffff  }
0x8d: {  	v25 =	vld.idx.msk [tilespmem:v43+s23+$0x0], $0xffff;
	_ =	sdelay $0x4  }
0x8e: {  	v24 =	vsub.f32 v25, v24;
	_ =	sdelay $0x1  }
0x8f: {  	[tilespmem:v5+s24+$0x0] =	vst.idx.msk $0xffff, v24  }
0x90: {  	v24 =	vld [tilespmem:s4+$0x1820]  }
0x91: {  	v46 =	vld [tilespmem:s4+$0x2C20];
	_ =	sdelay $0x6  }
0x92: {  	v26 =	vld.idx.msk [tilespmem:v24+s21+$0x0], $0xffff  }
0x93: {  	v47 =	vld.idx.msk [tilespmem:v46+s21+$0x0], $0xffff;
	_ =	sdelay $0x4  }
0x94: {  	v26 =	vsub.f32 v47, v26;
	_ =	sdelay $0x1  }
0x95: {  	[tilespmem:v6+s24+$0x0] =	vst.idx.msk $0xffff, v26  }
0x96: {  	v26 =	vld.idx.msk [tilespmem:v24+s22+$0x0], $0xffff  }
0x97: {  	v48 =	vld.idx.msk [tilespmem:v46+s22+$0x0], $0xffff;
	_ =	sdelay $0x4  }
0x98: {  	v26 =	vsub.f32 v48, v26;
	_ =	sdelay $0x1  }
0x99: {  	[tilespmem:v7+s24+$0x0] =	vst.idx.msk $0xffff, v26  }
0x9a: {  	v24 =	vld.idx.msk [tilespmem:v24+s23+$0x0], $0xffff  }
0x9b: {  	v25 =	vld.idx.msk [tilespmem:v46+s23+$0x0], $0xffff;
	_ =	sdelay $0x4  }
0x9c: {  	v24 =	vsub.f32 v25, v24;
	_ =	sdelay $0x1  }
0x9d: {  	[tilespmem:v8+s24+$0x0] =	vst.idx.msk $0xffff, v24  }
0x9e: {  	v24 =	vld [tilespmem:s4+$0x1830]  }
0x9f: {  	v49 =	vld [tilespmem:s4+$0x2C30];
	_ =	sdelay $0x6  }
0xa0: {  	v26 =	vld.idx.msk [tilespmem:v24+s21+$0x0], $0xffff  }
0xa1: {  	v50 =	vld.idx.msk [tilespmem:v49+s21+$0x0], $0xffff;
	_ =	sdelay $0x4  }
0xa2: {  	v26 =	vsub.f32 v50, v26;
	_ =	sdelay $0x1  }
0xa3: {  	[tilespmem:v9+s24+$0x0] =	vst.idx.msk $0xffff, v26  }
0xa4: {  	v26 =	vld.idx.msk [tilespmem:v24+s22+$0x0], $0xffff  }
0xa5: {  	v51 =	vld.idx.msk [tilespmem:v49+s22+$0x0], $0xffff;
	_ =	sdelay $0x4  }
0xa6: {  	v26 =	vsub.f32 v51, v26;
	_ =	sdelay $0x1  }
0xa7: {  	[tilespmem:v10+s24+$0x0] =	vst.idx.msk $0xffff, v26  }
0xa8: {  	v24 =	vld.idx.msk [tilespmem:v24+s23+$0x0], $0xffff  }
0xa9: {  	v25 =	vld.idx.msk [tilespmem:v49+s23+$0x0], $0xffff;
	_ =	sdelay $0x4  }
0xaa: {  	v24 =	vsub.f32 v25, v24;
	_ =	sdelay $0x1  }
0xab: {  	[tilespmem:v11+s24+$0x0] =	vst.idx.msk $0xffff, v24  }
0xac: {  	v24 =	vld [tilespmem:s4+$0x1840]  }
0xad: {  	v52 =	vld [tilespmem:s4+$0x2C40];
	_ =	sdelay $0x6  }
0xae: {  	v26 =	vld.idx.msk [tilespmem:v24+s21+$0x0], $0xffff  }
0xaf: {  	v53 =	vld.idx.msk [tilespmem:v52+s21+$0x0], $0xffff;
	_ =	sdelay $0x4  }
0xb0: {  	v26 =	vsub.f32 v53, v26;
	_ =	sdelay $0x1  }
0xb1: {  	[tilespmem:v12+s24+$0x0] =	vst.idx.msk $0xffff, v26  }
0xb2: {  	v26 =	vld.idx.msk [tilespmem:v24+s22+$0x0], $0xffff  }
0xb3: {  	v54 =	vld.idx.msk [tilespmem:v52+s22+$0x0], $0xffff;
	_ =	sdelay $0x4  }
0xb4: {  	v26 =	vsub.f32 v54, v26;
	_ =	sdelay $0x1  }
0xb5: {  	[tilespmem:v13+s24+$0x0] =	vst.idx.msk $0xffff, v26  }
0xb6: {  	v24 =	vld.idx.msk [tilespmem:v24+s23+$0x0], $0xffff  }
0xb7: {  	v25 =	vld.idx.msk [tilespmem:v52+s23+$0x0], $0xffff;
	_ =	sdelay $0x4  }
0xb8: {  	v24 =	vsub.f32 v25, v24;
	_ =	sdelay $0x1  }
0xb9: {  	[tilespmem:v14+s24+$0x0] =	vst.idx.msk $0xffff, v24  }
0xba: {  	v24 =	vld [tilespmem:s4+$0x1850]  }
0xbb: {  	v55 =	vld [tilespmem:s4+$0x2C50];
	_ =	sdelay $0x6  }
0xbc: {  	v26 =	vld.idx.msk [tilespmem:v24+s21+$0x0], $0xffff  }
0xbd: {  	v56 =	vld.idx.msk [tilespmem:v55+s21+$0x0], $0xffff;
	_ =	sdelay $0x4  }
0xbe: {  	v26 =	vsub.f32 v56, v26;
	_ =	sdelay $0x1  }
0xbf: {  	[tilespmem:v15+s24+$0x0] =	vst.idx.msk $0xffff, v26  }
0xc0: {  	v26 =	vld.idx.msk [tilespmem:v24+s22+$0x0], $0xffff  }
0xc1: {  	v57 =	vld.idx.msk [tilespmem:v55+s22+$0x0], $0xffff;
	_ =	sdelay $0x4  }
0xc2: {  	v26 =	vsub.f32 v57, v26;
	_ =	sdelay $0x1  }
0xc3: {  	[tilespmem:v16+s24+$0x0] =	vst.idx.msk $0xffff, v26  }
0xc4: {  	v24 =	vld.idx.msk [tilespmem:v24+s23+$0x0], $0xffff  }
0xc5: {  	v25 =	vld.idx.msk [tilespmem:v55+s23+$0x0], $0xffff;
	_ =	sdelay $0x4  }
0xc6: {  	v24 =	vsub.f32 v25, v24;
	_ =	sdelay $0x1  }
0xc7: {  	[tilespmem:v17+s24+$0x0] =	vst.idx.msk $0xffff, v24  }
0xc8: {  	v24 =	vld [tilespmem:s4+$0x1860]  }
0xc9: {  	v58 =	vld [tilespmem:s4+$0x2C60];
	_ =	sdelay $0x6  }
0xca: {  	v26 =	vld.idx.msk [tilespmem:v24+s21+$0x0], $0xffff  }
0xcb: {  	v59 =	vld.idx.msk [tilespmem:v58+s21+$0x0], $0xffff;
	_ =	sdelay $0x4  }
0xcc: {  	v26 =	vsub.f32 v59, v26;
	_ =	sdelay $0x1  }
0xcd: {  	[tilespmem:v18+s24+$0x0] =	vst.idx.msk $0xffff, v26  }
0xce: {  	v26 =	vld.idx.msk [tilespmem:v24+s22+$0x0], $0xffff  }
0xcf: {  	v60 =	vld.idx.msk [tilespmem:v58+s22+$0x0], $0xffff;
	_ =	sdelay $0x4  }
0xd0: {  	v26 =	vsub.f32 v60, v26;
	_ =	sdelay $0x1  }
0xd1: {  	[tilespmem:v19+s24+$0x0] =	vst.idx.msk $0xffff, v26  }
0xd2: {  	v24 =	vld.idx.msk [tilespmem:v24+s23+$0x0], $0xffff  }
0xd3: {  	v25 =	vld.idx.msk [tilespmem:v58+s23+$0x0], $0xffff;
	_ =	sdelay $0x4  }
0xd4: {  	v24 =	vsub.f32 v25, v24;
	_ =	sdelay $0x1  }
0xd5: {  	[tilespmem:v20+s24+$0x0] =	vst.idx.msk $0xffff, v24  }
0xd6: {  	v24 =	vld [tilespmem:s4+$0x1870]  }
0xd7: {  	v61 =	vld [tilespmem:s4+$0x2C70];
	_ =	sdelay $0x6  }
0xd8: {  	v26 =	vld.idx.msk [tilespmem:v24+s21+$0x0], $0xffff  }
0xd9: {  	v62 =	vld.idx.msk [tilespmem:v61+s21+$0x0], $0xffff;
	_ =	sdelay $0x4  }
0xda: {  	v26 =	vsub.f32 v62, v26;
	_ =	sdelay $0x1  }
0xdb: {  	[tilespmem:v21+s24+$0x0] =	vst.idx.msk $0xffff, v26  }
0xdc: {  	v26 =	vld.idx.msk [tilespmem:v24+s22+$0x0], $0xffff  }
0xdd: {  	v63 =	vld.idx.msk [tilespmem:v61+s22+$0x0], $0xffff;
	_ =	sdelay $0x4  }
0xde: {  	v26 =	vsub.f32 v63, v26;
	_ =	sdelay $0x1  }
0xdf: {  	[tilespmem:v22+s24+$0x0] =	vst.idx.msk $0xffff, v26  }
0xe0: {  	v24 =	vld.idx.msk [tilespmem:v24+s23+$0x0], $0xffff  }
0xe1: {  	v25 =	vld.idx.msk [tilespmem:v61+s23+$0x0], $0xffff;
	_ =	sdelay $0x4  }
0xe2: {  	v24 =	vsub.f32 v25, v24  }
0xe3: {  	p0 =	sne.s32 s26, $0x4E00  }
.Ltmp0:
0xe4: {  	[tilespmem:v23+s24+$0x0] =	vst.idx.msk $0xffff, v24;
	(pc) =	sbr.rel @p0 .LBB2_2-.Ltmp0, $4  }
0xe5: {  	[hbm4b:s20+s3] =	stream.linear.scatter [tilespmem:s24], [sflag:$0x3], $0x4000, $0x38;
	[tilespmem:$0xF800] =	vst v63  }
0xe6: {  	_ =	swait.ge [sflag:s25], $0x4000  }
0xe7: {  	[sflag:s25] =	ssyncset.done $0x0  }
0xe8: {  	s26 =	sadd.s32 $0x200, s26;
	s20 =	sadd.s32 $0x800, s20;
	[sflag:s25] =	ssyncadd.s32 $0xFFFFC000  }
0xe9: {  	s1 =	sadd.s32 $0x1, s1  }
0xea: {  	p0 =	sne.s32 s1, s19  }
.Ltmp1:
0xeb: {  	_ = 	snop;
	(pc) =	sbr.rel @p0 .LBB2_1-.Ltmp1, $1  }
0xec: {  	_ =	sdelay $0x3  }
0xed: {  	_ =	sfence.sel $0x180000  }
0xee: {  	[bflag:$0x0] =	sbarrier.arrive $0xFFFF  }
0xef: {  	_ =	strace $0x90000047  }
0xf0: {  	s0 =	stileid.u32;
	[bflag:$0x2] =	sbarrier.arrive $0xFFFF  }
0xf1: {  	p0 =	sne.s32 s0, $0x0;
	s0 =	rddreg [dreg:$0x2]  }
0xf2: {  	s0 =	sadd.s32 @!p0 $0x100000, s0  }
0xf3: {  	[sflag:s0] =	ssyncadd.tile.s32 @!p0 $0x1;
	_ =	shalt  }
.Lfunc_end2:
_tile_overlayer_lowered:
.L_overlay_start_2:
0xf4: {  	(tag) =	ssettag $0x2  }
0xf5: {  	s0 =	rddreg [dreg:$0x0];
	s2 =	stileid.u32  }
0xf6: {  	s1 =	rddreg [dreg:$0x1];
	p0 =	sne.s32 s2, $0x0  }
0xf7: {  	s3 =	rddreg [dreg:$0x2];
	[bflag:$0x3] =	sbarrier.arrive $0xFFFF;
	s2 =	simm.s32 @!p0 $0x1C03  }
0xf8: {  	[timem:s3], [sflag:s2] =	dma.local @!p0 [hbm:s0], s1  }
0xf9: {  	s0 =	simm.s32 @!p0 $0x3  }
0xfa: {  	_ =	swait.ge @!p0 [sflag:s0], s1  }
0xfb: {  	s1 =	ssub.s32 @!p0 $0x0, s1;
	[sflag:s0] =	ssyncset.done @!p0 $0x0  }
0xfc: {  	[sflag:s0] =	ssyncadd.s32 @!p0 s1  }
0xfd: {  	[bflag:$0x3] =	sbarrier.arrive $0xFFFF  }
0xfe: {  	_ =	shalt  }

// kernel: kernel.16.cloned.1.call-start
scs
__scs_entry_jumppad:
0x0: {  	(pc) =	sbr.rel $0x88, $3  }
0x1: {  	(tag) =	ssettag $0x0;
	lr =	simm.s32 $0x1  }
0x2: {  	[smem:$0x3F92] =	sst lr;
	_ =	strace $0xD0000000  }
0x3: {  	_ = 	snop  }
0x4: {  	_ = 	snop  }
0x5: {  	_ = 	snop  }
0x6: {  	_ = 	snop  }
0x7: {  	_ = 	snop  }
__scs_overlays_trampoline_lowered:
0x8: {  	[smem:$0x3FA1] =	sst s0  }
0x9: {  	[smem:$0x3FA2] =	sst s1  }
0xa: {  	[smem:$0x3FA3] =	sst s2  }
0xb: {  	[smem:$0x3FA4] =	sst s3  }
0xc: {  	[smem:$0x3FA5] =	sst s4  }
0xd: {  	[smem:$0x3FA6] =	sst s5  }
0xe: {  	[smem:$0x3FA7] =	sst s6  }
0xf: {  	[smem:$0x3FA8] =	sst s7  }
0x10: {  	[smem:$0x3FA9] =	sst s8  }
0x11: {  	[smem:$0x3FAA] =	sst s9;
	s0 =	simm.s32 @!p0 $0x0  }
0x12: {  	s1 =	sld [smem:$0x3F90];
	s0 =	simm.s32 @p0 $0x1  }
0x13: {  	[smem:$0x3FAB] =	sst s0;
	s0 =	simm.s32 @!p1 $0x0  }
0x14: {  	s2 =	sld [smem:$0x3F8F];
	s0 =	simm.s32 @p1 $0x1  }
0x15: {  	[smem:$0x3FAC] =	sst s0;
	s0 =	simm.s32 @!p2 $0x0  }
0x16: {  	s3 =	sld [smem:$0x3FDB];
	s0 =	simm.s32 @p2 $0x1  }
0x17: {  	s4 =	simm.s32 $0x1BF5;
	[smem:$0x3FAE] =	sst s0  }
0x18: {  	s0 =	sld [smem:$0x3F91];
	_ =	swait.ge [sflag:s4], $0x0  }
0x19: {  	s7 =	sld [smem:$0x3F92]  }
0x1a: {  	s8 =	sadd.s32 $0xFFFFE003, lr  }
0x1b: {  	s9 =	sadd.s32 $0xFFFFFEF7, lr;
	s5 =	simm.s32 $0xFFFFFFFF;
	p2 =	slt.u32 s8, $0xFFFFF086  }
0x1c: {  	p1 =	slt.u32 s9, $0xF7A;
	s5 =	simm.s32 @!p2 $0x0  }
0x1d: {  	s5 =	simm.s32 @p1 $0x1;
	p0 =	seq.s32 s7, s2  }
0x1e: {  	s7 =	smul.u32 @!p0 $0xF7A, s2;
	p2 =	seq.s32 @!p0 s5, $0x0  }
0x1f: {  	s9 =	smul.u32 $0xF7A, s1;
	s8 =	simm.s32 @!p0 $0x1BF5;
	p2 =	por !p2, p0  }
0x20: {  	[sflag:s8] =	ssyncset.s32 @!p0 $0xFFFFF086;
	s6 =	sadd.s32 @!p0 s3, s7;
	s7 =	simm.s32 @!p0 $0x108  }
0x21: {  	s3 =	sadd.s32 s3, s9;
	s6 =	sadd.s32 @!p0 $0x88, s6;
	s7 =	simm.s32 @p2 $0x1082  }
0x22: {  	[simem:s7], [sflag:s8] =	dma.local @!p0 [hbm:s6], $0xF7A  }
0x23: {  	s9 =	sor.u32 $0xD0000000, s2;
	s6 =	simm.s32 $0x108;
	_ =	swait.ge @!p0 [sflag:s8], $0x0  }
0x24: {  	s3 =	sadd.s32 $0x88, s3;
	s6 =	simm.s32 @!p1 $0x1082;
	[sflag:s4] =	ssyncset.s32 $0xFFFFF086  }
0x25: {  	[simem:s6], [sflag:s4] =	dma.local [hbm:s3], $0xF7A  }
0x26: {  	[smem:$0x3F92] =	sst s1;
	(tag) =	ssettag s2;
	_ =	strace s9  }
0x27: {  	s1 =	sld [smem:$0x3FA2]  }
0x28: {  	s2 =	sld [smem:$0x3FA3]  }
0x29: {  	s4 =	sld [smem:$0x3FA5]  }
0x2a: {  	p0 =	seq.s32 s5, $0x0;
	s5 =	sld [smem:$0x3FA6]  }
0x2b: {  	s6 =	sld [smem:$0x3FA7]  }
0x2c: {  	s7 =	sld [smem:$0x3FA8]  }
0x2d: {  	s3 =	simm.s32 $0x108;
	s8 =	sld [smem:$0x3FA9]  }
0x2e: {  	s3 =	simm.s32 @!p0 $0x1082;
	s9 =	sld [smem:$0x3FAA]  }
0x2f: {  	lr =	sadd.s32 s0, s3;
	s0 =	sld [smem:$0x3FA1]  }
0x30: {  	s3 =	sld [smem:$0x3FA4]  }
0x31: {  	[smem:$0x3FAD] =	sst s10  }
0x32: {  	s10 =	sld [smem:$0x3FAB];
	_ =	sdelay $0x3  }
0x33: {  	p0 =	seq.s32 s10, $0x1;
	s10 =	sld [smem:$0x3FAD];
	_ =	sdelay $0x3  }
0x34: {  	[smem:$0x3FAD] =	sst s10  }
0x35: {  	s10 =	sld [smem:$0x3FAC];
	_ =	sdelay $0x3  }
0x36: {  	p1 =	seq.s32 s10, $0x1;
	s10 =	sld [smem:$0x3FAD];
	_ =	sdelay $0x3  }
0x37: {  	[smem:$0x3FAD] =	sst s10  }
0x38: {  	s10 =	sld [smem:$0x3FAE]  }
0x39: {  	_ = 	snop;
	(pc) =	sbr.ind lr, $3  }
0x3a: {  	_ = 	snop  }
0x3b: {  	_ = 	snop  }
0x3c: {  	p2 =	seq.s32 s10, $0x1;
	s10 =	sld [smem:$0x3FAD]  }
0x3d: {  	_ =	shalt  }
0x3e: {  	_ =	shalt  }
0x3f: {  	_ =	shalt  }
0x40: {  	_ =	shalt  }
0x41: {  	_ =	shalt  }
0x42: {  	_ =	shalt  }
0x43: {  	_ =	shalt  }
0x44: {  	_ =	shalt  }
0x45: {  	_ =	shalt  }
0x46: {  	_ =	shalt  }
0x47: {  	_ =	shalt  }
0x48: {  	_ =	shalt  }
0x49: {  	_ =	shalt  }
0x4a: {  	_ =	shalt  }
0x4b: {  	_ =	shalt  }
0x4c: {  	_ =	shalt  }
0x4d: {  	_ =	shalt  }
0x4e: {  	_ =	shalt  }
0x4f: {  	_ =	shalt  }
0x50: {  	_ =	shalt  }
0x51: {  	_ =	shalt  }
0x52: {  	_ =	shalt  }
0x53: {  	_ =	shalt  }
0x54: {  	_ =	shalt  }
0x55: {  	_ =	shalt  }
0x56: {  	_ =	shalt  }
0x57: {  	_ =	shalt  }
0x58: {  	_ =	shalt  }
0x59: {  	_ =	shalt  }
0x5a: {  	_ =	shalt  }
0x5b: {  	_ =	shalt  }
0x5c: {  	_ =	shalt  }
0x5d: {  	_ =	shalt  }
0x5e: {  	_ =	shalt  }
0x5f: {  	_ =	shalt  }
0x60: {  	_ =	shalt  }
0x61: {  	_ =	shalt  }
0x62: {  	_ =	shalt  }
0x63: {  	_ =	shalt  }
0x64: {  	_ =	shalt  }
0x65: {  	_ =	shalt  }
0x66: {  	_ =	shalt  }
0x67: {  	_ =	shalt  }
0x68: {  	_ =	shalt  }
0x69: {  	_ =	shalt  }
0x6a: {  	_ =	shalt  }
0x6b: {  	_ =	shalt  }
0x6c: {  	_ =	shalt  }
0x6d: {  	_ =	shalt  }
0x6e: {  	_ =	shalt  }
0x6f: {  	_ =	shalt  }
0x70: {  	_ =	shalt  }
0x71: {  	_ =	shalt  }
0x72: {  	_ =	shalt  }
0x73: {  	_ =	shalt  }
0x74: {  	_ =	shalt  }
0x75: {  	_ =	shalt  }
0x76: {  	_ =	shalt  }
0x77: {  	_ =	shalt  }
0x78: {  	_ =	shalt  }
0x79: {  	_ =	shalt  }
0x7a: {  	_ =	shalt  }
0x7b: {  	_ =	shalt  }
0x7c: {  	_ =	shalt  }
0x7d: {  	_ =	shalt  }
0x7e: {  	_ =	shalt  }
0x7f: {  	_ =	shalt  }
0x80: {  	_ =	shalt  }
0x81: {  	_ =	shalt  }
0x82: {  	_ =	shalt  }
0x83: {  	_ =	shalt  }
0x84: {  	_ =	shalt  }
0x85: {  	_ =	shalt  }
0x86: {  	_ =	shalt  }
0x87: {  	_ =	shalt  }
.Lfunc_end0:
.L_simem_size_0:
called_computation.1_lowered:
.L_overlay_start_0:
0x88: {  	s2 =	sld [smem:$0x3FD9]  }
0x89: {  	s3 =	sld [smem:$0x3FFE];
	_ =	sdelay $0x1  }
0x8a: {  	s1 =	srdreg.scid  }
0x8b: {  	s0 =	sand.u32 $0x1, s1  }
0x8c: {  	s16 =	sshll.u32 s0, $0xA;
	s2 =	sadd.s32 s3, s2  }
0x8d: {  	s2 =	sadd.s32 s2, s16  }
0x8e: {  	[smem:$0x3FB9] =	sst s2  }
0x8f: {  	_ = 	snop  }
0x90: {  	(tm) =	ssettm $0x1  }
0x91: {  	s17 =	sld [smem:$0x3FFB];
	_ =	sdelay $0x3  }
0x92: {  	_ =	strace s17  }
0x93: {  	s2 =	sld [smem:$0x3FFC];
	_ =	sdelay $0x3  }
0x94: {  	_ =	strace s2  }
0x95: {  	s2 =	sld [smem:$0x3FFD];
	_ =	sdelay $0x3  }
0x96: {  	_ =	strace s2  }
0x97: {  	_ =	strace $0x8FFFFFFF  }
0x98: {  	s18 =	sld [smem:$0x3FDB];
	_ =	sdelay $0x1  }
0x99: {  	s19 =	simm.s32 $_scs_section_size  }
0x9a: {  	s4 =	simm.s32 $_size__tile_overlayer_lowered;
	s5 =	simm.s32 $_tile_overlayer_lowered  }
0x9b: {  	s22 =	simm.s32 $0x1BFF;
	s21 =	sshll.u32 s5, $0x1;
	s2 =	sadd.s32 s19, s18  }
0x9c: {  	s6 =	simm.s32 $0x0;
	s20 =	sshll.u32 s4, $0x1;
	s4 =	sadd.s32 s21, s2  }
0x9d: {  	[timem:s6], [sflag:s22] =	dma.local [hbm:s4], s20  }
0x9e: {  	_ =	swait.ge [sflag:s22], s20  }
0x9f: {  	s3 =	ssub.s32 $0x0, s20;
	[sflag:s22] =	ssyncset.done $0x0  }
0xa0: {  	[sflag:s22] =	ssyncadd.s32 s3;
	_ =	sdelay $0x1  }
0xa1: {  	s23 =	simm.s32 $0x1B8B  }
0xa2: {  	_ =	swait.ge [sflag:s23], $0x1  }
0xa3: {  	[sflag:s23] =	ssyncset.done $0x0  }
0xa4: {  	s25 =	simm.s32 $0x1B8E;
	s24 =	sld [smem:$0x3FFE];
	[sflag:s23] =	ssyncadd.s32 $0xFFFFFFFF  }
0xa5: {  	s26 =	simm.s32 $execute0_lowered;
	[smem:$0x3FD2] =	sst s25  }
0xa6: {  	s4 =	sshll.u32 s26, $0x1;
	_ =	strace $0x80000049;
	[dreg:$0x1] =	wrdreg $0xFFFFFFFF  }
0xa7: {  	s28 =	simm.s32 $_size_execute0_lowered;
	s2 =	sadd.s32 s2, s4;
	[dreg:$0x0] =	wrdreg $0x0  }
0xa8: {  	s4 =	sshll.u32 s28, $0x1;
	[dreg:$0x2] =	wrdreg s2  }
0xa9: {  	[dreg:$0x3] =	wrdreg s4  }
0xaa: {  	[dreg:$0x4] =	wrdreg $0xC0  }
0xab: {  	_ =	task [dreg:s6], $0x5FFFF  }
0xac: {  	[dreg:$0x1] =	wrdreg $0xFFFFFFFF  }
0xad: {  	[dreg:$0x0] =	wrdreg $0x60  }
0xae: {  	[dreg:$0x2] =	wrdreg s24  }
0xaf: {  	[dreg:$0x3] =	wrdreg $0x0  }
0xb0: {  	[dreg:$0x4] =	wrdreg $0x9  }
0xb1: {  	_ =	task.clear_ibuf [dreg:s6], $0x5FFFF;
	_ =	strace $0x90000049  }
0xb2: {  	s29 =	simm.s32 $0x9;
	_ =	strace $0x8000004B  }
0xb3: {  	_ =	swait.ge [sflag:s29], $0x1  }
0xb4: {  	[sflag:s29] =	ssyncadd.s32 $0xFFFFFFFF  }
0xb5: {  	_ =	strace $0x9000004B  }
0xb6: {  	_ =	sfence  }
0xb7: {  	s30 =	sld [smem:$0x0];
	_ =	sdelay $0x2  }
0xb8: {  	s31 =	sshll.u32 s1, $0xD;
	s1 =	sshrl.u32 s1, $0x2  }
0xb9: {  	s3 =	sand.u32 $0x4000, s31;
	s1 =	sadd.s32 s1, s30  }
0xba: {  	s0 =	sor.u32 s3, s0;
	s1 =	sshll.u32 s1, $0x11  }
0xbb: {  	s0 =	sor.u32 s1, s0  }
0xbc: {  	s0 =	sadd.s32 $0x8F2B, s0  }
0xbd: {  	[sflag:s0] =	ssyncadd.remote.s32 $0x1  }
0xbe: {  	_ =	sfence.sel $0xFFFF  }
0xbf: {  	[dreg:$0x0] =	wrdreg $0xFFFFFFFF;
	(pc) =	sbr.abs _section_cstart, $3  }
0xc0: {  	[dreg:$0x1] =	wrdreg $0xFFFFFFFF  }
0xc1: {  	_ =	task.clear_ibuf [dreg:s6], $0x2FFFF;
	_ =	strace $0x9FFFFFFF  }
0xc2: {  	(tm) =	ssettm $0x7FFFFFFF  }
0xc3: {  	_ =	shalt  }
tec
execute0_lowered:
.L_overlay_start_1:
0x0: {  	(tag) =	ssettag $0x1  }
0x1: {  	s4 =	rddreg [dreg:$0x0];
	s0 =	srdreg.scid  }
0x2: {  	s2 =	rddreg [dreg:$0x1];
	s1 =	stileid.u32;
	s3 =	simm.s32 $0x0  }
0x3: {  	s13 =	simm.s32 $0x14000;
	s14 =	simm.s32 $0x15400;
	s15 =	simm.s32 $0x80  }
0x4: {  	s16 =	simm.s32 $0x16800;
	s17 =	simm.s32 $0x1A800;
	s18 =	simm.s32 $0x1  }
0x5: {  	s19 =	simm.s32 $0x2;
	s20 =	simm.s32 $0x3;
	s7 =	smul.u32 $0x50, s1  }
0x6: {  	s21 =	simm.s32 $0x4;
	s22 =	simm.s32 $0x0;
	s8 =	smul.u32 $0x2800, s1  }
0x7: {  	s5 =	sand.u32 $0x1, s0;
	s0 =	rddreg [dreg:$0x2];
	s9 =	smul.u32 $0x28000, s1  }
0x8: {  	[smem:$0x7FF] =	sst s3;
	s10 =	smul.u32 $0x50000, s1;
	s29 =	sshll.u32 s1, $0x6  }
0x9: {  	s6 =	ssub.s32 $0x0, s5;
	_ =	strace $0x8000004A;
	s5 =	ssub.s32 $0x2, s5  }
0xa: {  	s6 =	sand.u32 $0x28, s6;
	s8 =	sadd.s32 s8, s4;
	s9 =	sadd.s32 s9, s4  }
0xb: {  	s28 =	sshrl.u32 s5, $0x1;
	s10 =	sshrl.u32 s10, $0x2;
	s7 =	sadd.s32 s7, s6  }
0xc: {  	s11 =	ssub.s32 s5, s28;
	s12 =	sadd.s32 s10, s2;
	s30 =	sshll.u32 s6, $0xB  }
0xd: {  	s5 =	sor.u32 $0x1C05, s29;
	s7 =	sshll.u32 s7, $0x4;
	s31 =	sadd.s32 s30, s9  }
0xe: {  	s7 =	sadd.s32 s7, s4;
	s4 =	sadd.s32 $0x293A00, s8;
	s8 =	smax.u32 s11, $0x1  }
0xf: {  	s9 =	sadd.s32 $0x53BA00, s31;
	s10 =	sadd.s32 $0x2BBA00, s31;
	s11 =	sshrl.u32 s12, $0x3  }
0x10: {  	s12 =	simm.s32 $0x5;
	s6 =	sadd.s32 $0xE200, s7;
	s7 =	sadd.s32 $0x9200, s7  }
.LBB2_1:
0x11: {  	[spmem:s11], [sflag:s5] =	dma.local [hbm:s4], $0x2800  }
0x12: {  	_ =	swait.ge [sflag:s12], $0x2800  }
0x13: {  	[sflag:s12] =	ssyncset.done $0x0  }
0x14: {  	[sflag:s12] =	ssyncadd.s32 $0xFFFFD800  }
0x15: {  	[tilespmem:s13], [sflag:$0x5] =	stream.linear.gather [hbm4b:s6+s3], $0x1400, $0x38;
	[tilespmem:$0x1E800] =	vst v63  }
0x16: {  	_ =	swait.ge [sflag:s12], $0x1400  }
0x17: {  	[sflag:s12] =	ssyncset.done $0x0  }
0x18: {  	[sflag:s12] =	ssyncadd.s32 $0xFFFFEC00  }
0x19: {  	[tilespmem:s14], [sflag:$0x5] =	stream.linear.gather [hbm4b:s7+s3], $0x1400, $0x38;
	[tilespmem:$0x1E800] =	vst v63  }
0x1a: {  	_ =	swait.ge [sflag:s12], $0x1400  }
0x1b: {  	[sflag:s12] =	ssyncset.done $0x0  }
0x1c: {  	[sflag:s12] =	ssyncadd.s32 $0xFFFFEC00  }
0x1d: {  	s23 =	simm.s32 $0x14000;
	[bflag:$0x0] =	sbarrier.arrive $0xFFFF  }
0x1e: {  	[tilespmem:s16], [sflag:$0x1] =	stream.indirect.gather [spmem:s2], $0x80, s23, s15, $0xb8;
	[tilespmem:$0x1E800] =	vst v63  }
0x1f: {  	s31 =	simm.s32 $0x15400  }
0x20: {  	[tilespmem:s17], [sflag:$0x2] =	stream.indirect.gather [spmem:s2], $0x80, s31, s15, $0xb8;
	[tilespmem:$0x1E800] =	vst v63  }
0x21: {  	_ =	swait.ge [sflag:s18], $0x4000  }
0x22: {  	[sflag:s18] =	ssyncset.done $0x0  }
0x23: {  	[sflag:s18] =	ssyncadd.s32 $0xFFFFC000  }
0x24: {  	[hbm4b:s10+s3] =	stream.linear.scatter [tilespmem:s16], [sflag:$0x3], $0x4000, $0x38;
	[tilespmem:$0x1E800] =	vst v63  }
0x25: {  	_ =	swait.ge [sflag:s19], $0x4000  }
0x26: {  	[sflag:s19] =	ssyncset.done $0x0  }
0x27: {  	[sflag:s19] =	ssyncadd.s32 $0xFFFFC000  }
0x28: {  	[hbm4b:s9+s3] =	stream.linear.scatter [tilespmem:s17], [sflag:$0x4], $0x4000, $0x38;
	[tilespmem:$0x1E800] =	vst v63  }
0x29: {  	_ =	swait.ge [sflag:s20], $0x4000  }
0x2a: {  	[sflag:s20] =	ssyncset.done $0x0  }
0x2b: {  	[sflag:s20] =	ssyncadd.s32 $0xFFFFC000  }
0x2c: {  	s26 =	simm.s32 $0x400;
	s24 =	sadd.s32 $0x800, s10;
	_ =	swait.ge [sflag:s21], $0x4000  }
0x2d: {  	s25 =	simm.s32 $0x80;
	s23 =	sadd.s32 $0x800, s9;
	[sflag:s21] =	ssyncset.done $0x0  }
.LBB2_2:
0x2e: {  	s28 =	sadd.s32 $0x14000, s25  }
0x2f: {  	[sflag:s21] =	ssyncadd.s32 $0xFFFFC000;
	s29 =	smov.u32 s26;
	s30 =	sadd.s32 $0x200, s26  }
0x30: {  	[tilespmem:s16], [sflag:$0x1] =	stream.indirect.gather [spmem:s2], $0x80, s28, s15, $0xb8;
	[tilespmem:$0x1E800] =	vst v63  }
0x31: {  	p0 =	sne.s32 s26, $0x4E00;
	s25 =	sadd.s32 $0x15400, s25  }
0x32: {  	[tilespmem:s17], [sflag:$0x2] =	stream.indirect.gather [spmem:s2], $0x80, s25, s15, $0xb8;
	[tilespmem:$0x1E800] =	vst v63  }
0x33: {  	_ =	swait.ge [sflag:s18], $0x4000  }
0x34: {  	[sflag:s18] =	ssyncset.done $0x0  }
0x35: {  	[sflag:s18] =	ssyncadd.s32 $0xFFFFC000  }
0x36: {  	[hbm4b:s24+s3] =	stream.linear.scatter [tilespmem:s16], [sflag:$0x3], $0x4000, $0x38;
	[tilespmem:$0x1E800] =	vst v63  }
0x37: {  	_ =	swait.ge [sflag:s19], $0x4000  }
0x38: {  	[sflag:s19] =	ssyncset.done $0x0  }
0x39: {  	[sflag:s19] =	ssyncadd.s32 $0xFFFFC000  }
0x3a: {  	[hbm4b:s23+s3] =	stream.linear.scatter [tilespmem:s17], [sflag:$0x4], $0x4000, $0x38;
	[tilespmem:$0x1E800] =	vst v63  }
.Ltmp0:
0x3b: {  	_ =	swait.ge [sflag:s20], $0x4000;
	(pc) =	sbr.rel @p0 .LBB2_2-.Ltmp0, $4  }
0x3c: {  	[sflag:s20] =	ssyncset.done $0x0  }
0x3d: {  	[sflag:s20] =	ssyncadd.s32 $0xFFFFC000  }
0x3e: {  	s26 =	smov.u32 s30;
	s24 =	sadd.s32 $0x800, s24;
	_ =	swait.ge [sflag:s21], $0x4000  }
0x3f: {  	s25 =	sshra.s32 s29, $0x2;
	s23 =	sadd.s32 $0x800, s23;
	[sflag:s21] =	ssyncset.done $0x0  }
0x40: {  	s26 =	sadd.s32 $0x14000, s25;
	[sflag:s21] =	ssyncadd.s32 $0xFFFFC000  }
0x41: {  	[tilespmem:s16], [sflag:$0x1] =	stream.indirect.gather [spmem:s2], $0x80, s26, s15, $0xb8;
	[tilespmem:$0x1E800] =	vst v63  }
0x42: {  	s31 =	sadd.s32 $0x15400, s25  }
0x43: {  	[tilespmem:s17], [sflag:$0x2] =	stream.indirect.gather [spmem:s2], $0x80, s31, s15, $0xb8;
	[tilespmem:$0x1E800] =	vst v63  }
0x44: {  	_ =	swait.ge [sflag:s18], $0x4000  }
0x45: {  	[sflag:s18] =	ssyncset.done $0x0  }
0x46: {  	[sflag:s18] =	ssyncadd.s32 $0xFFFFC000  }
0x47: {  	[hbm4b:s24+s3] =	stream.linear.scatter [tilespmem:s16], [sflag:$0x3], $0x4000, $0x38;
	[tilespmem:$0x1E800] =	vst v63  }
0x48: {  	_ =	swait.ge [sflag:s19], $0x4000  }
0x49: {  	[sflag:s19] =	ssyncset.done $0x0  }
0x4a: {  	s22 =	sadd.s32 $0x1, s22;
	[sflag:s19] =	ssyncadd.s32 $0xFFFFC000  }
0x4b: {  	[hbm4b:s23+s3] =	stream.linear.scatter [tilespmem:s17], [sflag:$0x4], $0x4000, $0x38;
	[tilespmem:$0x1E800] =	vst v63  }
0x4c: {  	p0 =	sne.s32 s22, s8;
	_ =	swait.ge [sflag:s20], $0x4000  }
.Ltmp1:
0x4d: {  	[sflag:s20] =	ssyncset.done $0x0;
	(pc) =	sbr.rel @p0 .LBB2_1-.Ltmp1, $4  }
0x4e: {  	[sflag:s20] =	ssyncadd.s32 $0xFFFFC000  }
0x4f: {  	_ =	swait.ge [sflag:s21], $0x4000  }
0x50: {  	[sflag:s21] =	ssyncset.done $0x0  }
0x51: {  	[sflag:s21] =	ssyncadd.s32 $0xFFFFC000  }
0x52: {  	_ =	sfence.sel $0x180000  }
0x53: {  	[bflag:$0x0] =	sbarrier.arrive $0xFFFF  }
0x54: {  	p0 =	sne.s32 s1, $0x0;
	_ =	strace $0x9000004A  }
0x55: {  	s0 =	sadd.s32 @!p0 $0x100000, s0;
	[bflag:$0x2] =	sbarrier.arrive $0xFFFF  }
0x56: {  	[sflag:s0] =	ssyncadd.tile.s32 @!p0 $0x1;
	_ =	shalt  }
.Lfunc_end2:
_tile_overlayer_lowered:
.L_overlay_start_2:
0x57: {  	(tag) =	ssettag $0x2  }
0x58: {  	s0 =	rddreg [dreg:$0x0];
	s2 =	stileid.u32  }
0x59: {  	s1 =	rddreg [dreg:$0x1];
	p0 =	sne.s32 s2, $0x0  }
0x5a: {  	s3 =	rddreg [dreg:$0x2];
	[bflag:$0x3] =	sbarrier.arrive $0xFFFF;
	s2 =	simm.s32 @!p0 $0x1C05  }
0x5b: {  	[timem:s3], [sflag:s2] =	dma.local @!p0 [hbm:s0], s1  }
0x5c: {  	s0 =	simm.s32 @!p0 $0x5  }
0x5d: {  	_ =	swait.ge @!p0 [sflag:s0], s1  }
0x5e: {  	s1 =	ssub.s32 @!p0 $0x0, s1;
	[sflag:s0] =	ssyncset.done @!p0 $0x0  }
0x5f: {  	[sflag:s0] =	ssyncadd.s32 @!p0 s1  }
0x60: {  	[bflag:$0x3] =	sbarrier.arrive $0xFFFF  }
0x61: {  	_ =	shalt  }

// kernel: kernel.19.cloned.1.call-start
scs
__scs_entry_jumppad:
0x0: {  	(pc) =	sbr.rel $0x88, $3  }
0x1: {  	(tag) =	ssettag $0x0;
	lr =	simm.s32 $0x1  }
0x2: {  	[smem:$0x3F92] =	sst lr;
	_ =	strace $0xD0000000  }
0x3: {  	_ = 	snop  }
0x4: {  	_ = 	snop  }
0x5: {  	_ = 	snop  }
0x6: {  	_ = 	snop  }
0x7: {  	_ = 	snop  }
__scs_overlays_trampoline_lowered:
0x8: {  	[smem:$0x3FA1] =	sst s0  }
0x9: {  	[smem:$0x3FA2] =	sst s1  }
0xa: {  	[smem:$0x3FA3] =	sst s2  }
0xb: {  	[smem:$0x3FA4] =	sst s3  }
0xc: {  	[smem:$0x3FA5] =	sst s4  }
0xd: {  	[smem:$0x3FA6] =	sst s5  }
0xe: {  	[smem:$0x3FA7] =	sst s6  }
0xf: {  	[smem:$0x3FA8] =	sst s7  }
0x10: {  	[smem:$0x3FA9] =	sst s8  }
0x11: {  	[smem:$0x3FAA] =	sst s9;
	s0 =	simm.s32 @!p0 $0x0  }
0x12: {  	s1 =	sld [smem:$0x3F90];
	s0 =	simm.s32 @p0 $0x1  }
0x13: {  	[smem:$0x3FAB] =	sst s0;
	s0 =	simm.s32 @!p1 $0x0  }
0x14: {  	s2 =	sld [smem:$0x3F8F];
	s0 =	simm.s32 @p1 $0x1  }
0x15: {  	[smem:$0x3FAC] =	sst s0;
	s0 =	simm.s32 @!p2 $0x0  }
0x16: {  	s3 =	sld [smem:$0x3FDB];
	s0 =	simm.s32 @p2 $0x1  }
0x17: {  	s4 =	simm.s32 $0x1BF5;
	[smem:$0x3FAE] =	sst s0  }
0x18: {  	s0 =	sld [smem:$0x3F91];
	_ =	swait.ge [sflag:s4], $0x0  }
0x19: {  	s7 =	sld [smem:$0x3F92]  }
0x1a: {  	s8 =	sadd.s32 $0xFFFFE003, lr  }
0x1b: {  	s9 =	sadd.s32 $0xFFFFFEF7, lr;
	s5 =	simm.s32 $0xFFFFFFFF;
	p2 =	slt.u32 s8, $0xFFFFF086  }
0x1c: {  	p1 =	slt.u32 s9, $0xF7A;
	s5 =	simm.s32 @!p2 $0x0  }
0x1d: {  	s5 =	simm.s32 @p1 $0x1;
	p0 =	seq.s32 s7, s2  }
0x1e: {  	s7 =	smul.u32 @!p0 $0xF7A, s2;
	p2 =	seq.s32 @!p0 s5, $0x0  }
0x1f: {  	s9 =	smul.u32 $0xF7A, s1;
	s8 =	simm.s32 @!p0 $0x1BF5;
	p2 =	por !p2, p0  }
0x20: {  	[sflag:s8] =	ssyncset.s32 @!p0 $0xFFFFF086;
	s6 =	sadd.s32 @!p0 s3, s7;
	s7 =	simm.s32 @!p0 $0x108  }
0x21: {  	s3 =	sadd.s32 s3, s9;
	s6 =	sadd.s32 @!p0 $0x88, s6;
	s7 =	simm.s32 @p2 $0x1082  }
0x22: {  	[simem:s7], [sflag:s8] =	dma.local @!p0 [hbm:s6], $0xF7A  }
0x23: {  	s9 =	sor.u32 $0xD0000000, s2;
	s6 =	simm.s32 $0x108;
	_ =	swait.ge @!p0 [sflag:s8], $0x0  }
0x24: {  	s3 =	sadd.s32 $0x88, s3;
	s6 =	simm.s32 @!p1 $0x1082;
	[sflag:s4] =	ssyncset.s32 $0xFFFFF086  }
0x25: {  	[simem:s6], [sflag:s4] =	dma.local [hbm:s3], $0xF7A  }
0x26: {  	[smem:$0x3F92] =	sst s1;
	(tag) =	ssettag s2;
	_ =	strace s9  }
0x27: {  	s1 =	sld [smem:$0x3FA2]  }
0x28: {  	s2 =	sld [smem:$0x3FA3]  }
0x29: {  	s4 =	sld [smem:$0x3FA5]  }
0x2a: {  	p0 =	seq.s32 s5, $0x0;
	s5 =	sld [smem:$0x3FA6]  }
0x2b: {  	s6 =	sld [smem:$0x3FA7]  }
0x2c: {  	s7 =	sld [smem:$0x3FA8]  }
0x2d: {  	s3 =	simm.s32 $0x108;
	s8 =	sld [smem:$0x3FA9]  }
0x2e: {  	s3 =	simm.s32 @!p0 $0x1082;
	s9 =	sld [smem:$0x3FAA]  }
0x2f: {  	lr =	sadd.s32 s0, s3;
	s0 =	sld [smem:$0x3FA1]  }
0x30: {  	s3 =	sld [smem:$0x3FA4]  }
0x31: {  	[smem:$0x3FAD] =	sst s10  }
0x32: {  	s10 =	sld [smem:$0x3FAB];
	_ =	sdelay $0x3  }
0x33: {  	p0 =	seq.s32 s10, $0x1;
	s10 =	sld [smem:$0x3FAD];
	_ =	sdelay $0x3  }
0x34: {  	[smem:$0x3FAD] =	sst s10  }
0x35: {  	s10 =	sld [smem:$0x3FAC];
	_ =	sdelay $0x3  }
0x36: {  	p1 =	seq.s32 s10, $0x1;
	s10 =	sld [smem:$0x3FAD];
	_ =	sdelay $0x3  }
0x37: {  	[smem:$0x3FAD] =	sst s10  }
0x38: {  	s10 =	sld [smem:$0x3FAE]  }
0x39: {  	_ = 	snop;
	(pc) =	sbr.ind lr, $3  }
0x3a: {  	_ = 	snop  }
0x3b: {  	_ = 	snop  }
0x3c: {  	p2 =	seq.s32 s10, $0x1;
	s10 =	sld [smem:$0x3FAD]  }
0x3d: {  	_ =	shalt  }
0x3e: {  	_ =	shalt  }
0x3f: {  	_ =	shalt  }
0x40: {  	_ =	shalt  }
0x41: {  	_ =	shalt  }
0x42: {  	_ =	shalt  }
0x43: {  	_ =	shalt  }
0x44: {  	_ =	shalt  }
0x45: {  	_ =	shalt  }
0x46: {  	_ =	shalt  }
0x47: {  	_ =	shalt  }
0x48: {  	_ =	shalt  }
0x49: {  	_ =	shalt  }
0x4a: {  	_ =	shalt  }
0x4b: {  	_ =	shalt  }
0x4c: {  	_ =	shalt  }
0x4d: {  	_ =	shalt  }
0x4e: {  	_ =	shalt  }
0x4f: {  	_ =	shalt  }
0x50: {  	_ =	shalt  }
0x51: {  	_ =	shalt  }
0x52: {  	_ =	shalt  }
0x53: {  	_ =	shalt  }
0x54: {  	_ =	shalt  }
0x55: {  	_ =	shalt  }
0x56: {  	_ =	shalt  }
0x57: {  	_ =	shalt  }
0x58: {  	_ =	shalt  }
0x59: {  	_ =	shalt  }
0x5a: {  	_ =	shalt  }
0x5b: {  	_ =	shalt  }
0x5c: {  	_ =	shalt  }
0x5d: {  	_ =	shalt  }
0x5e: {  	_ =	shalt  }
0x5f: {  	_ =	shalt  }
0x60: {  	_ =	shalt  }
0x61: {  	_ =	shalt  }
0x62: {  	_ =	shalt  }
0x63: {  	_ =	shalt  }
0x64: {  	_ =	shalt  }
0x65: {  	_ =	shalt  }
0x66: {  	_ =	shalt  }
0x67: {  	_ =	shalt  }
0x68: {  	_ =	shalt  }
0x69: {  	_ =	shalt  }
0x6a: {  	_ =	shalt  }
0x6b: {  	_ =	shalt  }
0x6c: {  	_ =	shalt  }
0x6d: {  	_ =	shalt  }
0x6e: {  	_ =	shalt  }
0x6f: {  	_ =	shalt  }
0x70: {  	_ =	shalt  }
0x71: {  	_ =	shalt  }
0x72: {  	_ =	shalt  }
0x73: {  	_ =	shalt  }
0x74: {  	_ =	shalt  }
0x75: {  	_ =	shalt  }
0x76: {  	_ =	shalt  }
0x77: {  	_ =	shalt  }
0x78: {  	_ =	shalt  }
0x79: {  	_ =	shalt  }
0x7a: {  	_ =	shalt  }
0x7b: {  	_ =	shalt  }
0x7c: {  	_ =	shalt  }
0x7d: {  	_ =	shalt  }
0x7e: {  	_ =	shalt  }
0x7f: {  	_ =	shalt  }
0x80: {  	_ =	shalt  }
0x81: {  	_ =	shalt  }
0x82: {  	_ =	shalt  }
0x83: {  	_ =	shalt  }
0x84: {  	_ =	shalt  }
0x85: {  	_ =	shalt  }
0x86: {  	_ =	shalt  }
0x87: {  	_ =	shalt  }
.Lfunc_end0:
.L_simem_size_0:
called_computation.2_lowered:
.L_overlay_start_0:
0x88: {  	s2 =	sld [smem:$0x3FD9]  }
0x89: {  	s3 =	sld [smem:$0x3FFE];
	_ =	sdelay $0x1  }
0x8a: {  	s1 =	srdreg.scid  }
0x8b: {  	s0 =	sand.u32 $0x1, s1  }
0x8c: {  	s16 =	sshll.u32 s0, $0xA;
	s2 =	sadd.s32 s3, s2  }
0x8d: {  	s2 =	sadd.s32 s2, s16  }
0x8e: {  	[smem:$0x3FB9] =	sst s2  }
0x8f: {  	_ = 	snop  }
0x90: {  	(tm) =	ssettm $0x1  }
0x91: {  	s17 =	sld [smem:$0x3FFB];
	_ =	sdelay $0x3  }
0x92: {  	_ =	strace s17  }
0x93: {  	s2 =	sld [smem:$0x3FFC];
	_ =	sdelay $0x3  }
0x94: {  	_ =	strace s2  }
0x95: {  	s2 =	sld [smem:$0x3FFD];
	_ =	sdelay $0x3  }
0x96: {  	_ =	strace s2  }
0x97: {  	_ =	strace $0x8FFFFFFF  }
0x98: {  	s18 =	sld [smem:$0x3FDB];
	_ =	sdelay $0x1  }
0x99: {  	s19 =	simm.s32 $_scs_section_size  }
0x9a: {  	s4 =	simm.s32 $_size__tile_overlayer_lowered;
	s5 =	simm.s32 $_tile_overlayer_lowered  }
0x9b: {  	s22 =	simm.s32 $0x1BFF;
	s21 =	sshll.u32 s5, $0x1;
	s2 =	sadd.s32 s19, s18  }
0x9c: {  	s6 =	simm.s32 $0x0;
	s20 =	sshll.u32 s4, $0x1;
	s4 =	sadd.s32 s21, s2  }
0x9d: {  	[timem:s6], [sflag:s22] =	dma.local [hbm:s4], s20  }
0x9e: {  	_ =	swait.ge [sflag:s22], s20  }
0x9f: {  	s3 =	ssub.s32 $0x0, s20;
	[sflag:s22] =	ssyncset.done $0x0  }
0xa0: {  	[sflag:s22] =	ssyncadd.s32 s3;
	_ =	sdelay $0x1  }
0xa1: {  	s23 =	simm.s32 $0x1B8B  }
0xa2: {  	_ =	swait.ge [sflag:s23], $0x1  }
0xa3: {  	[sflag:s23] =	ssyncset.done $0x0  }
0xa4: {  	s25 =	simm.s32 $0x1B8E;
	s24 =	sld [smem:$0x3FFE];
	[sflag:s23] =	ssyncadd.s32 $0xFFFFFFFF  }
0xa5: {  	s26 =	simm.s32 $execute0_lowered;
	[smem:$0x3FD2] =	sst s25  }
0xa6: {  	s4 =	sshll.u32 s26, $0x1;
	_ =	strace $0x8000004C;
	[dreg:$0x1] =	wrdreg $0xFFFFFFFF  }
0xa7: {  	s28 =	simm.s32 $_size_execute0_lowered;
	s2 =	sadd.s32 s2, s4;
	[dreg:$0x0] =	wrdreg $0x0  }
0xa8: {  	s4 =	sshll.u32 s28, $0x1;
	[dreg:$0x2] =	wrdreg s2  }
0xa9: {  	[dreg:$0x3] =	wrdreg s4  }
0xaa: {  	[dreg:$0x4] =	wrdreg $0xC0  }
0xab: {  	_ =	task [dreg:s6], $0x5FFFF  }
0xac: {  	[dreg:$0x1] =	wrdreg $0xFFFFFFFF  }
0xad: {  	[dreg:$0x0] =	wrdreg $0x60  }
0xae: {  	[dreg:$0x2] =	wrdreg s24  }
0xaf: {  	[dreg:$0x3] =	wrdreg $0x0  }
0xb0: {  	[dreg:$0x4] =	wrdreg $0x9  }
0xb1: {  	_ =	task.clear_ibuf [dreg:s6], $0x5FFFF;
	_ =	strace $0x9000004C  }
0xb2: {  	s29 =	simm.s32 $0x9;
	_ =	strace $0x8000004E  }
0xb3: {  	_ =	swait.ge [sflag:s29], $0x1  }
0xb4: {  	[sflag:s29] =	ssyncadd.s32 $0xFFFFFFFF  }
0xb5: {  	_ =	strace $0x9000004E  }
0xb6: {  	_ =	sfence  }
0xb7: {  	s30 =	sld [smem:$0x0];
	_ =	sdelay $0x2  }
0xb8: {  	s31 =	sshll.u32 s1, $0xD;
	s1 =	sshrl.u32 s1, $0x2  }
0xb9: {  	s3 =	sand.u32 $0x4000, s31;
	s1 =	sadd.s32 s1, s30  }
0xba: {  	s0 =	sor.u32 s3, s0;
	s1 =	sshll.u32 s1, $0x11  }
0xbb: {  	s0 =	sor.u32 s1, s0  }
0xbc: {  	s0 =	sadd.s32 $0x8F2B, s0  }
0xbd: {  	[sflag:s0] =	ssyncadd.remote.s32 $0x1  }
0xbe: {  	_ =	sfence.sel $0xFFFF  }
0xbf: {  	[dreg:$0x0] =	wrdreg $0xFFFFFFFF;
	(pc) =	sbr.abs _section_cstart, $3  }
0xc0: {  	[dreg:$0x1] =	wrdreg $0xFFFFFFFF  }
0xc1: {  	_ =	task.clear_ibuf [dreg:s6], $0x2FFFF;
	_ =	strace $0x9FFFFFFF  }
0xc2: {  	(tm) =	ssettm $0x7FFFFFFF  }
0xc3: {  	_ =	shalt  }
tec
execute0_lowered:
.L_overlay_start_1:
0x0: {  	(tag) =	ssettag $0x1  }
0x1: {  	s1 =	stileid.u32  }
0x2: {  	s0 =	rddreg [dreg:$0x0];
	s4 =	smul.u32 $0x500, s1  }
0x3: {  	s2 =	rddreg [dreg:$0x1];
	s3 =	simm.s32 $0x0;
	s8 =	smul.u32 $0x14000, s1  }
0x4: {  	s5 =	srdreg.scid;
	s19 =	simm.s32 $0x16800;
	s9 =	smul.u32 $0x50000, s1  }
0x5: {  	s20 =	simm.s32 $0x1A800;
	s5 =	sand.u32 $0x1, s5;
	s13 =	smul.u32 $0x140000, s1  }
0x6: {  	[smem:$0x7FF] =	sst s3;
	s17 =	sadd.s32 $0xA3DA00, s0;
	s12 =	smul.u32 $0x2800000, s5  }
0x7: {  	_ =	strace $0x8000004D;
	s7 =	ssub.s32 $0x2, s5;
	s22 =	smul.u32 $0x280000, s5  }
0x8: {  	s23 =	sshllo.u32 s5, $0x1;
	s4 =	sadd.s32 s4, s0;
	s6 =	sshrl.u32 s8, $0x3  }
0x9: {  	s10 =	sshrl.u32 s7, $0x1;
	s21 =	sshrl.u32 s9, $0x2;
	s14 =	smul.u32 $0x1400000, s23  }
0xa: {  	s26 =	sadd.s32 $0x13C000, s13;
	s6 =	sadd.s32 s6, s0;
	s0 =	sadd.s32 $0x3B600, s0  }
0xb: {  	s11 =	ssub.s32 s7, s10;
	s4 =	sadd.s32 $0xE200, s4;
	s24 =	sadd.s32 s21, s2  }
0xc: {  	s15 =	sadd.s32 s13, s12;
	s10 =	smul.u32 $0x140000, s23;
	s9 =	sadd.s32 s8, s22  }
0xd: {  	s21 =	simm.s32 $0x1;
	s22 =	simm.s32 $0x80;
	[dreg:$0x3] =	wrdreg s4  }
0xe: {  	s23 =	simm.s32 $0x2;
	[dreg:$0x4] =	wrdreg s24;
	s6 =	sadd.s32 $0x13600, s6  }
0xf: {  	s25 =	sshrl.u32 s15, $0x3;
	s16 =	sadd.s32 s13, s14;
	s9 =	sshrl.u32 s9, $0x3  }
0x10: {  	s11 =	smax.u32 s11, $0x1;
	s13 =	sadd.s32 s14, s26;
	s28 =	sor.u32 $0x8000, s15  }
0x11: {  	s30 =	sor.u32 $0x4000, s15;
	s31 =	sadd.s32 $0x1408000, s15;
	s15 =	sadd.s32 $0x1404000, s15  }
0x12: {  	s24 =	simm.s32 $0x16700;
	s7 =	sadd.s32 s17, s25;
	s16 =	sshrl.u32 s16, $0x3  }
0x13: {  	s10 =	sadd.s32 s8, s10;
	s8 =	sadd.s32 s0, s9;
	s13 =	sshrl.u32 s13, $0x3  }
0x14: {  	s29 =	sshrl.u32 s28, $0x3;
	s18 =	sshrl.u32 s15, $0x3;
	s25 =	simm.s32 $0x16780  }
0x15: {  	s9 =	sadd.s32 s17, s16;
	s10 =	sshrl.u32 s10, $0x3;
	s14 =	sadd.s32 s29, s17  }
0x16: {  	s16 =	sshrl.u32 s31, $0x3;
	s10 =	sadd.s32 s0, s10;
	s0 =	sadd.s32 s12, s26  }
0x17: {  	s12 =	sadd.s32 s17, s13;
	s16 =	sadd.s32 s16, s17;
	s0 =	sshrl.u32 s0, $0x3  }
0x18: {  	s26 =	simm.s32 $0x0;
	s13 =	sadd.s32 s17, s0;
	s0 =	sshrl.u32 s30, $0x3  }
0x19: {  	s15 =	sadd.s32 s0, s17;
	s17 =	sadd.s32 s18, s17;
	s18 =	simm.s32 $0x3  }
.LBB2_1:
0x1a: {  	s0 =	simm.s32 $0x14000;
	s1 =	rddreg [dreg:$0x3]  }
0x1b: {  	[tilespmem:s0], [sflag:$0x3] =	stream.linear.gather [hbm4b:s1+s3], $0x2800, $0x38;
	[tilespmem:$0x1E800] =	vst v63  }
0x1c: {  	s4 =	stileid.u32;
	_ =	swait.ge [sflag:s18], $0x2800  }
0x1d: {  	s28 =	sshll.u32 s4, $0x6;
	[sflag:s18] =	ssyncset.done $0x0;
	s5 =	rddreg [dreg:$0x4]  }
0x1e: {  	s28 =	sor.u32 $0x1C03, s28;
	[sflag:s18] =	ssyncadd.s32 $0xFFFFD800;
	s29 =	sshrl.u32 s5, $0x3  }
0x1f: {  	[spmem:s29], [sflag:s28] =	dma.local [hbm:s6], $0x2800  }
0x20: {  	_ =	swait.ge [sflag:s18], $0x2800  }
0x21: {  	[sflag:s18] =	ssyncset.done $0x0  }
0x22: {  	[sflag:s18] =	ssyncadd.s32 $0xFFFFD800  }
0x23: {  	[bflag:$0x0] =	sbarrier.arrive $0xFFFF  }
0x24: {  	[tilespmem:s19], [sflag:$0x1] =	stream.linear.gather [hbm4b:s7+s3], $0x4000, $0x38;
	[tilespmem:$0x1E800] =	vst v63  }
0x25: {  	s30 =	sadd.s32 $0x0, s15  }
0x26: {  	[tilespmem:s20], [sflag:$0x2] =	stream.linear.gather [hbm4b:s30+s3], $0x4000, $0x38;
	[tilespmem:$0x1E800] =	vst v63  }
0x27: {  	_ =	swait.ge [sflag:s21], $0x4000  }
0x28: {  	[sflag:s21] =	ssyncset.done $0x0  }
0x29: {  	[sflag:s21] =	ssyncadd.s32 $0xFFFFC000  }
0x2a: {  	[spmem:s2] =	stream.indirect.scatter.add.f32 [tilespmem:s19], [sflag:$0x3], $0x80, s0, s22, $0xb8;
	[tilespmem:$0x1E800] =	vst v63  }
0x2b: {  	_ =	swait.ge [sflag:s18], $0x4000  }
0x2c: {  	[sflag:s18] =	ssyncset.done $0x0  }
0x2d: {  	s4 =	sadd.s32 $0x0, s14;
	[sflag:s18] =	ssyncadd.s32 $0xFFFFC000  }
0x2e: {  	[tilespmem:s19], [sflag:$0x1] =	stream.linear.gather [hbm4b:s4+s3], $0x4000, $0x38;
	[tilespmem:$0x1E800] =	vst v63  }
0x2f: {  	_ =	swait.ge [sflag:s23], $0x4000  }
0x30: {  	[sflag:s23] =	ssyncset.done $0x0  }
0x31: {  	s5 =	simm.s32 $0x14080;
	[sflag:s23] =	ssyncadd.s32 $0xFFFFC000  }
0x32: {  	[spmem:s2] =	stream.indirect.scatter.add.f32 [tilespmem:s20], [sflag:$0x3], $0x80, s5, s22, $0xb8;
	[tilespmem:$0x1E800] =	vst v63  }
0x33: {  	s31 =	simm.s32 $0x1000;
	_ =	swait.ge [sflag:s18], $0x4000  }
0x34: {  	s30 =	simm.s32 $0x14100;
	s0 =	simm.s32 $0x2000;
	[sflag:s18] =	ssyncset.done $0x0  }
.LBB2_2:
0x35: {  	s1 =	sadd.s32 s31, s15  }
0x36: {  	[sflag:s18] =	ssyncadd.s32 $0xFFFFC000;
	s4 =	smov.u32 s0;
	s5 =	sadd.s32 $0x1000, s0  }
0x37: {  	[tilespmem:s20], [sflag:$0x2] =	stream.linear.gather [hbm4b:s1+s3], $0x4000, $0x38;
	[tilespmem:$0x1E800] =	vst v63  }
0x38: {  	p0 =	sne.s32 s0, $0x26000;
	_ =	swait.ge [sflag:s21], $0x4000  }
0x39: {  	[sflag:s21] =	ssyncset.done $0x0  }
0x3a: {  	[sflag:s21] =	ssyncadd.s32 $0xFFFFC000  }
0x3b: {  	[spmem:s2] =	stream.indirect.scatter.add.f32 [tilespmem:s19], [sflag:$0x3], $0x80, s30, s22, $0xb8;
	[tilespmem:$0x1E800] =	vst v63  }
0x3c: {  	_ =	swait.ge [sflag:s18], $0x4000  }
0x3d: {  	[sflag:s18] =	ssyncset.done $0x0  }
0x3e: {  	s0 =	sadd.s32 s31, s14;
	s31 =	smov.u32 s4;
	[sflag:s18] =	ssyncadd.s32 $0xFFFFC000  }
0x3f: {  	[tilespmem:s19], [sflag:$0x1] =	stream.linear.gather [hbm4b:s0+s3], $0x4000, $0x38;
	[tilespmem:$0x1E800] =	vst v63  }
0x40: {  	_ =	swait.ge [sflag:s23], $0x4000  }
.Ltmp0:
0x41: {  	[sflag:s23] =	ssyncset.done $0x0;
	(pc) =	sbr.rel @p0 .LBB2_2-.Ltmp0, $4  }
0x42: {  	s0 =	sadd.s32 $0x80, s30;
	[sflag:s23] =	ssyncadd.s32 $0xFFFFC000  }
0x43: {  	[spmem:s2] =	stream.indirect.scatter.add.f32 [tilespmem:s20], [sflag:$0x3], $0x80, s0, s22, $0xb8;
	[tilespmem:$0x1E800] =	vst v63  }
0x44: {  	_ =	swait.ge [sflag:s18], $0x4000  }
0x45: {  	s30 =	sadd.s32 $0x100, s30;
	s0 =	smov.u32 s5;
	[sflag:s18] =	ssyncset.done $0x0  }
0x46: {  	s0 =	sadd.s32 s31, s15;
	[sflag:s18] =	ssyncadd.s32 $0xFFFFC000  }
0x47: {  	[tilespmem:s20], [sflag:$0x2] =	stream.linear.gather [hbm4b:s0+s3], $0x4000, $0x38;
	[tilespmem:$0x1E800] =	vst v63  }
0x48: {  	_ =	swait.ge [sflag:s21], $0x4000  }
0x49: {  	[sflag:s21] =	ssyncset.done $0x0  }
0x4a: {  	[sflag:s21] =	ssyncadd.s32 $0xFFFFC000  }
0x4b: {  	[spmem:s2] =	stream.indirect.scatter.add.f32 [tilespmem:s19], [sflag:$0x3], $0x80, s30, s22, $0xb8;
	[tilespmem:$0x1E800] =	vst v63  }
0x4c: {  	_ =	swait.ge [sflag:s18], $0x4000  }
0x4d: {  	[sflag:s18] =	ssyncset.done $0x0  }
0x4e: {  	s5 =	sadd.s32 s31, s14;
	[sflag:s18] =	ssyncadd.s32 $0xFFFFC000  }
0x4f: {  	[tilespmem:s19], [sflag:$0x1] =	stream.linear.gather [hbm4b:s5+s3], $0x4000, $0x38;
	[tilespmem:$0x1E800] =	vst v63  }
0x50: {  	_ =	swait.ge [sflag:s23], $0x4000  }
0x51: {  	[sflag:s23] =	ssyncset.done $0x0  }
0x52: {  	s1 =	sadd.s32 $0x80, s30;
	[sflag:s23] =	ssyncadd.s32 $0xFFFFC000  }
0x53: {  	[spmem:s2] =	stream.indirect.scatter.add.f32 [tilespmem:s20], [sflag:$0x3], $0x80, s1, s22, $0xb8;
	[tilespmem:$0x1E800] =	vst v63  }
0x54: {  	_ =	swait.ge [sflag:s18], $0x4000  }
0x55: {  	[sflag:s18] =	ssyncset.done $0x0  }
0x56: {  	s4 =	simm.s32 $0x0;
	[sflag:s18] =	ssyncadd.s32 $0xFFFFC000  }
0x57: {  	[tilespmem:s20], [sflag:$0x2] =	stream.linear.gather [hbm4b:s13+s4], $0x4000, $0x38;
	[tilespmem:$0x1E800] =	vst v63  }
0x58: {  	_ =	swait.ge [sflag:s21], $0x4000  }
0x59: {  	[sflag:s21] =	ssyncset.done $0x0  }
0x5a: {  	[sflag:s21] =	ssyncadd.s32 $0xFFFFC000  }
0x5b: {  	[spmem:s2] =	stream.indirect.scatter.add.f32 [tilespmem:s19], [sflag:$0x3], $0x80, s24, s22, $0xb8;
	[tilespmem:$0x1E800] =	vst v63  }
0x5c: {  	_ =	swait.ge [sflag:s18], $0x4000  }
0x5d: {  	[sflag:s18] =	ssyncset.done $0x0  }
0x5e: {  	[sflag:s18] =	ssyncadd.s32 $0xFFFFC000  }
0x5f: {  	_ =	swait.ge [sflag:s23], $0x4000  }
0x60: {  	[sflag:s23] =	ssyncset.done $0x0  }
0x61: {  	[sflag:s23] =	ssyncadd.s32 $0xFFFFC000  }
0x62: {  	[spmem:s2] =	stream.indirect.scatter.add.f32 [tilespmem:s20], [sflag:$0x3], $0x80, s25, s22, $0xb8;
	[tilespmem:$0x1E800] =	vst v63  }
0x63: {  	_ =	swait.ge [sflag:s18], $0x4000  }
0x64: {  	[sflag:s18] =	ssyncset.done $0x0  }
0x65: {  	[sflag:s18] =	ssyncadd.s32 $0xFFFFC000  }
0x66: {  	[bflag:$0x0] =	sbarrier.arrive $0xFFFF  }
0x67: {  	[hbm:s8], [sflag:s28] =	dma.local [spmem:s29], $0x2800  }
0x68: {  	_ =	swait.ge [sflag:s18], $0x2800  }
0x69: {  	[sflag:s18] =	ssyncset.done $0x0  }
0x6a: {  	[sflag:s18] =	ssyncadd.s32 $0xFFFFD800  }
0x6b: {  	[bflag:$0x0] =	sbarrier.arrive $0xFFFF  }
0x6c: {  	[spmem:s29], [sflag:s28] =	dma.local [hbm:s6], $0x2800  }
0x6d: {  	_ =	swait.ge [sflag:s18], $0x2800  }
0x6e: {  	[sflag:s18] =	ssyncset.done $0x0  }
0x6f: {  	[sflag:s18] =	ssyncadd.s32 $0xFFFFD800  }
0x70: {  	[bflag:$0x0] =	sbarrier.arrive $0xFFFF  }
0x71: {  	[tilespmem:s19], [sflag:$0x1] =	stream.linear.gather [hbm4b:s9+s4], $0x4000, $0x38;
	[tilespmem:$0x1E800] =	vst v63  }
0x72: {  	s5 =	sadd.s32 $0x0, s17  }
0x73: {  	[tilespmem:s20], [sflag:$0x2] =	stream.linear.gather [hbm4b:s5+s3], $0x4000, $0x38;
	[tilespmem:$0x1E800] =	vst v63  }
0x74: {  	_ =	swait.ge [sflag:s21], $0x4000  }
0x75: {  	[sflag:s21] =	ssyncset.done $0x0  }
0x76: {  	s1 =	simm.s32 $0x14000;
	[sflag:s21] =	ssyncadd.s32 $0xFFFFC000  }
0x77: {  	[spmem:s2] =	stream.indirect.scatter.add.f32 [tilespmem:s19], [sflag:$0x3], $0x80, s1, s22, $0xb8;
	[tilespmem:$0x1E800] =	vst v63  }
0x78: {  	_ =	swait.ge [sflag:s18], $0x4000  }
0x79: {  	[sflag:s18] =	ssyncset.done $0x0  }
0x7a: {  	s4 =	sadd.s32 $0x0, s16;
	[sflag:s18] =	ssyncadd.s32 $0xFFFFC000  }
0x7b: {  	[tilespmem:s19], [sflag:$0x1] =	stream.linear.gather [hbm4b:s4+s3], $0x4000, $0x38;
	[tilespmem:$0x1E800] =	vst v63  }
0x7c: {  	_ =	swait.ge [sflag:s23], $0x4000  }
0x7d: {  	[sflag:s23] =	ssyncset.done $0x0  }
0x7e: {  	s5 =	simm.s32 $0x14080;
	[sflag:s23] =	ssyncadd.s32 $0xFFFFC000  }
0x7f: {  	[spmem:s2] =	stream.indirect.scatter.add.f32 [tilespmem:s20], [sflag:$0x3], $0x80, s5, s22, $0xb8;
	[tilespmem:$0x1E800] =	vst v63  }
0x80: {  	s31 =	simm.s32 $0x1000;
	_ =	swait.ge [sflag:s18], $0x4000  }
0x81: {  	s0 =	simm.s32 $0x2000;
	s30 =	simm.s32 $0x14100;
	[sflag:s18] =	ssyncset.done $0x0  }
.LBB2_4:
0x82: {  	s1 =	sadd.s32 s31, s17  }
0x83: {  	[sflag:s18] =	ssyncadd.s32 $0xFFFFC000;
	s4 =	smov.u32 s0;
	s5 =	sadd.s32 $0x1000, s0  }
0x84: {  	[tilespmem:s20], [sflag:$0x2] =	stream.linear.gather [hbm4b:s1+s3], $0x4000, $0x38;
	[tilespmem:$0x1E800] =	vst v63  }
0x85: {  	p0 =	sne.s32 s0, $0x26000;
	_ =	swait.ge [sflag:s21], $0x4000  }
0x86: {  	[sflag:s21] =	ssyncset.done $0x0  }
0x87: {  	[sflag:s21] =	ssyncadd.s32 $0xFFFFC000  }
0x88: {  	[spmem:s2] =	stream.indirect.scatter.add.f32 [tilespmem:s19], [sflag:$0x3], $0x80, s30, s22, $0xb8;
	[tilespmem:$0x1E800] =	vst v63  }
0x89: {  	_ =	swait.ge [sflag:s18], $0x4000  }
0x8a: {  	[sflag:s18] =	ssyncset.done $0x0  }
0x8b: {  	s0 =	sadd.s32 s31, s16;
	s31 =	smov.u32 s4;
	[sflag:s18] =	ssyncadd.s32 $0xFFFFC000  }
0x8c: {  	[tilespmem:s19], [sflag:$0x1] =	stream.linear.gather [hbm4b:s0+s3], $0x4000, $0x38;
	[tilespmem:$0x1E800] =	vst v63  }
0x8d: {  	_ =	swait.ge [sflag:s23], $0x4000  }
.Ltmp1:
0x8e: {  	[sflag:s23] =	ssyncset.done $0x0;
	(pc) =	sbr.rel @p0 .LBB2_4-.Ltmp1, $4  }
0x8f: {  	s0 =	sadd.s32 $0x80, s30;
	[sflag:s23] =	ssyncadd.s32 $0xFFFFC000  }
0x90: {  	[spmem:s2] =	stream.indirect.scatter.add.f32 [tilespmem:s20], [sflag:$0x3], $0x80, s0, s22, $0xb8;
	[tilespmem:$0x1E800] =	vst v63  }
0x91: {  	_ =	swait.ge [sflag:s18], $0x4000  }
0x92: {  	s30 =	sadd.s32 $0x100, s30;
	s0 =	smov.u32 s5;
	[sflag:s18] =	ssyncset.done $0x0  }
0x93: {  	s0 =	sadd.s32 s31, s17;
	[sflag:s18] =	ssyncadd.s32 $0xFFFFC000  }
0x94: {  	[tilespmem:s20], [sflag:$0x2] =	stream.linear.gather [hbm4b:s0+s3], $0x4000, $0x38;
	[tilespmem:$0x1E800] =	vst v63  }
0x95: {  	_ =	swait.ge [sflag:s21], $0x4000  }
0x96: {  	[sflag:s21] =	ssyncset.done $0x0  }
0x97: {  	[sflag:s21] =	ssyncadd.s32 $0xFFFFC000  }
0x98: {  	[spmem:s2] =	stream.indirect.scatter.add.f32 [tilespmem:s19], [sflag:$0x3], $0x80, s30, s22, $0xb8;
	[tilespmem:$0x1E800] =	vst v63  }
0x99: {  	_ =	swait.ge [sflag:s18], $0x4000  }
0x9a: {  	[sflag:s18] =	ssyncset.done $0x0  }
0x9b: {  	s5 =	sadd.s32 s31, s16;
	[sflag:s18] =	ssyncadd.s32 $0xFFFFC000  }
0x9c: {  	[tilespmem:s19], [sflag:$0x1] =	stream.linear.gather [hbm4b:s5+s3], $0x4000, $0x38;
	[tilespmem:$0x1E800] =	vst v63  }
0x9d: {  	_ =	swait.ge [sflag:s23], $0x4000  }
0x9e: {  	[sflag:s23] =	ssyncset.done $0x0  }
0x9f: {  	s31 =	sadd.s32 $0x80, s30;
	[sflag:s23] =	ssyncadd.s32 $0xFFFFC000  }
0xa0: {  	[spmem:s2] =	stream.indirect.scatter.add.f32 [tilespmem:s20], [sflag:$0x3], $0x80, s31, s22, $0xb8;
	[tilespmem:$0x1E800] =	vst v63  }
0xa1: {  	_ =	swait.ge [sflag:s18], $0x4000  }
0xa2: {  	[sflag:s18] =	ssyncset.done $0x0  }
0xa3: {  	[sflag:s18] =	ssyncadd.s32 $0xFFFFC000  }
0xa4: {  	[tilespmem:s20], [sflag:$0x2] =	stream.linear.gather [hbm4b:s12+s3], $0x4000, $0x38;
	[tilespmem:$0x1E800] =	vst v63  }
0xa5: {  	_ =	swait.ge [sflag:s21], $0x4000  }
0xa6: {  	[sflag:s21] =	ssyncset.done $0x0  }
0xa7: {  	[sflag:s21] =	ssyncadd.s32 $0xFFFFC000  }
0xa8: {  	[spmem:s2] =	stream.indirect.scatter.add.f32 [tilespmem:s19], [sflag:$0x3], $0x80, s24, s22, $0xb8;
	[tilespmem:$0x1E800] =	vst v63  }
0xa9: {  	_ =	swait.ge [sflag:s18], $0x4000  }
0xaa: {  	[sflag:s18] =	ssyncset.done $0x0  }
0xab: {  	[sflag:s18] =	ssyncadd.s32 $0xFFFFC000  }
0xac: {  	_ =	swait.ge [sflag:s23], $0x4000  }
0xad: {  	[sflag:s23] =	ssyncset.done $0x0  }
0xae: {  	[sflag:s23] =	ssyncadd.s32 $0xFFFFC000  }
0xaf: {  	[spmem:s2] =	stream.indirect.scatter.add.f32 [tilespmem:s20], [sflag:$0x3], $0x80, s25, s22, $0xb8;
	[tilespmem:$0x1E800] =	vst v63  }
0xb0: {  	_ =	swait.ge [sflag:s18], $0x4000  }
0xb1: {  	[sflag:s18] =	ssyncset.done $0x0  }
0xb2: {  	s26 =	sadd.s32 $0x1, s26;
	[sflag:s18] =	ssyncadd.s32 $0xFFFFC000  }
0xb3: {  	p0 =	sne.s32 s26, s11;
	[bflag:$0x0] =	sbarrier.arrive $0xFFFF  }
0xb4: {  	[hbm:s10], [sflag:s28] =	dma.local [spmem:s29], $0x2800  }
.Ltmp2:
0xb5: {  	_ =	swait.ge [sflag:s18], $0x2800;
	(pc) =	sbr.rel @p0 .LBB2_1-.Ltmp2, $3  }
0xb6: {  	[sflag:s18] =	ssyncset.done $0x0  }
0xb7: {  	[sflag:s18] =	ssyncadd.s32 $0xFFFFD800  }
0xb8: {  	[bflag:$0x0] =	sbarrier.arrive $0xFFFF;
	_ =	sdelay $0x1  }
0xb9: {  	_ =	sfence.sel $0x180000  }
0xba: {  	[bflag:$0x0] =	sbarrier.arrive $0xFFFF  }
0xbb: {  	_ =	strace $0x9000004D  }
0xbc: {  	s0 =	stileid.u32;
	[bflag:$0x2] =	sbarrier.arrive $0xFFFF  }
0xbd: {  	p0 =	sne.s32 s0, $0x0;
	s0 =	rddreg [dreg:$0x2]  }
0xbe: {  	s0 =	sadd.s32 @!p0 $0x100000, s0  }
0xbf: {  	[sflag:s0] =	ssyncadd.tile.s32 @!p0 $0x1;
	_ =	shalt  }
.Lfunc_end2:
_tile_overlayer_lowered:
.L_overlay_start_2:
0xc0: {  	(tag) =	ssettag $0x2  }
0xc1: {  	s0 =	rddreg [dreg:$0x0];
	s2 =	stileid.u32  }
0xc2: {  	s1 =	rddreg [dreg:$0x1];
	p0 =	sne.s32 s2, $0x0  }
0xc3: {  	s3 =	rddreg [dreg:$0x2];
	[bflag:$0x3] =	sbarrier.arrive $0xFFFF;
	s2 =	simm.s32 @!p0 $0x1C03  }
0xc4: {  	[timem:s3], [sflag:s2] =	dma.local @!p0 [hbm:s0], s1  }
0xc5: {  	s0 =	simm.s32 @!p0 $0x3  }
0xc6: {  	_ =	swait.ge @!p0 [sflag:s0], s1  }
0xc7: {  	s1 =	ssub.s32 @!p0 $0x0, s1;
	[sflag:s0] =	ssyncset.done @!p0 $0x0  }
0xc8: {  	[sflag:s0] =	ssyncadd.s32 @!p0 s1  }
0xc9: {  	[bflag:$0x3] =	sbarrier.arrive $0xFFFF  }
0xca: {  	_ =	shalt  }

// kernel: kernel.22.cloned.1.call-start
scs
__scs_entry_jumppad:
0x0: {  	(pc) =	sbr.rel $0x88, $3  }
0x1: {  	(tag) =	ssettag $0x0;
	lr =	simm.s32 $0x1  }
0x2: {  	[smem:$0x3F92] =	sst lr;
	_ =	strace $0xD0000000  }
0x3: {  	_ = 	snop  }
0x4: {  	_ = 	snop  }
0x5: {  	_ = 	snop  }
0x6: {  	_ = 	snop  }
0x7: {  	_ = 	snop  }
__scs_overlays_trampoline_lowered:
0x8: {  	[smem:$0x3FA1] =	sst s0  }
0x9: {  	[smem:$0x3FA2] =	sst s1  }
0xa: {  	[smem:$0x3FA3] =	sst s2  }
0xb: {  	[smem:$0x3FA4] =	sst s3  }
0xc: {  	[smem:$0x3FA5] =	sst s4  }
0xd: {  	[smem:$0x3FA6] =	sst s5  }
0xe: {  	[smem:$0x3FA7] =	sst s6  }
0xf: {  	[smem:$0x3FA8] =	sst s7  }
0x10: {  	[smem:$0x3FA9] =	sst s8  }
0x11: {  	[smem:$0x3FAA] =	sst s9;
	s0 =	simm.s32 @!p0 $0x0  }
0x12: {  	s1 =	sld [smem:$0x3F90];
	s0 =	simm.s32 @p0 $0x1  }
0x13: {  	[smem:$0x3FAB] =	sst s0;
	s0 =	simm.s32 @!p1 $0x0  }
0x14: {  	s2 =	sld [smem:$0x3F8F];
	s0 =	simm.s32 @p1 $0x1  }
0x15: {  	[smem:$0x3FAC] =	sst s0;
	s0 =	simm.s32 @!p2 $0x0  }
0x16: {  	s3 =	sld [smem:$0x3FDB];
	s0 =	simm.s32 @p2 $0x1  }
0x17: {  	s4 =	simm.s32 $0x1BF5;
	[smem:$0x3FAE] =	sst s0  }
0x18: {  	s0 =	sld [smem:$0x3F91];
	_ =	swait.ge [sflag:s4], $0x0  }
0x19: {  	s7 =	sld [smem:$0x3F92]  }
0x1a: {  	s8 =	sadd.s32 $0xFFFFE003, lr  }
0x1b: {  	s9 =	sadd.s32 $0xFFFFFEF7, lr;
	s5 =	simm.s32 $0xFFFFFFFF;
	p2 =	slt.u32 s8, $0xFFFFF086  }
0x1c: {  	p1 =	slt.u32 s9, $0xF7A;
	s5 =	simm.s32 @!p2 $0x0  }
0x1d: {  	s5 =	simm.s32 @p1 $0x1;
	p0 =	seq.s32 s7, s2  }
0x1e: {  	s7 =	smul.u32 @!p0 $0xF7A, s2;
	p2 =	seq.s32 @!p0 s5, $0x0  }
0x1f: {  	s9 =	smul.u32 $0xF7A, s1;
	s8 =	simm.s32 @!p0 $0x1BF5;
	p2 =	por !p2, p0  }
0x20: {  	[sflag:s8] =	ssyncset.s32 @!p0 $0xFFFFF086;
	s6 =	sadd.s32 @!p0 s3, s7;
	s7 =	simm.s32 @!p0 $0x108  }
0x21: {  	s3 =	sadd.s32 s3, s9;
	s6 =	sadd.s32 @!p0 $0x88, s6;
	s7 =	simm.s32 @p2 $0x1082  }
0x22: {  	[simem:s7], [sflag:s8] =	dma.local @!p0 [hbm:s6], $0xF7A  }
0x23: {  	s9 =	sor.u32 $0xD0000000, s2;
	s6 =	simm.s32 $0x108;
	_ =	swait.ge @!p0 [sflag:s8], $0x0  }
0x24: {  	s3 =	sadd.s32 $0x88, s3;
	s6 =	simm.s32 @!p1 $0x1082;
	[sflag:s4] =	ssyncset.s32 $0xFFFFF086  }
0x25: {  	[simem:s6], [sflag:s4] =	dma.local [hbm:s3], $0xF7A  }
0x26: {  	[smem:$0x3F92] =	sst s1;
	(tag) =	ssettag s2;
	_ =	strace s9  }
0x27: {  	s1 =	sld [smem:$0x3FA2]  }
0x28: {  	s2 =	sld [smem:$0x3FA3]  }
0x29: {  	s4 =	sld [smem:$0x3FA5]  }
0x2a: {  	p0 =	seq.s32 s5, $0x0;
	s5 =	sld [smem:$0x3FA6]  }
0x2b: {  	s6 =	sld [smem:$0x3FA7]  }
0x2c: {  	s7 =	sld [smem:$0x3FA8]  }
0x2d: {  	s3 =	simm.s32 $0x108;
	s8 =	sld [smem:$0x3FA9]  }
0x2e: {  	s3 =	simm.s32 @!p0 $0x1082;
	s9 =	sld [smem:$0x3FAA]  }
0x2f: {  	lr =	sadd.s32 s0, s3;
	s0 =	sld [smem:$0x3FA1]  }
0x30: {  	s3 =	sld [smem:$0x3FA4]  }
0x31: {  	[smem:$0x3FAD] =	sst s10  }
0x32: {  	s10 =	sld [smem:$0x3FAB];
	_ =	sdelay $0x3  }
0x33: {  	p0 =	seq.s32 s10, $0x1;
	s10 =	sld [smem:$0x3FAD];
	_ =	sdelay $0x3  }
0x34: {  	[smem:$0x3FAD] =	sst s10  }
0x35: {  	s10 =	sld [smem:$0x3FAC];
	_ =	sdelay $0x3  }
0x36: {  	p1 =	seq.s32 s10, $0x1;
	s10 =	sld [smem:$0x3FAD];
	_ =	sdelay $0x3  }
0x37: {  	[smem:$0x3FAD] =	sst s10  }
0x38: {  	s10 =	sld [smem:$0x3FAE]  }
0x39: {  	_ = 	snop;
	(pc) =	sbr.ind lr, $3  }
0x3a: {  	_ = 	snop  }
0x3b: {  	_ = 	snop  }
0x3c: {  	p2 =	seq.s32 s10, $0x1;
	s10 =	sld [smem:$0x3FAD]  }
0x3d: {  	_ =	shalt  }
0x3e: {  	_ =	shalt  }
0x3f: {  	_ =	shalt  }
0x40: {  	_ =	shalt  }
0x41: {  	_ =	shalt  }
0x42: {  	_ =	shalt  }
0x43: {  	_ =	shalt  }
0x44: {  	_ =	shalt  }
0x45: {  	_ =	shalt  }
0x46: {  	_ =	shalt  }
0x47: {  	_ =	shalt  }
0x48: {  	_ =	shalt  }
0x49: {  	_ =	shalt  }
0x4a: {  	_ =	shalt  }
0x4b: {  	_ =	shalt  }
0x4c: {  	_ =	shalt  }
0x4d: {  	_ =	shalt  }
0x4e: {  	_ =	shalt  }
0x4f: {  	_ =	shalt  }
0x50: {  	_ =	shalt  }
0x51: {  	_ =	shalt  }
0x52: {  	_ =	shalt  }
0x53: {  	_ =	shalt  }
0x54: {  	_ =	shalt  }
0x55: {  	_ =	shalt  }
0x56: {  	_ =	shalt  }
0x57: {  	_ =	shalt  }
0x58: {  	_ =	shalt  }
0x59: {  	_ =	shalt  }
0x5a: {  	_ =	shalt  }
0x5b: {  	_ =	shalt  }
0x5c: {  	_ =	shalt  }
0x5d: {  	_ =	shalt  }
0x5e: {  	_ =	shalt  }
0x5f: {  	_ =	shalt  }
0x60: {  	_ =	shalt  }
0x61: {  	_ =	shalt  }
0x62: {  	_ =	shalt  }
0x63: {  	_ =	shalt  }
0x64: {  	_ =	shalt  }
0x65: {  	_ =	shalt  }
0x66: {  	_ =	shalt  }
0x67: {  	_ =	shalt  }
0x68: {  	_ =	shalt  }
0x69: {  	_ =	shalt  }
0x6a: {  	_ =	shalt  }
0x6b: {  	_ =	shalt  }
0x6c: {  	_ =	shalt  }
0x6d: {  	_ =	shalt  }
0x6e: {  	_ =	shalt  }
0x6f: {  	_ =	shalt  }
0x70: {  	_ =	shalt  }
0x71: {  	_ =	shalt  }
0x72: {  	_ =	shalt  }
0x73: {  	_ =	shalt  }
0x74: {  	_ =	shalt  }
0x75: {  	_ =	shalt  }
0x76: {  	_ =	shalt  }
0x77: {  	_ =	shalt  }
0x78: {  	_ =	shalt  }
0x79: {  	_ =	shalt  }
0x7a: {  	_ =	shalt  }
0x7b: {  	_ =	shalt  }
0x7c: {  	_ =	shalt  }
0x7d: {  	_ =	shalt  }
0x7e: {  	_ =	shalt  }
0x7f: {  	_ =	shalt  }
0x80: {  	_ =	shalt  }
0x81: {  	_ =	shalt  }
0x82: {  	_ =	shalt  }
0x83: {  	_ =	shalt  }
0x84: {  	_ =	shalt  }
0x85: {  	_ =	shalt  }
0x86: {  	_ =	shalt  }
0x87: {  	_ =	shalt  }
.Lfunc_end0:
.L_simem_size_0:
called_computation.3_lowered:
.L_overlay_start_0:
0x88: {  	s2 =	sld [smem:$0x3FD9]  }
0x89: {  	s3 =	sld [smem:$0x3FFE];
	_ =	sdelay $0x1  }
0x8a: {  	s1 =	srdreg.scid  }
0x8b: {  	s0 =	sand.u32 $0x1, s1  }
0x8c: {  	s16 =	sshll.u32 s0, $0xA;
	s2 =	sadd.s32 s3, s2  }
0x8d: {  	s2 =	sadd.s32 s2, s16  }
0x8e: {  	[smem:$0x3FB9] =	sst s2  }
0x8f: {  	_ = 	snop  }
0x90: {  	(tm) =	ssettm $0x1  }
0x91: {  	s17 =	sld [smem:$0x3FFB];
	_ =	sdelay $0x3  }
0x92: {  	_ =	strace s17  }
0x93: {  	s2 =	sld [smem:$0x3FFC];
	_ =	sdelay $0x3  }
0x94: {  	_ =	strace s2  }
0x95: {  	s2 =	sld [smem:$0x3FFD];
	_ =	sdelay $0x3  }
0x96: {  	_ =	strace s2  }
0x97: {  	_ =	strace $0x8FFFFFFF  }
0x98: {  	s18 =	sld [smem:$0x3FDB];
	_ =	sdelay $0x1  }
0x99: {  	s19 =	simm.s32 $_scs_section_size  }
0x9a: {  	s4 =	simm.s32 $_size__tile_overlayer_lowered;
	s5 =	simm.s32 $_tile_overlayer_lowered  }
0x9b: {  	s22 =	simm.s32 $0x1BFF;
	s21 =	sshll.u32 s5, $0x1;
	s2 =	sadd.s32 s19, s18  }
0x9c: {  	s6 =	simm.s32 $0x0;
	s20 =	sshll.u32 s4, $0x1;
	s4 =	sadd.s32 s21, s2  }
0x9d: {  	[timem:s6], [sflag:s22] =	dma.local [hbm:s4], s20  }
0x9e: {  	_ =	swait.ge [sflag:s22], s20  }
0x9f: {  	s3 =	ssub.s32 $0x0, s20;
	[sflag:s22] =	ssyncset.done $0x0  }
0xa0: {  	[sflag:s22] =	ssyncadd.s32 s3;
	_ =	sdelay $0x1  }
0xa1: {  	s23 =	simm.s32 $0x1B8B  }
0xa2: {  	_ =	swait.ge [sflag:s23], $0x1  }
0xa3: {  	[sflag:s23] =	ssyncset.done $0x0  }
0xa4: {  	s25 =	simm.s32 $0x1B8E;
	s24 =	sld [smem:$0x3FFE];
	[sflag:s23] =	ssyncadd.s32 $0xFFFFFFFF  }
0xa5: {  	s26 =	simm.s32 $execute0_lowered;
	[smem:$0x3FD2] =	sst s25  }
0xa6: {  	s4 =	sshll.u32 s26, $0x1;
	_ =	strace $0x8000004F;
	[dreg:$0x1] =	wrdreg $0xFFFFFFFF  }
0xa7: {  	s28 =	simm.s32 $_size_execute0_lowered;
	s2 =	sadd.s32 s2, s4;
	[dreg:$0x0] =	wrdreg $0x0  }
0xa8: {  	s4 =	sshll.u32 s28, $0x1;
	[dreg:$0x2] =	wrdreg s2  }
0xa9: {  	[dreg:$0x3] =	wrdreg s4  }
0xaa: {  	[dreg:$0x4] =	wrdreg $0xC0  }
0xab: {  	_ =	task [dreg:s6], $0x5FFFF  }
0xac: {  	[dreg:$0x1] =	wrdreg $0xFFFFFFFF  }
0xad: {  	[dreg:$0x0] =	wrdreg $0x60  }
0xae: {  	[dreg:$0x2] =	wrdreg s24  }
0xaf: {  	[dreg:$0x3] =	wrdreg $0x0  }
0xb0: {  	[dreg:$0x4] =	wrdreg $0x9  }
0xb1: {  	_ =	task.clear_ibuf [dreg:s6], $0x5FFFF;
	_ =	strace $0x9000004F  }
0xb2: {  	s29 =	simm.s32 $0x9;
	_ =	strace $0x80000051  }
0xb3: {  	_ =	swait.ge [sflag:s29], $0x1  }
0xb4: {  	[sflag:s29] =	ssyncadd.s32 $0xFFFFFFFF  }
0xb5: {  	_ =	strace $0x90000051  }
0xb6: {  	_ =	sfence  }
0xb7: {  	s30 =	sld [smem:$0x0];
	_ =	sdelay $0x2  }
0xb8: {  	s31 =	sshll.u32 s1, $0xD;
	s1 =	sshrl.u32 s1, $0x2  }
0xb9: {  	s3 =	sand.u32 $0x4000, s31;
	s1 =	sadd.s32 s1, s30  }
0xba: {  	s0 =	sor.u32 s3, s0;
	s1 =	sshll.u32 s1, $0x11  }
0xbb: {  	s0 =	sor.u32 s1, s0  }
0xbc: {  	s0 =	sadd.s32 $0x8F2B, s0  }
0xbd: {  	[sflag:s0] =	ssyncadd.remote.s32 $0x1  }
0xbe: {  	_ =	sfence.sel $0xFFFF  }
0xbf: {  	[dreg:$0x0] =	wrdreg $0xFFFFFFFF;
	(pc) =	sbr.abs _section_cstart, $3  }
0xc0: {  	[dreg:$0x1] =	wrdreg $0xFFFFFFFF  }
0xc1: {  	_ =	task.clear_ibuf [dreg:s6], $0x2FFFF;
	_ =	strace $0x9FFFFFFF  }
0xc2: {  	(tm) =	ssettm $0x7FFFFFFF  }
0xc3: {  	_ =	shalt  }
tec
execute0_lowered:
.L_overlay_start_1:
0x0: {  	(tag) =	ssettag $0x1  }
0x1: {  	s4 =	rddreg [dreg:$0x0];
	s0 =	srdreg.scid  }
0x2: {  	s2 =	rddreg [dreg:$0x1];
	s1 =	stileid.u32;
	s3 =	simm.s32 $0x0  }
0x3: {  	s13 =	simm.s32 $0x14000;
	s14 =	simm.s32 $0x15400;
	s15 =	simm.s32 $0x80  }
0x4: {  	s16 =	simm.s32 $0x16800;
	s17 =	simm.s32 $0x1A800;
	s18 =	simm.s32 $0x1  }
0x5: {  	s19 =	simm.s32 $0x2;
	s20 =	simm.s32 $0x3;
	s7 =	smul.u32 $0x50, s1  }
0x6: {  	s21 =	simm.s32 $0x4;
	s22 =	simm.s32 $0x0;
	s8 =	smul.u32 $0x2800, s1  }
0x7: {  	s5 =	sand.u32 $0x1, s0;
	s0 =	rddreg [dreg:$0x2];
	s9 =	smul.u32 $0x28000, s1  }
0x8: {  	[smem:$0x7FF] =	sst s3;
	s10 =	smul.u32 $0x50000, s1;
	s29 =	sshll.u32 s1, $0x6  }
0x9: {  	s6 =	ssub.s32 $0x0, s5;
	_ =	strace $0x80000050;
	s5 =	ssub.s32 $0x2, s5  }
0xa: {  	s6 =	sand.u32 $0x28, s6;
	s8 =	sadd.s32 s8, s4;
	s9 =	sadd.s32 s9, s4  }
0xb: {  	s28 =	sshrl.u32 s5, $0x1;
	s10 =	sshrl.u32 s10, $0x2;
	s7 =	sadd.s32 s7, s6  }
0xc: {  	s11 =	ssub.s32 s5, s28;
	s12 =	sadd.s32 s10, s2;
	s30 =	sshll.u32 s6, $0xB  }
0xd: {  	s5 =	sor.u32 $0x1C05, s29;
	s7 =	sshll.u32 s7, $0x4;
	s31 =	sadd.s32 s30, s9  }
0xe: {  	s7 =	sadd.s32 s7, s4;
	s4 =	sadd.s32 $0x3B600, s8;
	s8 =	smax.u32 s11, $0x1  }
0xf: {  	s9 =	sadd.s32 $0x44D800, s31;
	s10 =	sadd.s32 $0x1CD800, s31;
	s11 =	sshrl.u32 s12, $0x3  }
0x10: {  	s12 =	simm.s32 $0x5;
	s6 =	sadd.s32 $0xE200, s7;
	s7 =	sadd.s32 $0x9200, s7  }
.LBB2_1:
0x11: {  	[spmem:s11], [sflag:s5] =	dma.local [hbm:s4], $0x2800  }
0x12: {  	_ =	swait.ge [sflag:s12], $0x2800  }
0x13: {  	[sflag:s12] =	ssyncset.done $0x0  }
0x14: {  	[sflag:s12] =	ssyncadd.s32 $0xFFFFD800  }
0x15: {  	[tilespmem:s13], [sflag:$0x5] =	stream.linear.gather [hbm4b:s6+s3], $0x1400, $0x38;
	[tilespmem:$0x1E800] =	vst v63  }
0x16: {  	_ =	swait.ge [sflag:s12], $0x1400  }
0x17: {  	[sflag:s12] =	ssyncset.done $0x0  }
0x18: {  	[sflag:s12] =	ssyncadd.s32 $0xFFFFEC00  }
0x19: {  	[tilespmem:s14], [sflag:$0x5] =	stream.linear.gather [hbm4b:s7+s3], $0x1400, $0x38;
	[tilespmem:$0x1E800] =	vst v63  }
0x1a: {  	_ =	swait.ge [sflag:s12], $0x1400  }
0x1b: {  	[sflag:s12] =	ssyncset.done $0x0  }
0x1c: {  	[sflag:s12] =	ssyncadd.s32 $0xFFFFEC00  }
0x1d: {  	s23 =	simm.s32 $0x14000;
	[bflag:$0x0] =	sbarrier.arrive $0xFFFF  }
0x1e: {  	[tilespmem:s16], [sflag:$0x1] =	stream.indirect.gather [spmem:s2], $0x80, s23, s15, $0xb8;
	[tilespmem:$0x1E800] =	vst v63  }
0x1f: {  	s31 =	simm.s32 $0x15400  }
0x20: {  	[tilespmem:s17], [sflag:$0x2] =	stream.indirect.gather [spmem:s2], $0x80, s31, s15, $0xb8;
	[tilespmem:$0x1E800] =	vst v63  }
0x21: {  	_ =	swait.ge [sflag:s18], $0x4000  }
0x22: {  	[sflag:s18] =	ssyncset.done $0x0  }
0x23: {  	[sflag:s18] =	ssyncadd.s32 $0xFFFFC000  }
0x24: {  	[hbm4b:s10+s3] =	stream.linear.scatter [tilespmem:s16], [sflag:$0x3], $0x4000, $0x38;
	[tilespmem:$0x1E800] =	vst v63  }
0x25: {  	_ =	swait.ge [sflag:s19], $0x4000  }
0x26: {  	[sflag:s19] =	ssyncset.done $0x0  }
0x27: {  	[sflag:s19] =	ssyncadd.s32 $0xFFFFC000  }
0x28: {  	[hbm4b:s9+s3] =	stream.linear.scatter [tilespmem:s17], [sflag:$0x4], $0x4000, $0x38;
	[tilespmem:$0x1E800] =	vst v63  }
0x29: {  	_ =	swait.ge [sflag:s20], $0x4000  }
0x2a: {  	[sflag:s20] =	ssyncset.done $0x0  }
0x2b: {  	[sflag:s20] =	ssyncadd.s32 $0xFFFFC000  }
0x2c: {  	s26 =	simm.s32 $0x400;
	s24 =	sadd.s32 $0x800, s10;
	_ =	swait.ge [sflag:s21], $0x4000  }
0x2d: {  	s25 =	simm.s32 $0x80;
	s23 =	sadd.s32 $0x800, s9;
	[sflag:s21] =	ssyncset.done $0x0  }
.LBB2_2:
0x2e: {  	s28 =	sadd.s32 $0x14000, s25  }
0x2f: {  	[sflag:s21] =	ssyncadd.s32 $0xFFFFC000;
	s29 =	smov.u32 s26;
	s30 =	sadd.s32 $0x200, s26  }
0x30: {  	[tilespmem:s16], [sflag:$0x1] =	stream.indirect.gather [spmem:s2], $0x80, s28, s15, $0xb8;
	[tilespmem:$0x1E800] =	vst v63  }
0x31: {  	p0 =	sne.s32 s26, $0x4E00;
	s25 =	sadd.s32 $0x15400, s25  }
0x32: {  	[tilespmem:s17], [sflag:$0x2] =	stream.indirect.gather [spmem:s2], $0x80, s25, s15, $0xb8;
	[tilespmem:$0x1E800] =	vst v63  }
0x33: {  	_ =	swait.ge [sflag:s18], $0x4000  }
0x34: {  	[sflag:s18] =	ssyncset.done $0x0  }
0x35: {  	[sflag:s18] =	ssyncadd.s32 $0xFFFFC000  }
0x36: {  	[hbm4b:s24+s3] =	stream.linear.scatter [tilespmem:s16], [sflag:$0x3], $0x4000, $0x38;
	[tilespmem:$0x1E800] =	vst v63  }
0x37: {  	_ =	swait.ge [sflag:s19], $0x4000  }
0x38: {  	[sflag:s19] =	ssyncset.done $0x0  }
0x39: {  	[sflag:s19] =	ssyncadd.s32 $0xFFFFC000  }
0x3a: {  	[hbm4b:s23+s3] =	stream.linear.scatter [tilespmem:s17], [sflag:$0x4], $0x4000, $0x38;
	[tilespmem:$0x1E800] =	vst v63  }
.Ltmp0:
0x3b: {  	_ =	swait.ge [sflag:s20], $0x4000;
	(pc) =	sbr.rel @p0 .LBB2_2-.Ltmp0, $4  }
0x3c: {  	[sflag:s20] =	ssyncset.done $0x0  }
0x3d: {  	[sflag:s20] =	ssyncadd.s32 $0xFFFFC000  }
0x3e: {  	s26 =	smov.u32 s30;
	s24 =	sadd.s32 $0x800, s24;
	_ =	swait.ge [sflag:s21], $0x4000  }
0x3f: {  	s25 =	sshra.s32 s29, $0x2;
	s23 =	sadd.s32 $0x800, s23;
	[sflag:s21] =	ssyncset.done $0x0  }
0x40: {  	s26 =	sadd.s32 $0x14000, s25;
	[sflag:s21] =	ssyncadd.s32 $0xFFFFC000  }
0x41: {  	[tilespmem:s16], [sflag:$0x1] =	stream.indirect.gather [spmem:s2], $0x80, s26, s15, $0xb8;
	[tilespmem:$0x1E800] =	vst v63  }
0x42: {  	s31 =	sadd.s32 $0x15400, s25  }
0x43: {  	[tilespmem:s17], [sflag:$0x2] =	stream.indirect.gather [spmem:s2], $0x80, s31, s15, $0xb8;
	[tilespmem:$0x1E800] =	vst v63  }
0x44: {  	_ =	swait.ge [sflag:s18], $0x4000  }
0x45: {  	[sflag:s18] =	ssyncset.done $0x0  }
0x46: {  	[sflag:s18] =	ssyncadd.s32 $0xFFFFC000  }
0x47: {  	[hbm4b:s24+s3] =	stream.linear.scatter [tilespmem:s16], [sflag:$0x3], $0x4000, $0x38;
	[tilespmem:$0x1E800] =	vst v63  }
0x48: {  	_ =	swait.ge [sflag:s19], $0x4000  }
0x49: {  	[sflag:s19] =	ssyncset.done $0x0  }
0x4a: {  	s22 =	sadd.s32 $0x1, s22;
	[sflag:s19] =	ssyncadd.s32 $0xFFFFC000  }
0x4b: {  	[hbm4b:s23+s3] =	stream.linear.scatter [tilespmem:s17], [sflag:$0x4], $0x4000, $0x38;
	[tilespmem:$0x1E800] =	vst v63  }
0x4c: {  	p0 =	sne.s32 s22, s8;
	_ =	swait.ge [sflag:s20], $0x4000  }
.Ltmp1:
0x4d: {  	[sflag:s20] =	ssyncset.done $0x0;
	(pc) =	sbr.rel @p0 .LBB2_1-.Ltmp1, $4  }
0x4e: {  	[sflag:s20] =	ssyncadd.s32 $0xFFFFC000  }
0x4f: {  	_ =	swait.ge [sflag:s21], $0x4000  }
0x50: {  	[sflag:s21] =	ssyncset.done $0x0  }
0x51: {  	[sflag:s21] =	ssyncadd.s32 $0xFFFFC000  }
0x52: {  	_ =	sfence.sel $0x180000  }
0x53: {  	[bflag:$0x0] =	sbarrier.arrive $0xFFFF  }
0x54: {  	p0 =	sne.s32 s1, $0x0;
	_ =	strace $0x90000050  }
0x55: {  	s0 =	sadd.s32 @!p0 $0x100000, s0;
	[bflag:$0x2] =	sbarrier.arrive $0xFFFF  }
0x56: {  	[sflag:s0] =	ssyncadd.tile.s32 @!p0 $0x1;
	_ =	shalt  }
.Lfunc_end2:
_tile_overlayer_lowered:
.L_overlay_start_2:
0x57: {  	(tag) =	ssettag $0x2  }
0x58: {  	s0 =	rddreg [dreg:$0x0];
	s2 =	stileid.u32  }
0x59: {  	s1 =	rddreg [dreg:$0x1];
	p0 =	sne.s32 s2, $0x0  }
0x5a: {  	s3 =	rddreg [dreg:$0x2];
	[bflag:$0x3] =	sbarrier.arrive $0xFFFF;
	s2 =	simm.s32 @!p0 $0x1C05  }
0x5b: {  	[timem:s3], [sflag:s2] =	dma.local @!p0 [hbm:s0], s1  }
0x5c: {  	s0 =	simm.s32 @!p0 $0x5  }
0x5d: {  	_ =	swait.ge @!p0 [sflag:s0], s1  }
0x5e: {  	s1 =	ssub.s32 @!p0 $0x0, s1;
	[sflag:s0] =	ssyncset.done @!p0 $0x0  }
0x5f: {  	[sflag:s0] =	ssyncadd.s32 @!p0 s1  }
0x60: {  	[bflag:$0x3] =	sbarrier.arrive $0xFFFF  }
0x61: {  	_ =	shalt  }

// kernel: kernel.25.cloned.1.call-start
scs
__scs_entry_jumppad:
0x0: {  	(pc) =	sbr.rel $0x88, $3  }
0x1: {  	(tag) =	ssettag $0x0;
	lr =	simm.s32 $0x1  }
0x2: {  	[smem:$0x3F92] =	sst lr;
	_ =	strace $0xD0000000  }
0x3: {  	_ = 	snop  }
0x4: {  	_ = 	snop  }
0x5: {  	_ = 	snop  }
0x6: {  	_ = 	snop  }
0x7: {  	_ = 	snop  }
__scs_overlays_trampoline_lowered:
0x8: {  	[smem:$0x3FA1] =	sst s0  }
0x9: {  	[smem:$0x3FA2] =	sst s1  }
0xa: {  	[smem:$0x3FA3] =	sst s2  }
0xb: {  	[smem:$0x3FA4] =	sst s3  }
0xc: {  	[smem:$0x3FA5] =	sst s4  }
0xd: {  	[smem:$0x3FA6] =	sst s5  }
0xe: {  	[smem:$0x3FA7] =	sst s6  }
0xf: {  	[smem:$0x3FA8] =	sst s7  }
0x10: {  	[smem:$0x3FA9] =	sst s8  }
0x11: {  	[smem:$0x3FAA] =	sst s9;
	s0 =	simm.s32 @!p0 $0x0  }
0x12: {  	s1 =	sld [smem:$0x3F90];
	s0 =	simm.s32 @p0 $0x1  }
0x13: {  	[smem:$0x3FAB] =	sst s0;
	s0 =	simm.s32 @!p1 $0x0  }
0x14: {  	s2 =	sld [smem:$0x3F8F];
	s0 =	simm.s32 @p1 $0x1  }
0x15: {  	[smem:$0x3FAC] =	sst s0;
	s0 =	simm.s32 @!p2 $0x0  }
0x16: {  	s3 =	sld [smem:$0x3FDB];
	s0 =	simm.s32 @p2 $0x1  }
0x17: {  	s4 =	simm.s32 $0x1BF5;
	[smem:$0x3FAE] =	sst s0  }
0x18: {  	s0 =	sld [smem:$0x3F91];
	_ =	swait.ge [sflag:s4], $0x0  }
0x19: {  	s7 =	sld [smem:$0x3F92]  }
0x1a: {  	s8 =	sadd.s32 $0xFFFFE003, lr  }
0x1b: {  	s9 =	sadd.s32 $0xFFFFFEF7, lr;
	s5 =	simm.s32 $0xFFFFFFFF;
	p2 =	slt.u32 s8, $0xFFFFF086  }
0x1c: {  	p1 =	slt.u32 s9, $0xF7A;
	s5 =	simm.s32 @!p2 $0x0  }
0x1d: {  	s5 =	simm.s32 @p1 $0x1;
	p0 =	seq.s32 s7, s2  }
0x1e: {  	s7 =	smul.u32 @!p0 $0xF7A, s2;
	p2 =	seq.s32 @!p0 s5, $0x0  }
0x1f: {  	s9 =	smul.u32 $0xF7A, s1;
	s8 =	simm.s32 @!p0 $0x1BF5;
	p2 =	por !p2, p0  }
0x20: {  	[sflag:s8] =	ssyncset.s32 @!p0 $0xFFFFF086;
	s6 =	sadd.s32 @!p0 s3, s7;
	s7 =	simm.s32 @!p0 $0x108  }
0x21: {  	s3 =	sadd.s32 s3, s9;
	s6 =	sadd.s32 @!p0 $0x88, s6;
	s7 =	simm.s32 @p2 $0x1082  }
0x22: {  	[simem:s7], [sflag:s8] =	dma.local @!p0 [hbm:s6], $0xF7A  }
0x23: {  	s9 =	sor.u32 $0xD0000000, s2;
	s6 =	simm.s32 $0x108;
	_ =	swait.ge @!p0 [sflag:s8], $0x0  }
0x24: {  	s3 =	sadd.s32 $0x88, s3;
	s6 =	simm.s32 @!p1 $0x1082;
	[sflag:s4] =	ssyncset.s32 $0xFFFFF086  }
0x25: {  	[simem:s6], [sflag:s4] =	dma.local [hbm:s3], $0xF7A  }
0x26: {  	[smem:$0x3F92] =	sst s1;
	(tag) =	ssettag s2;
	_ =	strace s9  }
0x27: {  	s1 =	sld [smem:$0x3FA2]  }
0x28: {  	s2 =	sld [smem:$0x3FA3]  }
0x29: {  	s4 =	sld [smem:$0x3FA5]  }
0x2a: {  	p0 =	seq.s32 s5, $0x0;
	s5 =	sld [smem:$0x3FA6]  }
0x2b: {  	s6 =	sld [smem:$0x3FA7]  }
0x2c: {  	s7 =	sld [smem:$0x3FA8]  }
0x2d: {  	s3 =	simm.s32 $0x108;
	s8 =	sld [smem:$0x3FA9]  }
0x2e: {  	s3 =	simm.s32 @!p0 $0x1082;
	s9 =	sld [smem:$0x3FAA]  }
0x2f: {  	lr =	sadd.s32 s0, s3;
	s0 =	sld [smem:$0x3FA1]  }
0x30: {  	s3 =	sld [smem:$0x3FA4]  }
0x31: {  	[smem:$0x3FAD] =	sst s10  }
0x32: {  	s10 =	sld [smem:$0x3FAB];
	_ =	sdelay $0x3  }
0x33: {  	p0 =	seq.s32 s10, $0x1;
	s10 =	sld [smem:$0x3FAD];
	_ =	sdelay $0x3  }
0x34: {  	[smem:$0x3FAD] =	sst s10  }
0x35: {  	s10 =	sld [smem:$0x3FAC];
	_ =	sdelay $0x3  }
0x36: {  	p1 =	seq.s32 s10, $0x1;
	s10 =	sld [smem:$0x3FAD];
	_ =	sdelay $0x3  }
0x37: {  	[smem:$0x3FAD] =	sst s10  }
0x38: {  	s10 =	sld [smem:$0x3FAE]  }
0x39: {  	_ = 	snop;
	(pc) =	sbr.ind lr, $3  }
0x3a: {  	_ = 	snop  }
0x3b: {  	_ = 	snop  }
0x3c: {  	p2 =	seq.s32 s10, $0x1;
	s10 =	sld [smem:$0x3FAD]  }
0x3d: {  	_ =	shalt  }
0x3e: {  	_ =	shalt  }
0x3f: {  	_ =	shalt  }
0x40: {  	_ =	shalt  }
0x41: {  	_ =	shalt  }
0x42: {  	_ =	shalt  }
0x43: {  	_ =	shalt  }
0x44: {  	_ =	shalt  }
0x45: {  	_ =	shalt  }
0x46: {  	_ =	shalt  }
0x47: {  	_ =	shalt  }
0x48: {  	_ =	shalt  }
0x49: {  	_ =	shalt  }
0x4a: {  	_ =	shalt  }
0x4b: {  	_ =	shalt  }
0x4c: {  	_ =	shalt  }
0x4d: {  	_ =	shalt  }
0x4e: {  	_ =	shalt  }
0x4f: {  	_ =	shalt  }
0x50: {  	_ =	shalt  }
0x51: {  	_ =	shalt  }
0x52: {  	_ =	shalt  }
0x53: {  	_ =	shalt  }
0x54: {  	_ =	shalt  }
0x55: {  	_ =	shalt  }
0x56: {  	_ =	shalt  }
0x57: {  	_ =	shalt  }
0x58: {  	_ =	shalt  }
0x59: {  	_ =	shalt  }
0x5a: {  	_ =	shalt  }
0x5b: {  	_ =	shalt  }
0x5c: {  	_ =	shalt  }
0x5d: {  	_ =	shalt  }
0x5e: {  	_ =	shalt  }
0x5f: {  	_ =	shalt  }
0x60: {  	_ =	shalt  }
0x61: {  	_ =	shalt  }
0x62: {  	_ =	shalt  }
0x63: {  	_ =	shalt  }
0x64: {  	_ =	shalt  }
0x65: {  	_ =	shalt  }
0x66: {  	_ =	shalt  }
0x67: {  	_ =	shalt  }
0x68: {  	_ =	shalt  }
0x69: {  	_ =	shalt  }
0x6a: {  	_ =	shalt  }
0x6b: {  	_ =	shalt  }
0x6c: {  	_ =	shalt  }
0x6d: {  	_ =	shalt  }
0x6e: {  	_ =	shalt  }
0x6f: {  	_ =	shalt  }
0x70: {  	_ =	shalt  }
0x71: {  	_ =	shalt  }
0x72: {  	_ =	shalt  }
0x73: {  	_ =	shalt  }
0x74: {  	_ =	shalt  }
0x75: {  	_ =	shalt  }
0x76: {  	_ =	shalt  }
0x77: {  	_ =	shalt  }
0x78: {  	_ =	shalt  }
0x79: {  	_ =	shalt  }
0x7a: {  	_ =	shalt  }
0x7b: {  	_ =	shalt  }
0x7c: {  	_ =	shalt  }
0x7d: {  	_ =	shalt  }
0x7e: {  	_ =	shalt  }
0x7f: {  	_ =	shalt  }
0x80: {  	_ =	shalt  }
0x81: {  	_ =	shalt  }
0x82: {  	_ =	shalt  }
0x83: {  	_ =	shalt  }
0x84: {  	_ =	shalt  }
0x85: {  	_ =	shalt  }
0x86: {  	_ =	shalt  }
0x87: {  	_ =	shalt  }
.Lfunc_end0:
.L_simem_size_0:
called_computation.4_lowered:
.L_overlay_start_0:
0x88: {  	s2 =	sld [smem:$0x3FD9]  }
0x89: {  	s3 =	sld [smem:$0x3FFE];
	_ =	sdelay $0x1  }
0x8a: {  	s1 =	srdreg.scid  }
0x8b: {  	s0 =	sand.u32 $0x1, s1  }
0x8c: {  	s16 =	sshll.u32 s0, $0xA;
	s2 =	sadd.s32 s3, s2  }
0x8d: {  	s2 =	sadd.s32 s2, s16  }
0x8e: {  	[smem:$0x3FB9] =	sst s2  }
0x8f: {  	_ = 	snop  }
0x90: {  	(tm) =	ssettm $0x1  }
0x91: {  	s17 =	sld [smem:$0x3FFB];
	_ =	sdelay $0x3  }
0x92: {  	_ =	strace s17  }
0x93: {  	s2 =	sld [smem:$0x3FFC];
	_ =	sdelay $0x3  }
0x94: {  	_ =	strace s2  }
0x95: {  	s2 =	sld [smem:$0x3FFD];
	_ =	sdelay $0x3  }
0x96: {  	_ =	strace s2  }
0x97: {  	_ =	strace $0x8FFFFFFF  }
0x98: {  	s18 =	sld [smem:$0x3FDB];
	_ =	sdelay $0x1  }
0x99: {  	s19 =	simm.s32 $_scs_section_size  }
0x9a: {  	s4 =	simm.s32 $_size__tile_overlayer_lowered;
	s5 =	simm.s32 $_tile_overlayer_lowered  }
0x9b: {  	s22 =	simm.s32 $0x1BFF;
	s21 =	sshll.u32 s5, $0x1;
	s2 =	sadd.s32 s19, s18  }
0x9c: {  	s6 =	simm.s32 $0x0;
	s20 =	sshll.u32 s4, $0x1;
	s4 =	sadd.s32 s21, s2  }
0x9d: {  	[timem:s6], [sflag:s22] =	dma.local [hbm:s4], s20  }
0x9e: {  	_ =	swait.ge [sflag:s22], s20  }
0x9f: {  	s3 =	ssub.s32 $0x0, s20;
	[sflag:s22] =	ssyncset.done $0x0  }
0xa0: {  	[sflag:s22] =	ssyncadd.s32 s3;
	_ =	sdelay $0x1  }
0xa1: {  	s23 =	simm.s32 $0x1B8B  }
0xa2: {  	_ =	swait.ge [sflag:s23], $0x1  }
0xa3: {  	[sflag:s23] =	ssyncset.done $0x0  }
0xa4: {  	s25 =	simm.s32 $0x1B8E;
	s24 =	sld [smem:$0x3FFE];
	[sflag:s23] =	ssyncadd.s32 $0xFFFFFFFF  }
0xa5: {  	s26 =	simm.s32 $execute0_lowered;
	[smem:$0x3FD2] =	sst s25  }
0xa6: {  	s4 =	sshll.u32 s26, $0x1;
	_ =	strace $0x80000052;
	[dreg:$0x1] =	wrdreg $0xFFFFFFFF  }
0xa7: {  	s28 =	simm.s32 $_size_execute0_lowered;
	s2 =	sadd.s32 s2, s4;
	[dreg:$0x0] =	wrdreg $0x0  }
0xa8: {  	s4 =	sshll.u32 s28, $0x1;
	[dreg:$0x2] =	wrdreg s2  }
0xa9: {  	[dreg:$0x3] =	wrdreg s4  }
0xaa: {  	[dreg:$0x4] =	wrdreg $0xC0  }
0xab: {  	_ =	task [dreg:s6], $0x5FFFF  }
0xac: {  	[dreg:$0x1] =	wrdreg $0xFFFFFFFF  }
0xad: {  	[dreg:$0x0] =	wrdreg $0x60  }
0xae: {  	[dreg:$0x2] =	wrdreg s24  }
0xaf: {  	[dreg:$0x3] =	wrdreg $0x0  }
0xb0: {  	[dreg:$0x4] =	wrdreg $0x9  }
0xb1: {  	_ =	task.clear_ibuf [dreg:s6], $0x5FFFF;
	_ =	strace $0x90000052  }
0xb2: {  	s29 =	simm.s32 $0x9;
	_ =	strace $0x80000054  }
0xb3: {  	_ =	swait.ge [sflag:s29], $0x1  }
0xb4: {  	[sflag:s29] =	ssyncadd.s32 $0xFFFFFFFF  }
0xb5: {  	_ =	strace $0x90000054  }
0xb6: {  	_ =	sfence  }
0xb7: {  	s30 =	sld [smem:$0x0];
	_ =	sdelay $0x2  }
0xb8: {  	s31 =	sshll.u32 s1, $0xD;
	s1 =	sshrl.u32 s1, $0x2  }
0xb9: {  	s3 =	sand.u32 $0x4000, s31;
	s1 =	sadd.s32 s1, s30  }
0xba: {  	s0 =	sor.u32 s3, s0;
	s1 =	sshll.u32 s1, $0x11  }
0xbb: {  	s0 =	sor.u32 s1, s0  }
0xbc: {  	s0 =	sadd.s32 $0x8F2B, s0  }
0xbd: {  	[sflag:s0] =	ssyncadd.remote.s32 $0x1  }
0xbe: {  	_ =	sfence.sel $0xFFFF  }
0xbf: {  	[dreg:$0x0] =	wrdreg $0xFFFFFFFF;
	(pc) =	sbr.abs _section_cstart, $3  }
0xc0: {  	[dreg:$0x1] =	wrdreg $0xFFFFFFFF  }
0xc1: {  	_ =	task.clear_ibuf [dreg:s6], $0x2FFFF;
	_ =	strace $0x9FFFFFFF  }
0xc2: {  	(tm) =	ssettm $0x7FFFFFFF  }
0xc3: {  	_ =	shalt  }
tec
execute0_lowered:
.L_overlay_start_1:
0x0: {  	(tag) =	ssettag $0x1  }
0x1: {  	s1 =	stileid.u32  }
0x2: {  	s0 =	rddreg [dreg:$0x0];
	s4 =	smul.u32 $0x500, s1  }
0x3: {  	s2 =	rddreg [dreg:$0x1];
	s3 =	simm.s32 $0x0;
	s8 =	smul.u32 $0x14000, s1  }
0x4: {  	s5 =	srdreg.scid;
	s19 =	simm.s32 $0x16800;
	s9 =	smul.u32 $0x50000, s1  }
0x5: {  	s20 =	simm.s32 $0x1A800;
	s5 =	sand.u32 $0x1, s5;
	s13 =	smul.u32 $0x140000, s1  }
0x6: {  	[smem:$0x7FF] =	sst s3;
	s17 =	sadd.s32 $0xA3DA00, s0;
	s12 =	smul.u32 $0x2800000, s5  }
0x7: {  	_ =	strace $0x80000053;
	s7 =	ssub.s32 $0x2, s5;
	s22 =	smul.u32 $0x280000, s5  }
0x8: {  	s23 =	sshllo.u32 s5, $0x1;
	s4 =	sadd.s32 s4, s0;
	s6 =	sshrl.u32 s8, $0x3  }
0x9: {  	s10 =	sshrl.u32 s7, $0x1;
	s21 =	sshrl.u32 s9, $0x2;
	s14 =	smul.u32 $0x1400000, s23  }
0xa: {  	s26 =	sadd.s32 $0x13C000, s13;
	s6 =	sadd.s32 s6, s0;
	s0 =	sadd.s32 $0x63600, s0  }
0xb: {  	s11 =	ssub.s32 s7, s10;
	s4 =	sadd.s32 $0xE200, s4;
	s24 =	sadd.s32 s21, s2  }
0xc: {  	s15 =	sadd.s32 s13, s12;
	s10 =	smul.u32 $0x140000, s23;
	s9 =	sadd.s32 s8, s22  }
0xd: {  	s21 =	simm.s32 $0x1;
	s22 =	simm.s32 $0x80;
	[dreg:$0x3] =	wrdreg s4  }
0xe: {  	s23 =	simm.s32 $0x2;
	[dreg:$0x4] =	wrdreg s24;
	s6 =	sadd.s32 $0x13600, s6  }
0xf: {  	s25 =	sshrl.u32 s15, $0x3;
	s16 =	sadd.s32 s13, s14;
	s9 =	sshrl.u32 s9, $0x3  }
0x10: {  	s11 =	smax.u32 s11, $0x1;
	s13 =	sadd.s32 s14, s26;
	s28 =	sor.u32 $0x8000, s15  }
0x11: {  	s30 =	sor.u32 $0x4000, s15;
	s31 =	sadd.s32 $0x1408000, s15;
	s15 =	sadd.s32 $0x1404000, s15  }
0x12: {  	s24 =	simm.s32 $0x16700;
	s7 =	sadd.s32 s17, s25;
	s16 =	sshrl.u32 s16, $0x3  }
0x13: {  	s10 =	sadd.s32 s8, s10;
	s8 =	sadd.s32 s0, s9;
	s13 =	sshrl.u32 s13, $0x3  }
0x14: {  	s29 =	sshrl.u32 s28, $0x3;
	s18 =	sshrl.u32 s15, $0x3;
	s25 =	simm.s32 $0x16780  }
0x15: {  	s9 =	sadd.s32 s17, s16;
	s10 =	sshrl.u32 s10, $0x3;
	s14 =	sadd.s32 s29, s17  }
0x16: {  	s16 =	sshrl.u32 s31, $0x3;
	s10 =	sadd.s32 s0, s10;
	s0 =	sadd.s32 s12, s26  }
0x17: {  	s12 =	sadd.s32 s17, s13;
	s16 =	sadd.s32 s16, s17;
	s0 =	sshrl.u32 s0, $0x3  }
0x18: {  	s26 =	simm.s32 $0x0;
	s13 =	sadd.s32 s17, s0;
	s0 =	sshrl.u32 s30, $0x3  }
0x19: {  	s15 =	sadd.s32 s0, s17;
	s17 =	sadd.s32 s18, s17;
	s18 =	simm.s32 $0x3  }
.LBB2_1:
0x1a: {  	s0 =	simm.s32 $0x14000;
	s1 =	rddreg [dreg:$0x3]  }
0x1b: {  	[tilespmem:s0], [sflag:$0x3] =	stream.linear.gather [hbm4b:s1+s3], $0x2800, $0x38;
	[tilespmem:$0x1E800] =	vst v63  }
0x1c: {  	s4 =	stileid.u32;
	_ =	swait.ge [sflag:s18], $0x2800  }
0x1d: {  	s28 =	sshll.u32 s4, $0x6;
	[sflag:s18] =	ssyncset.done $0x0;
	s5 =	rddreg [dreg:$0x4]  }
0x1e: {  	s28 =	sor.u32 $0x1C03, s28;
	[sflag:s18] =	ssyncadd.s32 $0xFFFFD800;
	s29 =	sshrl.u32 s5, $0x3  }
0x1f: {  	[spmem:s29], [sflag:s28] =	dma.local [hbm:s6], $0x2800  }
0x20: {  	_ =	swait.ge [sflag:s18], $0x2800  }
0x21: {  	[sflag:s18] =	ssyncset.done $0x0  }
0x22: {  	[sflag:s18] =	ssyncadd.s32 $0xFFFFD800  }
0x23: {  	[bflag:$0x0] =	sbarrier.arrive $0xFFFF  }
0x24: {  	[tilespmem:s19], [sflag:$0x1] =	stream.linear.gather [hbm4b:s7+s3], $0x4000, $0x38;
	[tilespmem:$0x1E800] =	vst v63  }
0x25: {  	s30 =	sadd.s32 $0x0, s15  }
0x26: {  	[tilespmem:s20], [sflag:$0x2] =	stream.linear.gather [hbm4b:s30+s3], $0x4000, $0x38;
	[tilespmem:$0x1E800] =	vst v63  }
0x27: {  	_ =	swait.ge [sflag:s21], $0x4000  }
0x28: {  	[sflag:s21] =	ssyncset.done $0x0  }
0x29: {  	[sflag:s21] =	ssyncadd.s32 $0xFFFFC000  }
0x2a: {  	[spmem:s2] =	stream.indirect.scatter.add.f32 [tilespmem:s19], [sflag:$0x3], $0x80, s0, s22, $0xb8;
	[tilespmem:$0x1E800] =	vst v63  }
0x2b: {  	_ =	swait.ge [sflag:s18], $0x4000  }
0x2c: {  	[sflag:s18] =	ssyncset.done $0x0  }
0x2d: {  	s4 =	sadd.s32 $0x0, s14;
	[sflag:s18] =	ssyncadd.s32 $0xFFFFC000  }
0x2e: {  	[tilespmem:s19], [sflag:$0x1] =	stream.linear.gather [hbm4b:s4+s3], $0x4000, $0x38;
	[tilespmem:$0x1E800] =	vst v63  }
0x2f: {  	_ =	swait.ge [sflag:s23], $0x4000  }
0x30: {  	[sflag:s23] =	ssyncset.done $0x0  }
0x31: {  	s5 =	simm.s32 $0x14080;
	[sflag:s23] =	ssyncadd.s32 $0xFFFFC000  }
0x32: {  	[spmem:s2] =	stream.indirect.scatter.add.f32 [tilespmem:s20], [sflag:$0x3], $0x80, s5, s22, $0xb8;
	[tilespmem:$0x1E800] =	vst v63  }
0x33: {  	s31 =	simm.s32 $0x1000;
	_ =	swait.ge [sflag:s18], $0x4000  }
0x34: {  	s30 =	simm.s32 $0x14100;
	s0 =	simm.s32 $0x2000;
	[sflag:s18] =	ssyncset.done $0x0  }
.LBB2_2:
0x35: {  	s1 =	sadd.s32 s31, s15  }
0x36: {  	[sflag:s18] =	ssyncadd.s32 $0xFFFFC000;
	s4 =	smov.u32 s0;
	s5 =	sadd.s32 $0x1000, s0  }
0x37: {  	[tilespmem:s20], [sflag:$0x2] =	stream.linear.gather [hbm4b:s1+s3], $0x4000, $0x38;
	[tilespmem:$0x1E800] =	vst v63  }
0x38: {  	p0 =	sne.s32 s0, $0x26000;
	_ =	swait.ge [sflag:s21], $0x4000  }
0x39: {  	[sflag:s21] =	ssyncset.done $0x0  }
0x3a: {  	[sflag:s21] =	ssyncadd.s32 $0xFFFFC000  }
0x3b: {  	[spmem:s2] =	stream.indirect.scatter.add.f32 [tilespmem:s19], [sflag:$0x3], $0x80, s30, s22, $0xb8;
	[tilespmem:$0x1E800] =	vst v63  }
0x3c: {  	_ =	swait.ge [sflag:s18], $0x4000  }
0x3d: {  	[sflag:s18] =	ssyncset.done $0x0  }
0x3e: {  	s0 =	sadd.s32 s31, s14;
	s31 =	smov.u32 s4;
	[sflag:s18] =	ssyncadd.s32 $0xFFFFC000  }
0x3f: {  	[tilespmem:s19], [sflag:$0x1] =	stream.linear.gather [hbm4b:s0+s3], $0x4000, $0x38;
	[tilespmem:$0x1E800] =	vst v63  }
0x40: {  	_ =	swait.ge [sflag:s23], $0x4000  }
.Ltmp0:
0x41: {  	[sflag:s23] =	ssyncset.done $0x0;
	(pc) =	sbr.rel @p0 .LBB2_2-.Ltmp0, $4  }
0x42: {  	s0 =	sadd.s32 $0x80, s30;
	[sflag:s23] =	ssyncadd.s32 $0xFFFFC000  }
0x43: {  	[spmem:s2] =	stream.indirect.scatter.add.f32 [tilespmem:s20], [sflag:$0x3], $0x80, s0, s22, $0xb8;
	[tilespmem:$0x1E800] =	vst v63  }
0x44: {  	_ =	swait.ge [sflag:s18], $0x4000  }
0x45: {  	s30 =	sadd.s32 $0x100, s30;
	s0 =	smov.u32 s5;
	[sflag:s18] =	ssyncset.done $0x0  }
0x46: {  	s0 =	sadd.s32 s31, s15;
	[sflag:s18] =	ssyncadd.s32 $0xFFFFC000  }
0x47: {  	[tilespmem:s20], [sflag:$0x2] =	stream.linear.gather [hbm4b:s0+s3], $0x4000, $0x38;
	[tilespmem:$0x1E800] =	vst v63  }
0x48: {  	_ =	swait.ge [sflag:s21], $0x4000  }
0x49: {  	[sflag:s21] =	ssyncset.done $0x0  }
0x4a: {  	[sflag:s21] =	ssyncadd.s32 $0xFFFFC000  }
0x4b: {  	[spmem:s2] =	stream.indirect.scatter.add.f32 [tilespmem:s19], [sflag:$0x3], $0x80, s30, s22, $0xb8;
	[tilespmem:$0x1E800] =	vst v63  }
0x4c: {  	_ =	swait.ge [sflag:s18], $0x4000  }
0x4d: {  	[sflag:s18] =	ssyncset.done $0x0  }
0x4e: {  	s5 =	sadd.s32 s31, s14;
	[sflag:s18] =	ssyncadd.s32 $0xFFFFC000  }
0x4f: {  	[tilespmem:s19], [sflag:$0x1] =	stream.linear.gather [hbm4b:s5+s3], $0x4000, $0x38;
	[tilespmem:$0x1E800] =	vst v63  }
0x50: {  	_ =	swait.ge [sflag:s23], $0x4000  }
0x51: {  	[sflag:s23] =	ssyncset.done $0x0  }
0x52: {  	s1 =	sadd.s32 $0x80, s30;
	[sflag:s23] =	ssyncadd.s32 $0xFFFFC000  }
0x53: {  	[spmem:s2] =	stream.indirect.scatter.add.f32 [tilespmem:s20], [sflag:$0x3], $0x80, s1, s22, $0xb8;
	[tilespmem:$0x1E800] =	vst v63  }
0x54: {  	_ =	swait.ge [sflag:s18], $0x4000  }
0x55: {  	[sflag:s18] =	ssyncset.done $0x0  }
0x56: {  	s4 =	simm.s32 $0x0;
	[sflag:s18] =	ssyncadd.s32 $0xFFFFC000  }
0x57: {  	[tilespmem:s20], [sflag:$0x2] =	stream.linear.gather [hbm4b:s13+s4], $0x4000, $0x38;
	[tilespmem:$0x1E800] =	vst v63  }
0x58: {  	_ =	swait.ge [sflag:s21], $0x4000  }
0x59: {  	[sflag:s21] =	ssyncset.done $0x0  }
0x5a: {  	[sflag:s21] =	ssyncadd.s32 $0xFFFFC000  }
0x5b: {  	[spmem:s2] =	stream.indirect.scatter.add.f32 [tilespmem:s19], [sflag:$0x3], $0x80, s24, s22, $0xb8;
	[tilespmem:$0x1E800] =	vst v63  }
0x5c: {  	_ =	swait.ge [sflag:s18], $0x4000  }
0x5d: {  	[sflag:s18] =	ssyncset.done $0x0  }
0x5e: {  	[sflag:s18] =	ssyncadd.s32 $0xFFFFC000  }
0x5f: {  	_ =	swait.ge [sflag:s23], $0x4000  }
0x60: {  	[sflag:s23] =	ssyncset.done $0x0  }
0x61: {  	[sflag:s23] =	ssyncadd.s32 $0xFFFFC000  }
0x62: {  	[spmem:s2] =	stream.indirect.scatter.add.f32 [tilespmem:s20], [sflag:$0x3], $0x80, s25, s22, $0xb8;
	[tilespmem:$0x1E800] =	vst v63  }
0x63: {  	_ =	swait.ge [sflag:s18], $0x4000  }
0x64: {  	[sflag:s18] =	ssyncset.done $0x0  }
0x65: {  	[sflag:s18] =	ssyncadd.s32 $0xFFFFC000  }
0x66: {  	[bflag:$0x0] =	sbarrier.arrive $0xFFFF  }
0x67: {  	[hbm:s8], [sflag:s28] =	dma.local [spmem:s29], $0x2800  }
0x68: {  	_ =	swait.ge [sflag:s18], $0x2800  }
0x69: {  	[sflag:s18] =	ssyncset.done $0x0  }
0x6a: {  	[sflag:s18] =	ssyncadd.s32 $0xFFFFD800  }
0x6b: {  	[bflag:$0x0] =	sbarrier.arrive $0xFFFF  }
0x6c: {  	[spmem:s29], [sflag:s28] =	dma.local [hbm:s6], $0x2800  }
0x6d: {  	_ =	swait.ge [sflag:s18], $0x2800  }
0x6e: {  	[sflag:s18] =	ssyncset.done $0x0  }
0x6f: {  	[sflag:s18] =	ssyncadd.s32 $0xFFFFD800  }
0x70: {  	[bflag:$0x0] =	sbarrier.arrive $0xFFFF  }
0x71: {  	[tilespmem:s19], [sflag:$0x1] =	stream.linear.gather [hbm4b:s9+s4], $0x4000, $0x38;
	[tilespmem:$0x1E800] =	vst v63  }
0x72: {  	s5 =	sadd.s32 $0x0, s17  }
0x73: {  	[tilespmem:s20], [sflag:$0x2] =	stream.linear.gather [hbm4b:s5+s3], $0x4000, $0x38;
	[tilespmem:$0x1E800] =	vst v63  }
0x74: {  	_ =	swait.ge [sflag:s21], $0x4000  }
0x75: {  	[sflag:s21] =	ssyncset.done $0x0  }
0x76: {  	s1 =	simm.s32 $0x14000;
	[sflag:s21] =	ssyncadd.s32 $0xFFFFC000  }
0x77: {  	[spmem:s2] =	stream.indirect.scatter.add.f32 [tilespmem:s19], [sflag:$0x3], $0x80, s1, s22, $0xb8;
	[tilespmem:$0x1E800] =	vst v63  }
0x78: {  	_ =	swait.ge [sflag:s18], $0x4000  }
0x79: {  	[sflag:s18] =	ssyncset.done $0x0  }
0x7a: {  	s4 =	sadd.s32 $0x0, s16;
	[sflag:s18] =	ssyncadd.s32 $0xFFFFC000  }
0x7b: {  	[tilespmem:s19], [sflag:$0x1] =	stream.linear.gather [hbm4b:s4+s3], $0x4000, $0x38;
	[tilespmem:$0x1E800] =	vst v63  }
0x7c: {  	_ =	swait.ge [sflag:s23], $0x4000  }
0x7d: {  	[sflag:s23] =	ssyncset.done $0x0  }
0x7e: {  	s5 =	simm.s32 $0x14080;
	[sflag:s23] =	ssyncadd.s32 $0xFFFFC000  }
0x7f: {  	[spmem:s2] =	stream.indirect.scatter.add.f32 [tilespmem:s20], [sflag:$0x3], $0x80, s5, s22, $0xb8;
	[tilespmem:$0x1E800] =	vst v63  }
0x80: {  	s31 =	simm.s32 $0x1000;
	_ =	swait.ge [sflag:s18], $0x4000  }
0x81: {  	s0 =	simm.s32 $0x2000;
	s30 =	simm.s32 $0x14100;
	[sflag:s18] =	ssyncset.done $0x0  }
.LBB2_4:
0x82: {  	s1 =	sadd.s32 s31, s17  }
0x83: {  	[sflag:s18] =	ssyncadd.s32 $0xFFFFC000;
	s4 =	smov.u32 s0;
	s5 =	sadd.s32 $0x1000, s0  }
0x84: {  	[tilespmem:s20], [sflag:$0x2] =	stream.linear.gather [hbm4b:s1+s3], $0x4000, $0x38;
	[tilespmem:$0x1E800] =	vst v63  }
0x85: {  	p0 =	sne.s32 s0, $0x26000;
	_ =	swait.ge [sflag:s21], $0x4000  }
0x86: {  	[sflag:s21] =	ssyncset.done $0x0  }
0x87: {  	[sflag:s21] =	ssyncadd.s32 $0xFFFFC000  }
0x88: {  	[spmem:s2] =	stream.indirect.scatter.add.f32 [tilespmem:s19], [sflag:$0x3], $0x80, s30, s22, $0xb8;
	[tilespmem:$0x1E800] =	vst v63  }
0x89: {  	_ =	swait.ge [sflag:s18], $0x4000  }
0x8a: {  	[sflag:s18] =	ssyncset.done $0x0  }
0x8b: {  	s0 =	sadd.s32 s31, s16;
	s31 =	smov.u32 s4;
	[sflag:s18] =	ssyncadd.s32 $0xFFFFC000  }
0x8c: {  	[tilespmem:s19], [sflag:$0x1] =	stream.linear.gather [hbm4b:s0+s3], $0x4000, $0x38;
	[tilespmem:$0x1E800] =	vst v63  }
0x8d: {  	_ =	swait.ge [sflag:s23], $0x4000  }
.Ltmp1:
0x8e: {  	[sflag:s23] =	ssyncset.done $0x0;
	(pc) =	sbr.rel @p0 .LBB2_4-.Ltmp1, $4  }
0x8f: {  	s0 =	sadd.s32 $0x80, s30;
	[sflag:s23] =	ssyncadd.s32 $0xFFFFC000  }
0x90: {  	[spmem:s2] =	stream.indirect.scatter.add.f32 [tilespmem:s20], [sflag:$0x3], $0x80, s0, s22, $0xb8;
	[tilespmem:$0x1E800] =	vst v63  }
0x91: {  	_ =	swait.ge [sflag:s18], $0x4000  }
0x92: {  	s30 =	sadd.s32 $0x100, s30;
	s0 =	smov.u32 s5;
	[sflag:s18] =	ssyncset.done $0x0  }
0x93: {  	s0 =	sadd.s32 s31, s17;
	[sflag:s18] =	ssyncadd.s32 $0xFFFFC000  }
0x94: {  	[tilespmem:s20], [sflag:$0x2] =	stream.linear.gather [hbm4b:s0+s3], $0x4000, $0x38;
	[tilespmem:$0x1E800] =	vst v63  }
0x95: {  	_ =	swait.ge [sflag:s21], $0x4000  }
0x96: {  	[sflag:s21] =	ssyncset.done $0x0  }
0x97: {  	[sflag:s21] =	ssyncadd.s32 $0xFFFFC000  }
0x98: {  	[spmem:s2] =	stream.indirect.scatter.add.f32 [tilespmem:s19], [sflag:$0x3], $0x80, s30, s22, $0xb8;
	[tilespmem:$0x1E800] =	vst v63  }
0x99: {  	_ =	swait.ge [sflag:s18], $0x4000  }
0x9a: {  	[sflag:s18] =	ssyncset.done $0x0  }
0x9b: {  	s5 =	sadd.s32 s31, s16;
	[sflag:s18] =	ssyncadd.s32 $0xFFFFC000  }
0x9c: {  	[tilespmem:s19], [sflag:$0x1] =	stream.linear.gather [hbm4b:s5+s3], $0x4000, $0x38;
	[tilespmem:$0x1E800] =	vst v63  }
0x9d: {  	_ =	swait.ge [sflag:s23], $0x4000  }
0x9e: {  	[sflag:s23] =	ssyncset.done $0x0  }
0x9f: {  	s31 =	sadd.s32 $0x80, s30;
	[sflag:s23] =	ssyncadd.s32 $0xFFFFC000  }
0xa0: {  	[spmem:s2] =	stream.indirect.scatter.add.f32 [tilespmem:s20], [sflag:$0x3], $0x80, s31, s22, $0xb8;
	[tilespmem:$0x1E800] =	vst v63  }
0xa1: {  	_ =	swait.ge [sflag:s18], $0x4000  }
0xa2: {  	[sflag:s18] =	ssyncset.done $0x0  }
0xa3: {  	[sflag:s18] =	ssyncadd.s32 $0xFFFFC000  }
0xa4: {  	[tilespmem:s20], [sflag:$0x2] =	stream.linear.gather [hbm4b:s12+s3], $0x4000, $0x38;
	[tilespmem:$0x1E800] =	vst v63  }
0xa5: {  	_ =	swait.ge [sflag:s21], $0x4000  }
0xa6: {  	[sflag:s21] =	ssyncset.done $0x0  }
0xa7: {  	[sflag:s21] =	ssyncadd.s32 $0xFFFFC000  }
0xa8: {  	[spmem:s2] =	stream.indirect.scatter.add.f32 [tilespmem:s19], [sflag:$0x3], $0x80, s24, s22, $0xb8;
	[tilespmem:$0x1E800] =	vst v63  }
0xa9: {  	_ =	swait.ge [sflag:s18], $0x4000  }
0xaa: {  	[sflag:s18] =	ssyncset.done $0x0  }
0xab: {  	[sflag:s18] =	ssyncadd.s32 $0xFFFFC000  }
0xac: {  	_ =	swait.ge [sflag:s23], $0x4000  }
0xad: {  	[sflag:s23] =	ssyncset.done $0x0  }
0xae: {  	[sflag:s23] =	ssyncadd.s32 $0xFFFFC000  }
0xaf: {  	[spmem:s2] =	stream.indirect.scatter.add.f32 [tilespmem:s20], [sflag:$0x3], $0x80, s25, s22, $0xb8;
	[tilespmem:$0x1E800] =	vst v63  }
0xb0: {  	_ =	swait.ge [sflag:s18], $0x4000  }
0xb1: {  	[sflag:s18] =	ssyncset.done $0x0  }
0xb2: {  	s26 =	sadd.s32 $0x1, s26;
	[sflag:s18] =	ssyncadd.s32 $0xFFFFC000  }
0xb3: {  	p0 =	sne.s32 s26, s11;
	[bflag:$0x0] =	sbarrier.arrive $0xFFFF  }
0xb4: {  	[hbm:s10], [sflag:s28] =	dma.local [spmem:s29], $0x2800  }
.Ltmp2:
0xb5: {  	_ =	swait.ge [sflag:s18], $0x2800;
	(pc) =	sbr.rel @p0 .LBB2_1-.Ltmp2, $3  }
0xb6: {  	[sflag:s18] =	ssyncset.done $0x0  }
0xb7: {  	[sflag:s18] =	ssyncadd.s32 $0xFFFFD800  }
0xb8: {  	[bflag:$0x0] =	sbarrier.arrive $0xFFFF;
	_ =	sdelay $0x1  }
0xb9: {  	_ =	sfence.sel $0x180000  }
0xba: {  	[bflag:$0x0] =	sbarrier.arrive $0xFFFF  }
0xbb: {  	_ =	strace $0x90000053  }
0xbc: {  	s0 =	stileid.u32;
	[bflag:$0x2] =	sbarrier.arrive $0xFFFF  }
0xbd: {  	p0 =	sne.s32 s0, $0x0;
	s0 =	rddreg [dreg:$0x2]  }
0xbe: {  	s0 =	sadd.s32 @!p0 $0x100000, s0  }
0xbf: {  	[sflag:s0] =	ssyncadd.tile.s32 @!p0 $0x1;
	_ =	shalt  }
.Lfunc_end2:
_tile_overlayer_lowered:
.L_overlay_start_2:
0xc0: {  	(tag) =	ssettag $0x2  }
0xc1: {  	s0 =	rddreg [dreg:$0x0];
	s2 =	stileid.u32  }
0xc2: {  	s1 =	rddreg [dreg:$0x1];
	p0 =	sne.s32 s2, $0x0  }
0xc3: {  	s3 =	rddreg [dreg:$0x2];
	[bflag:$0x3] =	sbarrier.arrive $0xFFFF;
	s2 =	simm.s32 @!p0 $0x1C03  }
0xc4: {  	[timem:s3], [sflag:s2] =	dma.local @!p0 [hbm:s0], s1  }
0xc5: {  	s0 =	simm.s32 @!p0 $0x3  }
0xc6: {  	_ =	swait.ge @!p0 [sflag:s0], s1  }
0xc7: {  	s1 =	ssub.s32 @!p0 $0x0, s1;
	[sflag:s0] =	ssyncset.done @!p0 $0x0  }
0xc8: {  	[sflag:s0] =	ssyncadd.s32 @!p0 s1  }
0xc9: {  	[bflag:$0x3] =	sbarrier.arrive $0xFFFF  }
0xca: {  	_ =	shalt  }

</sc_bundles>
